<compile_context>
chip_gen: v7x
topology: tpu7x:2x2x1
jax: 0.10.2.dev20260603
libtpu: 0.0.44.dev20260713+nightly
codegen_flags: <defaults>
</compile_context>

<pallas_src>
import functools

import jax
import jax.numpy as jnp
from jax import lax
from jax.experimental import pallas as pl
from jax.experimental.pallas import tpu as pltpu
from jax.experimental.pallas import tpu_sc as plsc

N = 10000
F = 128
E = 320000
NC, NS, L = 2, 16, 16
NW = NC * NS
EPW = E // NW
B = 80
NCH = EPW // B
ROWD = 272
REC = 8
ZPT = N // NS



def _prep_body(x_ref, w_ref, b_ref, o_ref):
    o_ref[...] = (
        jnp.dot(x_ref[...], w_ref[...], preferred_element_type=jnp.float32,
                precision=jax.lax.Precision.DEFAULT)
        + b_ref[...]
    )


def _prep(x, wcat, bcat):
    bm = 1000
    return pl.pallas_call(
        _prep_body,
        grid=(N // bm,),
        in_specs=[
            pl.BlockSpec((bm, F), lambda i: (i, 0)),
            pl.BlockSpec((F, 4 * F), lambda i: (0, 0)),
            pl.BlockSpec((1, 4 * F), lambda i: (0, 0)),
        ],
        out_specs=pl.BlockSpec((bm, 4 * F), lambda i: (i, 0)),
        out_shape=jax.ShapeDtypeStruct((N, 4 * F), jnp.float32),
    )(x, wcat, bcat)



def _rsqrt(x):
    i = plsc.bitcast(x, jnp.int32)
    y = plsc.bitcast(jnp.int32(0x5F3759DF) - (i >> 1), jnp.float32)
    for _ in range(4):
        y = y * (1.5 - 0.5 * x * y * y)
    return y


def _sc_body(tabp, tabq, ridx_h, cidx_h, wsp_h, zrs_h, out_h,
             ridx, cidx, bp0, bp1, bq0, bq1, ob0, ob1, wsp, accum,
             sp0, sp1, sq0, sq1, ss0, ss1):
    c = lax.axis_index("c")
    s = lax.axis_index("s")
    bufp = (bp0, bp1)
    bufq = (bq0, bq1)
    obuf = (ob0, ob1)
    semp = (sp0, sp1)
    semq = (sq0, sq1)
    sems = (ss0, ss1)

    pltpu.sync_copy(ridx_h.at[c, s], ridx)
    pltpu.sync_copy(cidx_h.at[c, s], cidx)
    pltpu.sync_copy(wsp_h, wsp)

    @pl.when(s == 0)
    def _():
        pltpu.sync_copy(zrs_h, accum)

    lane = lax.iota(jnp.int32, L)
    zv = jnp.zeros((L,), jnp.float32)
    for ob in obuf:
        for g in range(B // L):
            e16 = g * L + lane
            plsc.store_scatter(ob, [e16, jnp.full((L,), 3, jnp.int32)], zv)
            plsc.store_scatter(ob, [e16, jnp.full((L,), 7, jnp.int32)], zv)

    plsc.subcore_barrier()

    def start_gather(i, b):
        pltpu.async_copy(tabp.at[ridx.at[i]], bufp[b], semp[b])
        pltpu.async_copy(tabq.at[cidx.at[i]], bufq[b], semq[b])

    def wait_gather(i, b):
        pltpu.make_async_copy(tabp.at[ridx.at[i]], bufp[b], semp[b]).wait()
        pltpu.make_async_copy(tabq.at[cidx.at[i]], bufq[b], semq[b]).wait()

    def mlp_loop(bp, bq, e16, dist, k0, k1):
        def body(k, acc):
            ks = jnp.full((L,), k, jnp.int32)
            p = plsc.load_gather(bp, [e16, ks])
            q = plsc.load_gather(bq, [e16, ks])
            wd = plsc.load_gather(wsp, [ks, lane])
            wb = plsc.load_gather(wsp, [ks + 256, lane])
            u = p + q + dist * wd
            sl = u / (1.0 + jnp.exp(-u))
            return acc + sl * wb
        return lax.fori_loop(k0, k1, body, jnp.zeros((L,), jnp.float32))

    def compute_chunk(b):
        bp, bq, ob = bufp[b], bufq[b], obuf[b]
        b1b = plsc.load_gather(wsp, [jnp.full((L,), 512, jnp.int32), lane])
        b2b = plsc.load_gather(wsp, [jnp.full((L,), 513, jnp.int32), lane])
        for g in range(B // L):
            e16 = g * L + lane
            kp = jnp.full((L,), 256, jnp.int32)
            dx = plsc.load_gather(bp, [e16, kp]) - plsc.load_gather(bq, [e16, kp])
            dy = plsc.load_gather(bp, [e16, kp + 1]) - plsc.load_gather(bq, [e16, kp + 1])
            dz = plsc.load_gather(bp, [e16, kp + 2]) - plsc.load_gather(bq, [e16, kp + 2])
            d2 = dx * dx + dy * dy + dz * dz
            dist = d2 * _rsqrt(jnp.maximum(d2, 1e-30))
            mes1 = mlp_loop(bp, bq, e16, dist, 0, 256 // 2) + b1b
            mes2 = mlp_loop(bp, bq, e16, dist, 256 // 2, 256) + b2b
            r = jnp.clip(dist * (1.0 / 4.5), 0.0, 1.0)
            r2 = r * r
            r5 = r2 * r2 * r
            coe = 1.0 - 21.0 * r5 + 35.0 * r5 * r - 15.0 * r5 * r2
            coe = jnp.clip(coe, 0.0, 1.0)
            ci = coe / (dist + 1e-8)
            s1 = ci * mes1
            s2 = ci * mes2
            k0 = jnp.full((L,), 0, jnp.int32)
            plsc.store_scatter(ob, [e16, k0], dx * s1)
            plsc.store_scatter(ob, [e16, k0 + 1], dy * s1)
            plsc.store_scatter(ob, [e16, k0 + 2], dz * s1)
            plsc.store_scatter(ob, [e16, k0 + 4], dx * s2)
            plsc.store_scatter(ob, [e16, k0 + 5], dy * s2)
            plsc.store_scatter(ob, [e16, k0 + 6], dz * s2)

    start_gather(0, 0)
    start_gather(1, 1)

    def ring_step(i2, carry):
        for b in range(2):
            i = i2 * 2 + b
            @pl.when(i < NCH)
            def _():
                wait_gather(i, b)
                @pl.when(i >= 2)
                def _():
                    pltpu.make_async_copy(
                        obuf[b], accum.at[cidx.at[i - 2]], sems[b]).wait()
                compute_chunk(b)
                pltpu.async_copy(
                    obuf[b], accum.at[cidx.at[i]], sems[b], add=True)
                @pl.when(i + 2 < NCH)
                def _():
                    start_gather(i + 2, b)
        return carry

    lax.fori_loop(0, (NCH + 1) // 2, ring_step, jnp.int32(0))

    pltpu.make_async_copy(obuf[0], accum.at[cidx.at[NCH - 1]], sems[0]).wait()
    pltpu.make_async_copy(obuf[1], accum.at[cidx.at[NCH - 2]], sems[1]).wait()

    plsc.subcore_barrier()

    @pl.when(s == 0)
    def _():
        pltpu.sync_copy(accum, out_h.at[c])


def _sc_call(tabp, tabq, ridx, cidx, wsp, zrs):
    mesh = plsc.VectorSubcoreMesh(core_axis_name="c", subcore_axis_name="s")
    kern = pl.kernel(
        _sc_body,
        out_type=jax.ShapeDtypeStruct((NC, N, REC), jnp.float32),
        mesh=mesh,
        compiler_params=pltpu.CompilerParams(
            needs_layout_passes=False, use_tc_tiling_on_sc=False),
        scratch_types=[
            pltpu.VMEM((NCH, B), jnp.int32),
            pltpu.VMEM((NCH, B), jnp.int32),
            pltpu.VMEM((B, ROWD), jnp.float32),
            pltpu.VMEM((B, ROWD), jnp.float32),
            pltpu.VMEM((B, ROWD), jnp.float32),
            pltpu.VMEM((B, ROWD), jnp.float32),
            pltpu.VMEM((B, REC), jnp.float32),
            pltpu.VMEM((B, REC), jnp.float32),
            pltpu.VMEM((520, L), jnp.float32),
            pltpu.VMEM_SHARED((N, REC), jnp.float32),
            pltpu.SemaphoreType.DMA,
            pltpu.SemaphoreType.DMA,
            pltpu.SemaphoreType.DMA,
            pltpu.SemaphoreType.DMA,
            pltpu.SemaphoreType.DMA,
            pltpu.SemaphoreType.DMA,
        ],
    )
    return kern(tabp, tabq, ridx, cidx, wsp, zrs)



def _finish_body(v_ref, rv_ref, o_ref):
    eps = 1e-6
    v = v_ref[...]
    sm = v[0:8, :] + v[8:16, :]
    v1 = sm[0:3, :]
    v2 = sm[4:7, :]
    rv = rv_ref[0:3, :]
    rvn = jnp.sqrt(jnp.sum(rv * rv, axis=0, keepdims=True))
    rvh = rv / rvn
    v1n = jnp.sqrt(jnp.sum(v1 * v1, axis=0, keepdims=True))
    n1 = jnp.where(v1n > eps, v1 / (v1n + eps), rvh)
    d12 = jnp.sum(n1 * v2, axis=0, keepdims=True)
    n2p = v2 - d12 * n1
    n2n = jnp.sqrt(jnp.sum(n2p * n2p, axis=0, keepdims=True))
    zero = jnp.zeros_like(n1[0:1, :])
    do = jnp.concatenate([-n1[1:2, :], n1[0:1, :], zero], axis=0)
    dn = jnp.sqrt(jnp.sum(do * do, axis=0, keepdims=True))
    zvec = jnp.concatenate([zero, zero, zero + 1.0], axis=0)
    do = jnp.where(dn > eps, do / (dn + eps), zvec)
    n2 = jnp.where(n2n > eps, n2p / (n2n + eps), do)
    n3 = jnp.concatenate([
        n1[1:2] * n2[2:3] - n1[2:3] * n2[1:2],
        n1[2:3] * n2[0:1] - n1[0:1] * n2[2:3],
        n1[0:1] * n2[1:2] - n1[1:2] * n2[0:1],
    ], axis=0)
    n3 = n3 / (jnp.sqrt(jnp.sum(n3 * n3, axis=0, keepdims=True)) + eps)
    o_ref[...] = jnp.concatenate([
        n1[0:1], n2[0:1], n3[0:1],
        n1[1:2], n2[1:2], n3[1:2],
        n1[2:3], n2[2:3], n3[2:3],
    ], axis=0)


def _finish(vt, rvp):
    return pl.pallas_call(
        _finish_body,
        out_shape=jax.ShapeDtypeStruct((9, N), jnp.float32),
    )(vt, rvp)



def kernel(x, pos, edge_index, W1a, b1a, W1b, b1b, W2a, b2a, W2b, b2b):
    wcat = jnp.concatenate([W1a[:F], W2a[:F], W1a[F:2 * F], W2a[F:2 * F]],
                           axis=1)
    bcat = jnp.concatenate([jnp.zeros((2 * F,), jnp.float32), b1a, b2a])[None]

    pq = _prep(x, wcat, bcat)

    pad = jnp.zeros((N, ROWD - 2 * F - 3), jnp.float32)
    tabp = jnp.concatenate([pq[:, :2 * F], pos, pad], axis=1)
    tabq = jnp.concatenate([pq[:, 2 * F:], pos, pad], axis=1)

    wd = jnp.concatenate([W1a[2 * F], W2a[2 * F]])
    wb = jnp.concatenate([W1b[:, 0], W2b[:, 0]])
    wsp = jnp.concatenate([wd, wb, b1b, b2b, jnp.zeros((6,), jnp.float32)])
    wsp = jnp.tile(wsp[:, None], (1, L))

    ridx = edge_index[0].reshape(NC, NS, NCH, B)
    cidx = edge_index[1].reshape(NC, NS, NCH, B)
    zrs = jnp.zeros((N, REC), jnp.float32)

    partial = _sc_call(tabp, tabq, ridx, cidx, wsp, zrs)

    vt = partial.transpose(0, 2, 1).reshape(2 * REC, N)
    rv = jax.random.normal(jax.random.key(1), (N, 3), dtype=jnp.float32)
    rvp = jnp.concatenate([rv.T, jnp.zeros((5, N), jnp.float32)], axis=0)

    out9 = _finish(vt, rvp)
    return out9.T.reshape(N, 3, 3)

# --- scband reference (transcript-rebuilt; emitter-appended) ---
"""Pipeline reference for scband-equivariant-grid-model-30674656428247 (READ-ONLY COPY).

The authoritative reference and input builder live on the scoring server;
editing this copy changes nothing except your own understanding.
"""

import jax, jax.numpy as jnp
import numpy as np

N, F, H, E = 10000, 128, 128, 320000

def _lin(k, i, o):
    return (jax.random.normal(k, (i, o), dtype=jnp.float32) * (1.0 / np.sqrt(i)))

def setup_inputs(seed: int = 0) -> dict:
    key = jax.random.key(seed)
    ks = jax.random.split(key, 8)
    x = jax.random.normal(ks[0], (N, F), dtype=jnp.float32)
    pos = jax.random.normal(ks[1], (N, 3), dtype=jnp.float32)
    edge_index = jax.random.randint(ks[2], (2, E), 0, N, dtype=jnp.int32)
    W1a = _lin(ks[3], 2 * F + 1, H); b1a = jnp.zeros((H,), jnp.float32)
    W1b = _lin(ks[4], H, 1); b1b = jnp.zeros((1,), jnp.float32)
    W2a = _lin(ks[5], 2 * F + 1, H); b2a = jnp.zeros((H,), jnp.float32)
    W2b = _lin(ks[6], H, 1); b2b = jnp.zeros((1,), jnp.float32)
    return {"x": x, "pos": pos, "edge_index": edge_index,
            "W1a": W1a, "b1a": b1a, "W1b": W1b, "b1b": b1b,
            "W2a": W2a, "b2a": b2a, "W2b": W2b, "b2b": b2b}

def _mlp(x, Wa, ba, Wb, bb):
    h = jax.nn.silu(x @ Wa + ba)
    return h @ Wb + bb

def _omega(dist, p=5.0):
    r = jnp.clip(dist / 4.5, 0.0, 1.0)
    out = 1.0 - (p + 1.0) * (p + 2.0) / 2.0 * r ** p + p * (p + 2.0) * r ** (p + 1.0) - p * (p + 1.0) / 2.0 * r ** (p + 2.0)
    return jnp.clip(out, 0.0, 1.0)

def _forward(x, pos, W1a, b1a, W1b, b1b, W2a, b2a, W2b, b2b, edge_index):
    row, col = edge_index[0], edge_index[1]
    diff = pos[row] - pos[col]
    dist = jnp.linalg.norm(diff, axis=-1, keepdims=True)
    x_ij = jnp.concatenate([x[row], x[col], dist], axis=-1)
    mes1 = _mlp(x_ij, W1a, b1a, W1b, b1b)
    mes2 = _mlp(x_ij, W2a, b2a, W2b, b2b)
    coe = _omega(dist)
    norm_vec = diff / (dist + 1e-08)
    vec1 = norm_vec * coe * mes1
    vec2 = norm_vec * coe * mes2
    n_nodes = x.shape[0]
    v1 = jnp.zeros((n_nodes, 3), x.dtype).at[col].add(vec1)
    v2 = jnp.zeros((n_nodes, 3), x.dtype).at[col].add(vec2)
    eps = 1e-06
    v1n = jnp.linalg.norm(v1, axis=-1, keepdims=True)
    mask1 = (v1n > eps).astype(v1.dtype)
    n1 = v1 / (v1n + eps)
    rv = jax.random.normal(jax.random.key(1), v1.shape, dtype=v1.dtype)
    rv = rv / jnp.linalg.norm(rv, axis=-1, keepdims=True)
    n1 = jnp.where(mask1 > 0.5, n1, rv)
    n2p = v2 - jnp.sum(n1 * v2, axis=-1, keepdims=True) * n1
    n2n = jnp.linalg.norm(n2p, axis=-1, keepdims=True)
    mask2 = (n2n > eps).astype(v1.dtype)
    do = jnp.stack([-n1[:, 1], n1[:, 0], jnp.zeros_like(n1[:, 0])], axis=-1)
    dn = jnp.linalg.norm(do, axis=-1, keepdims=True)
    dm = (dn > eps).astype(v1.dtype)
    zvec = jnp.broadcast_to(jnp.array([0.0, 0.0, 1.0], dtype=v1.dtype), n1.shape)
    do = jnp.where(dm > 0.5, do / (dn + eps), zvec)
    n2 = jnp.where(mask2 > 0.5, n2p / (n2n + eps), do)
    n3 = jnp.cross(n1, n2)
    n3 = n3 / (jnp.linalg.norm(n3, axis=-1, keepdims=True) + eps)
    return jnp.stack([n1, n2, n3], axis=-1)

def reference(x, pos, edge_index, W1a, b1a, W1b, b1b, W2a, b2a, W2b, b2b):
    return _forward(x, pos, W1a, b1a, W1b, b1b, W2a, b2a, W2b, b2b, edge_index)

if __name__ == "__main__":
    import jax
    _d = setup_inputs()
    print(jax.jit(kernel)(*tuple(_d.values())))

</pallas_src>

<mosaic_0001>
#map = affine_map<(d0, d1) -> (0, 0)>
#map1 = affine_map<(d0, d1) -> (0, 0, 0, 0)>
#map2 = affine_map<(d0, d1) -> (0, 0, 0)>
module attributes {stable_mosaic.version = 14 : i64} {
  func.func @_sc_body(%arg0: i32, %arg1: i32, %arg2: memref<10000x272xf32, #tpu.memory_space<hbm>>, %arg3: memref<10000x272xf32, #tpu.memory_space<hbm>>, %arg4: memref<2x16x125x80xi32, #tpu.memory_space<hbm>>, %arg5: memref<2x16x125x80xi32, #tpu.memory_space<hbm>>, %arg6: memref<520x16xf32, #tpu.memory_space<hbm>>, %arg7: memref<10000x8xf32, #tpu.memory_space<hbm>>, %arg8: memref<2x10000x8xf32, #tpu.memory_space<hbm>>, %arg9: memref<125x80xi32, #tpu.memory_space<vmem>>, %arg10: memref<125x80xi32, #tpu.memory_space<vmem>>, %arg11: memref<80x272xf32, #tpu.memory_space<vmem>>, %arg12: memref<80x272xf32, #tpu.memory_space<vmem>>, %arg13: memref<80x272xf32, #tpu.memory_space<vmem>>, %arg14: memref<80x272xf32, #tpu.memory_space<vmem>>, %arg15: memref<80x8xf32, #tpu.memory_space<vmem>>, %arg16: memref<80x8xf32, #tpu.memory_space<vmem>>, %arg17: memref<520x16xf32, #tpu.memory_space<vmem>>, %arg18: memref<10000x8xf32, #tpu.memory_space<vmem_shared>>, %arg19: memref<!tpu.dma_semaphore, #tpu.memory_space<semaphore_mem>>, %arg20: memref<!tpu.dma_semaphore, #tpu.memory_space<semaphore_mem>>, %arg21: memref<!tpu.dma_semaphore, #tpu.memory_space<semaphore_mem>>, %arg22: memref<!tpu.dma_semaphore, #tpu.memory_space<semaphore_mem>>, %arg23: memref<!tpu.dma_semaphore, #tpu.memory_space<semaphore_mem>>, %arg24: memref<!tpu.dma_semaphore, #tpu.memory_space<semaphore_mem>>) attributes {dimension_semantics = [#tpu.dimension_semantics<core_parallel>, #tpu.dimension_semantics<subcore_parallel>], iteration_bounds = array<i64: 2, 16>, scalar_prefetch = 0 : i64, scratch_operands = 16 : i64, tpu.core_type = #tpu.core_type<sc_vector_subcore>, window_params = [{transform_indices = #map}, {transform_indices = #map}, {transform_indices = #map1}, {transform_indices = #map1}, {transform_indices = #map}, {transform_indices = #map}, {transform_indices = #map2}]} {
    "tpu.region"() ({
      %run_scoped3A = tpu.sem_alloc : memref<!tpu.dma_semaphore, #tpu.memory_space<semaphore_mem>>
      %dma_start3A_123 = arith.constant 0 : i32
      %dma_start3A_124 = arith.constant 0 : i32
      %dma_start3A_125 = tpu.memref_slice %arg4[%arg0, %arg1, %dma_start3A_123, %dma_start3A_124] : memref<2x16x125x80xi32, #tpu.memory_space<hbm>> -> memref<1x1x125x80xi32, #tpu.memory_space<hbm>>
      %dma_start3A_126 = tpu.memref_squeeze %dma_start3A_125 : memref<1x1x125x80xi32, #tpu.memory_space<hbm>> -> memref<125x80xi32, #tpu.memory_space<hbm>>
      %dma_start3A_127 = arith.constant 0 : i32
      %dma_start3A_128 = arith.constant 0 : i32
      %dma_start3A_129 = tpu.memref_slice %arg4[%arg0, %arg1, %dma_start3A_127, %dma_start3A_128] : memref<2x16x125x80xi32, #tpu.memory_space<hbm>> -> memref<1x1x125x80xi32, #tpu.memory_space<hbm>>
      %dma_start3A_130 = tpu.memref_squeeze %dma_start3A_129 : memref<1x1x125x80xi32, #tpu.memory_space<hbm>> -> memref<125x80xi32, #tpu.memory_space<hbm>>
      tpu.enqueue_dma source(%dma_start3A_130 : memref<125x80xi32, #tpu.memory_space<hbm>>) target(%arg9 : memref<125x80xi32, #tpu.memory_space<vmem>>) target_semaphore(%run_scoped3A : memref<!tpu.dma_semaphore, #tpu.memory_space<semaphore_mem>>)
      %dma_wait3A_131 = arith.constant 0 : i32
      %dma_wait3A_132 = arith.constant 0 : i32
      %dma_wait3A_133 = tpu.memref_slice %arg4[%arg0, %arg1, %dma_wait3A_131, %dma_wait3A_132] : memref<2x16x125x80xi32, #tpu.memory_space<hbm>> -> memref<1x1x125x80xi32, #tpu.memory_space<hbm>>
      %dma_wait3A_134 = tpu.memref_squeeze %dma_wait3A_133 : memref<1x1x125x80xi32, #tpu.memory_space<hbm>> -> memref<125x80xi32, #tpu.memory_space<hbm>>
      %dma_wait3A_135 = arith.constant 0 : i32
      %dma_wait3A_136 = arith.constant 0 : i32
      %dma_wait3A_137 = tpu.memref_slice %arg4[%arg0, %arg1, %dma_wait3A_135, %dma_wait3A_136] : memref<2x16x125x80xi32, #tpu.memory_space<hbm>> -> memref<1x1x125x80xi32, #tpu.memory_space<hbm>>
      %dma_wait3A_138 = tpu.memref_squeeze %dma_wait3A_137 : memref<1x1x125x80xi32, #tpu.memory_space<hbm>> -> memref<125x80xi32, #tpu.memory_space<hbm>>
      tpu.wait_dma2 semaphore(%run_scoped3A : memref<!tpu.dma_semaphore, #tpu.memory_space<semaphore_mem>>) src(%dma_wait3A_138 : memref<125x80xi32, #tpu.memory_space<hbm>>) dst(%arg9 : memref<125x80xi32, #tpu.memory_space<vmem>>)
      tpu.yield
    }) : () -> ()
    "tpu.region"() ({
      %run_scoped3A = tpu.sem_alloc : memref<!tpu.dma_semaphore, #tpu.memory_space<semaphore_mem>>
      %dma_start3A_123 = arith.constant 0 : i32
      %dma_start3A_124 = arith.constant 0 : i32
      %dma_start3A_125 = tpu.memref_slice %arg5[%arg0, %arg1, %dma_start3A_123, %dma_start3A_124] : memref<2x16x125x80xi32, #tpu.memory_space<hbm>> -> memref<1x1x125x80xi32, #tpu.memory_space<hbm>>
      %dma_start3A_126 = tpu.memref_squeeze %dma_start3A_125 : memref<1x1x125x80xi32, #tpu.memory_space<hbm>> -> memref<125x80xi32, #tpu.memory_space<hbm>>
      %dma_start3A_127 = arith.constant 0 : i32
      %dma_start3A_128 = arith.constant 0 : i32
      %dma_start3A_129 = tpu.memref_slice %arg5[%arg0, %arg1, %dma_start3A_127, %dma_start3A_128] : memref<2x16x125x80xi32, #tpu.memory_space<hbm>> -> memref<1x1x125x80xi32, #tpu.memory_space<hbm>>
      %dma_start3A_130 = tpu.memref_squeeze %dma_start3A_129 : memref<1x1x125x80xi32, #tpu.memory_space<hbm>> -> memref<125x80xi32, #tpu.memory_space<hbm>>
      tpu.enqueue_dma source(%dma_start3A_130 : memref<125x80xi32, #tpu.memory_space<hbm>>) target(%arg10 : memref<125x80xi32, #tpu.memory_space<vmem>>) target_semaphore(%run_scoped3A : memref<!tpu.dma_semaphore, #tpu.memory_space<semaphore_mem>>)
      %dma_wait3A_131 = arith.constant 0 : i32
      %dma_wait3A_132 = arith.constant 0 : i32
      %dma_wait3A_133 = tpu.memref_slice %arg5[%arg0, %arg1, %dma_wait3A_131, %dma_wait3A_132] : memref<2x16x125x80xi32, #tpu.memory_space<hbm>> -> memref<1x1x125x80xi32, #tpu.memory_space<hbm>>
      %dma_wait3A_134 = tpu.memref_squeeze %dma_wait3A_133 : memref<1x1x125x80xi32, #tpu.memory_space<hbm>> -> memref<125x80xi32, #tpu.memory_space<hbm>>
      %dma_wait3A_135 = arith.constant 0 : i32
      %dma_wait3A_136 = arith.constant 0 : i32
      %dma_wait3A_137 = tpu.memref_slice %arg5[%arg0, %arg1, %dma_wait3A_135, %dma_wait3A_136] : memref<2x16x125x80xi32, #tpu.memory_space<hbm>> -> memref<1x1x125x80xi32, #tpu.memory_space<hbm>>
      %dma_wait3A_138 = tpu.memref_squeeze %dma_wait3A_137 : memref<1x1x125x80xi32, #tpu.memory_space<hbm>> -> memref<125x80xi32, #tpu.memory_space<hbm>>
      tpu.wait_dma2 semaphore(%run_scoped3A : memref<!tpu.dma_semaphore, #tpu.memory_space<semaphore_mem>>) src(%dma_wait3A_138 : memref<125x80xi32, #tpu.memory_space<hbm>>) dst(%arg10 : memref<125x80xi32, #tpu.memory_space<vmem>>)
      tpu.yield
    }) : () -> ()
    "tpu.region"() ({
      %run_scoped3A = tpu.sem_alloc : memref<!tpu.dma_semaphore, #tpu.memory_space<semaphore_mem>>
      tpu.enqueue_dma source(%arg6 : memref<520x16xf32, #tpu.memory_space<hbm>>) target(%arg17 : memref<520x16xf32, #tpu.memory_space<vmem>>) target_semaphore(%run_scoped3A : memref<!tpu.dma_semaphore, #tpu.memory_space<semaphore_mem>>)
      tpu.wait_dma2 semaphore(%run_scoped3A : memref<!tpu.dma_semaphore, #tpu.memory_space<semaphore_mem>>) src(%arg6 : memref<520x16xf32, #tpu.memory_space<hbm>>) dst(%arg17 : memref<520x16xf32, #tpu.memory_space<vmem>>)
      tpu.yield
    }) : () -> ()
    %eq3A = arith.constant 0 : i32
    %eq3A_0 = arith.cmpi eq, %arg1, %eq3A : i32
    %convert_element_type3A = arith.extui %eq3A_0 : i1 to i32
    %cond3A = arith.constant 0 : i32
    %cond3A_1 = arith.cmpi ne, %convert_element_type3A, %cond3A : i32
    scf.if %cond3A_1 {
      "tpu.region"() ({
        %run_scoped3A = tpu.sem_alloc : memref<!tpu.dma_semaphore, #tpu.memory_space<semaphore_mem>>
        tpu.enqueue_dma source(%arg7 : memref<10000x8xf32, #tpu.memory_space<hbm>>) target(%arg18 : memref<10000x8xf32, #tpu.memory_space<vmem_shared>>) target_semaphore(%run_scoped3A : memref<!tpu.dma_semaphore, #tpu.memory_space<semaphore_mem>>)
        tpu.wait_dma2 semaphore(%run_scoped3A : memref<!tpu.dma_semaphore, #tpu.memory_space<semaphore_mem>>) src(%arg7 : memref<10000x8xf32, #tpu.memory_space<hbm>>) dst(%arg18 : memref<10000x8xf32, #tpu.memory_space<vmem_shared>>)
        tpu.yield
      }) : () -> ()
    } else {
    }
    %iota3A = tpu.iota {dimensions = array<i32: 0>} : vector<16xi32>
    %broadcast_in_dim3A = arith.constant 0.000000e+00 : f32
    %broadcast_in_dim3A_2 = vector.broadcast %broadcast_in_dim3A : f32 to vector<16xf32>
    %add3A = arith.constant 0 : i32
    %add3A_3 = vector.broadcast %add3A : i32 to vector<16xi32>
    %add3A_4 = arith.addi %add3A_3, %iota3A : vector<16xi32>
    %broadcast_in_dim3A_5 = arith.constant 3 : i32
    %broadcast_in_dim3A_6 = vector.broadcast %broadcast_in_dim3A_5 : i32 to vector<16xi32>
    tpu.vector_store_idx %arg15[%add3A_4, %broadcast_in_dim3A_6], %broadcast_in_dim3A_2 : memref<80x8xf32, #tpu.memory_space<vmem>>[vector<16xi32>, vector<16xi32>], vector<16xf32>,
    %broadcast_in_dim3A_7 = arith.constant 7 : i32
    %broadcast_in_dim3A_8 = vector.broadcast %broadcast_in_dim3A_7 : i32 to vector<16xi32>
    tpu.vector_store_idx %arg15[%add3A_4, %broadcast_in_dim3A_8], %broadcast_in_dim3A_2 : memref<80x8xf32, #tpu.memory_space<vmem>>[vector<16xi32>, vector<16xi32>], vector<16xf32>,
    %add3A_9 = arith.constant 16 : i32
    %add3A_10 = vector.broadcast %add3A_9 : i32 to vector<16xi32>
    %add3A_11 = arith.addi %add3A_10, %iota3A : vector<16xi32>
    %broadcast_in_dim3A_12 = arith.constant 3 : i32
    %broadcast_in_dim3A_13 = vector.broadcast %broadcast_in_dim3A_12 : i32 to vector<16xi32>
    tpu.vector_store_idx %arg15[%add3A_11, %broadcast_in_dim3A_13], %broadcast_in_dim3A_2 : memref<80x8xf32, #tpu.memory_space<vmem>>[vector<16xi32>, vector<16xi32>], vector<16xf32>,
    %broadcast_in_dim3A_14 = arith.constant 7 : i32
    %broadcast_in_dim3A_15 = vector.broadcast %broadcast_in_dim3A_14 : i32 to vector<16xi32>
    tpu.vector_store_idx %arg15[%add3A_11, %broadcast_in_dim3A_15], %broadcast_in_dim3A_2 : memref<80x8xf32, #tpu.memory_space<vmem>>[vector<16xi32>, vector<16xi32>], vector<16xf32>,
    %add3A_16 = arith.constant 32 : i32
    %add3A_17 = vector.broadcast %add3A_16 : i32 to vector<16xi32>
    %add3A_18 = arith.addi %add3A_17, %iota3A : vector<16xi32>
    %broadcast_in_dim3A_19 = arith.constant 3 : i32
    %broadcast_in_dim3A_20 = vector.broadcast %broadcast_in_dim3A_19 : i32 to vector<16xi32>
    tpu.vector_store_idx %arg15[%add3A_18, %broadcast_in_dim3A_20], %broadcast_in_dim3A_2 : memref<80x8xf32, #tpu.memory_space<vmem>>[vector<16xi32>, vector<16xi32>], vector<16xf32>,
    %broadcast_in_dim3A_21 = arith.constant 7 : i32
    %broadcast_in_dim3A_22 = vector.broadcast %broadcast_in_dim3A_21 : i32 to vector<16xi32>
    tpu.vector_store_idx %arg15[%add3A_18, %broadcast_in_dim3A_22], %broadcast_in_dim3A_2 : memref<80x8xf32, #tpu.memory_space<vmem>>[vector<16xi32>, vector<16xi32>], vector<16xf32>,
    %add3A_23 = arith.constant 48 : i32
    %add3A_24 = vector.broadcast %add3A_23 : i32 to vector<16xi32>
    %add3A_25 = arith.addi %add3A_24, %iota3A : vector<16xi32>
    %broadcast_in_dim3A_26 = arith.constant 3 : i32
    %broadcast_in_dim3A_27 = vector.broadcast %broadcast_in_dim3A_26 : i32 to vector<16xi32>
    tpu.vector_store_idx %arg15[%add3A_25, %broadcast_in_dim3A_27], %broadcast_in_dim3A_2 : memref<80x8xf32, #tpu.memory_space<vmem>>[vector<16xi32>, vector<16xi32>], vector<16xf32>,
    %broadcast_in_dim3A_28 = arith.constant 7 : i32
    %broadcast_in_dim3A_29 = vector.broadcast %broadcast_in_dim3A_28 : i32 to vector<16xi32>
    tpu.vector_store_idx %arg15[%add3A_25, %broadcast_in_dim3A_29], %broadcast_in_dim3A_2 : memref<80x8xf32, #tpu.memory_space<vmem>>[vector<16xi32>, vector<16xi32>], vector<16xf32>,
    %add3A_30 = arith.constant 64 : i32
    %add3A_31 = vector.broadcast %add3A_30 : i32 to vector<16xi32>
    %add3A_32 = arith.addi %add3A_31, %iota3A : vector<16xi32>
    %broadcast_in_dim3A_33 = arith.constant 3 : i32
    %broadcast_in_dim3A_34 = vector.broadcast %broadcast_in_dim3A_33 : i32 to vector<16xi32>
    tpu.vector_store_idx %arg15[%add3A_32, %broadcast_in_dim3A_34], %broadcast_in_dim3A_2 : memref<80x8xf32, #tpu.memory_space<vmem>>[vector<16xi32>, vector<16xi32>], vector<16xf32>,
    %broadcast_in_dim3A_35 = arith.constant 7 : i32
    %broadcast_in_dim3A_36 = vector.broadcast %broadcast_in_dim3A_35 : i32 to vector<16xi32>
    tpu.vector_store_idx %arg15[%add3A_32, %broadcast_in_dim3A_36], %broadcast_in_dim3A_2 : memref<80x8xf32, #tpu.memory_space<vmem>>[vector<16xi32>, vector<16xi32>], vector<16xf32>,
    %add3A_37 = arith.constant 0 : i32
    %add3A_38 = vector.broadcast %add3A_37 : i32 to vector<16xi32>
    %add3A_39 = arith.addi %add3A_38, %iota3A : vector<16xi32>
    %broadcast_in_dim3A_40 = arith.constant 3 : i32
    %broadcast_in_dim3A_41 = vector.broadcast %broadcast_in_dim3A_40 : i32 to vector<16xi32>
    tpu.vector_store_idx %arg16[%add3A_39, %broadcast_in_dim3A_41], %broadcast_in_dim3A_2 : memref<80x8xf32, #tpu.memory_space<vmem>>[vector<16xi32>, vector<16xi32>], vector<16xf32>,
    %broadcast_in_dim3A_42 = arith.constant 7 : i32
    %broadcast_in_dim3A_43 = vector.broadcast %broadcast_in_dim3A_42 : i32 to vector<16xi32>
    tpu.vector_store_idx %arg16[%add3A_39, %broadcast_in_dim3A_43], %broadcast_in_dim3A_2 : memref<80x8xf32, #tpu.memory_space<vmem>>[vector<16xi32>, vector<16xi32>], vector<16xf32>,
    %add3A_44 = arith.constant 16 : i32
    %add3A_45 = vector.broadcast %add3A_44 : i32 to vector<16xi32>
    %add3A_46 = arith.addi %add3A_45, %iota3A : vector<16xi32>
    %broadcast_in_dim3A_47 = arith.constant 3 : i32
    %broadcast_in_dim3A_48 = vector.broadcast %broadcast_in_dim3A_47 : i32 to vector<16xi32>
    tpu.vector_store_idx %arg16[%add3A_46, %broadcast_in_dim3A_48], %broadcast_in_dim3A_2 : memref<80x8xf32, #tpu.memory_space<vmem>>[vector<16xi32>, vector<16xi32>], vector<16xf32>,
    %broadcast_in_dim3A_49 = arith.constant 7 : i32
    %broadcast_in_dim3A_50 = vector.broadcast %broadcast_in_dim3A_49 : i32 to vector<16xi32>
    tpu.vector_store_idx %arg16[%add3A_46, %broadcast_in_dim3A_50], %broadcast_in_dim3A_2 : memref<80x8xf32, #tpu.memory_space<vmem>>[vector<16xi32>, vector<16xi32>], vector<16xf32>,
    %add3A_51 = arith.constant 32 : i32
    %add3A_52 = vector.broadcast %add3A_51 : i32 to vector<16xi32>
    %add3A_53 = arith.addi %add3A_52, %iota3A : vector<16xi32>
    %broadcast_in_dim3A_54 = arith.constant 3 : i32
    %broadcast_in_dim3A_55 = vector.broadcast %broadcast_in_dim3A_54 : i32 to vector<16xi32>
    tpu.vector_store_idx %arg16[%add3A_53, %broadcast_in_dim3A_55], %broadcast_in_dim3A_2 : memref<80x8xf32, #tpu.memory_space<vmem>>[vector<16xi32>, vector<16xi32>], vector<16xf32>,
    %broadcast_in_dim3A_56 = arith.constant 7 : i32
    %broadcast_in_dim3A_57 = vector.broadcast %broadcast_in_dim3A_56 : i32 to vector<16xi32>
    tpu.vector_store_idx %arg16[%add3A_53, %broadcast_in_dim3A_57], %broadcast_in_dim3A_2 : memref<80x8xf32, #tpu.memory_space<vmem>>[vector<16xi32>, vector<16xi32>], vector<16xf32>,
    %add3A_58 = arith.constant 48 : i32
    %add3A_59 = vector.broadcast %add3A_58 : i32 to vector<16xi32>
    %add3A_60 = arith.addi %add3A_59, %iota3A : vector<16xi32>
    %broadcast_in_dim3A_61 = arith.constant 3 : i32
    %broadcast_in_dim3A_62 = vector.broadcast %broadcast_in_dim3A_61 : i32 to vector<16xi32>
    tpu.vector_store_idx %arg16[%add3A_60, %broadcast_in_dim3A_62], %broadcast_in_dim3A_2 : memref<80x8xf32, #tpu.memory_space<vmem>>[vector<16xi32>, vector<16xi32>], vector<16xf32>,
    %broadcast_in_dim3A_63 = arith.constant 7 : i32
    %broadcast_in_dim3A_64 = vector.broadcast %broadcast_in_dim3A_63 : i32 to vector<16xi32>
    tpu.vector_store_idx %arg16[%add3A_60, %broadcast_in_dim3A_64], %broadcast_in_dim3A_2 : memref<80x8xf32, #tpu.memory_space<vmem>>[vector<16xi32>, vector<16xi32>], vector<16xf32>,
    %add3A_65 = arith.constant 64 : i32
    %add3A_66 = vector.broadcast %add3A_65 : i32 to vector<16xi32>
    %add3A_67 = arith.addi %add3A_66, %iota3A : vector<16xi32>
    %broadcast_in_dim3A_68 = arith.constant 3 : i32
    %broadcast_in_dim3A_69 = vector.broadcast %broadcast_in_dim3A_68 : i32 to vector<16xi32>
    tpu.vector_store_idx %arg16[%add3A_67, %broadcast_in_dim3A_69], %broadcast_in_dim3A_2 : memref<80x8xf32, #tpu.memory_space<vmem>>[vector<16xi32>, vector<16xi32>], vector<16xf32>,
    %broadcast_in_dim3A_70 = arith.constant 7 : i32
    %broadcast_in_dim3A_71 = vector.broadcast %broadcast_in_dim3A_70 : i32 to vector<16xi32>
    tpu.vector_store_idx %arg16[%add3A_67, %broadcast_in_dim3A_71], %broadcast_in_dim3A_2 : memref<80x8xf32, #tpu.memory_space<vmem>>[vector<16xi32>, vector<16xi32>], vector<16xf32>,
    %barrier3A = arith.constant 0 : index
    tpu.barrier barrier_id(%barrier3A)
    %dma_start3A = arith.constant 0 : i32
    %dma_start3A_72 = arith.constant 0 : i32
    %dma_start3A_73 = tpu.memref_slice %arg9[%dma_start3A, %dma_start3A_72] : memref<125x80xi32, #tpu.memory_space<vmem>> -> memref<1x80xi32, #tpu.memory_space<vmem>>
    %dma_start3A_74 = tpu.memref_squeeze %dma_start3A_73 : memref<1x80xi32, #tpu.memory_space<vmem>> -> memref<80xi32, #tpu.memory_space<vmem>>
    %dma_start3A_75 = arith.constant 0 : i32
    %dma_start3A_76 = arith.constant 0 : i32
    %dma_start3A_77 = tpu.memref_slice %arg2[%dma_start3A_75, %dma_start3A_76] : memref<10000x272xf32, #tpu.memory_space<hbm>> -> memref<10000x272xf32, #tpu.memory_space<hbm>>
    tpu.enqueue_indirect_dma source(%dma_start3A_77 : memref<10000x272xf32, #tpu.memory_space<hbm>>) target(%arg11 : memref<80x272xf32, #tpu.memory_space<vmem>>) offsets(%dma_start3A_74 : memref<80xi32, #tpu.memory_space<vmem>>) semaphore(%arg19 : memref<!tpu.dma_semaphore, #tpu.memory_space<semaphore_mem>>)
    %dma_start3A_78 = arith.constant 0 : i32
    %dma_start3A_79 = arith.constant 0 : i32
    %dma_start3A_80 = tpu.memref_slice %arg10[%dma_start3A_78, %dma_start3A_79] : memref<125x80xi32, #tpu.memory_space<vmem>> -> memref<1x80xi32, #tpu.memory_space<vmem>>
    %dma_start3A_81 = tpu.memref_squeeze %dma_start3A_80 : memref<1x80xi32, #tpu.memory_space<vmem>> -> memref<80xi32, #tpu.memory_space<vmem>>
    %dma_start3A_82 = arith.constant 0 : i32
    %dma_start3A_83 = arith.constant 0 : i32
    %dma_start3A_84 = tpu.memref_slice %arg3[%dma_start3A_82, %dma_start3A_83] : memref<10000x272xf32, #tpu.memory_space<hbm>> -> memref<10000x272xf32, #tpu.memory_space<hbm>>
    tpu.enqueue_indirect_dma source(%dma_start3A_84 : memref<10000x272xf32, #tpu.memory_space<hbm>>) target(%arg13 : memref<80x272xf32, #tpu.memory_space<vmem>>) offsets(%dma_start3A_81 : memref<80xi32, #tpu.memory_space<vmem>>) semaphore(%arg21 : memref<!tpu.dma_semaphore, #tpu.memory_space<semaphore_mem>>)
    %dma_start3A_85 = arith.constant 1 : i32
    %dma_start3A_86 = arith.constant 0 : i32
    %dma_start3A_87 = tpu.memref_slice %arg9[%dma_start3A_85, %dma_start3A_86] : memref<125x80xi32, #tpu.memory_space<vmem>> -> memref<1x80xi32, #tpu.memory_space<vmem>>
    %dma_start3A_88 = tpu.memref_squeeze %dma_start3A_87 : memref<1x80xi32, #tpu.memory_space<vmem>> -> memref<80xi32, #tpu.memory_space<vmem>>
    %dma_start3A_89 = arith.constant 0 : i32
    %dma_start3A_90 = arith.constant 0 : i32
    %dma_start3A_91 = tpu.memref_slice %arg2[%dma_start3A_89, %dma_start3A_90] : memref<10000x272xf32, #tpu.memory_space<hbm>> -> memref<10000x272xf32, #tpu.memory_space<hbm>>
    tpu.enqueue_indirect_dma source(%dma_start3A_91 : memref<10000x272xf32, #tpu.memory_space<hbm>>) target(%arg12 : memref<80x272xf32, #tpu.memory_space<vmem>>) offsets(%dma_start3A_88 : memref<80xi32, #tpu.memory_space<vmem>>) semaphore(%arg20 : memref<!tpu.dma_semaphore, #tpu.memory_space<semaphore_mem>>)
    %dma_start3A_92 = arith.constant 1 : i32
    %dma_start3A_93 = arith.constant 0 : i32
    %dma_start3A_94 = tpu.memref_slice %arg10[%dma_start3A_92, %dma_start3A_93] : memref<125x80xi32, #tpu.memory_space<vmem>> -> memref<1x80xi32, #tpu.memory_space<vmem>>
    %dma_start3A_95 = tpu.memref_squeeze %dma_start3A_94 : memref<1x80xi32, #tpu.memory_space<vmem>> -> memref<80xi32, #tpu.memory_space<vmem>>
    %dma_start3A_96 = arith.constant 0 : i32
    %dma_start3A_97 = arith.constant 0 : i32
    %dma_start3A_98 = tpu.memref_slice %arg3[%dma_start3A_96, %dma_start3A_97] : memref<10000x272xf32, #tpu.memory_space<hbm>> -> memref<10000x272xf32, #tpu.memory_space<hbm>>
    tpu.enqueue_indirect_dma source(%dma_start3A_98 : memref<10000x272xf32, #tpu.memory_space<hbm>>) target(%arg14 : memref<80x272xf32, #tpu.memory_space<vmem>>) offsets(%dma_start3A_95 : memref<80xi32, #tpu.memory_space<vmem>>) semaphore(%arg22 : memref<!tpu.dma_semaphore, #tpu.memory_space<semaphore_mem>>)
    %scan3A = arith.constant 0 : i32
    %scan3A_99 = arith.constant 0 : i32
    %scan3A_100 = arith.constant 63 : i32
    %scan3A_101 = arith.addi %scan3A_99, %scan3A_100 : i32
    %scan3A_102 = arith.constant 1 : i32
    scf.for %scan3A_123 = %scan3A_99 to %scan3A_101 step %scan3A_102  : i32 {
      %mul3A = arith.constant 2 : i32
      %mul3A_124 = arith.muli %scan3A_123, %mul3A : i32
      %add3A_125 = arith.constant 0 : i32
      %add3A_126 = arith.addi %mul3A_124, %add3A_125 : i32
      %lt3A = arith.constant 125 : i32
      %lt3A_127 = arith.cmpi slt, %add3A_126, %lt3A : i32
      %convert_element_type3A_128 = arith.extui %lt3A_127 : i1 to i32
      %cond3A_129 = arith.constant 0 : i32
      %cond3A_130 = arith.cmpi ne, %convert_element_type3A_128, %cond3A_129 : i32
      scf.if %cond3A_130 {
        %dma_wait3A_140 = arith.constant 0 : i32
        %dma_wait3A_141 = tpu.memref_slice %arg9[%add3A_126, %dma_wait3A_140] : memref<125x80xi32, #tpu.memory_space<vmem>> -> memref<1x80xi32, #tpu.memory_space<vmem>>
        %dma_wait3A_142 = tpu.memref_squeeze %dma_wait3A_141 : memref<1x80xi32, #tpu.memory_space<vmem>> -> memref<80xi32, #tpu.memory_space<vmem>>
        %dma_wait3A_143 = arith.constant 0 : i32
        %dma_wait3A_144 = arith.constant 0 : i32
        %dma_wait3A_145 = tpu.memref_slice %arg2[%dma_wait3A_143, %dma_wait3A_144] : memref<10000x272xf32, #tpu.memory_space<hbm>> -> memref<10000x272xf32, #tpu.memory_space<hbm>>
        tpu.wait_indirect_dma semaphore(%arg19 : memref<!tpu.dma_semaphore, #tpu.memory_space<semaphore_mem>>) src(%dma_wait3A_145 : memref<10000x272xf32, #tpu.memory_space<hbm>>) dst(%arg11 : memref<80x272xf32, #tpu.memory_space<vmem>>)
        %dma_wait3A_146 = arith.constant 0 : i32
        %dma_wait3A_147 = tpu.memref_slice %arg10[%add3A_126, %dma_wait3A_146] : memref<125x80xi32, #tpu.memory_space<vmem>> -> memref<1x80xi32, #tpu.memory_space<vmem>>
        %dma_wait3A_148 = tpu.memref_squeeze %dma_wait3A_147 : memref<1x80xi32, #tpu.memory_space<vmem>> -> memref<80xi32, #tpu.memory_space<vmem>>
        %dma_wait3A_149 = arith.constant 0 : i32
        %dma_wait3A_150 = arith.constant 0 : i32
        %dma_wait3A_151 = tpu.memref_slice %arg3[%dma_wait3A_149, %dma_wait3A_150] : memref<10000x272xf32, #tpu.memory_space<hbm>> -> memref<10000x272xf32, #tpu.memory_space<hbm>>
        tpu.wait_indirect_dma semaphore(%arg21 : memref<!tpu.dma_semaphore, #tpu.memory_space<semaphore_mem>>) src(%dma_wait3A_151 : memref<10000x272xf32, #tpu.memory_space<hbm>>) dst(%arg13 : memref<80x272xf32, #tpu.memory_space<vmem>>)
        %ge3A = arith.constant 2 : i32
        %ge3A_152 = arith.cmpi sge, %add3A_126, %ge3A : i32
        %convert_element_type3A_153 = arith.extui %ge3A_152 : i1 to i32
        %cond3A_154 = arith.constant 0 : i32
        %cond3A_155 = arith.cmpi ne, %convert_element_type3A_153, %cond3A_154 : i32
        scf.if %cond3A_155 {
          %sub3A_967 = arith.constant 2 : i32
          %sub3A_968 = arith.subi %add3A_126, %sub3A_967 : i32
          %dma_wait3A_969 = arith.constant 0 : i32
          %dma_wait3A_970 = tpu.memref_slice %arg10[%sub3A_968, %dma_wait3A_969] : memref<125x80xi32, #tpu.memory_space<vmem>> -> memref<1x80xi32, #tpu.memory_space<vmem>>
          %dma_wait3A_971 = tpu.memref_squeeze %dma_wait3A_970 : memref<1x80xi32, #tpu.memory_space<vmem>> -> memref<80xi32, #tpu.memory_space<vmem>>
          %dma_wait3A_972 = arith.constant 0 : i32
          %dma_wait3A_973 = arith.constant 0 : i32
          %dma_wait3A_974 = tpu.memref_slice %arg18[%dma_wait3A_972, %dma_wait3A_973] : memref<10000x8xf32, #tpu.memory_space<vmem_shared>> -> memref<10000x8xf32, #tpu.memory_space<vmem_shared>>
          tpu.wait_indirect_dma semaphore(%arg23 : memref<!tpu.dma_semaphore, #tpu.memory_space<semaphore_mem>>) src(%arg15 : memref<80x8xf32, #tpu.memory_space<vmem>>) dst(%dma_wait3A_974 : memref<10000x8xf32, #tpu.memory_space<vmem_shared>>)
        } else {
        }
        %broadcast_in_dim3A_156 = arith.constant 512 : i32
        %broadcast_in_dim3A_157 = vector.broadcast %broadcast_in_dim3A_156 : i32 to vector<16xi32>
        %gather3A = tpu.vector_load_idx %arg17[%broadcast_in_dim3A_157, %iota3A] : memref<520x16xf32, #tpu.memory_space<vmem>>[vector<16xi32>, vector<16xi32>], vector<16xf32>,
        %broadcast_in_dim3A_158 = arith.constant 513 : i32
        %broadcast_in_dim3A_159 = vector.broadcast %broadcast_in_dim3A_158 : i32 to vector<16xi32>
        %gather3A_160 = tpu.vector_load_idx %arg17[%broadcast_in_dim3A_159, %iota3A] : memref<520x16xf32, #tpu.memory_space<vmem>>[vector<16xi32>, vector<16xi32>], vector<16xf32>,
        %add3A_161 = arith.constant 0 : i32
        %add3A_162 = vector.broadcast %add3A_161 : i32 to vector<16xi32>
        %add3A_163 = arith.addi %add3A_162, %iota3A : vector<16xi32>
        %broadcast_in_dim3A_164 = arith.constant 256 : i32
        %broadcast_in_dim3A_165 = vector.broadcast %broadcast_in_dim3A_164 : i32 to vector<16xi32>
        %gather3A_166 = tpu.vector_load_idx %arg11[%add3A_163, %broadcast_in_dim3A_165] : memref<80x272xf32, #tpu.memory_space<vmem>>[vector<16xi32>, vector<16xi32>], vector<16xf32>,
        %gather3A_167 = tpu.vector_load_idx %arg13[%add3A_163, %broadcast_in_dim3A_165] : memref<80x272xf32, #tpu.memory_space<vmem>>[vector<16xi32>, vector<16xi32>], vector<16xf32>,
        %sub3A = arith.subf %gather3A_166, %gather3A_167 : vector<16xf32>
        %add3A_168 = arith.constant 1 : i32
        %add3A_169 = vector.broadcast %add3A_168 : i32 to vector<16xi32>
        %add3A_170 = arith.addi %broadcast_in_dim3A_165, %add3A_169 : vector<16xi32>
        %gather3A_171 = tpu.vector_load_idx %arg11[%add3A_163, %add3A_170] : memref<80x272xf32, #tpu.memory_space<vmem>>[vector<16xi32>, vector<16xi32>], vector<16xf32>,
        %add3A_172 = arith.constant 1 : i32
        %add3A_173 = vector.broadcast %add3A_172 : i32 to vector<16xi32>
        %add3A_174 = arith.addi %broadcast_in_dim3A_165, %add3A_173 : vector<16xi32>
        %gather3A_175 = tpu.vector_load_idx %arg13[%add3A_163, %add3A_174] : memref<80x272xf32, #tpu.memory_space<vmem>>[vector<16xi32>, vector<16xi32>], vector<16xf32>,
        %sub3A_176 = arith.subf %gather3A_171, %gather3A_175 : vector<16xf32>
        %add3A_177 = arith.constant 2 : i32
        %add3A_178 = vector.broadcast %add3A_177 : i32 to vector<16xi32>
        %add3A_179 = arith.addi %broadcast_in_dim3A_165, %add3A_178 : vector<16xi32>
        %gather3A_180 = tpu.vector_load_idx %arg11[%add3A_163, %add3A_179] : memref<80x272xf32, #tpu.memory_space<vmem>>[vector<16xi32>, vector<16xi32>], vector<16xf32>,
        %add3A_181 = arith.constant 2 : i32
        %add3A_182 = vector.broadcast %add3A_181 : i32 to vector<16xi32>
        %add3A_183 = arith.addi %broadcast_in_dim3A_165, %add3A_182 : vector<16xi32>
        %gather3A_184 = tpu.vector_load_idx %arg13[%add3A_163, %add3A_183] : memref<80x272xf32, #tpu.memory_space<vmem>>[vector<16xi32>, vector<16xi32>], vector<16xf32>,
        %sub3A_185 = arith.subf %gather3A_180, %gather3A_184 : vector<16xf32>
        %mul3A_186 = arith.mulf %sub3A, %sub3A : vector<16xf32>
        %mul3A_187 = arith.mulf %sub3A_176, %sub3A_176 : vector<16xf32>
        %add3A_188 = arith.addf %mul3A_186, %mul3A_187 : vector<16xf32>
        %mul3A_189 = arith.mulf %sub3A_185, %sub3A_185 : vector<16xf32>
        %add3A_190 = arith.addf %add3A_188, %mul3A_189 : vector<16xf32>
        %max3A = arith.constant 1.000000e-30 : f32
        %max3A_191 = vector.broadcast %max3A : f32 to vector<16xf32>
        %max3A_192 = arith.maximumf %add3A_190, %max3A_191 : vector<16xf32>
        %bitcast3A = vector.bitcast %max3A_192 : vector<16xf32> to vector<16xi32>
        %shift_right_arithmetic3A = arith.constant 1 : i32
        %shift_right_arithmetic3A_193 = vector.broadcast %shift_right_arithmetic3A : i32 to vector<16xi32>
        %shift_right_arithmetic3A_194 = arith.shrsi %bitcast3A, %shift_right_arithmetic3A_193 : vector<16xi32>
        %sub3A_195 = arith.constant 1597463007 : i32
        %sub3A_196 = vector.broadcast %sub3A_195 : i32 to vector<16xi32>
        %sub3A_197 = arith.subi %sub3A_196, %shift_right_arithmetic3A_194 : vector<16xi32>
        %bitcast3A_198 = vector.bitcast %sub3A_197 : vector<16xi32> to vector<16xf32>
        %mul3A_199 = arith.constant 5.000000e-01 : f32
        %mul3A_200 = vector.broadcast %mul3A_199 : f32 to vector<16xf32>
        %mul3A_201 = arith.mulf %mul3A_200, %max3A_192 : vector<16xf32>
        %mul3A_202 = arith.mulf %mul3A_201, %bitcast3A_198 : vector<16xf32>
        %mul3A_203 = arith.mulf %mul3A_202, %bitcast3A_198 : vector<16xf32>
        %sub3A_204 = arith.constant 1.500000e+00 : f32
        %sub3A_205 = vector.broadcast %sub3A_204 : f32 to vector<16xf32>
        %sub3A_206 = arith.subf %sub3A_205, %mul3A_203 : vector<16xf32>
        %mul3A_207 = arith.mulf %bitcast3A_198, %sub3A_206 : vector<16xf32>
        %mul3A_208 = arith.constant 5.000000e-01 : f32
        %mul3A_209 = vector.broadcast %mul3A_208 : f32 to vector<16xf32>
        %mul3A_210 = arith.mulf %mul3A_209, %max3A_192 : vector<16xf32>
        %mul3A_211 = arith.mulf %mul3A_210, %mul3A_207 : vector<16xf32>
        %mul3A_212 = arith.mulf %mul3A_211, %mul3A_207 : vector<16xf32>
        %sub3A_213 = arith.constant 1.500000e+00 : f32
        %sub3A_214 = vector.broadcast %sub3A_213 : f32 to vector<16xf32>
        %sub3A_215 = arith.subf %sub3A_214, %mul3A_212 : vector<16xf32>
        %mul3A_216 = arith.mulf %mul3A_207, %sub3A_215 : vector<16xf32>
        %mul3A_217 = arith.constant 5.000000e-01 : f32
        %mul3A_218 = vector.broadcast %mul3A_217 : f32 to vector<16xf32>
        %mul3A_219 = arith.mulf %mul3A_218, %max3A_192 : vector<16xf32>
        %mul3A_220 = arith.mulf %mul3A_219, %mul3A_216 : vector<16xf32>
        %mul3A_221 = arith.mulf %mul3A_220, %mul3A_216 : vector<16xf32>
        %sub3A_222 = arith.constant 1.500000e+00 : f32
        %sub3A_223 = vector.broadcast %sub3A_222 : f32 to vector<16xf32>
        %sub3A_224 = arith.subf %sub3A_223, %mul3A_221 : vector<16xf32>
        %mul3A_225 = arith.mulf %mul3A_216, %sub3A_224 : vector<16xf32>
        %mul3A_226 = arith.constant 5.000000e-01 : f32
        %mul3A_227 = vector.broadcast %mul3A_226 : f32 to vector<16xf32>
        %mul3A_228 = arith.mulf %mul3A_227, %max3A_192 : vector<16xf32>
        %mul3A_229 = arith.mulf %mul3A_228, %mul3A_225 : vector<16xf32>
        %mul3A_230 = arith.mulf %mul3A_229, %mul3A_225 : vector<16xf32>
        %sub3A_231 = arith.constant 1.500000e+00 : f32
        %sub3A_232 = vector.broadcast %sub3A_231 : f32 to vector<16xf32>
        %sub3A_233 = arith.subf %sub3A_232, %mul3A_230 : vector<16xf32>
        %mul3A_234 = arith.mulf %mul3A_225, %sub3A_233 : vector<16xf32>
        %mul3A_235 = arith.mulf %add3A_190, %mul3A_234 : vector<16xf32>
        %broadcast_in_dim3A_236 = arith.constant 0.000000e+00 : f32
        %broadcast_in_dim3A_237 = vector.broadcast %broadcast_in_dim3A_236 : f32 to vector<16xf32>
        %scan3A_238 = arith.constant 0 : i32
        %scan3A_239 = arith.constant 128 : i32
        %scan3A_240 = arith.addi %scan3A_238, %scan3A_239 : i32
        %scan3A_241 = arith.constant 1 : i32
        %scan3A_242 = scf.for %scan3A_967 = %scan3A_238 to %scan3A_240 step %scan3A_241 iter_args(%scan3A_968 = %broadcast_in_dim3A_237) -> (vector<16xf32>)  : i32 {
          %broadcast_in_dim3A_969 = vector.broadcast %scan3A_967 : i32 to vector<16xi32>
          %gather3A_970 = tpu.vector_load_idx %arg11[%add3A_163, %broadcast_in_dim3A_969] : memref<80x272xf32, #tpu.memory_space<vmem>>[vector<16xi32>, vector<16xi32>], vector<16xf32>,
          %gather3A_971 = tpu.vector_load_idx %arg13[%add3A_163, %broadcast_in_dim3A_969] : memref<80x272xf32, #tpu.memory_space<vmem>>[vector<16xi32>, vector<16xi32>], vector<16xf32>,
          %gather3A_972 = tpu.vector_load_idx %arg17[%broadcast_in_dim3A_969, %iota3A] : memref<520x16xf32, #tpu.memory_space<vmem>>[vector<16xi32>, vector<16xi32>], vector<16xf32>,
          %add3A_973 = arith.constant 256 : i32
          %add3A_974 = vector.broadcast %add3A_973 : i32 to vector<16xi32>
          %add3A_975 = arith.addi %broadcast_in_dim3A_969, %add3A_974 : vector<16xi32>
          %gather3A_976 = tpu.vector_load_idx %arg17[%add3A_975, %iota3A] : memref<520x16xf32, #tpu.memory_space<vmem>>[vector<16xi32>, vector<16xi32>], vector<16xf32>,
          %add3A_977 = arith.addf %gather3A_970, %gather3A_971 : vector<16xf32>
          %mul3A_978 = arith.mulf %mul3A_235, %gather3A_972 : vector<16xf32>
          %add3A_979 = arith.addf %add3A_977, %mul3A_978 : vector<16xf32>
          %neg3A = arith.constant 0.000000e+00 : f32
          %neg3A_980 = vector.broadcast %neg3A : f32 to vector<16xf32>
          %neg3A_981 = arith.subf %neg3A_980, %add3A_979 : vector<16xf32>
          %exp3A = math.exp %neg3A_981 : vector<16xf32>
          %add3A_982 = arith.constant 1.000000e+00 : f32
          %add3A_983 = vector.broadcast %add3A_982 : f32 to vector<16xf32>
          %add3A_984 = arith.addf %add3A_983, %exp3A : vector<16xf32>
          %div3A_985 = arith.divf %add3A_979, %add3A_984 : vector<16xf32>
          %mul3A_986 = arith.mulf %div3A_985, %gather3A_976 : vector<16xf32>
          %add3A_987 = arith.addf %scan3A_968, %mul3A_986 : vector<16xf32>
          scf.yield %add3A_987 : vector<16xf32>
        }
        %scan3A_243 = arith.constant 128 : i32
        %add3A_244 = arith.addf %scan3A_242, %gather3A : vector<16xf32>
        %broadcast_in_dim3A_245 = arith.constant 0.000000e+00 : f32
        %broadcast_in_dim3A_246 = vector.broadcast %broadcast_in_dim3A_245 : f32 to vector<16xf32>
        %scan3A_247 = arith.constant 128 : i32
        %scan3A_248 = arith.constant 128 : i32
        %scan3A_249 = arith.addi %scan3A_247, %scan3A_248 : i32
        %scan3A_250 = arith.constant 1 : i32
        %scan3A_251 = scf.for %scan3A_967 = %scan3A_247 to %scan3A_249 step %scan3A_250 iter_args(%scan3A_968 = %broadcast_in_dim3A_246) -> (vector<16xf32>)  : i32 {
          %broadcast_in_dim3A_969 = vector.broadcast %scan3A_967 : i32 to vector<16xi32>
          %gather3A_970 = tpu.vector_load_idx %arg11[%add3A_163, %broadcast_in_dim3A_969] : memref<80x272xf32, #tpu.memory_space<vmem>>[vector<16xi32>, vector<16xi32>], vector<16xf32>,
          %gather3A_971 = tpu.vector_load_idx %arg13[%add3A_163, %broadcast_in_dim3A_969] : memref<80x272xf32, #tpu.memory_space<vmem>>[vector<16xi32>, vector<16xi32>], vector<16xf32>,
          %gather3A_972 = tpu.vector_load_idx %arg17[%broadcast_in_dim3A_969, %iota3A] : memref<520x16xf32, #tpu.memory_space<vmem>>[vector<16xi32>, vector<16xi32>], vector<16xf32>,
          %add3A_973 = arith.constant 256 : i32
          %add3A_974 = vector.broadcast %add3A_973 : i32 to vector<16xi32>
          %add3A_975 = arith.addi %broadcast_in_dim3A_969, %add3A_974 : vector<16xi32>
          %gather3A_976 = tpu.vector_load_idx %arg17[%add3A_975, %iota3A] : memref<520x16xf32, #tpu.memory_space<vmem>>[vector<16xi32>, vector<16xi32>], vector<16xf32>,
          %add3A_977 = arith.addf %gather3A_970, %gather3A_971 : vector<16xf32>
          %mul3A_978 = arith.mulf %mul3A_235, %gather3A_972 : vector<16xf32>
          %add3A_979 = arith.addf %add3A_977, %mul3A_978 : vector<16xf32>
          %neg3A = arith.constant 0.000000e+00 : f32
          %neg3A_980 = vector.broadcast %neg3A : f32 to vector<16xf32>
          %neg3A_981 = arith.subf %neg3A_980, %add3A_979 : vector<16xf32>
          %exp3A = math.exp %neg3A_981 : vector<16xf32>
          %add3A_982 = arith.constant 1.000000e+00 : f32
          %add3A_983 = vector.broadcast %add3A_982 : f32 to vector<16xf32>
          %add3A_984 = arith.addf %add3A_983, %exp3A : vector<16xf32>
          %div3A_985 = arith.divf %add3A_979, %add3A_984 : vector<16xf32>
          %mul3A_986 = arith.mulf %div3A_985, %gather3A_976 : vector<16xf32>
          %add3A_987 = arith.addf %scan3A_968, %mul3A_986 : vector<16xf32>
          scf.yield %add3A_987 : vector<16xf32>
        }
        %scan3A_252 = arith.constant 128 : i32
        %add3A_253 = arith.addf %scan3A_251, %gather3A_160 : vector<16xf32>
        %mul3A_254 = arith.constant 0.222222224 : f32
        %mul3A_255 = vector.broadcast %mul3A_254 : f32 to vector<16xf32>
        %mul3A_256 = arith.mulf %mul3A_235, %mul3A_255 : vector<16xf32>
        %jit3A = arith.constant 0.000000e+00 : f32
        %jit3A_257 = arith.constant 1.000000e+00 : f32
        %max3A_258 = vector.broadcast %jit3A : f32 to vector<16xf32>
        %max3A_259 = arith.maximumf %max3A_258, %mul3A_256 : vector<16xf32>
        %min3A = vector.broadcast %jit3A_257 : f32 to vector<16xf32>
        %min3A_260 = arith.minimumf %min3A, %max3A_259 : vector<16xf32>
        %mul3A_261 = arith.mulf %min3A_260, %min3A_260 : vector<16xf32>
        %mul3A_262 = arith.mulf %mul3A_261, %mul3A_261 : vector<16xf32>
        %mul3A_263 = arith.mulf %mul3A_262, %min3A_260 : vector<16xf32>
        %mul3A_264 = arith.constant 2.100000e+01 : f32
        %mul3A_265 = vector.broadcast %mul3A_264 : f32 to vector<16xf32>
        %mul3A_266 = arith.mulf %mul3A_265, %mul3A_263 : vector<16xf32>
        %sub3A_267 = arith.constant 1.000000e+00 : f32
        %sub3A_268 = vector.broadcast %sub3A_267 : f32 to vector<16xf32>
        %sub3A_269 = arith.subf %sub3A_268, %mul3A_266 : vector<16xf32>
        %mul3A_270 = arith.constant 3.500000e+01 : f32
        %mul3A_271 = vector.broadcast %mul3A_270 : f32 to vector<16xf32>
        %mul3A_272 = arith.mulf %mul3A_271, %mul3A_263 : vector<16xf32>
        %mul3A_273 = arith.mulf %mul3A_272, %min3A_260 : vector<16xf32>
        %add3A_274 = arith.addf %sub3A_269, %mul3A_273 : vector<16xf32>
        %mul3A_275 = arith.constant 1.500000e+01 : f32
        %mul3A_276 = vector.broadcast %mul3A_275 : f32 to vector<16xf32>
        %mul3A_277 = arith.mulf %mul3A_276, %mul3A_263 : vector<16xf32>
        %mul3A_278 = arith.mulf %mul3A_277, %mul3A_261 : vector<16xf32>
        %sub3A_279 = arith.subf %add3A_274, %mul3A_278 : vector<16xf32>
        %jit3A_280 = arith.constant 0.000000e+00 : f32
        %jit3A_281 = arith.constant 1.000000e+00 : f32
        %max3A_282 = vector.broadcast %jit3A_280 : f32 to vector<16xf32>
        %max3A_283 = arith.maximumf %max3A_282, %sub3A_279 : vector<16xf32>
        %min3A_284 = vector.broadcast %jit3A_281 : f32 to vector<16xf32>
        %min3A_285 = arith.minimumf %min3A_284, %max3A_283 : vector<16xf32>
        %add3A_286 = arith.constant 9.99999993E-9 : f32
        %add3A_287 = vector.broadcast %add3A_286 : f32 to vector<16xf32>
        %add3A_288 = arith.addf %mul3A_235, %add3A_287 : vector<16xf32>
        %div3A = arith.divf %min3A_285, %add3A_288 : vector<16xf32>
        %mul3A_289 = arith.mulf %div3A, %add3A_244 : vector<16xf32>
        %mul3A_290 = arith.mulf %div3A, %add3A_253 : vector<16xf32>
        %broadcast_in_dim3A_291 = arith.constant 0 : i32
        %broadcast_in_dim3A_292 = vector.broadcast %broadcast_in_dim3A_291 : i32 to vector<16xi32>
        %mul3A_293 = arith.mulf %sub3A, %mul3A_289 : vector<16xf32>
        tpu.vector_store_idx %arg15[%add3A_163, %broadcast_in_dim3A_292], %mul3A_293 : memref<80x8xf32, #tpu.memory_space<vmem>>[vector<16xi32>, vector<16xi32>], vector<16xf32>,
        %add3A_294 = arith.constant 1 : i32
        %add3A_295 = vector.broadcast %add3A_294 : i32 to vector<16xi32>
        %add3A_296 = arith.addi %broadcast_in_dim3A_292, %add3A_295 : vector<16xi32>
        %mul3A_297 = arith.mulf %sub3A_176, %mul3A_289 : vector<16xf32>
        tpu.vector_store_idx %arg15[%add3A_163, %add3A_296], %mul3A_297 : memref<80x8xf32, #tpu.memory_space<vmem>>[vector<16xi32>, vector<16xi32>], vector<16xf32>,
        %add3A_298 = arith.constant 2 : i32
        %add3A_299 = vector.broadcast %add3A_298 : i32 to vector<16xi32>
        %add3A_300 = arith.addi %broadcast_in_dim3A_292, %add3A_299 : vector<16xi32>
        %mul3A_301 = arith.mulf %sub3A_185, %mul3A_289 : vector<16xf32>
        tpu.vector_store_idx %arg15[%add3A_163, %add3A_300], %mul3A_301 : memref<80x8xf32, #tpu.memory_space<vmem>>[vector<16xi32>, vector<16xi32>], vector<16xf32>,
        %add3A_302 = arith.constant 4 : i32
        %add3A_303 = vector.broadcast %add3A_302 : i32 to vector<16xi32>
        %add3A_304 = arith.addi %broadcast_in_dim3A_292, %add3A_303 : vector<16xi32>
        %mul3A_305 = arith.mulf %sub3A, %mul3A_290 : vector<16xf32>
        tpu.vector_store_idx %arg15[%add3A_163, %add3A_304], %mul3A_305 : memref<80x8xf32, #tpu.memory_space<vmem>>[vector<16xi32>, vector<16xi32>], vector<16xf32>,
        %add3A_306 = arith.constant 5 : i32
        %add3A_307 = vector.broadcast %add3A_306 : i32 to vector<16xi32>
        %add3A_308 = arith.addi %broadcast_in_dim3A_292, %add3A_307 : vector<16xi32>
        %mul3A_309 = arith.mulf %sub3A_176, %mul3A_290 : vector<16xf32>
        tpu.vector_store_idx %arg15[%add3A_163, %add3A_308], %mul3A_309 : memref<80x8xf32, #tpu.memory_space<vmem>>[vector<16xi32>, vector<16xi32>], vector<16xf32>,
        %add3A_310 = arith.constant 6 : i32
        %add3A_311 = vector.broadcast %add3A_310 : i32 to vector<16xi32>
        %add3A_312 = arith.addi %broadcast_in_dim3A_292, %add3A_311 : vector<16xi32>
        %mul3A_313 = arith.mulf %sub3A_185, %mul3A_290 : vector<16xf32>
        tpu.vector_store_idx %arg15[%add3A_163, %add3A_312], %mul3A_313 : memref<80x8xf32, #tpu.memory_space<vmem>>[vector<16xi32>, vector<16xi32>], vector<16xf32>,
        %add3A_314 = arith.constant 16 : i32
        %add3A_315 = vector.broadcast %add3A_314 : i32 to vector<16xi32>
        %add3A_316 = arith.addi %add3A_315, %iota3A : vector<16xi32>
        %broadcast_in_dim3A_317 = arith.constant 256 : i32
        %broadcast_in_dim3A_318 = vector.broadcast %broadcast_in_dim3A_317 : i32 to vector<16xi32>
        %gather3A_319 = tpu.vector_load_idx %arg11[%add3A_316, %broadcast_in_dim3A_318] : memref<80x272xf32, #tpu.memory_space<vmem>>[vector<16xi32>, vector<16xi32>], vector<16xf32>,
        %gather3A_320 = tpu.vector_load_idx %arg13[%add3A_316, %broadcast_in_dim3A_318] : memref<80x272xf32, #tpu.memory_space<vmem>>[vector<16xi32>, vector<16xi32>], vector<16xf32>,
        %sub3A_321 = arith.subf %gather3A_319, %gather3A_320 : vector<16xf32>
        %add3A_322 = arith.constant 1 : i32
        %add3A_323 = vector.broadcast %add3A_322 : i32 to vector<16xi32>
        %add3A_324 = arith.addi %broadcast_in_dim3A_318, %add3A_323 : vector<16xi32>
        %gather3A_325 = tpu.vector_load_idx %arg11[%add3A_316, %add3A_324] : memref<80x272xf32, #tpu.memory_space<vmem>>[vector<16xi32>, vector<16xi32>], vector<16xf32>,
        %add3A_326 = arith.constant 1 : i32
        %add3A_327 = vector.broadcast %add3A_326 : i32 to vector<16xi32>
        %add3A_328 = arith.addi %broadcast_in_dim3A_318, %add3A_327 : vector<16xi32>
        %gather3A_329 = tpu.vector_load_idx %arg13[%add3A_316, %add3A_328] : memref<80x272xf32, #tpu.memory_space<vmem>>[vector<16xi32>, vector<16xi32>], vector<16xf32>,
        %sub3A_330 = arith.subf %gather3A_325, %gather3A_329 : vector<16xf32>
        %add3A_331 = arith.constant 2 : i32
        %add3A_332 = vector.broadcast %add3A_331 : i32 to vector<16xi32>
        %add3A_333 = arith.addi %broadcast_in_dim3A_318, %add3A_332 : vector<16xi32>
        %gather3A_334 = tpu.vector_load_idx %arg11[%add3A_316, %add3A_333] : memref<80x272xf32, #tpu.memory_space<vmem>>[vector<16xi32>, vector<16xi32>], vector<16xf32>,
        %add3A_335 = arith.constant 2 : i32
        %add3A_336 = vector.broadcast %add3A_335 : i32 to vector<16xi32>
        %add3A_337 = arith.addi %broadcast_in_dim3A_318, %add3A_336 : vector<16xi32>
        %gather3A_338 = tpu.vector_load_idx %arg13[%add3A_316, %add3A_337] : memref<80x272xf32, #tpu.memory_space<vmem>>[vector<16xi32>, vector<16xi32>], vector<16xf32>,
        %sub3A_339 = arith.subf %gather3A_334, %gather3A_338 : vector<16xf32>
        %mul3A_340 = arith.mulf %sub3A_321, %sub3A_321 : vector<16xf32>
        %mul3A_341 = arith.mulf %sub3A_330, %sub3A_330 : vector<16xf32>
        %add3A_342 = arith.addf %mul3A_340, %mul3A_341 : vector<16xf32>
        %mul3A_343 = arith.mulf %sub3A_339, %sub3A_339 : vector<16xf32>
        %add3A_344 = arith.addf %add3A_342, %mul3A_343 : vector<16xf32>
        %max3A_345 = arith.constant 1.000000e-30 : f32
        %max3A_346 = vector.broadcast %max3A_345 : f32 to vector<16xf32>
        %max3A_347 = arith.maximumf %add3A_344, %max3A_346 : vector<16xf32>
        %bitcast3A_348 = vector.bitcast %max3A_347 : vector<16xf32> to vector<16xi32>
        %shift_right_arithmetic3A_349 = arith.constant 1 : i32
        %shift_right_arithmetic3A_350 = vector.broadcast %shift_right_arithmetic3A_349 : i32 to vector<16xi32>
        %shift_right_arithmetic3A_351 = arith.shrsi %bitcast3A_348, %shift_right_arithmetic3A_350 : vector<16xi32>
        %sub3A_352 = arith.constant 1597463007 : i32
        %sub3A_353 = vector.broadcast %sub3A_352 : i32 to vector<16xi32>
        %sub3A_354 = arith.subi %sub3A_353, %shift_right_arithmetic3A_351 : vector<16xi32>
        %bitcast3A_355 = vector.bitcast %sub3A_354 : vector<16xi32> to vector<16xf32>
        %mul3A_356 = arith.constant 5.000000e-01 : f32
        %mul3A_357 = vector.broadcast %mul3A_356 : f32 to vector<16xf32>
        %mul3A_358 = arith.mulf %mul3A_357, %max3A_347 : vector<16xf32>
        %mul3A_359 = arith.mulf %mul3A_358, %bitcast3A_355 : vector<16xf32>
        %mul3A_360 = arith.mulf %mul3A_359, %bitcast3A_355 : vector<16xf32>
        %sub3A_361 = arith.constant 1.500000e+00 : f32
        %sub3A_362 = vector.broadcast %sub3A_361 : f32 to vector<16xf32>
        %sub3A_363 = arith.subf %sub3A_362, %mul3A_360 : vector<16xf32>
        %mul3A_364 = arith.mulf %bitcast3A_355, %sub3A_363 : vector<16xf32>
        %mul3A_365 = arith.constant 5.000000e-01 : f32
        %mul3A_366 = vector.broadcast %mul3A_365 : f32 to vector<16xf32>
        %mul3A_367 = arith.mulf %mul3A_366, %max3A_347 : vector<16xf32>
        %mul3A_368 = arith.mulf %mul3A_367, %mul3A_364 : vector<16xf32>
        %mul3A_369 = arith.mulf %mul3A_368, %mul3A_364 : vector<16xf32>
        %sub3A_370 = arith.constant 1.500000e+00 : f32
        %sub3A_371 = vector.broadcast %sub3A_370 : f32 to vector<16xf32>
        %sub3A_372 = arith.subf %sub3A_371, %mul3A_369 : vector<16xf32>
        %mul3A_373 = arith.mulf %mul3A_364, %sub3A_372 : vector<16xf32>
        %mul3A_374 = arith.constant 5.000000e-01 : f32
        %mul3A_375 = vector.broadcast %mul3A_374 : f32 to vector<16xf32>
        %mul3A_376 = arith.mulf %mul3A_375, %max3A_347 : vector<16xf32>
        %mul3A_377 = arith.mulf %mul3A_376, %mul3A_373 : vector<16xf32>
        %mul3A_378 = arith.mulf %mul3A_377, %mul3A_373 : vector<16xf32>
        %sub3A_379 = arith.constant 1.500000e+00 : f32
        %sub3A_380 = vector.broadcast %sub3A_379 : f32 to vector<16xf32>
        %sub3A_381 = arith.subf %sub3A_380, %mul3A_378 : vector<16xf32>
        %mul3A_382 = arith.mulf %mul3A_373, %sub3A_381 : vector<16xf32>
        %mul3A_383 = arith.constant 5.000000e-01 : f32
        %mul3A_384 = vector.broadcast %mul3A_383 : f32 to vector<16xf32>
        %mul3A_385 = arith.mulf %mul3A_384, %max3A_347 : vector<16xf32>
        %mul3A_386 = arith.mulf %mul3A_385, %mul3A_382 : vector<16xf32>
        %mul3A_387 = arith.mulf %mul3A_386, %mul3A_382 : vector<16xf32>
        %sub3A_388 = arith.constant 1.500000e+00 : f32
        %sub3A_389 = vector.broadcast %sub3A_388 : f32 to vector<16xf32>
        %sub3A_390 = arith.subf %sub3A_389, %mul3A_387 : vector<16xf32>
        %mul3A_391 = arith.mulf %mul3A_382, %sub3A_390 : vector<16xf32>
        %mul3A_392 = arith.mulf %add3A_344, %mul3A_391 : vector<16xf32>
        %broadcast_in_dim3A_393 = arith.constant 0.000000e+00 : f32
        %broadcast_in_dim3A_394 = vector.broadcast %broadcast_in_dim3A_393 : f32 to vector<16xf32>
        %scan3A_395 = arith.constant 0 : i32
        %scan3A_396 = arith.constant 128 : i32
        %scan3A_397 = arith.addi %scan3A_395, %scan3A_396 : i32
        %scan3A_398 = arith.constant 1 : i32
        %scan3A_399 = scf.for %scan3A_967 = %scan3A_395 to %scan3A_397 step %scan3A_398 iter_args(%scan3A_968 = %broadcast_in_dim3A_394) -> (vector<16xf32>)  : i32 {
          %broadcast_in_dim3A_969 = vector.broadcast %scan3A_967 : i32 to vector<16xi32>
          %gather3A_970 = tpu.vector_load_idx %arg11[%add3A_316, %broadcast_in_dim3A_969] : memref<80x272xf32, #tpu.memory_space<vmem>>[vector<16xi32>, vector<16xi32>], vector<16xf32>,
          %gather3A_971 = tpu.vector_load_idx %arg13[%add3A_316, %broadcast_in_dim3A_969] : memref<80x272xf32, #tpu.memory_space<vmem>>[vector<16xi32>, vector<16xi32>], vector<16xf32>,
          %gather3A_972 = tpu.vector_load_idx %arg17[%broadcast_in_dim3A_969, %iota3A] : memref<520x16xf32, #tpu.memory_space<vmem>>[vector<16xi32>, vector<16xi32>], vector<16xf32>,
          %add3A_973 = arith.constant 256 : i32
          %add3A_974 = vector.broadcast %add3A_973 : i32 to vector<16xi32>
          %add3A_975 = arith.addi %broadcast_in_dim3A_969, %add3A_974 : vector<16xi32>
          %gather3A_976 = tpu.vector_load_idx %arg17[%add3A_975, %iota3A] : memref<520x16xf32, #tpu.memory_space<vmem>>[vector<16xi32>, vector<16xi32>], vector<16xf32>,
          %add3A_977 = arith.addf %gather3A_970, %gather3A_971 : vector<16xf32>
          %mul3A_978 = arith.mulf %mul3A_392, %gather3A_972 : vector<16xf32>
          %add3A_979 = arith.addf %add3A_977, %mul3A_978 : vector<16xf32>
          %neg3A = arith.constant 0.000000e+00 : f32
          %neg3A_980 = vector.broadcast %neg3A : f32 to vector<16xf32>
          %neg3A_981 = arith.subf %neg3A_980, %add3A_979 : vector<16xf32>
          %exp3A = math.exp %neg3A_981 : vector<16xf32>
          %add3A_982 = arith.constant 1.000000e+00 : f32
          %add3A_983 = vector.broadcast %add3A_982 : f32 to vector<16xf32>
          %add3A_984 = arith.addf %add3A_983, %exp3A : vector<16xf32>
          %div3A_985 = arith.divf %add3A_979, %add3A_984 : vector<16xf32>
          %mul3A_986 = arith.mulf %div3A_985, %gather3A_976 : vector<16xf32>
          %add3A_987 = arith.addf %scan3A_968, %mul3A_986 : vector<16xf32>
          scf.yield %add3A_987 : vector<16xf32>
        }
        %scan3A_400 = arith.constant 128 : i32
        %add3A_401 = arith.addf %scan3A_399, %gather3A : vector<16xf32>
        %broadcast_in_dim3A_402 = arith.constant 0.000000e+00 : f32
        %broadcast_in_dim3A_403 = vector.broadcast %broadcast_in_dim3A_402 : f32 to vector<16xf32>
        %scan3A_404 = arith.constant 128 : i32
        %scan3A_405 = arith.constant 128 : i32
        %scan3A_406 = arith.addi %scan3A_404, %scan3A_405 : i32
        %scan3A_407 = arith.constant 1 : i32
        %scan3A_408 = scf.for %scan3A_967 = %scan3A_404 to %scan3A_406 step %scan3A_407 iter_args(%scan3A_968 = %broadcast_in_dim3A_403) -> (vector<16xf32>)  : i32 {
          %broadcast_in_dim3A_969 = vector.broadcast %scan3A_967 : i32 to vector<16xi32>
          %gather3A_970 = tpu.vector_load_idx %arg11[%add3A_316, %broadcast_in_dim3A_969] : memref<80x272xf32, #tpu.memory_space<vmem>>[vector<16xi32>, vector<16xi32>], vector<16xf32>,
          %gather3A_971 = tpu.vector_load_idx %arg13[%add3A_316, %broadcast_in_dim3A_969] : memref<80x272xf32, #tpu.memory_space<vmem>>[vector<16xi32>, vector<16xi32>], vector<16xf32>,
          %gather3A_972 = tpu.vector_load_idx %arg17[%broadcast_in_dim3A_969, %iota3A] : memref<520x16xf32, #tpu.memory_space<vmem>>[vector<16xi32>, vector<16xi32>], vector<16xf32>,
          %add3A_973 = arith.constant 256 : i32
          %add3A_974 = vector.broadcast %add3A_973 : i32 to vector<16xi32>
          %add3A_975 = arith.addi %broadcast_in_dim3A_969, %add3A_974 : vector<16xi32>
          %gather3A_976 = tpu.vector_load_idx %arg17[%add3A_975, %iota3A] : memref<520x16xf32, #tpu.memory_space<vmem>>[vector<16xi32>, vector<16xi32>], vector<16xf32>,
          %add3A_977 = arith.addf %gather3A_970, %gather3A_971 : vector<16xf32>
          %mul3A_978 = arith.mulf %mul3A_392, %gather3A_972 : vector<16xf32>
          %add3A_979 = arith.addf %add3A_977, %mul3A_978 : vector<16xf32>
          %neg3A = arith.constant 0.000000e+00 : f32
          %neg3A_980 = vector.broadcast %neg3A : f32 to vector<16xf32>
          %neg3A_981 = arith.subf %neg3A_980, %add3A_979 : vector<16xf32>
          %exp3A = math.exp %neg3A_981 : vector<16xf32>
          %add3A_982 = arith.constant 1.000000e+00 : f32
          %add3A_983 = vector.broadcast %add3A_982 : f32 to vector<16xf32>
          %add3A_984 = arith.addf %add3A_983, %exp3A : vector<16xf32>
          %div3A_985 = arith.divf %add3A_979, %add3A_984 : vector<16xf32>
          %mul3A_986 = arith.mulf %div3A_985, %gather3A_976 : vector<16xf32>
          %add3A_987 = arith.addf %scan3A_968, %mul3A_986 : vector<16xf32>
          scf.yield %add3A_987 : vector<16xf32>
        }
        %scan3A_409 = arith.constant 128 : i32
        %add3A_410 = arith.addf %scan3A_408, %gather3A_160 : vector<16xf32>
        %mul3A_411 = arith.constant 0.222222224 : f32
        %mul3A_412 = vector.broadcast %mul3A_411 : f32 to vector<16xf32>
        %mul3A_413 = arith.mulf %mul3A_392, %mul3A_412 : vector<16xf32>
        %jit3A_414 = arith.constant 0.000000e+00 : f32
        %jit3A_415 = arith.constant 1.000000e+00 : f32
        %max3A_416 = vector.broadcast %jit3A_414 : f32 to vector<16xf32>
        %max3A_417 = arith.maximumf %max3A_416, %mul3A_413 : vector<16xf32>
        %min3A_418 = vector.broadcast %jit3A_415 : f32 to vector<16xf32>
        %min3A_419 = arith.minimumf %min3A_418, %max3A_417 : vector<16xf32>
        %mul3A_420 = arith.mulf %min3A_419, %min3A_419 : vector<16xf32>
        %mul3A_421 = arith.mulf %mul3A_420, %mul3A_420 : vector<16xf32>
        %mul3A_422 = arith.mulf %mul3A_421, %min3A_419 : vector<16xf32>
        %mul3A_423 = arith.constant 2.100000e+01 : f32
        %mul3A_424 = vector.broadcast %mul3A_423 : f32 to vector<16xf32>
        %mul3A_425 = arith.mulf %mul3A_424, %mul3A_422 : vector<16xf32>
        %sub3A_426 = arith.constant 1.000000e+00 : f32
        %sub3A_427 = vector.broadcast %sub3A_426 : f32 to vector<16xf32>
        %sub3A_428 = arith.subf %sub3A_427, %mul3A_425 : vector<16xf32>
        %mul3A_429 = arith.constant 3.500000e+01 : f32
        %mul3A_430 = vector.broadcast %mul3A_429 : f32 to vector<16xf32>
        %mul3A_431 = arith.mulf %mul3A_430, %mul3A_422 : vector<16xf32>
        %mul3A_432 = arith.mulf %mul3A_431, %min3A_419 : vector<16xf32>
        %add3A_433 = arith.addf %sub3A_428, %mul3A_432 : vector<16xf32>
        %mul3A_434 = arith.constant 1.500000e+01 : f32
        %mul3A_435 = vector.broadcast %mul3A_434 : f32 to vector<16xf32>
        %mul3A_436 = arith.mulf %mul3A_435, %mul3A_422 : vector<16xf32>
        %mul3A_437 = arith.mulf %mul3A_436, %mul3A_420 : vector<16xf32>
        %sub3A_438 = arith.subf %add3A_433, %mul3A_437 : vector<16xf32>
        %jit3A_439 = arith.constant 0.000000e+00 : f32
        %jit3A_440 = arith.constant 1.000000e+00 : f32
        %max3A_441 = vector.broadcast %jit3A_439 : f32 to vector<16xf32>
        %max3A_442 = arith.maximumf %max3A_441, %sub3A_438 : vector<16xf32>
        %min3A_443 = vector.broadcast %jit3A_440 : f32 to vector<16xf32>
        %min3A_444 = arith.minimumf %min3A_443, %max3A_442 : vector<16xf32>
        %add3A_445 = arith.constant 9.99999993E-9 : f32
        %add3A_446 = vector.broadcast %add3A_445 : f32 to vector<16xf32>
        %add3A_447 = arith.addf %mul3A_392, %add3A_446 : vector<16xf32>
        %div3A_448 = arith.divf %min3A_444, %add3A_447 : vector<16xf32>
        %mul3A_449 = arith.mulf %div3A_448, %add3A_401 : vector<16xf32>
        %mul3A_450 = arith.mulf %div3A_448, %add3A_410 : vector<16xf32>
        %broadcast_in_dim3A_451 = arith.constant 0 : i32
        %broadcast_in_dim3A_452 = vector.broadcast %broadcast_in_dim3A_451 : i32 to vector<16xi32>
        %mul3A_453 = arith.mulf %sub3A_321, %mul3A_449 : vector<16xf32>
        tpu.vector_store_idx %arg15[%add3A_316, %broadcast_in_dim3A_452], %mul3A_453 : memref<80x8xf32, #tpu.memory_space<vmem>>[vector<16xi32>, vector<16xi32>], vector<16xf32>,
        %add3A_454 = arith.constant 1 : i32
        %add3A_455 = vector.broadcast %add3A_454 : i32 to vector<16xi32>
        %add3A_456 = arith.addi %broadcast_in_dim3A_452, %add3A_455 : vector<16xi32>
        %mul3A_457 = arith.mulf %sub3A_330, %mul3A_449 : vector<16xf32>
        tpu.vector_store_idx %arg15[%add3A_316, %add3A_456], %mul3A_457 : memref<80x8xf32, #tpu.memory_space<vmem>>[vector<16xi32>, vector<16xi32>], vector<16xf32>,
        %add3A_458 = arith.constant 2 : i32
        %add3A_459 = vector.broadcast %add3A_458 : i32 to vector<16xi32>
        %add3A_460 = arith.addi %broadcast_in_dim3A_452, %add3A_459 : vector<16xi32>
        %mul3A_461 = arith.mulf %sub3A_339, %mul3A_449 : vector<16xf32>
        tpu.vector_store_idx %arg15[%add3A_316, %add3A_460], %mul3A_461 : memref<80x8xf32, #tpu.memory_space<vmem>>[vector<16xi32>, vector<16xi32>], vector<16xf32>,
        %add3A_462 = arith.constant 4 : i32
        %add3A_463 = vector.broadcast %add3A_462 : i32 to vector<16xi32>
        %add3A_464 = arith.addi %broadcast_in_dim3A_452, %add3A_463 : vector<16xi32>
        %mul3A_465 = arith.mulf %sub3A_321, %mul3A_450 : vector<16xf32>
        tpu.vector_store_idx %arg15[%add3A_316, %add3A_464], %mul3A_465 : memref<80x8xf32, #tpu.memory_space<vmem>>[vector<16xi32>, vector<16xi32>], vector<16xf32>,
        %add3A_466 = arith.constant 5 : i32
        %add3A_467 = vector.broadcast %add3A_466 : i32 to vector<16xi32>
        %add3A_468 = arith.addi %broadcast_in_dim3A_452, %add3A_467 : vector<16xi32>
        %mul3A_469 = arith.mulf %sub3A_330, %mul3A_450 : vector<16xf32>
        tpu.vector_store_idx %arg15[%add3A_316, %add3A_468], %mul3A_469 : memref<80x8xf32, #tpu.memory_space<vmem>>[vector<16xi32>, vector<16xi32>], vector<16xf32>,
        %add3A_470 = arith.constant 6 : i32
        %add3A_471 = vector.broadcast %add3A_470 : i32 to vector<16xi32>
        %add3A_472 = arith.addi %broadcast_in_dim3A_452, %add3A_471 : vector<16xi32>
        %mul3A_473 = arith.mulf %sub3A_339, %mul3A_450 : vector<16xf32>
        tpu.vector_store_idx %arg15[%add3A_316, %add3A_472], %mul3A_473 : memref<80x8xf32, #tpu.memory_space<vmem>>[vector<16xi32>, vector<16xi32>], vector<16xf32>,
        %add3A_474 = arith.constant 32 : i32
        %add3A_475 = vector.broadcast %add3A_474 : i32 to vector<16xi32>
        %add3A_476 = arith.addi %add3A_475, %iota3A : vector<16xi32>
        %broadcast_in_dim3A_477 = arith.constant 256 : i32
        %broadcast_in_dim3A_478 = vector.broadcast %broadcast_in_dim3A_477 : i32 to vector<16xi32>
        %gather3A_479 = tpu.vector_load_idx %arg11[%add3A_476, %broadcast_in_dim3A_478] : memref<80x272xf32, #tpu.memory_space<vmem>>[vector<16xi32>, vector<16xi32>], vector<16xf32>,
        %gather3A_480 = tpu.vector_load_idx %arg13[%add3A_476, %broadcast_in_dim3A_478] : memref<80x272xf32, #tpu.memory_space<vmem>>[vector<16xi32>, vector<16xi32>], vector<16xf32>,
        %sub3A_481 = arith.subf %gather3A_479, %gather3A_480 : vector<16xf32>
        %add3A_482 = arith.constant 1 : i32
        %add3A_483 = vector.broadcast %add3A_482 : i32 to vector<16xi32>
        %add3A_484 = arith.addi %broadcast_in_dim3A_478, %add3A_483 : vector<16xi32>
        %gather3A_485 = tpu.vector_load_idx %arg11[%add3A_476, %add3A_484] : memref<80x272xf32, #tpu.memory_space<vmem>>[vector<16xi32>, vector<16xi32>], vector<16xf32>,
        %add3A_486 = arith.constant 1 : i32
        %add3A_487 = vector.broadcast %add3A_486 : i32 to vector<16xi32>
        %add3A_488 = arith.addi %broadcast_in_dim3A_478, %add3A_487 : vector<16xi32>
        %gather3A_489 = tpu.vector_load_idx %arg13[%add3A_476, %add3A_488] : memref<80x272xf32, #tpu.memory_space<vmem>>[vector<16xi32>, vector<16xi32>], vector<16xf32>,
        %sub3A_490 = arith.subf %gather3A_485, %gather3A_489 : vector<16xf32>
        %add3A_491 = arith.constant 2 : i32
        %add3A_492 = vector.broadcast %add3A_491 : i32 to vector<16xi32>
        %add3A_493 = arith.addi %broadcast_in_dim3A_478, %add3A_492 : vector<16xi32>
        %gather3A_494 = tpu.vector_load_idx %arg11[%add3A_476, %add3A_493] : memref<80x272xf32, #tpu.memory_space<vmem>>[vector<16xi32>, vector<16xi32>], vector<16xf32>,
        %add3A_495 = arith.constant 2 : i32
        %add3A_496 = vector.broadcast %add3A_495 : i32 to vector<16xi32>
        %add3A_497 = arith.addi %broadcast_in_dim3A_478, %add3A_496 : vector<16xi32>
        %gather3A_498 = tpu.vector_load_idx %arg13[%add3A_476, %add3A_497] : memref<80x272xf32, #tpu.memory_space<vmem>>[vector<16xi32>, vector<16xi32>], vector<16xf32>,
        %sub3A_499 = arith.subf %gather3A_494, %gather3A_498 : vector<16xf32>
        %mul3A_500 = arith.mulf %sub3A_481, %sub3A_481 : vector<16xf32>
        %mul3A_501 = arith.mulf %sub3A_490, %sub3A_490 : vector<16xf32>
        %add3A_502 = arith.addf %mul3A_500, %mul3A_501 : vector<16xf32>
        %mul3A_503 = arith.mulf %sub3A_499, %sub3A_499 : vector<16xf32>
        %add3A_504 = arith.addf %add3A_502, %mul3A_503 : vector<16xf32>
        %max3A_505 = arith.constant 1.000000e-30 : f32
        %max3A_506 = vector.broadcast %max3A_505 : f32 to vector<16xf32>
        %max3A_507 = arith.maximumf %add3A_504, %max3A_506 : vector<16xf32>
        %bitcast3A_508 = vector.bitcast %max3A_507 : vector<16xf32> to vector<16xi32>
        %shift_right_arithmetic3A_509 = arith.constant 1 : i32
        %shift_right_arithmetic3A_510 = vector.broadcast %shift_right_arithmetic3A_509 : i32 to vector<16xi32>
        %shift_right_arithmetic3A_511 = arith.shrsi %bitcast3A_508, %shift_right_arithmetic3A_510 : vector<16xi32>
        %sub3A_512 = arith.constant 1597463007 : i32
        %sub3A_513 = vector.broadcast %sub3A_512 : i32 to vector<16xi32>
        %sub3A_514 = arith.subi %sub3A_513, %shift_right_arithmetic3A_511 : vector<16xi32>
        %bitcast3A_515 = vector.bitcast %sub3A_514 : vector<16xi32> to vector<16xf32>
        %mul3A_516 = arith.constant 5.000000e-01 : f32
        %mul3A_517 = vector.broadcast %mul3A_516 : f32 to vector<16xf32>
        %mul3A_518 = arith.mulf %mul3A_517, %max3A_507 : vector<16xf32>
        %mul3A_519 = arith.mulf %mul3A_518, %bitcast3A_515 : vector<16xf32>
        %mul3A_520 = arith.mulf %mul3A_519, %bitcast3A_515 : vector<16xf32>
        %sub3A_521 = arith.constant 1.500000e+00 : f32
        %sub3A_522 = vector.broadcast %sub3A_521 : f32 to vector<16xf32>
        %sub3A_523 = arith.subf %sub3A_522, %mul3A_520 : vector<16xf32>
        %mul3A_524 = arith.mulf %bitcast3A_515, %sub3A_523 : vector<16xf32>
        %mul3A_525 = arith.constant 5.000000e-01 : f32
        %mul3A_526 = vector.broadcast %mul3A_525 : f32 to vector<16xf32>
        %mul3A_527 = arith.mulf %mul3A_526, %max3A_507 : vector<16xf32>
        %mul3A_528 = arith.mulf %mul3A_527, %mul3A_524 : vector<16xf32>
        %mul3A_529 = arith.mulf %mul3A_528, %mul3A_524 : vector<16xf32>
        %sub3A_530 = arith.constant 1.500000e+00 : f32
        %sub3A_531 = vector.broadcast %sub3A_530 : f32 to vector<16xf32>
        %sub3A_532 = arith.subf %sub3A_531, %mul3A_529 : vector<16xf32>
        %mul3A_533 = arith.mulf %mul3A_524, %sub3A_532 : vector<16xf32>
        %mul3A_534 = arith.constant 5.000000e-01 : f32
        %mul3A_535 = vector.broadcast %mul3A_534 : f32 to vector<16xf32>
        %mul3A_536 = arith.mulf %mul3A_535, %max3A_507 : vector<16xf32>
        %mul3A_537 = arith.mulf %mul3A_536, %mul3A_533 : vector<16xf32>
        %mul3A_538 = arith.mulf %mul3A_537, %mul3A_533 : vector<16xf32>
        %sub3A_539 = arith.constant 1.500000e+00 : f32
        %sub3A_540 = vector.broadcast %sub3A_539 : f32 to vector<16xf32>
        %sub3A_541 = arith.subf %sub3A_540, %mul3A_538 : vector<16xf32>
        %mul3A_542 = arith.mulf %mul3A_533, %sub3A_541 : vector<16xf32>
        %mul3A_543 = arith.constant 5.000000e-01 : f32
        %mul3A_544 = vector.broadcast %mul3A_543 : f32 to vector<16xf32>
        %mul3A_545 = arith.mulf %mul3A_544, %max3A_507 : vector<16xf32>
        %mul3A_546 = arith.mulf %mul3A_545, %mul3A_542 : vector<16xf32>
        %mul3A_547 = arith.mulf %mul3A_546, %mul3A_542 : vector<16xf32>
        %sub3A_548 = arith.constant 1.500000e+00 : f32
        %sub3A_549 = vector.broadcast %sub3A_548 : f32 to vector<16xf32>
        %sub3A_550 = arith.subf %sub3A_549, %mul3A_547 : vector<16xf32>
        %mul3A_551 = arith.mulf %mul3A_542, %sub3A_550 : vector<16xf32>
        %mul3A_552 = arith.mulf %add3A_504, %mul3A_551 : vector<16xf32>
        %broadcast_in_dim3A_553 = arith.constant 0.000000e+00 : f32
        %broadcast_in_dim3A_554 = vector.broadcast %broadcast_in_dim3A_553 : f32 to vector<16xf32>
        %scan3A_555 = arith.constant 0 : i32
        %scan3A_556 = arith.constant 128 : i32
        %scan3A_557 = arith.addi %scan3A_555, %scan3A_556 : i32
        %scan3A_558 = arith.constant 1 : i32
        %scan3A_559 = scf.for %scan3A_967 = %scan3A_555 to %scan3A_557 step %scan3A_558 iter_args(%scan3A_968 = %broadcast_in_dim3A_554) -> (vector<16xf32>)  : i32 {
          %broadcast_in_dim3A_969 = vector.broadcast %scan3A_967 : i32 to vector<16xi32>
          %gather3A_970 = tpu.vector_load_idx %arg11[%add3A_476, %broadcast_in_dim3A_969] : memref<80x272xf32, #tpu.memory_space<vmem>>[vector<16xi32>, vector<16xi32>], vector<16xf32>,
          %gather3A_971 = tpu.vector_load_idx %arg13[%add3A_476, %broadcast_in_dim3A_969] : memref<80x272xf32, #tpu.memory_space<vmem>>[vector<16xi32>, vector<16xi32>], vector<16xf32>,
          %gather3A_972 = tpu.vector_load_idx %arg17[%broadcast_in_dim3A_969, %iota3A] : memref<520x16xf32, #tpu.memory_space<vmem>>[vector<16xi32>, vector<16xi32>], vector<16xf32>,
          %add3A_973 = arith.constant 256 : i32
          %add3A_974 = vector.broadcast %add3A_973 : i32 to vector<16xi32>
          %add3A_975 = arith.addi %broadcast_in_dim3A_969, %add3A_974 : vector<16xi32>
          %gather3A_976 = tpu.vector_load_idx %arg17[%add3A_975, %iota3A] : memref<520x16xf32, #tpu.memory_space<vmem>>[vector<16xi32>, vector<16xi32>], vector<16xf32>,
          %add3A_977 = arith.addf %gather3A_970, %gather3A_971 : vector<16xf32>
          %mul3A_978 = arith.mulf %mul3A_552, %gather3A_972 : vector<16xf32>
          %add3A_979 = arith.addf %add3A_977, %mul3A_978 : vector<16xf32>
          %neg3A = arith.constant 0.000000e+00 : f32
          %neg3A_980 = vector.broadcast %neg3A : f32 to vector<16xf32>
          %neg3A_981 = arith.subf %neg3A_980, %add3A_979 : vector<16xf32>
          %exp3A = math.exp %neg3A_981 : vector<16xf32>
          %add3A_982 = arith.constant 1.000000e+00 : f32
          %add3A_983 = vector.broadcast %add3A_982 : f32 to vector<16xf32>
          %add3A_984 = arith.addf %add3A_983, %exp3A : vector<16xf32>
          %div3A_985 = arith.divf %add3A_979, %add3A_984 : vector<16xf32>
          %mul3A_986 = arith.mulf %div3A_985, %gather3A_976 : vector<16xf32>
          %add3A_987 = arith.addf %scan3A_968, %mul3A_986 : vector<16xf32>
          scf.yield %add3A_987 : vector<16xf32>
        }
        %scan3A_560 = arith.constant 128 : i32
        %add3A_561 = arith.addf %scan3A_559, %gather3A : vector<16xf32>
        %broadcast_in_dim3A_562 = arith.constant 0.000000e+00 : f32
        %broadcast_in_dim3A_563 = vector.broadcast %broadcast_in_dim3A_562 : f32 to vector<16xf32>
        %scan3A_564 = arith.constant 128 : i32
        %scan3A_565 = arith.constant 128 : i32
        %scan3A_566 = arith.addi %scan3A_564, %scan3A_565 : i32
        %scan3A_567 = arith.constant 1 : i32
        %scan3A_568 = scf.for %scan3A_967 = %scan3A_564 to %scan3A_566 step %scan3A_567 iter_args(%scan3A_968 = %broadcast_in_dim3A_563) -> (vector<16xf32>)  : i32 {
          %broadcast_in_dim3A_969 = vector.broadcast %scan3A_967 : i32 to vector<16xi32>
          %gather3A_970 = tpu.vector_load_idx %arg11[%add3A_476, %broadcast_in_dim3A_969] : memref<80x272xf32, #tpu.memory_space<vmem>>[vector<16xi32>, vector<16xi32>], vector<16xf32>,
          %gather3A_971 = tpu.vector_load_idx %arg13[%add3A_476, %broadcast_in_dim3A_969] : memref<80x272xf32, #tpu.memory_space<vmem>>[vector<16xi32>, vector<16xi32>], vector<16xf32>,
          %gather3A_972 = tpu.vector_load_idx %arg17[%broadcast_in_dim3A_969, %iota3A] : memref<520x16xf32, #tpu.memory_space<vmem>>[vector<16xi32>, vector<16xi32>], vector<16xf32>,
          %add3A_973 = arith.constant 256 : i32
          %add3A_974 = vector.broadcast %add3A_973 : i32 to vector<16xi32>
          %add3A_975 = arith.addi %broadcast_in_dim3A_969, %add3A_974 : vector<16xi32>
          %gather3A_976 = tpu.vector_load_idx %arg17[%add3A_975, %iota3A] : memref<520x16xf32, #tpu.memory_space<vmem>>[vector<16xi32>, vector<16xi32>], vector<16xf32>,
          %add3A_977 = arith.addf %gather3A_970, %gather3A_971 : vector<16xf32>
          %mul3A_978 = arith.mulf %mul3A_552, %gather3A_972 : vector<16xf32>
          %add3A_979 = arith.addf %add3A_977, %mul3A_978 : vector<16xf32>
          %neg3A = arith.constant 0.000000e+00 : f32
          %neg3A_980 = vector.broadcast %neg3A : f32 to vector<16xf32>
          %neg3A_981 = arith.subf %neg3A_980, %add3A_979 : vector<16xf32>
          %exp3A = math.exp %neg3A_981 : vector<16xf32>
          %add3A_982 = arith.constant 1.000000e+00 : f32
          %add3A_983 = vector.broadcast %add3A_982 : f32 to vector<16xf32>
          %add3A_984 = arith.addf %add3A_983, %exp3A : vector<16xf32>
          %div3A_985 = arith.divf %add3A_979, %add3A_984 : vector<16xf32>
          %mul3A_986 = arith.mulf %div3A_985, %gather3A_976 : vector<16xf32>
          %add3A_987 = arith.addf %scan3A_968, %mul3A_986 : vector<16xf32>
          scf.yield %add3A_987 : vector<16xf32>
        }
        %scan3A_569 = arith.constant 128 : i32
        %add3A_570 = arith.addf %scan3A_568, %gather3A_160 : vector<16xf32>
        %mul3A_571 = arith.constant 0.222222224 : f32
        %mul3A_572 = vector.broadcast %mul3A_571 : f32 to vector<16xf32>
        %mul3A_573 = arith.mulf %mul3A_552, %mul3A_572 : vector<16xf32>
        %jit3A_574 = arith.constant 0.000000e+00 : f32
        %jit3A_575 = arith.constant 1.000000e+00 : f32
        %max3A_576 = vector.broadcast %jit3A_574 : f32 to vector<16xf32>
        %max3A_577 = arith.maximumf %max3A_576, %mul3A_573 : vector<16xf32>
        %min3A_578 = vector.broadcast %jit3A_575 : f32 to vector<16xf32>
        %min3A_579 = arith.minimumf %min3A_578, %max3A_577 : vector<16xf32>
        %mul3A_580 = arith.mulf %min3A_579, %min3A_579 : vector<16xf32>
        %mul3A_581 = arith.mulf %mul3A_580, %mul3A_580 : vector<16xf32>
        %mul3A_582 = arith.mulf %mul3A_581, %min3A_579 : vector<16xf32>
        %mul3A_583 = arith.constant 2.100000e+01 : f32
        %mul3A_584 = vector.broadcast %mul3A_583 : f32 to vector<16xf32>
        %mul3A_585 = arith.mulf %mul3A_584, %mul3A_582 : vector<16xf32>
        %sub3A_586 = arith.constant 1.000000e+00 : f32
        %sub3A_587 = vector.broadcast %sub3A_586 : f32 to vector<16xf32>
        %sub3A_588 = arith.subf %sub3A_587, %mul3A_585 : vector<16xf32>
        %mul3A_589 = arith.constant 3.500000e+01 : f32
        %mul3A_590 = vector.broadcast %mul3A_589 : f32 to vector<16xf32>
        %mul3A_591 = arith.mulf %mul3A_590, %mul3A_582 : vector<16xf32>
        %mul3A_592 = arith.mulf %mul3A_591, %min3A_579 : vector<16xf32>
        %add3A_593 = arith.addf %sub3A_588, %mul3A_592 : vector<16xf32>
        %mul3A_594 = arith.constant 1.500000e+01 : f32
        %mul3A_595 = vector.broadcast %mul3A_594 : f32 to vector<16xf32>
        %mul3A_596 = arith.mulf %mul3A_595, %mul3A_582 : vector<16xf32>
        %mul3A_597 = arith.mulf %mul3A_596, %mul3A_580 : vector<16xf32>
        %sub3A_598 = arith.subf %add3A_593, %mul3A_597 : vector<16xf32>
        %jit3A_599 = arith.constant 0.000000e+00 : f32
        %jit3A_600 = arith.constant 1.000000e+00 : f32
        %max3A_601 = vector.broadcast %jit3A_599 : f32 to vector<16xf32>
        %max3A_602 = arith.maximumf %max3A_601, %sub3A_598 : vector<16xf32>
        %min3A_603 = vector.broadcast %jit3A_600 : f32 to vector<16xf32>
        %min3A_604 = arith.minimumf %min3A_603, %max3A_602 : vector<16xf32>
        %add3A_605 = arith.constant 9.99999993E-9 : f32
        %add3A_606 = vector.broadcast %add3A_605 : f32 to vector<16xf32>
        %add3A_607 = arith.addf %mul3A_552, %add3A_606 : vector<16xf32>
        %div3A_608 = arith.divf %min3A_604, %add3A_607 : vector<16xf32>
        %mul3A_609 = arith.mulf %div3A_608, %add3A_561 : vector<16xf32>
        %mul3A_610 = arith.mulf %div3A_608, %add3A_570 : vector<16xf32>
        %broadcast_in_dim3A_611 = arith.constant 0 : i32
        %broadcast_in_dim3A_612 = vector.broadcast %broadcast_in_dim3A_611 : i32 to vector<16xi32>
        %mul3A_613 = arith.mulf %sub3A_481, %mul3A_609 : vector<16xf32>
        tpu.vector_store_idx %arg15[%add3A_476, %broadcast_in_dim3A_612], %mul3A_613 : memref<80x8xf32, #tpu.memory_space<vmem>>[vector<16xi32>, vector<16xi32>], vector<16xf32>,
        %add3A_614 = arith.constant 1 : i32
        %add3A_615 = vector.broadcast %add3A_614 : i32 to vector<16xi32>
        %add3A_616 = arith.addi %broadcast_in_dim3A_612, %add3A_615 : vector<16xi32>
        %mul3A_617 = arith.mulf %sub3A_490, %mul3A_609 : vector<16xf32>
        tpu.vector_store_idx %arg15[%add3A_476, %add3A_616], %mul3A_617 : memref<80x8xf32, #tpu.memory_space<vmem>>[vector<16xi32>, vector<16xi32>], vector<16xf32>,
        %add3A_618 = arith.constant 2 : i32
        %add3A_619 = vector.broadcast %add3A_618 : i32 to vector<16xi32>
        %add3A_620 = arith.addi %broadcast_in_dim3A_612, %add3A_619 : vector<16xi32>
        %mul3A_621 = arith.mulf %sub3A_499, %mul3A_609 : vector<16xf32>
        tpu.vector_store_idx %arg15[%add3A_476, %add3A_620], %mul3A_621 : memref<80x8xf32, #tpu.memory_space<vmem>>[vector<16xi32>, vector<16xi32>], vector<16xf32>,
        %add3A_622 = arith.constant 4 : i32
        %add3A_623 = vector.broadcast %add3A_622 : i32 to vector<16xi32>
        %add3A_624 = arith.addi %broadcast_in_dim3A_612, %add3A_623 : vector<16xi32>
        %mul3A_625 = arith.mulf %sub3A_481, %mul3A_610 : vector<16xf32>
        tpu.vector_store_idx %arg15[%add3A_476, %add3A_624], %mul3A_625 : memref<80x8xf32, #tpu.memory_space<vmem>>[vector<16xi32>, vector<16xi32>], vector<16xf32>,
        %add3A_626 = arith.constant 5 : i32
        %add3A_627 = vector.broadcast %add3A_626 : i32 to vector<16xi32>
        %add3A_628 = arith.addi %broadcast_in_dim3A_612, %add3A_627 : vector<16xi32>
        %mul3A_629 = arith.mulf %sub3A_490, %mul3A_610 : vector<16xf32>
        tpu.vector_store_idx %arg15[%add3A_476, %add3A_628], %mul3A_629 : memref<80x8xf32, #tpu.memory_space<vmem>>[vector<16xi32>, vector<16xi32>], vector<16xf32>,
        %add3A_630 = arith.constant 6 : i32
        %add3A_631 = vector.broadcast %add3A_630 : i32 to vector<16xi32>
        %add3A_632 = arith.addi %broadcast_in_dim3A_612, %add3A_631 : vector<16xi32>
        %mul3A_633 = arith.mulf %sub3A_499, %mul3A_610 : vector<16xf32>
        tpu.vector_store_idx %arg15[%add3A_476, %add3A_632], %mul3A_633 : memref<80x8xf32, #tpu.memory_space<vmem>>[vector<16xi32>, vector<16xi32>], vector<16xf32>,
        %add3A_634 = arith.constant 48 : i32
        %add3A_635 = vector.broadcast %add3A_634 : i32 to vector<16xi32>
        %add3A_636 = arith.addi %add3A_635, %iota3A : vector<16xi32>
        %broadcast_in_dim3A_637 = arith.constant 256 : i32
        %broadcast_in_dim3A_638 = vector.broadcast %broadcast_in_dim3A_637 : i32 to vector<16xi32>
        %gather3A_639 = tpu.vector_load_idx %arg11[%add3A_636, %broadcast_in_dim3A_638] : memref<80x272xf32, #tpu.memory_space<vmem>>[vector<16xi32>, vector<16xi32>], vector<16xf32>,
        %gather3A_640 = tpu.vector_load_idx %arg13[%add3A_636, %broadcast_in_dim3A_638] : memref<80x272xf32, #tpu.memory_space<vmem>>[vector<16xi32>, vector<16xi32>], vector<16xf32>,
        %sub3A_641 = arith.subf %gather3A_639, %gather3A_640 : vector<16xf32>
        %add3A_642 = arith.constant 1 : i32
        %add3A_643 = vector.broadcast %add3A_642 : i32 to vector<16xi32>
        %add3A_644 = arith.addi %broadcast_in_dim3A_638, %add3A_643 : vector<16xi32>
        %gather3A_645 = tpu.vector_load_idx %arg11[%add3A_636, %add3A_644] : memref<80x272xf32, #tpu.memory_space<vmem>>[vector<16xi32>, vector<16xi32>], vector<16xf32>,
        %add3A_646 = arith.constant 1 : i32
        %add3A_647 = vector.broadcast %add3A_646 : i32 to vector<16xi32>
        %add3A_648 = arith.addi %broadcast_in_dim3A_638, %add3A_647 : vector<16xi32>
        %gather3A_649 = tpu.vector_load_idx %arg13[%add3A_636, %add3A_648] : memref<80x272xf32, #tpu.memory_space<vmem>>[vector<16xi32>, vector<16xi32>], vector<16xf32>,
        %sub3A_650 = arith.subf %gather3A_645, %gather3A_649 : vector<16xf32>
        %add3A_651 = arith.constant 2 : i32
        %add3A_652 = vector.broadcast %add3A_651 : i32 to vector<16xi32>
        %add3A_653 = arith.addi %broadcast_in_dim3A_638, %add3A_652 : vector<16xi32>
        %gather3A_654 = tpu.vector_load_idx %arg11[%add3A_636, %add3A_653] : memref<80x272xf32, #tpu.memory_space<vmem>>[vector<16xi32>, vector<16xi32>], vector<16xf32>,
        %add3A_655 = arith.constant 2 : i32
        %add3A_656 = vector.broadcast %add3A_655 : i32 to vector<16xi32>
        %add3A_657 = arith.addi %broadcast_in_dim3A_638, %add3A_656 : vector<16xi32>
        %gather3A_658 = tpu.vector_load_idx %arg13[%add3A_636, %add3A_657] : memref<80x272xf32, #tpu.memory_space<vmem>>[vector<16xi32>, vector<16xi32>], vector<16xf32>,
        %sub3A_659 = arith.subf %gather3A_654, %gather3A_658 : vector<16xf32>
        %mul3A_660 = arith.mulf %sub3A_641, %sub3A_641 : vector<16xf32>
        %mul3A_661 = arith.mulf %sub3A_650, %sub3A_650 : vector<16xf32>
        %add3A_662 = arith.addf %mul3A_660, %mul3A_661 : vector<16xf32>
        %mul3A_663 = arith.mulf %sub3A_659, %sub3A_659 : vector<16xf32>
        %add3A_664 = arith.addf %add3A_662, %mul3A_663 : vector<16xf32>
        %max3A_665 = arith.constant 1.000000e-30 : f32
        %max3A_666 = vector.broadcast %max3A_665 : f32 to vector<16xf32>
        %max3A_667 = arith.maximumf %add3A_664, %max3A_666 : vector<16xf32>
        %bitcast3A_668 = vector.bitcast %max3A_667 : vector<16xf32> to vector<16xi32>
        %shift_right_arithmetic3A_669 = arith.constant 1 : i32
        %shift_right_arithmetic3A_670 = vector.broadcast %shift_right_arithmetic3A_669 : i32 to vector<16xi32>
        %shift_right_arithmetic3A_671 = arith.shrsi %bitcast3A_668, %shift_right_arithmetic3A_670 : vector<16xi32>
        %sub3A_672 = arith.constant 1597463007 : i32
        %sub3A_673 = vector.broadcast %sub3A_672 : i32 to vector<16xi32>
        %sub3A_674 = arith.subi %sub3A_673, %shift_right_arithmetic3A_671 : vector<16xi32>
        %bitcast3A_675 = vector.bitcast %sub3A_674 : vector<16xi32> to vector<16xf32>
        %mul3A_676 = arith.constant 5.000000e-01 : f32
        %mul3A_677 = vector.broadcast %mul3A_676 : f32 to vector<16xf32>
        %mul3A_678 = arith.mulf %mul3A_677, %max3A_667 : vector<16xf32>
        %mul3A_679 = arith.mulf %mul3A_678, %bitcast3A_675 : vector<16xf32>
        %mul3A_680 = arith.mulf %mul3A_679, %bitcast3A_675 : vector<16xf32>
        %sub3A_681 = arith.constant 1.500000e+00 : f32
        %sub3A_682 = vector.broadcast %sub3A_681 : f32 to vector<16xf32>
        %sub3A_683 = arith.subf %sub3A_682, %mul3A_680 : vector<16xf32>
        %mul3A_684 = arith.mulf %bitcast3A_675, %sub3A_683 : vector<16xf32>
        %mul3A_685 = arith.constant 5.000000e-01 : f32
        %mul3A_686 = vector.broadcast %mul3A_685 : f32 to vector<16xf32>
        %mul3A_687 = arith.mulf %mul3A_686, %max3A_667 : vector<16xf32>
        %mul3A_688 = arith.mulf %mul3A_687, %mul3A_684 : vector<16xf32>
        %mul3A_689 = arith.mulf %mul3A_688, %mul3A_684 : vector<16xf32>
        %sub3A_690 = arith.constant 1.500000e+00 : f32
        %sub3A_691 = vector.broadcast %sub3A_690 : f32 to vector<16xf32>
        %sub3A_692 = arith.subf %sub3A_691, %mul3A_689 : vector<16xf32>
        %mul3A_693 = arith.mulf %mul3A_684, %sub3A_692 : vector<16xf32>
        %mul3A_694 = arith.constant 5.000000e-01 : f32
        %mul3A_695 = vector.broadcast %mul3A_694 : f32 to vector<16xf32>
        %mul3A_696 = arith.mulf %mul3A_695, %max3A_667 : vector<16xf32>
        %mul3A_697 = arith.mulf %mul3A_696, %mul3A_693 : vector<16xf32>
        %mul3A_698 = arith.mulf %mul3A_697, %mul3A_693 : vector<16xf32>
        %sub3A_699 = arith.constant 1.500000e+00 : f32
        %sub3A_700 = vector.broadcast %sub3A_699 : f32 to vector<16xf32>
        %sub3A_701 = arith.subf %sub3A_700, %mul3A_698 : vector<16xf32>
        %mul3A_702 = arith.mulf %mul3A_693, %sub3A_701 : vector<16xf32>
        %mul3A_703 = arith.constant 5.000000e-01 : f32
        %mul3A_704 = vector.broadcast %mul3A_703 : f32 to vector<16xf32>
        %mul3A_705 = arith.mulf %mul3A_704, %max3A_667 : vector<16xf32>
        %mul3A_706 = arith.mulf %mul3A_705, %mul3A_702 : vector<16xf32>
        %mul3A_707 = arith.mulf %mul3A_706, %mul3A_702 : vector<16xf32>
        %sub3A_708 = arith.constant 1.500000e+00 : f32
        %sub3A_709 = vector.broadcast %sub3A_708 : f32 to vector<16xf32>
        %sub3A_710 = arith.subf %sub3A_709, %mul3A_707 : vector<16xf32>
        %mul3A_711 = arith.mulf %mul3A_702, %sub3A_710 : vector<16xf32>
        %mul3A_712 = arith.mulf %add3A_664, %mul3A_711 : vector<16xf32>
        %broadcast_in_dim3A_713 = arith.constant 0.000000e+00 : f32
        %broadcast_in_dim3A_714 = vector.broadcast %broadcast_in_dim3A_713 : f32 to vector<16xf32>
        %scan3A_715 = arith.constant 0 : i32
        %scan3A_716 = arith.constant 128 : i32
        %scan3A_717 = arith.addi %scan3A_715, %scan3A_716 : i32
        %scan3A_718 = arith.constant 1 : i32
        %scan3A_719 = scf.for %scan3A_967 = %scan3A_715 to %scan3A_717 step %scan3A_718 iter_args(%scan3A_968 = %broadcast_in_dim3A_714) -> (vector<16xf32>)  : i32 {
          %broadcast_in_dim3A_969 = vector.broadcast %scan3A_967 : i32 to vector<16xi32>
          %gather3A_970 = tpu.vector_load_idx %arg11[%add3A_636, %broadcast_in_dim3A_969] : memref<80x272xf32, #tpu.memory_space<vmem>>[vector<16xi32>, vector<16xi32>], vector<16xf32>,
          %gather3A_971 = tpu.vector_load_idx %arg13[%add3A_636, %broadcast_in_dim3A_969] : memref<80x272xf32, #tpu.memory_space<vmem>>[vector<16xi32>, vector<16xi32>], vector<16xf32>,
          %gather3A_972 = tpu.vector_load_idx %arg17[%broadcast_in_dim3A_969, %iota3A] : memref<520x16xf32, #tpu.memory_space<vmem>>[vector<16xi32>, vector<16xi32>], vector<16xf32>,
          %add3A_973 = arith.constant 256 : i32
          %add3A_974 = vector.broadcast %add3A_973 : i32 to vector<16xi32>
          %add3A_975 = arith.addi %broadcast_in_dim3A_969, %add3A_974 : vector<16xi32>
          %gather3A_976 = tpu.vector_load_idx %arg17[%add3A_975, %iota3A] : memref<520x16xf32, #tpu.memory_space<vmem>>[vector<16xi32>, vector<16xi32>], vector<16xf32>,
          %add3A_977 = arith.addf %gather3A_970, %gather3A_971 : vector<16xf32>
          %mul3A_978 = arith.mulf %mul3A_712, %gather3A_972 : vector<16xf32>
          %add3A_979 = arith.addf %add3A_977, %mul3A_978 : vector<16xf32>
          %neg3A = arith.constant 0.000000e+00 : f32
          %neg3A_980 = vector.broadcast %neg3A : f32 to vector<16xf32>
          %neg3A_981 = arith.subf %neg3A_980, %add3A_979 : vector<16xf32>
          %exp3A = math.exp %neg3A_981 : vector<16xf32>
          %add3A_982 = arith.constant 1.000000e+00 : f32
          %add3A_983 = vector.broadcast %add3A_982 : f32 to vector<16xf32>
          %add3A_984 = arith.addf %add3A_983, %exp3A : vector<16xf32>
          %div3A_985 = arith.divf %add3A_979, %add3A_984 : vector<16xf32>
          %mul3A_986 = arith.mulf %div3A_985, %gather3A_976 : vector<16xf32>
          %add3A_987 = arith.addf %scan3A_968, %mul3A_986 : vector<16xf32>
          scf.yield %add3A_987 : vector<16xf32>
        }
        %scan3A_720 = arith.constant 128 : i32
        %add3A_721 = arith.addf %scan3A_719, %gather3A : vector<16xf32>
        %broadcast_in_dim3A_722 = arith.constant 0.000000e+00 : f32
        %broadcast_in_dim3A_723 = vector.broadcast %broadcast_in_dim3A_722 : f32 to vector<16xf32>
        %scan3A_724 = arith.constant 128 : i32
        %scan3A_725 = arith.constant 128 : i32
        %scan3A_726 = arith.addi %scan3A_724, %scan3A_725 : i32
        %scan3A_727 = arith.constant 1 : i32
        %scan3A_728 = scf.for %scan3A_967 = %scan3A_724 to %scan3A_726 step %scan3A_727 iter_args(%scan3A_968 = %broadcast_in_dim3A_723) -> (vector<16xf32>)  : i32 {
          %broadcast_in_dim3A_969 = vector.broadcast %scan3A_967 : i32 to vector<16xi32>
          %gather3A_970 = tpu.vector_load_idx %arg11[%add3A_636, %broadcast_in_dim3A_969] : memref<80x272xf32, #tpu.memory_space<vmem>>[vector<16xi32>, vector<16xi32>], vector<16xf32>,
          %gather3A_971 = tpu.vector_load_idx %arg13[%add3A_636, %broadcast_in_dim3A_969] : memref<80x272xf32, #tpu.memory_space<vmem>>[vector<16xi32>, vector<16xi32>], vector<16xf32>,
          %gather3A_972 = tpu.vector_load_idx %arg17[%broadcast_in_dim3A_969, %iota3A] : memref<520x16xf32, #tpu.memory_space<vmem>>[vector<16xi32>, vector<16xi32>], vector<16xf32>,
          %add3A_973 = arith.constant 256 : i32
          %add3A_974 = vector.broadcast %add3A_973 : i32 to vector<16xi32>
          %add3A_975 = arith.addi %broadcast_in_dim3A_969, %add3A_974 : vector<16xi32>
          %gather3A_976 = tpu.vector_load_idx %arg17[%add3A_975, %iota3A] : memref<520x16xf32, #tpu.memory_space<vmem>>[vector<16xi32>, vector<16xi32>], vector<16xf32>,
          %add3A_977 = arith.addf %gather3A_970, %gather3A_971 : vector<16xf32>
          %mul3A_978 = arith.mulf %mul3A_712, %gather3A_972 : vector<16xf32>
          %add3A_979 = arith.addf %add3A_977, %mul3A_978 : vector<16xf32>
          %neg3A = arith.constant 0.000000e+00 : f32
          %neg3A_980 = vector.broadcast %neg3A : f32 to vector<16xf32>
          %neg3A_981 = arith.subf %neg3A_980, %add3A_979 : vector<16xf32>
          %exp3A = math.exp %neg3A_981 : vector<16xf32>
          %add3A_982 = arith.constant 1.000000e+00 : f32
          %add3A_983 = vector.broadcast %add3A_982 : f32 to vector<16xf32>
          %add3A_984 = arith.addf %add3A_983, %exp3A : vector<16xf32>
          %div3A_985 = arith.divf %add3A_979, %add3A_984 : vector<16xf32>
          %mul3A_986 = arith.mulf %div3A_985, %gather3A_976 : vector<16xf32>
          %add3A_987 = arith.addf %scan3A_968, %mul3A_986 : vector<16xf32>
          scf.yield %add3A_987 : vector<16xf32>
        }
        %scan3A_729 = arith.constant 128 : i32
        %add3A_730 = arith.addf %scan3A_728, %gather3A_160 : vector<16xf32>
        %mul3A_731 = arith.constant 0.222222224 : f32
        %mul3A_732 = vector.broadcast %mul3A_731 : f32 to vector<16xf32>
        %mul3A_733 = arith.mulf %mul3A_712, %mul3A_732 : vector<16xf32>
        %jit3A_734 = arith.constant 0.000000e+00 : f32
        %jit3A_735 = arith.constant 1.000000e+00 : f32
        %max3A_736 = vector.broadcast %jit3A_734 : f32 to vector<16xf32>
        %max3A_737 = arith.maximumf %max3A_736, %mul3A_733 : vector<16xf32>
        %min3A_738 = vector.broadcast %jit3A_735 : f32 to vector<16xf32>
        %min3A_739 = arith.minimumf %min3A_738, %max3A_737 : vector<16xf32>
        %mul3A_740 = arith.mulf %min3A_739, %min3A_739 : vector<16xf32>
        %mul3A_741 = arith.mulf %mul3A_740, %mul3A_740 : vector<16xf32>
        %mul3A_742 = arith.mulf %mul3A_741, %min3A_739 : vector<16xf32>
        %mul3A_743 = arith.constant 2.100000e+01 : f32
        %mul3A_744 = vector.broadcast %mul3A_743 : f32 to vector<16xf32>
        %mul3A_745 = arith.mulf %mul3A_744, %mul3A_742 : vector<16xf32>
        %sub3A_746 = arith.constant 1.000000e+00 : f32
        %sub3A_747 = vector.broadcast %sub3A_746 : f32 to vector<16xf32>
        %sub3A_748 = arith.subf %sub3A_747, %mul3A_745 : vector<16xf32>
        %mul3A_749 = arith.constant 3.500000e+01 : f32
        %mul3A_750 = vector.broadcast %mul3A_749 : f32 to vector<16xf32>
        %mul3A_751 = arith.mulf %mul3A_750, %mul3A_742 : vector<16xf32>
        %mul3A_752 = arith.mulf %mul3A_751, %min3A_739 : vector<16xf32>
        %add3A_753 = arith.addf %sub3A_748, %mul3A_752 : vector<16xf32>
        %mul3A_754 = arith.constant 1.500000e+01 : f32
        %mul3A_755 = vector.broadcast %mul3A_754 : f32 to vector<16xf32>
        %mul3A_756 = arith.mulf %mul3A_755, %mul3A_742 : vector<16xf32>
        %mul3A_757 = arith.mulf %mul3A_756, %mul3A_740 : vector<16xf32>
        %sub3A_758 = arith.subf %add3A_753, %mul3A_757 : vector<16xf32>
        %jit3A_759 = arith.constant 0.000000e+00 : f32
        %jit3A_760 = arith.constant 1.000000e+00 : f32
        %max3A_761 = vector.broadcast %jit3A_759 : f32 to vector<16xf32>
        %max3A_762 = arith.maximumf %max3A_761, %sub3A_758 : vector<16xf32>
        %min3A_763 = vector.broadcast %jit3A_760 : f32 to vector<16xf32>
        %min3A_764 = arith.minimumf %min3A_763, %max3A_762 : vector<16xf32>
        %add3A_765 = arith.constant 9.99999993E-9 : f32
        %add3A_766 = vector.broadcast %add3A_765 : f32 to vector<16xf32>
        %add3A_767 = arith.addf %mul3A_712, %add3A_766 : vector<16xf32>
        %div3A_768 = arith.divf %min3A_764, %add3A_767 : vector<16xf32>
        %mul3A_769 = arith.mulf %div3A_768, %add3A_721 : vector<16xf32>
        %mul3A_770 = arith.mulf %div3A_768, %add3A_730 : vector<16xf32>
        %broadcast_in_dim3A_771 = arith.constant 0 : i32
        %broadcast_in_dim3A_772 = vector.broadcast %broadcast_in_dim3A_771 : i32 to vector<16xi32>
        %mul3A_773 = arith.mulf %sub3A_641, %mul3A_769 : vector<16xf32>
        tpu.vector_store_idx %arg15[%add3A_636, %broadcast_in_dim3A_772], %mul3A_773 : memref<80x8xf32, #tpu.memory_space<vmem>>[vector<16xi32>, vector<16xi32>], vector<16xf32>,
        %add3A_774 = arith.constant 1 : i32
        %add3A_775 = vector.broadcast %add3A_774 : i32 to vector<16xi32>
        %add3A_776 = arith.addi %broadcast_in_dim3A_772, %add3A_775 : vector<16xi32>
        %mul3A_777 = arith.mulf %sub3A_650, %mul3A_769 : vector<16xf32>
        tpu.vector_store_idx %arg15[%add3A_636, %add3A_776], %mul3A_777 : memref<80x8xf32, #tpu.memory_space<vmem>>[vector<16xi32>, vector<16xi32>], vector<16xf32>,
        %add3A_778 = arith.constant 2 : i32
        %add3A_779 = vector.broadcast %add3A_778 : i32 to vector<16xi32>
        %add3A_780 = arith.addi %broadcast_in_dim3A_772, %add3A_779 : vector<16xi32>
        %mul3A_781 = arith.mulf %sub3A_659, %mul3A_769 : vector<16xf32>
        tpu.vector_store_idx %arg15[%add3A_636, %add3A_780], %mul3A_781 : memref<80x8xf32, #tpu.memory_space<vmem>>[vector<16xi32>, vector<16xi32>], vector<16xf32>,
        %add3A_782 = arith.constant 4 : i32
        %add3A_783 = vector.broadcast %add3A_782 : i32 to vector<16xi32>
        %add3A_784 = arith.addi %broadcast_in_dim3A_772, %add3A_783 : vector<16xi32>
        %mul3A_785 = arith.mulf %sub3A_641, %mul3A_770 : vector<16xf32>
        tpu.vector_store_idx %arg15[%add3A_636, %add3A_784], %mul3A_785 : memref<80x8xf32, #tpu.memory_space<vmem>>[vector<16xi32>, vector<16xi32>], vector<16xf32>,
        %add3A_786 = arith.constant 5 : i32
        %add3A_787 = vector.broadcast %add3A_786 : i32 to vector<16xi32>
        %add3A_788 = arith.addi %broadcast_in_dim3A_772, %add3A_787 : vector<16xi32>
        %mul3A_789 = arith.mulf %sub3A_650, %mul3A_770 : vector<16xf32>
        tpu.vector_store_idx %arg15[%add3A_636, %add3A_788], %mul3A_789 : memref<80x8xf32, #tpu.memory_space<vmem>>[vector<16xi32>, vector<16xi32>], vector<16xf32>,
        %add3A_790 = arith.constant 6 : i32
        %add3A_791 = vector.broadcast %add3A_790 : i32 to vector<16xi32>
        %add3A_792 = arith.addi %broadcast_in_dim3A_772, %add3A_791 : vector<16xi32>
        %mul3A_793 = arith.mulf %sub3A_659, %mul3A_770 : vector<16xf32>
        tpu.vector_store_idx %arg15[%add3A_636, %add3A_792], %mul3A_793 : memref<80x8xf32, #tpu.memory_space<vmem>>[vector<16xi32>, vector<16xi32>], vector<16xf32>,
        %add3A_794 = arith.constant 64 : i32
        %add3A_795 = vector.broadcast %add3A_794 : i32 to vector<16xi32>
        %add3A_796 = arith.addi %add3A_795, %iota3A : vector<16xi32>
        %broadcast_in_dim3A_797 = arith.constant 256 : i32
        %broadcast_in_dim3A_798 = vector.broadcast %broadcast_in_dim3A_797 : i32 to vector<16xi32>
        %gather3A_799 = tpu.vector_load_idx %arg11[%add3A_796, %broadcast_in_dim3A_798] : memref<80x272xf32, #tpu.memory_space<vmem>>[vector<16xi32>, vector<16xi32>], vector<16xf32>,
        %gather3A_800 = tpu.vector_load_idx %arg13[%add3A_796, %broadcast_in_dim3A_798] : memref<80x272xf32, #tpu.memory_space<vmem>>[vector<16xi32>, vector<16xi32>], vector<16xf32>,
        %sub3A_801 = arith.subf %gather3A_799, %gather3A_800 : vector<16xf32>
        %add3A_802 = arith.constant 1 : i32
        %add3A_803 = vector.broadcast %add3A_802 : i32 to vector<16xi32>
        %add3A_804 = arith.addi %broadcast_in_dim3A_798, %add3A_803 : vector<16xi32>
        %gather3A_805 = tpu.vector_load_idx %arg11[%add3A_796, %add3A_804] : memref<80x272xf32, #tpu.memory_space<vmem>>[vector<16xi32>, vector<16xi32>], vector<16xf32>,
        %add3A_806 = arith.constant 1 : i32
        %add3A_807 = vector.broadcast %add3A_806 : i32 to vector<16xi32>
        %add3A_808 = arith.addi %broadcast_in_dim3A_798, %add3A_807 : vector<16xi32>
        %gather3A_809 = tpu.vector_load_idx %arg13[%add3A_796, %add3A_808] : memref<80x272xf32, #tpu.memory_space<vmem>>[vector<16xi32>, vector<16xi32>], vector<16xf32>,
        %sub3A_810 = arith.subf %gather3A_805, %gather3A_809 : vector<16xf32>
        %add3A_811 = arith.constant 2 : i32
        %add3A_812 = vector.broadcast %add3A_811 : i32 to vector<16xi32>
        %add3A_813 = arith.addi %broadcast_in_dim3A_798, %add3A_812 : vector<16xi32>
        %gather3A_814 = tpu.vector_load_idx %arg11[%add3A_796, %add3A_813] : memref<80x272xf32, #tpu.memory_space<vmem>>[vector<16xi32>, vector<16xi32>], vector<16xf32>,
        %add3A_815 = arith.constant 2 : i32
        %add3A_816 = vector.broadcast %add3A_815 : i32 to vector<16xi32>
        %add3A_817 = arith.addi %broadcast_in_dim3A_798, %add3A_816 : vector<16xi32>
        %gather3A_818 = tpu.vector_load_idx %arg13[%add3A_796, %add3A_817] : memref<80x272xf32, #tpu.memory_space<vmem>>[vector<16xi32>, vector<16xi32>], vector<16xf32>,
        %sub3A_819 = arith.subf %gather3A_814, %gather3A_818 : vector<16xf32>
        %mul3A_820 = arith.mulf %sub3A_801, %sub3A_801 : vector<16xf32>
        %mul3A_821 = arith.mulf %sub3A_810, %sub3A_810 : vector<16xf32>
        %add3A_822 = arith.addf %mul3A_820, %mul3A_821 : vector<16xf32>
        %mul3A_823 = arith.mulf %sub3A_819, %sub3A_819 : vector<16xf32>
        %add3A_824 = arith.addf %add3A_822, %mul3A_823 : vector<16xf32>
        %max3A_825 = arith.constant 1.000000e-30 : f32
        %max3A_826 = vector.broadcast %max3A_825 : f32 to vector<16xf32>
        %max3A_827 = arith.maximumf %add3A_824, %max3A_826 : vector<16xf32>
        %bitcast3A_828 = vector.bitcast %max3A_827 : vector<16xf32> to vector<16xi32>
        %shift_right_arithmetic3A_829 = arith.constant 1 : i32
        %shift_right_arithmetic3A_830 = vector.broadcast %shift_right_arithmetic3A_829 : i32 to vector<16xi32>
        %shift_right_arithmetic3A_831 = arith.shrsi %bitcast3A_828, %shift_right_arithmetic3A_830 : vector<16xi32>
        %sub3A_832 = arith.constant 1597463007 : i32
        %sub3A_833 = vector.broadcast %sub3A_832 : i32 to vector<16xi32>
        %sub3A_834 = arith.subi %sub3A_833, %shift_right_arithmetic3A_831 : vector<16xi32>
        %bitcast3A_835 = vector.bitcast %sub3A_834 : vector<16xi32> to vector<16xf32>
        %mul3A_836 = arith.constant 5.000000e-01 : f32
        %mul3A_837 = vector.broadcast %mul3A_836 : f32 to vector<16xf32>
        %mul3A_838 = arith.mulf %mul3A_837, %max3A_827 : vector<16xf32>
        %mul3A_839 = arith.mulf %mul3A_838, %bitcast3A_835 : vector<16xf32>
        %mul3A_840 = arith.mulf %mul3A_839, %bitcast3A_835 : vector<16xf32>
        %sub3A_841 = arith.constant 1.500000e+00 : f32
        %sub3A_842 = vector.broadcast %sub3A_841 : f32 to vector<16xf32>
        %sub3A_843 = arith.subf %sub3A_842, %mul3A_840 : vector<16xf32>
        %mul3A_844 = arith.mulf %bitcast3A_835, %sub3A_843 : vector<16xf32>
        %mul3A_845 = arith.constant 5.000000e-01 : f32
        %mul3A_846 = vector.broadcast %mul3A_845 : f32 to vector<16xf32>
        %mul3A_847 = arith.mulf %mul3A_846, %max3A_827 : vector<16xf32>
        %mul3A_848 = arith.mulf %mul3A_847, %mul3A_844 : vector<16xf32>
        %mul3A_849 = arith.mulf %mul3A_848, %mul3A_844 : vector<16xf32>
        %sub3A_850 = arith.constant 1.500000e+00 : f32
        %sub3A_851 = vector.broadcast %sub3A_850 : f32 to vector<16xf32>
        %sub3A_852 = arith.subf %sub3A_851, %mul3A_849 : vector<16xf32>
        %mul3A_853 = arith.mulf %mul3A_844, %sub3A_852 : vector<16xf32>
        %mul3A_854 = arith.constant 5.000000e-01 : f32
        %mul3A_855 = vector.broadcast %mul3A_854 : f32 to vector<16xf32>
        %mul3A_856 = arith.mulf %mul3A_855, %max3A_827 : vector<16xf32>
        %mul3A_857 = arith.mulf %mul3A_856, %mul3A_853 : vector<16xf32>
        %mul3A_858 = arith.mulf %mul3A_857, %mul3A_853 : vector<16xf32>
        %sub3A_859 = arith.constant 1.500000e+00 : f32
        %sub3A_860 = vector.broadcast %sub3A_859 : f32 to vector<16xf32>
        %sub3A_861 = arith.subf %sub3A_860, %mul3A_858 : vector<16xf32>
        %mul3A_862 = arith.mulf %mul3A_853, %sub3A_861 : vector<16xf32>
        %mul3A_863 = arith.constant 5.000000e-01 : f32
        %mul3A_864 = vector.broadcast %mul3A_863 : f32 to vector<16xf32>
        %mul3A_865 = arith.mulf %mul3A_864, %max3A_827 : vector<16xf32>
        %mul3A_866 = arith.mulf %mul3A_865, %mul3A_862 : vector<16xf32>
        %mul3A_867 = arith.mulf %mul3A_866, %mul3A_862 : vector<16xf32>
        %sub3A_868 = arith.constant 1.500000e+00 : f32
        %sub3A_869 = vector.broadcast %sub3A_868 : f32 to vector<16xf32>
        %sub3A_870 = arith.subf %sub3A_869, %mul3A_867 : vector<16xf32>
        %mul3A_871 = arith.mulf %mul3A_862, %sub3A_870 : vector<16xf32>
        %mul3A_872 = arith.mulf %add3A_824, %mul3A_871 : vector<16xf32>
        %broadcast_in_dim3A_873 = arith.constant 0.000000e+00 : f32
        %broadcast_in_dim3A_874 = vector.broadcast %broadcast_in_dim3A_873 : f32 to vector<16xf32>
        %scan3A_875 = arith.constant 0 : i32
        %scan3A_876 = arith.constant 128 : i32
        %scan3A_877 = arith.addi %scan3A_875, %scan3A_876 : i32
        %scan3A_878 = arith.constant 1 : i32
        %scan3A_879 = scf.for %scan3A_967 = %scan3A_875 to %scan3A_877 step %scan3A_878 iter_args(%scan3A_968 = %broadcast_in_dim3A_874) -> (vector<16xf32>)  : i32 {
          %broadcast_in_dim3A_969 = vector.broadcast %scan3A_967 : i32 to vector<16xi32>
          %gather3A_970 = tpu.vector_load_idx %arg11[%add3A_796, %broadcast_in_dim3A_969] : memref<80x272xf32, #tpu.memory_space<vmem>>[vector<16xi32>, vector<16xi32>], vector<16xf32>,
          %gather3A_971 = tpu.vector_load_idx %arg13[%add3A_796, %broadcast_in_dim3A_969] : memref<80x272xf32, #tpu.memory_space<vmem>>[vector<16xi32>, vector<16xi32>], vector<16xf32>,
          %gather3A_972 = tpu.vector_load_idx %arg17[%broadcast_in_dim3A_969, %iota3A] : memref<520x16xf32, #tpu.memory_space<vmem>>[vector<16xi32>, vector<16xi32>], vector<16xf32>,
          %add3A_973 = arith.constant 256 : i32
          %add3A_974 = vector.broadcast %add3A_973 : i32 to vector<16xi32>
          %add3A_975 = arith.addi %broadcast_in_dim3A_969, %add3A_974 : vector<16xi32>
          %gather3A_976 = tpu.vector_load_idx %arg17[%add3A_975, %iota3A] : memref<520x16xf32, #tpu.memory_space<vmem>>[vector<16xi32>, vector<16xi32>], vector<16xf32>,
          %add3A_977 = arith.addf %gather3A_970, %gather3A_971 : vector<16xf32>
          %mul3A_978 = arith.mulf %mul3A_872, %gather3A_972 : vector<16xf32>
          %add3A_979 = arith.addf %add3A_977, %mul3A_978 : vector<16xf32>
          %neg3A = arith.constant 0.000000e+00 : f32
          %neg3A_980 = vector.broadcast %neg3A : f32 to vector<16xf32>
          %neg3A_981 = arith.subf %neg3A_980, %add3A_979 : vector<16xf32>
          %exp3A = math.exp %neg3A_981 : vector<16xf32>
          %add3A_982 = arith.constant 1.000000e+00 : f32
          %add3A_983 = vector.broadcast %add3A_982 : f32 to vector<16xf32>
          %add3A_984 = arith.addf %add3A_983, %exp3A : vector<16xf32>
          %div3A_985 = arith.divf %add3A_979, %add3A_984 : vector<16xf32>
          %mul3A_986 = arith.mulf %div3A_985, %gather3A_976 : vector<16xf32>
          %add3A_987 = arith.addf %scan3A_968, %mul3A_986 : vector<16xf32>
          scf.yield %add3A_987 : vector<16xf32>
        }
        %scan3A_880 = arith.constant 128 : i32
        %add3A_881 = arith.addf %scan3A_879, %gather3A : vector<16xf32>
        %broadcast_in_dim3A_882 = arith.constant 0.000000e+00 : f32
        %broadcast_in_dim3A_883 = vector.broadcast %broadcast_in_dim3A_882 : f32 to vector<16xf32>
        %scan3A_884 = arith.constant 128 : i32
        %scan3A_885 = arith.constant 128 : i32
        %scan3A_886 = arith.addi %scan3A_884, %scan3A_885 : i32
        %scan3A_887 = arith.constant 1 : i32
        %scan3A_888 = scf.for %scan3A_967 = %scan3A_884 to %scan3A_886 step %scan3A_887 iter_args(%scan3A_968 = %broadcast_in_dim3A_883) -> (vector<16xf32>)  : i32 {
          %broadcast_in_dim3A_969 = vector.broadcast %scan3A_967 : i32 to vector<16xi32>
          %gather3A_970 = tpu.vector_load_idx %arg11[%add3A_796, %broadcast_in_dim3A_969] : memref<80x272xf32, #tpu.memory_space<vmem>>[vector<16xi32>, vector<16xi32>], vector<16xf32>,
          %gather3A_971 = tpu.vector_load_idx %arg13[%add3A_796, %broadcast_in_dim3A_969] : memref<80x272xf32, #tpu.memory_space<vmem>>[vector<16xi32>, vector<16xi32>], vector<16xf32>,
          %gather3A_972 = tpu.vector_load_idx %arg17[%broadcast_in_dim3A_969, %iota3A] : memref<520x16xf32, #tpu.memory_space<vmem>>[vector<16xi32>, vector<16xi32>], vector<16xf32>,
          %add3A_973 = arith.constant 256 : i32
          %add3A_974 = vector.broadcast %add3A_973 : i32 to vector<16xi32>
          %add3A_975 = arith.addi %broadcast_in_dim3A_969, %add3A_974 : vector<16xi32>
          %gather3A_976 = tpu.vector_load_idx %arg17[%add3A_975, %iota3A] : memref<520x16xf32, #tpu.memory_space<vmem>>[vector<16xi32>, vector<16xi32>], vector<16xf32>,
          %add3A_977 = arith.addf %gather3A_970, %gather3A_971 : vector<16xf32>
          %mul3A_978 = arith.mulf %mul3A_872, %gather3A_972 : vector<16xf32>
          %add3A_979 = arith.addf %add3A_977, %mul3A_978 : vector<16xf32>
          %neg3A = arith.constant 0.000000e+00 : f32
          %neg3A_980 = vector.broadcast %neg3A : f32 to vector<16xf32>
          %neg3A_981 = arith.subf %neg3A_980, %add3A_979 : vector<16xf32>
          %exp3A = math.exp %neg3A_981 : vector<16xf32>
          %add3A_982 = arith.constant 1.000000e+00 : f32
          %add3A_983 = vector.broadcast %add3A_982 : f32 to vector<16xf32>
          %add3A_984 = arith.addf %add3A_983, %exp3A : vector<16xf32>
          %div3A_985 = arith.divf %add3A_979, %add3A_984 : vector<16xf32>
          %mul3A_986 = arith.mulf %div3A_985, %gather3A_976 : vector<16xf32>
          %add3A_987 = arith.addf %scan3A_968, %mul3A_986 : vector<16xf32>
          scf.yield %add3A_987 : vector<16xf32>
        }
        %scan3A_889 = arith.constant 128 : i32
        %add3A_890 = arith.addf %scan3A_888, %gather3A_160 : vector<16xf32>
        %mul3A_891 = arith.constant 0.222222224 : f32
        %mul3A_892 = vector.broadcast %mul3A_891 : f32 to vector<16xf32>
        %mul3A_893 = arith.mulf %mul3A_872, %mul3A_892 : vector<16xf32>
        %jit3A_894 = arith.constant 0.000000e+00 : f32
        %jit3A_895 = arith.constant 1.000000e+00 : f32
        %max3A_896 = vector.broadcast %jit3A_894 : f32 to vector<16xf32>
        %max3A_897 = arith.maximumf %max3A_896, %mul3A_893 : vector<16xf32>
        %min3A_898 = vector.broadcast %jit3A_895 : f32 to vector<16xf32>
        %min3A_899 = arith.minimumf %min3A_898, %max3A_897 : vector<16xf32>
        %mul3A_900 = arith.mulf %min3A_899, %min3A_899 : vector<16xf32>
        %mul3A_901 = arith.mulf %mul3A_900, %mul3A_900 : vector<16xf32>
        %mul3A_902 = arith.mulf %mul3A_901, %min3A_899 : vector<16xf32>
        %mul3A_903 = arith.constant 2.100000e+01 : f32
        %mul3A_904 = vector.broadcast %mul3A_903 : f32 to vector<16xf32>
        %mul3A_905 = arith.mulf %mul3A_904, %mul3A_902 : vector<16xf32>
        %sub3A_906 = arith.constant 1.000000e+00 : f32
        %sub3A_907 = vector.broadcast %sub3A_906 : f32 to vector<16xf32>
        %sub3A_908 = arith.subf %sub3A_907, %mul3A_905 : vector<16xf32>
        %mul3A_909 = arith.constant 3.500000e+01 : f32
        %mul3A_910 = vector.broadcast %mul3A_909 : f32 to vector<16xf32>
        %mul3A_911 = arith.mulf %mul3A_910, %mul3A_902 : vector<16xf32>
        %mul3A_912 = arith.mulf %mul3A_911, %min3A_899 : vector<16xf32>
        %add3A_913 = arith.addf %sub3A_908, %mul3A_912 : vector<16xf32>
        %mul3A_914 = arith.constant 1.500000e+01 : f32
        %mul3A_915 = vector.broadcast %mul3A_914 : f32 to vector<16xf32>
        %mul3A_916 = arith.mulf %mul3A_915, %mul3A_902 : vector<16xf32>
        %mul3A_917 = arith.mulf %mul3A_916, %mul3A_900 : vector<16xf32>
        %sub3A_918 = arith.subf %add3A_913, %mul3A_917 : vector<16xf32>
        %jit3A_919 = arith.constant 0.000000e+00 : f32
        %jit3A_920 = arith.constant 1.000000e+00 : f32
        %max3A_921 = vector.broadcast %jit3A_919 : f32 to vector<16xf32>
        %max3A_922 = arith.maximumf %max3A_921, %sub3A_918 : vector<16xf32>
        %min3A_923 = vector.broadcast %jit3A_920 : f32 to vector<16xf32>
        %min3A_924 = arith.minimumf %min3A_923, %max3A_922 : vector<16xf32>
        %add3A_925 = arith.constant 9.99999993E-9 : f32
        %add3A_926 = vector.broadcast %add3A_925 : f32 to vector<16xf32>
        %add3A_927 = arith.addf %mul3A_872, %add3A_926 : vector<16xf32>
        %div3A_928 = arith.divf %min3A_924, %add3A_927 : vector<16xf32>
        %mul3A_929 = arith.mulf %div3A_928, %add3A_881 : vector<16xf32>
        %mul3A_930 = arith.mulf %div3A_928, %add3A_890 : vector<16xf32>
        %broadcast_in_dim3A_931 = arith.constant 0 : i32
        %broadcast_in_dim3A_932 = vector.broadcast %broadcast_in_dim3A_931 : i32 to vector<16xi32>
        %mul3A_933 = arith.mulf %sub3A_801, %mul3A_929 : vector<16xf32>
        tpu.vector_store_idx %arg15[%add3A_796, %broadcast_in_dim3A_932], %mul3A_933 : memref<80x8xf32, #tpu.memory_space<vmem>>[vector<16xi32>, vector<16xi32>], vector<16xf32>,
        %add3A_934 = arith.constant 1 : i32
        %add3A_935 = vector.broadcast %add3A_934 : i32 to vector<16xi32>
        %add3A_936 = arith.addi %broadcast_in_dim3A_932, %add3A_935 : vector<16xi32>
        %mul3A_937 = arith.mulf %sub3A_810, %mul3A_929 : vector<16xf32>
        tpu.vector_store_idx %arg15[%add3A_796, %add3A_936], %mul3A_937 : memref<80x8xf32, #tpu.memory_space<vmem>>[vector<16xi32>, vector<16xi32>], vector<16xf32>,
        %add3A_938 = arith.constant 2 : i32
        %add3A_939 = vector.broadcast %add3A_938 : i32 to vector<16xi32>
        %add3A_940 = arith.addi %broadcast_in_dim3A_932, %add3A_939 : vector<16xi32>
        %mul3A_941 = arith.mulf %sub3A_819, %mul3A_929 : vector<16xf32>
        tpu.vector_store_idx %arg15[%add3A_796, %add3A_940], %mul3A_941 : memref<80x8xf32, #tpu.memory_space<vmem>>[vector<16xi32>, vector<16xi32>], vector<16xf32>,
        %add3A_942 = arith.constant 4 : i32
        %add3A_943 = vector.broadcast %add3A_942 : i32 to vector<16xi32>
        %add3A_944 = arith.addi %broadcast_in_dim3A_932, %add3A_943 : vector<16xi32>
        %mul3A_945 = arith.mulf %sub3A_801, %mul3A_930 : vector<16xf32>
        tpu.vector_store_idx %arg15[%add3A_796, %add3A_944], %mul3A_945 : memref<80x8xf32, #tpu.memory_space<vmem>>[vector<16xi32>, vector<16xi32>], vector<16xf32>,
        %add3A_946 = arith.constant 5 : i32
        %add3A_947 = vector.broadcast %add3A_946 : i32 to vector<16xi32>
        %add3A_948 = arith.addi %broadcast_in_dim3A_932, %add3A_947 : vector<16xi32>
        %mul3A_949 = arith.mulf %sub3A_810, %mul3A_930 : vector<16xf32>
        tpu.vector_store_idx %arg15[%add3A_796, %add3A_948], %mul3A_949 : memref<80x8xf32, #tpu.memory_space<vmem>>[vector<16xi32>, vector<16xi32>], vector<16xf32>,
        %add3A_950 = arith.constant 6 : i32
        %add3A_951 = vector.broadcast %add3A_950 : i32 to vector<16xi32>
        %add3A_952 = arith.addi %broadcast_in_dim3A_932, %add3A_951 : vector<16xi32>
        %mul3A_953 = arith.mulf %sub3A_819, %mul3A_930 : vector<16xf32>
        tpu.vector_store_idx %arg15[%add3A_796, %add3A_952], %mul3A_953 : memref<80x8xf32, #tpu.memory_space<vmem>>[vector<16xi32>, vector<16xi32>], vector<16xf32>,
        %dma_start3A_954 = arith.constant 0 : i32
        %dma_start3A_955 = tpu.memref_slice %arg10[%add3A_126, %dma_start3A_954] : memref<125x80xi32, #tpu.memory_space<vmem>> -> memref<1x80xi32, #tpu.memory_space<vmem>>
        %dma_start3A_956 = tpu.memref_squeeze %dma_start3A_955 : memref<1x80xi32, #tpu.memory_space<vmem>> -> memref<80xi32, #tpu.memory_space<vmem>>
        %dma_start3A_957 = arith.constant 0 : i32
        %dma_start3A_958 = arith.constant 0 : i32
        %dma_start3A_959 = tpu.memref_slice %arg18[%dma_start3A_957, %dma_start3A_958] : memref<10000x8xf32, #tpu.memory_space<vmem_shared>> -> memref<10000x8xf32, #tpu.memory_space<vmem_shared>>
        tpu.enqueue_indirect_dma source(%arg15 : memref<80x8xf32, #tpu.memory_space<vmem>>) target(%dma_start3A_959 : memref<10000x8xf32, #tpu.memory_space<vmem_shared>>) offsets(%dma_start3A_956 : memref<80xi32, #tpu.memory_space<vmem>>) semaphore(%arg23 : memref<!tpu.dma_semaphore, #tpu.memory_space<semaphore_mem>>) {add = true}
        %add3A_960 = arith.constant 2 : i32
        %add3A_961 = arith.addi %add3A_126, %add3A_960 : i32
        %lt3A_962 = arith.constant 125 : i32
        %lt3A_963 = arith.cmpi slt, %add3A_961, %lt3A_962 : i32
        %convert_element_type3A_964 = arith.extui %lt3A_963 : i1 to i32
        %cond3A_965 = arith.constant 0 : i32
        %cond3A_966 = arith.cmpi ne, %convert_element_type3A_964, %cond3A_965 : i32
        scf.if %cond3A_966 {
          %add3A_967 = arith.constant 2 : i32
          %add3A_968 = arith.addi %add3A_126, %add3A_967 : i32
          %dma_start3A_969 = arith.constant 0 : i32
          %dma_start3A_970 = tpu.memref_slice %arg9[%add3A_968, %dma_start3A_969] : memref<125x80xi32, #tpu.memory_space<vmem>> -> memref<1x80xi32, #tpu.memory_space<vmem>>
          %dma_start3A_971 = tpu.memref_squeeze %dma_start3A_970 : memref<1x80xi32, #tpu.memory_space<vmem>> -> memref<80xi32, #tpu.memory_space<vmem>>
          %dma_start3A_972 = arith.constant 0 : i32
          %dma_start3A_973 = arith.constant 0 : i32
          %dma_start3A_974 = tpu.memref_slice %arg2[%dma_start3A_972, %dma_start3A_973] : memref<10000x272xf32, #tpu.memory_space<hbm>> -> memref<10000x272xf32, #tpu.memory_space<hbm>>
          tpu.enqueue_indirect_dma source(%dma_start3A_974 : memref<10000x272xf32, #tpu.memory_space<hbm>>) target(%arg11 : memref<80x272xf32, #tpu.memory_space<vmem>>) offsets(%dma_start3A_971 : memref<80xi32, #tpu.memory_space<vmem>>) semaphore(%arg19 : memref<!tpu.dma_semaphore, #tpu.memory_space<semaphore_mem>>)
          %dma_start3A_975 = arith.constant 0 : i32
          %dma_start3A_976 = tpu.memref_slice %arg10[%add3A_968, %dma_start3A_975] : memref<125x80xi32, #tpu.memory_space<vmem>> -> memref<1x80xi32, #tpu.memory_space<vmem>>
          %dma_start3A_977 = tpu.memref_squeeze %dma_start3A_976 : memref<1x80xi32, #tpu.memory_space<vmem>> -> memref<80xi32, #tpu.memory_space<vmem>>
          %dma_start3A_978 = arith.constant 0 : i32
          %dma_start3A_979 = arith.constant 0 : i32
          %dma_start3A_980 = tpu.memref_slice %arg3[%dma_start3A_978, %dma_start3A_979] : memref<10000x272xf32, #tpu.memory_space<hbm>> -> memref<10000x272xf32, #tpu.memory_space<hbm>>
          tpu.enqueue_indirect_dma source(%dma_start3A_980 : memref<10000x272xf32, #tpu.memory_space<hbm>>) target(%arg13 : memref<80x272xf32, #tpu.memory_space<vmem>>) offsets(%dma_start3A_977 : memref<80xi32, #tpu.memory_space<vmem>>) semaphore(%arg21 : memref<!tpu.dma_semaphore, #tpu.memory_space<semaphore_mem>>)
        } else {
        }
      } else {
      }
      %mul3A_131 = arith.constant 2 : i32
      %mul3A_132 = arith.muli %scan3A_123, %mul3A_131 : i32
      %add3A_133 = arith.constant 1 : i32
      %add3A_134 = arith.addi %mul3A_132, %add3A_133 : i32
      %lt3A_135 = arith.constant 125 : i32
      %lt3A_136 = arith.cmpi slt, %add3A_134, %lt3A_135 : i32
      %convert_element_type3A_137 = arith.extui %lt3A_136 : i1 to i32
      %cond3A_138 = arith.constant 0 : i32
      %cond3A_139 = arith.cmpi ne, %convert_element_type3A_137, %cond3A_138 : i32
      scf.if %cond3A_139 {
        %dma_wait3A_140 = arith.constant 0 : i32
        %dma_wait3A_141 = tpu.memref_slice %arg9[%add3A_134, %dma_wait3A_140] : memref<125x80xi32, #tpu.memory_space<vmem>> -> memref<1x80xi32, #tpu.memory_space<vmem>>
        %dma_wait3A_142 = tpu.memref_squeeze %dma_wait3A_141 : memref<1x80xi32, #tpu.memory_space<vmem>> -> memref<80xi32, #tpu.memory_space<vmem>>
        %dma_wait3A_143 = arith.constant 0 : i32
        %dma_wait3A_144 = arith.constant 0 : i32
        %dma_wait3A_145 = tpu.memref_slice %arg2[%dma_wait3A_143, %dma_wait3A_144] : memref<10000x272xf32, #tpu.memory_space<hbm>> -> memref<10000x272xf32, #tpu.memory_space<hbm>>
        tpu.wait_indirect_dma semaphore(%arg20 : memref<!tpu.dma_semaphore, #tpu.memory_space<semaphore_mem>>) src(%dma_wait3A_145 : memref<10000x272xf32, #tpu.memory_space<hbm>>) dst(%arg12 : memref<80x272xf32, #tpu.memory_space<vmem>>)
        %dma_wait3A_146 = arith.constant 0 : i32
        %dma_wait3A_147 = tpu.memref_slice %arg10[%add3A_134, %dma_wait3A_146] : memref<125x80xi32, #tpu.memory_space<vmem>> -> memref<1x80xi32, #tpu.memory_space<vmem>>
        %dma_wait3A_148 = tpu.memref_squeeze %dma_wait3A_147 : memref<1x80xi32, #tpu.memory_space<vmem>> -> memref<80xi32, #tpu.memory_space<vmem>>
        %dma_wait3A_149 = arith.constant 0 : i32
        %dma_wait3A_150 = arith.constant 0 : i32
        %dma_wait3A_151 = tpu.memref_slice %arg3[%dma_wait3A_149, %dma_wait3A_150] : memref<10000x272xf32, #tpu.memory_space<hbm>> -> memref<10000x272xf32, #tpu.memory_space<hbm>>
        tpu.wait_indirect_dma semaphore(%arg22 : memref<!tpu.dma_semaphore, #tpu.memory_space<semaphore_mem>>) src(%dma_wait3A_151 : memref<10000x272xf32, #tpu.memory_space<hbm>>) dst(%arg14 : memref<80x272xf32, #tpu.memory_space<vmem>>)
        %ge3A = arith.constant 2 : i32
        %ge3A_152 = arith.cmpi sge, %add3A_134, %ge3A : i32
        %convert_element_type3A_153 = arith.extui %ge3A_152 : i1 to i32
        %cond3A_154 = arith.constant 0 : i32
        %cond3A_155 = arith.cmpi ne, %convert_element_type3A_153, %cond3A_154 : i32
        scf.if %cond3A_155 {
          %sub3A_967 = arith.constant 2 : i32
          %sub3A_968 = arith.subi %add3A_134, %sub3A_967 : i32
          %dma_wait3A_969 = arith.constant 0 : i32
          %dma_wait3A_970 = tpu.memref_slice %arg10[%sub3A_968, %dma_wait3A_969] : memref<125x80xi32, #tpu.memory_space<vmem>> -> memref<1x80xi32, #tpu.memory_space<vmem>>
          %dma_wait3A_971 = tpu.memref_squeeze %dma_wait3A_970 : memref<1x80xi32, #tpu.memory_space<vmem>> -> memref<80xi32, #tpu.memory_space<vmem>>
          %dma_wait3A_972 = arith.constant 0 : i32
          %dma_wait3A_973 = arith.constant 0 : i32
          %dma_wait3A_974 = tpu.memref_slice %arg18[%dma_wait3A_972, %dma_wait3A_973] : memref<10000x8xf32, #tpu.memory_space<vmem_shared>> -> memref<10000x8xf32, #tpu.memory_space<vmem_shared>>
          tpu.wait_indirect_dma semaphore(%arg24 : memref<!tpu.dma_semaphore, #tpu.memory_space<semaphore_mem>>) src(%arg16 : memref<80x8xf32, #tpu.memory_space<vmem>>) dst(%dma_wait3A_974 : memref<10000x8xf32, #tpu.memory_space<vmem_shared>>)
        } else {
        }
        %broadcast_in_dim3A_156 = arith.constant 512 : i32
        %broadcast_in_dim3A_157 = vector.broadcast %broadcast_in_dim3A_156 : i32 to vector<16xi32>
        %gather3A = tpu.vector_load_idx %arg17[%broadcast_in_dim3A_157, %iota3A] : memref<520x16xf32, #tpu.memory_space<vmem>>[vector<16xi32>, vector<16xi32>], vector<16xf32>,
        %broadcast_in_dim3A_158 = arith.constant 513 : i32
        %broadcast_in_dim3A_159 = vector.broadcast %broadcast_in_dim3A_158 : i32 to vector<16xi32>
        %gather3A_160 = tpu.vector_load_idx %arg17[%broadcast_in_dim3A_159, %iota3A] : memref<520x16xf32, #tpu.memory_space<vmem>>[vector<16xi32>, vector<16xi32>], vector<16xf32>,
        %add3A_161 = arith.constant 0 : i32
        %add3A_162 = vector.broadcast %add3A_161 : i32 to vector<16xi32>
        %add3A_163 = arith.addi %add3A_162, %iota3A : vector<16xi32>
        %broadcast_in_dim3A_164 = arith.constant 256 : i32
        %broadcast_in_dim3A_165 = vector.broadcast %broadcast_in_dim3A_164 : i32 to vector<16xi32>
        %gather3A_166 = tpu.vector_load_idx %arg12[%add3A_163, %broadcast_in_dim3A_165] : memref<80x272xf32, #tpu.memory_space<vmem>>[vector<16xi32>, vector<16xi32>], vector<16xf32>,
        %gather3A_167 = tpu.vector_load_idx %arg14[%add3A_163, %broadcast_in_dim3A_165] : memref<80x272xf32, #tpu.memory_space<vmem>>[vector<16xi32>, vector<16xi32>], vector<16xf32>,
        %sub3A = arith.subf %gather3A_166, %gather3A_167 : vector<16xf32>
        %add3A_168 = arith.constant 1 : i32
        %add3A_169 = vector.broadcast %add3A_168 : i32 to vector<16xi32>
        %add3A_170 = arith.addi %broadcast_in_dim3A_165, %add3A_169 : vector<16xi32>
        %gather3A_171 = tpu.vector_load_idx %arg12[%add3A_163, %add3A_170] : memref<80x272xf32, #tpu.memory_space<vmem>>[vector<16xi32>, vector<16xi32>], vector<16xf32>,
        %add3A_172 = arith.constant 1 : i32
        %add3A_173 = vector.broadcast %add3A_172 : i32 to vector<16xi32>
        %add3A_174 = arith.addi %broadcast_in_dim3A_165, %add3A_173 : vector<16xi32>
        %gather3A_175 = tpu.vector_load_idx %arg14[%add3A_163, %add3A_174] : memref<80x272xf32, #tpu.memory_space<vmem>>[vector<16xi32>, vector<16xi32>], vector<16xf32>,
        %sub3A_176 = arith.subf %gather3A_171, %gather3A_175 : vector<16xf32>
        %add3A_177 = arith.constant 2 : i32
        %add3A_178 = vector.broadcast %add3A_177 : i32 to vector<16xi32>
        %add3A_179 = arith.addi %broadcast_in_dim3A_165, %add3A_178 : vector<16xi32>
        %gather3A_180 = tpu.vector_load_idx %arg12[%add3A_163, %add3A_179] : memref<80x272xf32, #tpu.memory_space<vmem>>[vector<16xi32>, vector<16xi32>], vector<16xf32>,
        %add3A_181 = arith.constant 2 : i32
        %add3A_182 = vector.broadcast %add3A_181 : i32 to vector<16xi32>
        %add3A_183 = arith.addi %broadcast_in_dim3A_165, %add3A_182 : vector<16xi32>
        %gather3A_184 = tpu.vector_load_idx %arg14[%add3A_163, %add3A_183] : memref<80x272xf32, #tpu.memory_space<vmem>>[vector<16xi32>, vector<16xi32>], vector<16xf32>,
        %sub3A_185 = arith.subf %gather3A_180, %gather3A_184 : vector<16xf32>
        %mul3A_186 = arith.mulf %sub3A, %sub3A : vector<16xf32>
        %mul3A_187 = arith.mulf %sub3A_176, %sub3A_176 : vector<16xf32>
        %add3A_188 = arith.addf %mul3A_186, %mul3A_187 : vector<16xf32>
        %mul3A_189 = arith.mulf %sub3A_185, %sub3A_185 : vector<16xf32>
        %add3A_190 = arith.addf %add3A_188, %mul3A_189 : vector<16xf32>
        %max3A = arith.constant 1.000000e-30 : f32
        %max3A_191 = vector.broadcast %max3A : f32 to vector<16xf32>
        %max3A_192 = arith.maximumf %add3A_190, %max3A_191 : vector<16xf32>
        %bitcast3A = vector.bitcast %max3A_192 : vector<16xf32> to vector<16xi32>
        %shift_right_arithmetic3A = arith.constant 1 : i32
        %shift_right_arithmetic3A_193 = vector.broadcast %shift_right_arithmetic3A : i32 to vector<16xi32>
        %shift_right_arithmetic3A_194 = arith.shrsi %bitcast3A, %shift_right_arithmetic3A_193 : vector<16xi32>
        %sub3A_195 = arith.constant 1597463007 : i32
        %sub3A_196 = vector.broadcast %sub3A_195 : i32 to vector<16xi32>
        %sub3A_197 = arith.subi %sub3A_196, %shift_right_arithmetic3A_194 : vector<16xi32>
        %bitcast3A_198 = vector.bitcast %sub3A_197 : vector<16xi32> to vector<16xf32>
        %mul3A_199 = arith.constant 5.000000e-01 : f32
        %mul3A_200 = vector.broadcast %mul3A_199 : f32 to vector<16xf32>
        %mul3A_201 = arith.mulf %mul3A_200, %max3A_192 : vector<16xf32>
        %mul3A_202 = arith.mulf %mul3A_201, %bitcast3A_198 : vector<16xf32>
        %mul3A_203 = arith.mulf %mul3A_202, %bitcast3A_198 : vector<16xf32>
        %sub3A_204 = arith.constant 1.500000e+00 : f32
        %sub3A_205 = vector.broadcast %sub3A_204 : f32 to vector<16xf32>
        %sub3A_206 = arith.subf %sub3A_205, %mul3A_203 : vector<16xf32>
        %mul3A_207 = arith.mulf %bitcast3A_198, %sub3A_206 : vector<16xf32>
        %mul3A_208 = arith.constant 5.000000e-01 : f32
        %mul3A_209 = vector.broadcast %mul3A_208 : f32 to vector<16xf32>
        %mul3A_210 = arith.mulf %mul3A_209, %max3A_192 : vector<16xf32>
        %mul3A_211 = arith.mulf %mul3A_210, %mul3A_207 : vector<16xf32>
        %mul3A_212 = arith.mulf %mul3A_211, %mul3A_207 : vector<16xf32>
        %sub3A_213 = arith.constant 1.500000e+00 : f32
        %sub3A_214 = vector.broadcast %sub3A_213 : f32 to vector<16xf32>
        %sub3A_215 = arith.subf %sub3A_214, %mul3A_212 : vector<16xf32>
        %mul3A_216 = arith.mulf %mul3A_207, %sub3A_215 : vector<16xf32>
        %mul3A_217 = arith.constant 5.000000e-01 : f32
        %mul3A_218 = vector.broadcast %mul3A_217 : f32 to vector<16xf32>
        %mul3A_219 = arith.mulf %mul3A_218, %max3A_192 : vector<16xf32>
        %mul3A_220 = arith.mulf %mul3A_219, %mul3A_216 : vector<16xf32>
        %mul3A_221 = arith.mulf %mul3A_220, %mul3A_216 : vector<16xf32>
        %sub3A_222 = arith.constant 1.500000e+00 : f32
        %sub3A_223 = vector.broadcast %sub3A_222 : f32 to vector<16xf32>
        %sub3A_224 = arith.subf %sub3A_223, %mul3A_221 : vector<16xf32>
        %mul3A_225 = arith.mulf %mul3A_216, %sub3A_224 : vector<16xf32>
        %mul3A_226 = arith.constant 5.000000e-01 : f32
        %mul3A_227 = vector.broadcast %mul3A_226 : f32 to vector<16xf32>
        %mul3A_228 = arith.mulf %mul3A_227, %max3A_192 : vector<16xf32>
        %mul3A_229 = arith.mulf %mul3A_228, %mul3A_225 : vector<16xf32>
        %mul3A_230 = arith.mulf %mul3A_229, %mul3A_225 : vector<16xf32>
        %sub3A_231 = arith.constant 1.500000e+00 : f32
        %sub3A_232 = vector.broadcast %sub3A_231 : f32 to vector<16xf32>
        %sub3A_233 = arith.subf %sub3A_232, %mul3A_230 : vector<16xf32>
        %mul3A_234 = arith.mulf %mul3A_225, %sub3A_233 : vector<16xf32>
        %mul3A_235 = arith.mulf %add3A_190, %mul3A_234 : vector<16xf32>
        %broadcast_in_dim3A_236 = arith.constant 0.000000e+00 : f32
        %broadcast_in_dim3A_237 = vector.broadcast %broadcast_in_dim3A_236 : f32 to vector<16xf32>
        %scan3A_238 = arith.constant 0 : i32
        %scan3A_239 = arith.constant 128 : i32
        %scan3A_240 = arith.addi %scan3A_238, %scan3A_239 : i32
        %scan3A_241 = arith.constant 1 : i32
        %scan3A_242 = scf.for %scan3A_967 = %scan3A_238 to %scan3A_240 step %scan3A_241 iter_args(%scan3A_968 = %broadcast_in_dim3A_237) -> (vector<16xf32>)  : i32 {
          %broadcast_in_dim3A_969 = vector.broadcast %scan3A_967 : i32 to vector<16xi32>
          %gather3A_970 = tpu.vector_load_idx %arg12[%add3A_163, %broadcast_in_dim3A_969] : memref<80x272xf32, #tpu.memory_space<vmem>>[vector<16xi32>, vector<16xi32>], vector<16xf32>,
          %gather3A_971 = tpu.vector_load_idx %arg14[%add3A_163, %broadcast_in_dim3A_969] : memref<80x272xf32, #tpu.memory_space<vmem>>[vector<16xi32>, vector<16xi32>], vector<16xf32>,
          %gather3A_972 = tpu.vector_load_idx %arg17[%broadcast_in_dim3A_969, %iota3A] : memref<520x16xf32, #tpu.memory_space<vmem>>[vector<16xi32>, vector<16xi32>], vector<16xf32>,
          %add3A_973 = arith.constant 256 : i32
          %add3A_974 = vector.broadcast %add3A_973 : i32 to vector<16xi32>
          %add3A_975 = arith.addi %broadcast_in_dim3A_969, %add3A_974 : vector<16xi32>
          %gather3A_976 = tpu.vector_load_idx %arg17[%add3A_975, %iota3A] : memref<520x16xf32, #tpu.memory_space<vmem>>[vector<16xi32>, vector<16xi32>], vector<16xf32>,
          %add3A_977 = arith.addf %gather3A_970, %gather3A_971 : vector<16xf32>
          %mul3A_978 = arith.mulf %mul3A_235, %gather3A_972 : vector<16xf32>
          %add3A_979 = arith.addf %add3A_977, %mul3A_978 : vector<16xf32>
          %neg3A = arith.constant 0.000000e+00 : f32
          %neg3A_980 = vector.broadcast %neg3A : f32 to vector<16xf32>
          %neg3A_981 = arith.subf %neg3A_980, %add3A_979 : vector<16xf32>
          %exp3A = math.exp %neg3A_981 : vector<16xf32>
          %add3A_982 = arith.constant 1.000000e+00 : f32
          %add3A_983 = vector.broadcast %add3A_982 : f32 to vector<16xf32>
          %add3A_984 = arith.addf %add3A_983, %exp3A : vector<16xf32>
          %div3A_985 = arith.divf %add3A_979, %add3A_984 : vector<16xf32>
          %mul3A_986 = arith.mulf %div3A_985, %gather3A_976 : vector<16xf32>
          %add3A_987 = arith.addf %scan3A_968, %mul3A_986 : vector<16xf32>
          scf.yield %add3A_987 : vector<16xf32>
        }
        %scan3A_243 = arith.constant 128 : i32
        %add3A_244 = arith.addf %scan3A_242, %gather3A : vector<16xf32>
        %broadcast_in_dim3A_245 = arith.constant 0.000000e+00 : f32
        %broadcast_in_dim3A_246 = vector.broadcast %broadcast_in_dim3A_245 : f32 to vector<16xf32>
        %scan3A_247 = arith.constant 128 : i32
        %scan3A_248 = arith.constant 128 : i32
        %scan3A_249 = arith.addi %scan3A_247, %scan3A_248 : i32
        %scan3A_250 = arith.constant 1 : i32
        %scan3A_251 = scf.for %scan3A_967 = %scan3A_247 to %scan3A_249 step %scan3A_250 iter_args(%scan3A_968 = %broadcast_in_dim3A_246) -> (vector<16xf32>)  : i32 {
          %broadcast_in_dim3A_969 = vector.broadcast %scan3A_967 : i32 to vector<16xi32>
          %gather3A_970 = tpu.vector_load_idx %arg12[%add3A_163, %broadcast_in_dim3A_969] : memref<80x272xf32, #tpu.memory_space<vmem>>[vector<16xi32>, vector<16xi32>], vector<16xf32>,
          %gather3A_971 = tpu.vector_load_idx %arg14[%add3A_163, %broadcast_in_dim3A_969] : memref<80x272xf32, #tpu.memory_space<vmem>>[vector<16xi32>, vector<16xi32>], vector<16xf32>,
          %gather3A_972 = tpu.vector_load_idx %arg17[%broadcast_in_dim3A_969, %iota3A] : memref<520x16xf32, #tpu.memory_space<vmem>>[vector<16xi32>, vector<16xi32>], vector<16xf32>,
          %add3A_973 = arith.constant 256 : i32
          %add3A_974 = vector.broadcast %add3A_973 : i32 to vector<16xi32>
          %add3A_975 = arith.addi %broadcast_in_dim3A_969, %add3A_974 : vector<16xi32>
          %gather3A_976 = tpu.vector_load_idx %arg17[%add3A_975, %iota3A] : memref<520x16xf32, #tpu.memory_space<vmem>>[vector<16xi32>, vector<16xi32>], vector<16xf32>,
          %add3A_977 = arith.addf %gather3A_970, %gather3A_971 : vector<16xf32>
          %mul3A_978 = arith.mulf %mul3A_235, %gather3A_972 : vector<16xf32>
          %add3A_979 = arith.addf %add3A_977, %mul3A_978 : vector<16xf32>
          %neg3A = arith.constant 0.000000e+00 : f32
          %neg3A_980 = vector.broadcast %neg3A : f32 to vector<16xf32>
          %neg3A_981 = arith.subf %neg3A_980, %add3A_979 : vector<16xf32>
          %exp3A = math.exp %neg3A_981 : vector<16xf32>
          %add3A_982 = arith.constant 1.000000e+00 : f32
          %add3A_983 = vector.broadcast %add3A_982 : f32 to vector<16xf32>
          %add3A_984 = arith.addf %add3A_983, %exp3A : vector<16xf32>
          %div3A_985 = arith.divf %add3A_979, %add3A_984 : vector<16xf32>
          %mul3A_986 = arith.mulf %div3A_985, %gather3A_976 : vector<16xf32>
          %add3A_987 = arith.addf %scan3A_968, %mul3A_986 : vector<16xf32>
          scf.yield %add3A_987 : vector<16xf32>
        }
        %scan3A_252 = arith.constant 128 : i32
        %add3A_253 = arith.addf %scan3A_251, %gather3A_160 : vector<16xf32>
        %mul3A_254 = arith.constant 0.222222224 : f32
        %mul3A_255 = vector.broadcast %mul3A_254 : f32 to vector<16xf32>
        %mul3A_256 = arith.mulf %mul3A_235, %mul3A_255 : vector<16xf32>
        %jit3A = arith.constant 0.000000e+00 : f32
        %jit3A_257 = arith.constant 1.000000e+00 : f32
        %max3A_258 = vector.broadcast %jit3A : f32 to vector<16xf32>
        %max3A_259 = arith.maximumf %max3A_258, %mul3A_256 : vector<16xf32>
        %min3A = vector.broadcast %jit3A_257 : f32 to vector<16xf32>
        %min3A_260 = arith.minimumf %min3A, %max3A_259 : vector<16xf32>
        %mul3A_261 = arith.mulf %min3A_260, %min3A_260 : vector<16xf32>
        %mul3A_262 = arith.mulf %mul3A_261, %mul3A_261 : vector<16xf32>
        %mul3A_263 = arith.mulf %mul3A_262, %min3A_260 : vector<16xf32>
        %mul3A_264 = arith.constant 2.100000e+01 : f32
        %mul3A_265 = vector.broadcast %mul3A_264 : f32 to vector<16xf32>
        %mul3A_266 = arith.mulf %mul3A_265, %mul3A_263 : vector<16xf32>
        %sub3A_267 = arith.constant 1.000000e+00 : f32
        %sub3A_268 = vector.broadcast %sub3A_267 : f32 to vector<16xf32>
        %sub3A_269 = arith.subf %sub3A_268, %mul3A_266 : vector<16xf32>
        %mul3A_270 = arith.constant 3.500000e+01 : f32
        %mul3A_271 = vector.broadcast %mul3A_270 : f32 to vector<16xf32>
        %mul3A_272 = arith.mulf %mul3A_271, %mul3A_263 : vector<16xf32>
        %mul3A_273 = arith.mulf %mul3A_272, %min3A_260 : vector<16xf32>
        %add3A_274 = arith.addf %sub3A_269, %mul3A_273 : vector<16xf32>
        %mul3A_275 = arith.constant 1.500000e+01 : f32
        %mul3A_276 = vector.broadcast %mul3A_275 : f32 to vector<16xf32>
        %mul3A_277 = arith.mulf %mul3A_276, %mul3A_263 : vector<16xf32>
        %mul3A_278 = arith.mulf %mul3A_277, %mul3A_261 : vector<16xf32>
        %sub3A_279 = arith.subf %add3A_274, %mul3A_278 : vector<16xf32>
        %jit3A_280 = arith.constant 0.000000e+00 : f32
        %jit3A_281 = arith.constant 1.000000e+00 : f32
        %max3A_282 = vector.broadcast %jit3A_280 : f32 to vector<16xf32>
        %max3A_283 = arith.maximumf %max3A_282, %sub3A_279 : vector<16xf32>
        %min3A_284 = vector.broadcast %jit3A_281 : f32 to vector<16xf32>
        %min3A_285 = arith.minimumf %min3A_284, %max3A_283 : vector<16xf32>
        %add3A_286 = arith.constant 9.99999993E-9 : f32
        %add3A_287 = vector.broadcast %add3A_286 : f32 to vector<16xf32>
        %add3A_288 = arith.addf %mul3A_235, %add3A_287 : vector<16xf32>
        %div3A = arith.divf %min3A_285, %add3A_288 : vector<16xf32>
        %mul3A_289 = arith.mulf %div3A, %add3A_244 : vector<16xf32>
        %mul3A_290 = arith.mulf %div3A, %add3A_253 : vector<16xf32>
        %broadcast_in_dim3A_291 = arith.constant 0 : i32
        %broadcast_in_dim3A_292 = vector.broadcast %broadcast_in_dim3A_291 : i32 to vector<16xi32>
        %mul3A_293 = arith.mulf %sub3A, %mul3A_289 : vector<16xf32>
        tpu.vector_store_idx %arg16[%add3A_163, %broadcast_in_dim3A_292], %mul3A_293 : memref<80x8xf32, #tpu.memory_space<vmem>>[vector<16xi32>, vector<16xi32>], vector<16xf32>,
        %add3A_294 = arith.constant 1 : i32
        %add3A_295 = vector.broadcast %add3A_294 : i32 to vector<16xi32>
        %add3A_296 = arith.addi %broadcast_in_dim3A_292, %add3A_295 : vector<16xi32>
        %mul3A_297 = arith.mulf %sub3A_176, %mul3A_289 : vector<16xf32>
        tpu.vector_store_idx %arg16[%add3A_163, %add3A_296], %mul3A_297 : memref<80x8xf32, #tpu.memory_space<vmem>>[vector<16xi32>, vector<16xi32>], vector<16xf32>,
        %add3A_298 = arith.constant 2 : i32
        %add3A_299 = vector.broadcast %add3A_298 : i32 to vector<16xi32>
        %add3A_300 = arith.addi %broadcast_in_dim3A_292, %add3A_299 : vector<16xi32>
        %mul3A_301 = arith.mulf %sub3A_185, %mul3A_289 : vector<16xf32>
        tpu.vector_store_idx %arg16[%add3A_163, %add3A_300], %mul3A_301 : memref<80x8xf32, #tpu.memory_space<vmem>>[vector<16xi32>, vector<16xi32>], vector<16xf32>,
        %add3A_302 = arith.constant 4 : i32
        %add3A_303 = vector.broadcast %add3A_302 : i32 to vector<16xi32>
        %add3A_304 = arith.addi %broadcast_in_dim3A_292, %add3A_303 : vector<16xi32>
        %mul3A_305 = arith.mulf %sub3A, %mul3A_290 : vector<16xf32>
        tpu.vector_store_idx %arg16[%add3A_163, %add3A_304], %mul3A_305 : memref<80x8xf32, #tpu.memory_space<vmem>>[vector<16xi32>, vector<16xi32>], vector<16xf32>,
        %add3A_306 = arith.constant 5 : i32
        %add3A_307 = vector.broadcast %add3A_306 : i32 to vector<16xi32>
        %add3A_308 = arith.addi %broadcast_in_dim3A_292, %add3A_307 : vector<16xi32>
        %mul3A_309 = arith.mulf %sub3A_176, %mul3A_290 : vector<16xf32>
        tpu.vector_store_idx %arg16[%add3A_163, %add3A_308], %mul3A_309 : memref<80x8xf32, #tpu.memory_space<vmem>>[vector<16xi32>, vector<16xi32>], vector<16xf32>,
        %add3A_310 = arith.constant 6 : i32
        %add3A_311 = vector.broadcast %add3A_310 : i32 to vector<16xi32>
        %add3A_312 = arith.addi %broadcast_in_dim3A_292, %add3A_311 : vector<16xi32>
        %mul3A_313 = arith.mulf %sub3A_185, %mul3A_290 : vector<16xf32>
        tpu.vector_store_idx %arg16[%add3A_163, %add3A_312], %mul3A_313 : memref<80x8xf32, #tpu.memory_space<vmem>>[vector<16xi32>, vector<16xi32>], vector<16xf32>,
        %add3A_314 = arith.constant 16 : i32
        %add3A_315 = vector.broadcast %add3A_314 : i32 to vector<16xi32>
        %add3A_316 = arith.addi %add3A_315, %iota3A : vector<16xi32>
        %broadcast_in_dim3A_317 = arith.constant 256 : i32
        %broadcast_in_dim3A_318 = vector.broadcast %broadcast_in_dim3A_317 : i32 to vector<16xi32>
        %gather3A_319 = tpu.vector_load_idx %arg12[%add3A_316, %broadcast_in_dim3A_318] : memref<80x272xf32, #tpu.memory_space<vmem>>[vector<16xi32>, vector<16xi32>], vector<16xf32>,
        %gather3A_320 = tpu.vector_load_idx %arg14[%add3A_316, %broadcast_in_dim3A_318] : memref<80x272xf32, #tpu.memory_space<vmem>>[vector<16xi32>, vector<16xi32>], vector<16xf32>,
        %sub3A_321 = arith.subf %gather3A_319, %gather3A_320 : vector<16xf32>
        %add3A_322 = arith.constant 1 : i32
        %add3A_323 = vector.broadcast %add3A_322 : i32 to vector<16xi32>
        %add3A_324 = arith.addi %broadcast_in_dim3A_318, %add3A_323 : vector<16xi32>
        %gather3A_325 = tpu.vector_load_idx %arg12[%add3A_316, %add3A_324] : memref<80x272xf32, #tpu.memory_space<vmem>>[vector<16xi32>, vector<16xi32>], vector<16xf32>,
        %add3A_326 = arith.constant 1 : i32
        %add3A_327 = vector.broadcast %add3A_326 : i32 to vector<16xi32>
        %add3A_328 = arith.addi %broadcast_in_dim3A_318, %add3A_327 : vector<16xi32>
        %gather3A_329 = tpu.vector_load_idx %arg14[%add3A_316, %add3A_328] : memref<80x272xf32, #tpu.memory_space<vmem>>[vector<16xi32>, vector<16xi32>], vector<16xf32>,
        %sub3A_330 = arith.subf %gather3A_325, %gather3A_329 : vector<16xf32>
        %add3A_331 = arith.constant 2 : i32
        %add3A_332 = vector.broadcast %add3A_331 : i32 to vector<16xi32>
        %add3A_333 = arith.addi %broadcast_in_dim3A_318, %add3A_332 : vector<16xi32>
        %gather3A_334 = tpu.vector_load_idx %arg12[%add3A_316, %add3A_333] : memref<80x272xf32, #tpu.memory_space<vmem>>[vector<16xi32>, vector<16xi32>], vector<16xf32>,
        %add3A_335 = arith.constant 2 : i32
        %add3A_336 = vector.broadcast %add3A_335 : i32 to vector<16xi32>
        %add3A_337 = arith.addi %broadcast_in_dim3A_318, %add3A_336 : vector<16xi32>
        %gather3A_338 = tpu.vector_load_idx %arg14[%add3A_316, %add3A_337] : memref<80x272xf32, #tpu.memory_space<vmem>>[vector<16xi32>, vector<16xi32>], vector<16xf32>,
        %sub3A_339 = arith.subf %gather3A_334, %gather3A_338 : vector<16xf32>
        %mul3A_340 = arith.mulf %sub3A_321, %sub3A_321 : vector<16xf32>
        %mul3A_341 = arith.mulf %sub3A_330, %sub3A_330 : vector<16xf32>
        %add3A_342 = arith.addf %mul3A_340, %mul3A_341 : vector<16xf32>
        %mul3A_343 = arith.mulf %sub3A_339, %sub3A_339 : vector<16xf32>
        %add3A_344 = arith.addf %add3A_342, %mul3A_343 : vector<16xf32>
        %max3A_345 = arith.constant 1.000000e-30 : f32
        %max3A_346 = vector.broadcast %max3A_345 : f32 to vector<16xf32>
        %max3A_347 = arith.maximumf %add3A_344, %max3A_346 : vector<16xf32>
        %bitcast3A_348 = vector.bitcast %max3A_347 : vector<16xf32> to vector<16xi32>
        %shift_right_arithmetic3A_349 = arith.constant 1 : i32
        %shift_right_arithmetic3A_350 = vector.broadcast %shift_right_arithmetic3A_349 : i32 to vector<16xi32>
        %shift_right_arithmetic3A_351 = arith.shrsi %bitcast3A_348, %shift_right_arithmetic3A_350 : vector<16xi32>
        %sub3A_352 = arith.constant 1597463007 : i32
        %sub3A_353 = vector.broadcast %sub3A_352 : i32 to vector<16xi32>
        %sub3A_354 = arith.subi %sub3A_353, %shift_right_arithmetic3A_351 : vector<16xi32>
        %bitcast3A_355 = vector.bitcast %sub3A_354 : vector<16xi32> to vector<16xf32>
        %mul3A_356 = arith.constant 5.000000e-01 : f32
        %mul3A_357 = vector.broadcast %mul3A_356 : f32 to vector<16xf32>
        %mul3A_358 = arith.mulf %mul3A_357, %max3A_347 : vector<16xf32>
        %mul3A_359 = arith.mulf %mul3A_358, %bitcast3A_355 : vector<16xf32>
        %mul3A_360 = arith.mulf %mul3A_359, %bitcast3A_355 : vector<16xf32>
        %sub3A_361 = arith.constant 1.500000e+00 : f32
        %sub3A_362 = vector.broadcast %sub3A_361 : f32 to vector<16xf32>
        %sub3A_363 = arith.subf %sub3A_362, %mul3A_360 : vector<16xf32>
        %mul3A_364 = arith.mulf %bitcast3A_355, %sub3A_363 : vector<16xf32>
        %mul3A_365 = arith.constant 5.000000e-01 : f32
        %mul3A_366 = vector.broadcast %mul3A_365 : f32 to vector<16xf32>
        %mul3A_367 = arith.mulf %mul3A_366, %max3A_347 : vector<16xf32>
        %mul3A_368 = arith.mulf %mul3A_367, %mul3A_364 : vector<16xf32>
        %mul3A_369 = arith.mulf %mul3A_368, %mul3A_364 : vector<16xf32>
        %sub3A_370 = arith.constant 1.500000e+00 : f32
        %sub3A_371 = vector.broadcast %sub3A_370 : f32 to vector<16xf32>
        %sub3A_372 = arith.subf %sub3A_371, %mul3A_369 : vector<16xf32>
        %mul3A_373 = arith.mulf %mul3A_364, %sub3A_372 : vector<16xf32>
        %mul3A_374 = arith.constant 5.000000e-01 : f32
        %mul3A_375 = vector.broadcast %mul3A_374 : f32 to vector<16xf32>
        %mul3A_376 = arith.mulf %mul3A_375, %max3A_347 : vector<16xf32>
        %mul3A_377 = arith.mulf %mul3A_376, %mul3A_373 : vector<16xf32>
        %mul3A_378 = arith.mulf %mul3A_377, %mul3A_373 : vector<16xf32>
        %sub3A_379 = arith.constant 1.500000e+00 : f32
        %sub3A_380 = vector.broadcast %sub3A_379 : f32 to vector<16xf32>
        %sub3A_381 = arith.subf %sub3A_380, %mul3A_378 : vector<16xf32>
        %mul3A_382 = arith.mulf %mul3A_373, %sub3A_381 : vector<16xf32>
        %mul3A_383 = arith.constant 5.000000e-01 : f32
        %mul3A_384 = vector.broadcast %mul3A_383 : f32 to vector<16xf32>
        %mul3A_385 = arith.mulf %mul3A_384, %max3A_347 : vector<16xf32>
        %mul3A_386 = arith.mulf %mul3A_385, %mul3A_382 : vector<16xf32>
        %mul3A_387 = arith.mulf %mul3A_386, %mul3A_382 : vector<16xf32>
        %sub3A_388 = arith.constant 1.500000e+00 : f32
        %sub3A_389 = vector.broadcast %sub3A_388 : f32 to vector<16xf32>
        %sub3A_390 = arith.subf %sub3A_389, %mul3A_387 : vector<16xf32>
        %mul3A_391 = arith.mulf %mul3A_382, %sub3A_390 : vector<16xf32>
        %mul3A_392 = arith.mulf %add3A_344, %mul3A_391 : vector<16xf32>
        %broadcast_in_dim3A_393 = arith.constant 0.000000e+00 : f32
        %broadcast_in_dim3A_394 = vector.broadcast %broadcast_in_dim3A_393 : f32 to vector<16xf32>
        %scan3A_395 = arith.constant 0 : i32
        %scan3A_396 = arith.constant 128 : i32
        %scan3A_397 = arith.addi %scan3A_395, %scan3A_396 : i32
        %scan3A_398 = arith.constant 1 : i32
        %scan3A_399 = scf.for %scan3A_967 = %scan3A_395 to %scan3A_397 step %scan3A_398 iter_args(%scan3A_968 = %broadcast_in_dim3A_394) -> (vector<16xf32>)  : i32 {
          %broadcast_in_dim3A_969 = vector.broadcast %scan3A_967 : i32 to vector<16xi32>
          %gather3A_970 = tpu.vector_load_idx %arg12[%add3A_316, %broadcast_in_dim3A_969] : memref<80x272xf32, #tpu.memory_space<vmem>>[vector<16xi32>, vector<16xi32>], vector<16xf32>,
          %gather3A_971 = tpu.vector_load_idx %arg14[%add3A_316, %broadcast_in_dim3A_969] : memref<80x272xf32, #tpu.memory_space<vmem>>[vector<16xi32>, vector<16xi32>], vector<16xf32>,
          %gather3A_972 = tpu.vector_load_idx %arg17[%broadcast_in_dim3A_969, %iota3A] : memref<520x16xf32, #tpu.memory_space<vmem>>[vector<16xi32>, vector<16xi32>], vector<16xf32>,
          %add3A_973 = arith.constant 256 : i32
          %add3A_974 = vector.broadcast %add3A_973 : i32 to vector<16xi32>
          %add3A_975 = arith.addi %broadcast_in_dim3A_969, %add3A_974 : vector<16xi32>
          %gather3A_976 = tpu.vector_load_idx %arg17[%add3A_975, %iota3A] : memref<520x16xf32, #tpu.memory_space<vmem>>[vector<16xi32>, vector<16xi32>], vector<16xf32>,
          %add3A_977 = arith.addf %gather3A_970, %gather3A_971 : vector<16xf32>
          %mul3A_978 = arith.mulf %mul3A_392, %gather3A_972 : vector<16xf32>
          %add3A_979 = arith.addf %add3A_977, %mul3A_978 : vector<16xf32>
          %neg3A = arith.constant 0.000000e+00 : f32
          %neg3A_980 = vector.broadcast %neg3A : f32 to vector<16xf32>
          %neg3A_981 = arith.subf %neg3A_980, %add3A_979 : vector<16xf32>
          %exp3A = math.exp %neg3A_981 : vector<16xf32>
          %add3A_982 = arith.constant 1.000000e+00 : f32
          %add3A_983 = vector.broadcast %add3A_982 : f32 to vector<16xf32>
          %add3A_984 = arith.addf %add3A_983, %exp3A : vector<16xf32>
          %div3A_985 = arith.divf %add3A_979, %add3A_984 : vector<16xf32>
          %mul3A_986 = arith.mulf %div3A_985, %gather3A_976 : vector<16xf32>
          %add3A_987 = arith.addf %scan3A_968, %mul3A_986 : vector<16xf32>
          scf.yield %add3A_987 : vector<16xf32>
        }
        %scan3A_400 = arith.constant 128 : i32
        %add3A_401 = arith.addf %scan3A_399, %gather3A : vector<16xf32>
        %broadcast_in_dim3A_402 = arith.constant 0.000000e+00 : f32
        %broadcast_in_dim3A_403 = vector.broadcast %broadcast_in_dim3A_402 : f32 to vector<16xf32>
        %scan3A_404 = arith.constant 128 : i32
        %scan3A_405 = arith.constant 128 : i32
        %scan3A_406 = arith.addi %scan3A_404, %scan3A_405 : i32
        %scan3A_407 = arith.constant 1 : i32
        %scan3A_408 = scf.for %scan3A_967 = %scan3A_404 to %scan3A_406 step %scan3A_407 iter_args(%scan3A_968 = %broadcast_in_dim3A_403) -> (vector<16xf32>)  : i32 {
          %broadcast_in_dim3A_969 = vector.broadcast %scan3A_967 : i32 to vector<16xi32>
          %gather3A_970 = tpu.vector_load_idx %arg12[%add3A_316, %broadcast_in_dim3A_969] : memref<80x272xf32, #tpu.memory_space<vmem>>[vector<16xi32>, vector<16xi32>], vector<16xf32>,
          %gather3A_971 = tpu.vector_load_idx %arg14[%add3A_316, %broadcast_in_dim3A_969] : memref<80x272xf32, #tpu.memory_space<vmem>>[vector<16xi32>, vector<16xi32>], vector<16xf32>,
          %gather3A_972 = tpu.vector_load_idx %arg17[%broadcast_in_dim3A_969, %iota3A] : memref<520x16xf32, #tpu.memory_space<vmem>>[vector<16xi32>, vector<16xi32>], vector<16xf32>,
          %add3A_973 = arith.constant 256 : i32
          %add3A_974 = vector.broadcast %add3A_973 : i32 to vector<16xi32>
          %add3A_975 = arith.addi %broadcast_in_dim3A_969, %add3A_974 : vector<16xi32>
          %gather3A_976 = tpu.vector_load_idx %arg17[%add3A_975, %iota3A] : memref<520x16xf32, #tpu.memory_space<vmem>>[vector<16xi32>, vector<16xi32>], vector<16xf32>,
          %add3A_977 = arith.addf %gather3A_970, %gather3A_971 : vector<16xf32>
          %mul3A_978 = arith.mulf %mul3A_392, %gather3A_972 : vector<16xf32>
          %add3A_979 = arith.addf %add3A_977, %mul3A_978 : vector<16xf32>
          %neg3A = arith.constant 0.000000e+00 : f32
          %neg3A_980 = vector.broadcast %neg3A : f32 to vector<16xf32>
          %neg3A_981 = arith.subf %neg3A_980, %add3A_979 : vector<16xf32>
          %exp3A = math.exp %neg3A_981 : vector<16xf32>
          %add3A_982 = arith.constant 1.000000e+00 : f32
          %add3A_983 = vector.broadcast %add3A_982 : f32 to vector<16xf32>
          %add3A_984 = arith.addf %add3A_983, %exp3A : vector<16xf32>
          %div3A_985 = arith.divf %add3A_979, %add3A_984 : vector<16xf32>
          %mul3A_986 = arith.mulf %div3A_985, %gather3A_976 : vector<16xf32>
          %add3A_987 = arith.addf %scan3A_968, %mul3A_986 : vector<16xf32>
          scf.yield %add3A_987 : vector<16xf32>
        }
        %scan3A_409 = arith.constant 128 : i32
        %add3A_410 = arith.addf %scan3A_408, %gather3A_160 : vector<16xf32>
        %mul3A_411 = arith.constant 0.222222224 : f32
        %mul3A_412 = vector.broadcast %mul3A_411 : f32 to vector<16xf32>
        %mul3A_413 = arith.mulf %mul3A_392, %mul3A_412 : vector<16xf32>
        %jit3A_414 = arith.constant 0.000000e+00 : f32
        %jit3A_415 = arith.constant 1.000000e+00 : f32
        %max3A_416 = vector.broadcast %jit3A_414 : f32 to vector<16xf32>
        %max3A_417 = arith.maximumf %max3A_416, %mul3A_413 : vector<16xf32>
        %min3A_418 = vector.broadcast %jit3A_415 : f32 to vector<16xf32>
        %min3A_419 = arith.minimumf %min3A_418, %max3A_417 : vector<16xf32>
        %mul3A_420 = arith.mulf %min3A_419, %min3A_419 : vector<16xf32>
        %mul3A_421 = arith.mulf %mul3A_420, %mul3A_420 : vector<16xf32>
        %mul3A_422 = arith.mulf %mul3A_421, %min3A_419 : vector<16xf32>
        %mul3A_423 = arith.constant 2.100000e+01 : f32
        %mul3A_424 = vector.broadcast %mul3A_423 : f32 to vector<16xf32>
        %mul3A_425 = arith.mulf %mul3A_424, %mul3A_422 : vector<16xf32>
        %sub3A_426 = arith.constant 1.000000e+00 : f32
        %sub3A_427 = vector.broadcast %sub3A_426 : f32 to vector<16xf32>
        %sub3A_428 = arith.subf %sub3A_427, %mul3A_425 : vector<16xf32>
        %mul3A_429 = arith.constant 3.500000e+01 : f32
        %mul3A_430 = vector.broadcast %mul3A_429 : f32 to vector<16xf32>
        %mul3A_431 = arith.mulf %mul3A_430, %mul3A_422 : vector<16xf32>
        %mul3A_432 = arith.mulf %mul3A_431, %min3A_419 : vector<16xf32>
        %add3A_433 = arith.addf %sub3A_428, %mul3A_432 : vector<16xf32>
        %mul3A_434 = arith.constant 1.500000e+01 : f32
        %mul3A_435 = vector.broadcast %mul3A_434 : f32 to vector<16xf32>
        %mul3A_436 = arith.mulf %mul3A_435, %mul3A_422 : vector<16xf32>
        %mul3A_437 = arith.mulf %mul3A_436, %mul3A_420 : vector<16xf32>
        %sub3A_438 = arith.subf %add3A_433, %mul3A_437 : vector<16xf32>
        %jit3A_439 = arith.constant 0.000000e+00 : f32
        %jit3A_440 = arith.constant 1.000000e+00 : f32
        %max3A_441 = vector.broadcast %jit3A_439 : f32 to vector<16xf32>
        %max3A_442 = arith.maximumf %max3A_441, %sub3A_438 : vector<16xf32>
        %min3A_443 = vector.broadcast %jit3A_440 : f32 to vector<16xf32>
        %min3A_444 = arith.minimumf %min3A_443, %max3A_442 : vector<16xf32>
        %add3A_445 = arith.constant 9.99999993E-9 : f32
        %add3A_446 = vector.broadcast %add3A_445 : f32 to vector<16xf32>
        %add3A_447 = arith.addf %mul3A_392, %add3A_446 : vector<16xf32>
        %div3A_448 = arith.divf %min3A_444, %add3A_447 : vector<16xf32>
        %mul3A_449 = arith.mulf %div3A_448, %add3A_401 : vector<16xf32>
        %mul3A_450 = arith.mulf %div3A_448, %add3A_410 : vector<16xf32>
        %broadcast_in_dim3A_451 = arith.constant 0 : i32
        %broadcast_in_dim3A_452 = vector.broadcast %broadcast_in_dim3A_451 : i32 to vector<16xi32>
        %mul3A_453 = arith.mulf %sub3A_321, %mul3A_449 : vector<16xf32>
        tpu.vector_store_idx %arg16[%add3A_316, %broadcast_in_dim3A_452], %mul3A_453 : memref<80x8xf32, #tpu.memory_space<vmem>>[vector<16xi32>, vector<16xi32>], vector<16xf32>,
        %add3A_454 = arith.constant 1 : i32
        %add3A_455 = vector.broadcast %add3A_454 : i32 to vector<16xi32>
        %add3A_456 = arith.addi %broadcast_in_dim3A_452, %add3A_455 : vector<16xi32>
        %mul3A_457 = arith.mulf %sub3A_330, %mul3A_449 : vector<16xf32>
        tpu.vector_store_idx %arg16[%add3A_316, %add3A_456], %mul3A_457 : memref<80x8xf32, #tpu.memory_space<vmem>>[vector<16xi32>, vector<16xi32>], vector<16xf32>,
        %add3A_458 = arith.constant 2 : i32
        %add3A_459 = vector.broadcast %add3A_458 : i32 to vector<16xi32>
        %add3A_460 = arith.addi %broadcast_in_dim3A_452, %add3A_459 : vector<16xi32>
        %mul3A_461 = arith.mulf %sub3A_339, %mul3A_449 : vector<16xf32>
        tpu.vector_store_idx %arg16[%add3A_316, %add3A_460], %mul3A_461 : memref<80x8xf32, #tpu.memory_space<vmem>>[vector<16xi32>, vector<16xi32>], vector<16xf32>,
        %add3A_462 = arith.constant 4 : i32
        %add3A_463 = vector.broadcast %add3A_462 : i32 to vector<16xi32>
        %add3A_464 = arith.addi %broadcast_in_dim3A_452, %add3A_463 : vector<16xi32>
        %mul3A_465 = arith.mulf %sub3A_321, %mul3A_450 : vector<16xf32>
        tpu.vector_store_idx %arg16[%add3A_316, %add3A_464], %mul3A_465 : memref<80x8xf32, #tpu.memory_space<vmem>>[vector<16xi32>, vector<16xi32>], vector<16xf32>,
        %add3A_466 = arith.constant 5 : i32
        %add3A_467 = vector.broadcast %add3A_466 : i32 to vector<16xi32>
        %add3A_468 = arith.addi %broadcast_in_dim3A_452, %add3A_467 : vector<16xi32>
        %mul3A_469 = arith.mulf %sub3A_330, %mul3A_450 : vector<16xf32>
        tpu.vector_store_idx %arg16[%add3A_316, %add3A_468], %mul3A_469 : memref<80x8xf32, #tpu.memory_space<vmem>>[vector<16xi32>, vector<16xi32>], vector<16xf32>,
        %add3A_470 = arith.constant 6 : i32
        %add3A_471 = vector.broadcast %add3A_470 : i32 to vector<16xi32>
        %add3A_472 = arith.addi %broadcast_in_dim3A_452, %add3A_471 : vector<16xi32>
        %mul3A_473 = arith.mulf %sub3A_339, %mul3A_450 : vector<16xf32>
        tpu.vector_store_idx %arg16[%add3A_316, %add3A_472], %mul3A_473 : memref<80x8xf32, #tpu.memory_space<vmem>>[vector<16xi32>, vector<16xi32>], vector<16xf32>,
        %add3A_474 = arith.constant 32 : i32
        %add3A_475 = vector.broadcast %add3A_474 : i32 to vector<16xi32>
        %add3A_476 = arith.addi %add3A_475, %iota3A : vector<16xi32>
        %broadcast_in_dim3A_477 = arith.constant 256 : i32
        %broadcast_in_dim3A_478 = vector.broadcast %broadcast_in_dim3A_477 : i32 to vector<16xi32>
        %gather3A_479 = tpu.vector_load_idx %arg12[%add3A_476, %broadcast_in_dim3A_478] : memref<80x272xf32, #tpu.memory_space<vmem>>[vector<16xi32>, vector<16xi32>], vector<16xf32>,
        %gather3A_480 = tpu.vector_load_idx %arg14[%add3A_476, %broadcast_in_dim3A_478] : memref<80x272xf32, #tpu.memory_space<vmem>>[vector<16xi32>, vector<16xi32>], vector<16xf32>,
        %sub3A_481 = arith.subf %gather3A_479, %gather3A_480 : vector<16xf32>
        %add3A_482 = arith.constant 1 : i32
        %add3A_483 = vector.broadcast %add3A_482 : i32 to vector<16xi32>
        %add3A_484 = arith.addi %broadcast_in_dim3A_478, %add3A_483 : vector<16xi32>
        %gather3A_485 = tpu.vector_load_idx %arg12[%add3A_476, %add3A_484] : memref<80x272xf32, #tpu.memory_space<vmem>>[vector<16xi32>, vector<16xi32>], vector<16xf32>,
        %add3A_486 = arith.constant 1 : i32
        %add3A_487 = vector.broadcast %add3A_486 : i32 to vector<16xi32>
        %add3A_488 = arith.addi %broadcast_in_dim3A_478, %add3A_487 : vector<16xi32>
        %gather3A_489 = tpu.vector_load_idx %arg14[%add3A_476, %add3A_488] : memref<80x272xf32, #tpu.memory_space<vmem>>[vector<16xi32>, vector<16xi32>], vector<16xf32>,
        %sub3A_490 = arith.subf %gather3A_485, %gather3A_489 : vector<16xf32>
        %add3A_491 = arith.constant 2 : i32
        %add3A_492 = vector.broadcast %add3A_491 : i32 to vector<16xi32>
        %add3A_493 = arith.addi %broadcast_in_dim3A_478, %add3A_492 : vector<16xi32>
        %gather3A_494 = tpu.vector_load_idx %arg12[%add3A_476, %add3A_493] : memref<80x272xf32, #tpu.memory_space<vmem>>[vector<16xi32>, vector<16xi32>], vector<16xf32>,
        %add3A_495 = arith.constant 2 : i32
        %add3A_496 = vector.broadcast %add3A_495 : i32 to vector<16xi32>
        %add3A_497 = arith.addi %broadcast_in_dim3A_478, %add3A_496 : vector<16xi32>
        %gather3A_498 = tpu.vector_load_idx %arg14[%add3A_476, %add3A_497] : memref<80x272xf32, #tpu.memory_space<vmem>>[vector<16xi32>, vector<16xi32>], vector<16xf32>,
        %sub3A_499 = arith.subf %gather3A_494, %gather3A_498 : vector<16xf32>
        %mul3A_500 = arith.mulf %sub3A_481, %sub3A_481 : vector<16xf32>
        %mul3A_501 = arith.mulf %sub3A_490, %sub3A_490 : vector<16xf32>
        %add3A_502 = arith.addf %mul3A_500, %mul3A_501 : vector<16xf32>
        %mul3A_503 = arith.mulf %sub3A_499, %sub3A_499 : vector<16xf32>
        %add3A_504 = arith.addf %add3A_502, %mul3A_503 : vector<16xf32>
        %max3A_505 = arith.constant 1.000000e-30 : f32
        %max3A_506 = vector.broadcast %max3A_505 : f32 to vector<16xf32>
        %max3A_507 = arith.maximumf %add3A_504, %max3A_506 : vector<16xf32>
        %bitcast3A_508 = vector.bitcast %max3A_507 : vector<16xf32> to vector<16xi32>
        %shift_right_arithmetic3A_509 = arith.constant 1 : i32
        %shift_right_arithmetic3A_510 = vector.broadcast %shift_right_arithmetic3A_509 : i32 to vector<16xi32>
        %shift_right_arithmetic3A_511 = arith.shrsi %bitcast3A_508, %shift_right_arithmetic3A_510 : vector<16xi32>
        %sub3A_512 = arith.constant 1597463007 : i32
        %sub3A_513 = vector.broadcast %sub3A_512 : i32 to vector<16xi32>
        %sub3A_514 = arith.subi %sub3A_513, %shift_right_arithmetic3A_511 : vector<16xi32>
        %bitcast3A_515 = vector.bitcast %sub3A_514 : vector<16xi32> to vector<16xf32>
        %mul3A_516 = arith.constant 5.000000e-01 : f32
        %mul3A_517 = vector.broadcast %mul3A_516 : f32 to vector<16xf32>
        %mul3A_518 = arith.mulf %mul3A_517, %max3A_507 : vector<16xf32>
        %mul3A_519 = arith.mulf %mul3A_518, %bitcast3A_515 : vector<16xf32>
        %mul3A_520 = arith.mulf %mul3A_519, %bitcast3A_515 : vector<16xf32>
        %sub3A_521 = arith.constant 1.500000e+00 : f32
        %sub3A_522 = vector.broadcast %sub3A_521 : f32 to vector<16xf32>
        %sub3A_523 = arith.subf %sub3A_522, %mul3A_520 : vector<16xf32>
        %mul3A_524 = arith.mulf %bitcast3A_515, %sub3A_523 : vector<16xf32>
        %mul3A_525 = arith.constant 5.000000e-01 : f32
        %mul3A_526 = vector.broadcast %mul3A_525 : f32 to vector<16xf32>
        %mul3A_527 = arith.mulf %mul3A_526, %max3A_507 : vector<16xf32>
        %mul3A_528 = arith.mulf %mul3A_527, %mul3A_524 : vector<16xf32>
        %mul3A_529 = arith.mulf %mul3A_528, %mul3A_524 : vector<16xf32>
        %sub3A_530 = arith.constant 1.500000e+00 : f32
        %sub3A_531 = vector.broadcast %sub3A_530 : f32 to vector<16xf32>
        %sub3A_532 = arith.subf %sub3A_531, %mul3A_529 : vector<16xf32>
        %mul3A_533 = arith.mulf %mul3A_524, %sub3A_532 : vector<16xf32>
        %mul3A_534 = arith.constant 5.000000e-01 : f32
        %mul3A_535 = vector.broadcast %mul3A_534 : f32 to vector<16xf32>
        %mul3A_536 = arith.mulf %mul3A_535, %max3A_507 : vector<16xf32>
        %mul3A_537 = arith.mulf %mul3A_536, %mul3A_533 : vector<16xf32>
        %mul3A_538 = arith.mulf %mul3A_537, %mul3A_533 : vector<16xf32>
        %sub3A_539 = arith.constant 1.500000e+00 : f32
        %sub3A_540 = vector.broadcast %sub3A_539 : f32 to vector<16xf32>
        %sub3A_541 = arith.subf %sub3A_540, %mul3A_538 : vector<16xf32>
        %mul3A_542 = arith.mulf %mul3A_533, %sub3A_541 : vector<16xf32>
        %mul3A_543 = arith.constant 5.000000e-01 : f32
        %mul3A_544 = vector.broadcast %mul3A_543 : f32 to vector<16xf32>
        %mul3A_545 = arith.mulf %mul3A_544, %max3A_507 : vector<16xf32>
        %mul3A_546 = arith.mulf %mul3A_545, %mul3A_542 : vector<16xf32>
        %mul3A_547 = arith.mulf %mul3A_546, %mul3A_542 : vector<16xf32>
        %sub3A_548 = arith.constant 1.500000e+00 : f32
        %sub3A_549 = vector.broadcast %sub3A_548 : f32 to vector<16xf32>
        %sub3A_550 = arith.subf %sub3A_549, %mul3A_547 : vector<16xf32>
        %mul3A_551 = arith.mulf %mul3A_542, %sub3A_550 : vector<16xf32>
        %mul3A_552 = arith.mulf %add3A_504, %mul3A_551 : vector<16xf32>
        %broadcast_in_dim3A_553 = arith.constant 0.000000e+00 : f32
        %broadcast_in_dim3A_554 = vector.broadcast %broadcast_in_dim3A_553 : f32 to vector<16xf32>
        %scan3A_555 = arith.constant 0 : i32
        %scan3A_556 = arith.constant 128 : i32
        %scan3A_557 = arith.addi %scan3A_555, %scan3A_556 : i32
        %scan3A_558 = arith.constant 1 : i32
        %scan3A_559 = scf.for %scan3A_967 = %scan3A_555 to %scan3A_557 step %scan3A_558 iter_args(%scan3A_968 = %broadcast_in_dim3A_554) -> (vector<16xf32>)  : i32 {
          %broadcast_in_dim3A_969 = vector.broadcast %scan3A_967 : i32 to vector<16xi32>
          %gather3A_970 = tpu.vector_load_idx %arg12[%add3A_476, %broadcast_in_dim3A_969] : memref<80x272xf32, #tpu.memory_space<vmem>>[vector<16xi32>, vector<16xi32>], vector<16xf32>,
          %gather3A_971 = tpu.vector_load_idx %arg14[%add3A_476, %broadcast_in_dim3A_969] : memref<80x272xf32, #tpu.memory_space<vmem>>[vector<16xi32>, vector<16xi32>], vector<16xf32>,
          %gather3A_972 = tpu.vector_load_idx %arg17[%broadcast_in_dim3A_969, %iota3A] : memref<520x16xf32, #tpu.memory_space<vmem>>[vector<16xi32>, vector<16xi32>], vector<16xf32>,
          %add3A_973 = arith.constant 256 : i32
          %add3A_974 = vector.broadcast %add3A_973 : i32 to vector<16xi32>
          %add3A_975 = arith.addi %broadcast_in_dim3A_969, %add3A_974 : vector<16xi32>
          %gather3A_976 = tpu.vector_load_idx %arg17[%add3A_975, %iota3A] : memref<520x16xf32, #tpu.memory_space<vmem>>[vector<16xi32>, vector<16xi32>], vector<16xf32>,
          %add3A_977 = arith.addf %gather3A_970, %gather3A_971 : vector<16xf32>
          %mul3A_978 = arith.mulf %mul3A_552, %gather3A_972 : vector<16xf32>
          %add3A_979 = arith.addf %add3A_977, %mul3A_978 : vector<16xf32>
          %neg3A = arith.constant 0.000000e+00 : f32
          %neg3A_980 = vector.broadcast %neg3A : f32 to vector<16xf32>
          %neg3A_981 = arith.subf %neg3A_980, %add3A_979 : vector<16xf32>
          %exp3A = math.exp %neg3A_981 : vector<16xf32>
          %add3A_982 = arith.constant 1.000000e+00 : f32
          %add3A_983 = vector.broadcast %add3A_982 : f32 to vector<16xf32>
          %add3A_984 = arith.addf %add3A_983, %exp3A : vector<16xf32>
          %div3A_985 = arith.divf %add3A_979, %add3A_984 : vector<16xf32>
          %mul3A_986 = arith.mulf %div3A_985, %gather3A_976 : vector<16xf32>
          %add3A_987 = arith.addf %scan3A_968, %mul3A_986 : vector<16xf32>
          scf.yield %add3A_987 : vector<16xf32>
        }
        %scan3A_560 = arith.constant 128 : i32
        %add3A_561 = arith.addf %scan3A_559, %gather3A : vector<16xf32>
        %broadcast_in_dim3A_562 = arith.constant 0.000000e+00 : f32
        %broadcast_in_dim3A_563 = vector.broadcast %broadcast_in_dim3A_562 : f32 to vector<16xf32>
        %scan3A_564 = arith.constant 128 : i32
        %scan3A_565 = arith.constant 128 : i32
        %scan3A_566 = arith.addi %scan3A_564, %scan3A_565 : i32
        %scan3A_567 = arith.constant 1 : i32
        %scan3A_568 = scf.for %scan3A_967 = %scan3A_564 to %scan3A_566 step %scan3A_567 iter_args(%scan3A_968 = %broadcast_in_dim3A_563) -> (vector<16xf32>)  : i32 {
          %broadcast_in_dim3A_969 = vector.broadcast %scan3A_967 : i32 to vector<16xi32>
          %gather3A_970 = tpu.vector_load_idx %arg12[%add3A_476, %broadcast_in_dim3A_969] : memref<80x272xf32, #tpu.memory_space<vmem>>[vector<16xi32>, vector<16xi32>], vector<16xf32>,
          %gather3A_971 = tpu.vector_load_idx %arg14[%add3A_476, %broadcast_in_dim3A_969] : memref<80x272xf32, #tpu.memory_space<vmem>>[vector<16xi32>, vector<16xi32>], vector<16xf32>,
          %gather3A_972 = tpu.vector_load_idx %arg17[%broadcast_in_dim3A_969, %iota3A] : memref<520x16xf32, #tpu.memory_space<vmem>>[vector<16xi32>, vector<16xi32>], vector<16xf32>,
          %add3A_973 = arith.constant 256 : i32
          %add3A_974 = vector.broadcast %add3A_973 : i32 to vector<16xi32>
          %add3A_975 = arith.addi %broadcast_in_dim3A_969, %add3A_974 : vector<16xi32>
          %gather3A_976 = tpu.vector_load_idx %arg17[%add3A_975, %iota3A] : memref<520x16xf32, #tpu.memory_space<vmem>>[vector<16xi32>, vector<16xi32>], vector<16xf32>,
          %add3A_977 = arith.addf %gather3A_970, %gather3A_971 : vector<16xf32>
          %mul3A_978 = arith.mulf %mul3A_552, %gather3A_972 : vector<16xf32>
          %add3A_979 = arith.addf %add3A_977, %mul3A_978 : vector<16xf32>
          %neg3A = arith.constant 0.000000e+00 : f32
          %neg3A_980 = vector.broadcast %neg3A : f32 to vector<16xf32>
          %neg3A_981 = arith.subf %neg3A_980, %add3A_979 : vector<16xf32>
          %exp3A = math.exp %neg3A_981 : vector<16xf32>
          %add3A_982 = arith.constant 1.000000e+00 : f32
          %add3A_983 = vector.broadcast %add3A_982 : f32 to vector<16xf32>
          %add3A_984 = arith.addf %add3A_983, %exp3A : vector<16xf32>
          %div3A_985 = arith.divf %add3A_979, %add3A_984 : vector<16xf32>
          %mul3A_986 = arith.mulf %div3A_985, %gather3A_976 : vector<16xf32>
          %add3A_987 = arith.addf %scan3A_968, %mul3A_986 : vector<16xf32>
          scf.yield %add3A_987 : vector<16xf32>
        }
        %scan3A_569 = arith.constant 128 : i32
        %add3A_570 = arith.addf %scan3A_568, %gather3A_160 : vector<16xf32>
        %mul3A_571 = arith.constant 0.222222224 : f32
        %mul3A_572 = vector.broadcast %mul3A_571 : f32 to vector<16xf32>
        %mul3A_573 = arith.mulf %mul3A_552, %mul3A_572 : vector<16xf32>
        %jit3A_574 = arith.constant 0.000000e+00 : f32
        %jit3A_575 = arith.constant 1.000000e+00 : f32
        %max3A_576 = vector.broadcast %jit3A_574 : f32 to vector<16xf32>
        %max3A_577 = arith.maximumf %max3A_576, %mul3A_573 : vector<16xf32>
        %min3A_578 = vector.broadcast %jit3A_575 : f32 to vector<16xf32>
        %min3A_579 = arith.minimumf %min3A_578, %max3A_577 : vector<16xf32>
        %mul3A_580 = arith.mulf %min3A_579, %min3A_579 : vector<16xf32>
        %mul3A_581 = arith.mulf %mul3A_580, %mul3A_580 : vector<16xf32>
        %mul3A_582 = arith.mulf %mul3A_581, %min3A_579 : vector<16xf32>
        %mul3A_583 = arith.constant 2.100000e+01 : f32
        %mul3A_584 = vector.broadcast %mul3A_583 : f32 to vector<16xf32>
        %mul3A_585 = arith.mulf %mul3A_584, %mul3A_582 : vector<16xf32>
        %sub3A_586 = arith.constant 1.000000e+00 : f32
        %sub3A_587 = vector.broadcast %sub3A_586 : f32 to vector<16xf32>
        %sub3A_588 = arith.subf %sub3A_587, %mul3A_585 : vector<16xf32>
        %mul3A_589 = arith.constant 3.500000e+01 : f32
        %mul3A_590 = vector.broadcast %mul3A_589 : f32 to vector<16xf32>
        %mul3A_591 = arith.mulf %mul3A_590, %mul3A_582 : vector<16xf32>
        %mul3A_592 = arith.mulf %mul3A_591, %min3A_579 : vector<16xf32>
        %add3A_593 = arith.addf %sub3A_588, %mul3A_592 : vector<16xf32>
        %mul3A_594 = arith.constant 1.500000e+01 : f32
        %mul3A_595 = vector.broadcast %mul3A_594 : f32 to vector<16xf32>
        %mul3A_596 = arith.mulf %mul3A_595, %mul3A_582 : vector<16xf32>
        %mul3A_597 = arith.mulf %mul3A_596, %mul3A_580 : vector<16xf32>
        %sub3A_598 = arith.subf %add3A_593, %mul3A_597 : vector<16xf32>
        %jit3A_599 = arith.constant 0.000000e+00 : f32
        %jit3A_600 = arith.constant 1.000000e+00 : f32
        %max3A_601 = vector.broadcast %jit3A_599 : f32 to vector<16xf32>
        %max3A_602 = arith.maximumf %max3A_601, %sub3A_598 : vector<16xf32>
        %min3A_603 = vector.broadcast %jit3A_600 : f32 to vector<16xf32>
        %min3A_604 = arith.minimumf %min3A_603, %max3A_602 : vector<16xf32>
        %add3A_605 = arith.constant 9.99999993E-9 : f32
        %add3A_606 = vector.broadcast %add3A_605 : f32 to vector<16xf32>
        %add3A_607 = arith.addf %mul3A_552, %add3A_606 : vector<16xf32>
        %div3A_608 = arith.divf %min3A_604, %add3A_607 : vector<16xf32>
        %mul3A_609 = arith.mulf %div3A_608, %add3A_561 : vector<16xf32>
        %mul3A_610 = arith.mulf %div3A_608, %add3A_570 : vector<16xf32>
        %broadcast_in_dim3A_611 = arith.constant 0 : i32
        %broadcast_in_dim3A_612 = vector.broadcast %broadcast_in_dim3A_611 : i32 to vector<16xi32>
        %mul3A_613 = arith.mulf %sub3A_481, %mul3A_609 : vector<16xf32>
        tpu.vector_store_idx %arg16[%add3A_476, %broadcast_in_dim3A_612], %mul3A_613 : memref<80x8xf32, #tpu.memory_space<vmem>>[vector<16xi32>, vector<16xi32>], vector<16xf32>,
        %add3A_614 = arith.constant 1 : i32
        %add3A_615 = vector.broadcast %add3A_614 : i32 to vector<16xi32>
        %add3A_616 = arith.addi %broadcast_in_dim3A_612, %add3A_615 : vector<16xi32>
        %mul3A_617 = arith.mulf %sub3A_490, %mul3A_609 : vector<16xf32>
        tpu.vector_store_idx %arg16[%add3A_476, %add3A_616], %mul3A_617 : memref<80x8xf32, #tpu.memory_space<vmem>>[vector<16xi32>, vector<16xi32>], vector<16xf32>,
        %add3A_618 = arith.constant 2 : i32
        %add3A_619 = vector.broadcast %add3A_618 : i32 to vector<16xi32>
        %add3A_620 = arith.addi %broadcast_in_dim3A_612, %add3A_619 : vector<16xi32>
        %mul3A_621 = arith.mulf %sub3A_499, %mul3A_609 : vector<16xf32>
        tpu.vector_store_idx %arg16[%add3A_476, %add3A_620], %mul3A_621 : memref<80x8xf32, #tpu.memory_space<vmem>>[vector<16xi32>, vector<16xi32>], vector<16xf32>,
        %add3A_622 = arith.constant 4 : i32
        %add3A_623 = vector.broadcast %add3A_622 : i32 to vector<16xi32>
        %add3A_624 = arith.addi %broadcast_in_dim3A_612, %add3A_623 : vector<16xi32>
        %mul3A_625 = arith.mulf %sub3A_481, %mul3A_610 : vector<16xf32>
        tpu.vector_store_idx %arg16[%add3A_476, %add3A_624], %mul3A_625 : memref<80x8xf32, #tpu.memory_space<vmem>>[vector<16xi32>, vector<16xi32>], vector<16xf32>,
        %add3A_626 = arith.constant 5 : i32
        %add3A_627 = vector.broadcast %add3A_626 : i32 to vector<16xi32>
        %add3A_628 = arith.addi %broadcast_in_dim3A_612, %add3A_627 : vector<16xi32>
        %mul3A_629 = arith.mulf %sub3A_490, %mul3A_610 : vector<16xf32>
        tpu.vector_store_idx %arg16[%add3A_476, %add3A_628], %mul3A_629 : memref<80x8xf32, #tpu.memory_space<vmem>>[vector<16xi32>, vector<16xi32>], vector<16xf32>,
        %add3A_630 = arith.constant 6 : i32
        %add3A_631 = vector.broadcast %add3A_630 : i32 to vector<16xi32>
        %add3A_632 = arith.addi %broadcast_in_dim3A_612, %add3A_631 : vector<16xi32>
        %mul3A_633 = arith.mulf %sub3A_499, %mul3A_610 : vector<16xf32>
        tpu.vector_store_idx %arg16[%add3A_476, %add3A_632], %mul3A_633 : memref<80x8xf32, #tpu.memory_space<vmem>>[vector<16xi32>, vector<16xi32>], vector<16xf32>,
        %add3A_634 = arith.constant 48 : i32
        %add3A_635 = vector.broadcast %add3A_634 : i32 to vector<16xi32>
        %add3A_636 = arith.addi %add3A_635, %iota3A : vector<16xi32>
        %broadcast_in_dim3A_637 = arith.constant 256 : i32
        %broadcast_in_dim3A_638 = vector.broadcast %broadcast_in_dim3A_637 : i32 to vector<16xi32>
        %gather3A_639 = tpu.vector_load_idx %arg12[%add3A_636, %broadcast_in_dim3A_638] : memref<80x272xf32, #tpu.memory_space<vmem>>[vector<16xi32>, vector<16xi32>], vector<16xf32>,
        %gather3A_640 = tpu.vector_load_idx %arg14[%add3A_636, %broadcast_in_dim3A_638] : memref<80x272xf32, #tpu.memory_space<vmem>>[vector<16xi32>, vector<16xi32>], vector<16xf32>,
        %sub3A_641 = arith.subf %gather3A_639, %gather3A_640 : vector<16xf32>
        %add3A_642 = arith.constant 1 : i32
        %add3A_643 = vector.broadcast %add3A_642 : i32 to vector<16xi32>
        %add3A_644 = arith.addi %broadcast_in_dim3A_638, %add3A_643 : vector<16xi32>
        %gather3A_645 = tpu.vector_load_idx %arg12[%add3A_636, %add3A_644] : memref<80x272xf32, #tpu.memory_space<vmem>>[vector<16xi32>, vector<16xi32>], vector<16xf32>,
        %add3A_646 = arith.constant 1 : i32
        %add3A_647 = vector.broadcast %add3A_646 : i32 to vector<16xi32>
        %add3A_648 = arith.addi %broadcast_in_dim3A_638, %add3A_647 : vector<16xi32>
        %gather3A_649 = tpu.vector_load_idx %arg14[%add3A_636, %add3A_648] : memref<80x272xf32, #tpu.memory_space<vmem>>[vector<16xi32>, vector<16xi32>], vector<16xf32>,
        %sub3A_650 = arith.subf %gather3A_645, %gather3A_649 : vector<16xf32>
        %add3A_651 = arith.constant 2 : i32
        %add3A_652 = vector.broadcast %add3A_651 : i32 to vector<16xi32>
        %add3A_653 = arith.addi %broadcast_in_dim3A_638, %add3A_652 : vector<16xi32>
        %gather3A_654 = tpu.vector_load_idx %arg12[%add3A_636, %add3A_653] : memref<80x272xf32, #tpu.memory_space<vmem>>[vector<16xi32>, vector<16xi32>], vector<16xf32>,
        %add3A_655 = arith.constant 2 : i32
        %add3A_656 = vector.broadcast %add3A_655 : i32 to vector<16xi32>
        %add3A_657 = arith.addi %broadcast_in_dim3A_638, %add3A_656 : vector<16xi32>
        %gather3A_658 = tpu.vector_load_idx %arg14[%add3A_636, %add3A_657] : memref<80x272xf32, #tpu.memory_space<vmem>>[vector<16xi32>, vector<16xi32>], vector<16xf32>,
        %sub3A_659 = arith.subf %gather3A_654, %gather3A_658 : vector<16xf32>
        %mul3A_660 = arith.mulf %sub3A_641, %sub3A_641 : vector<16xf32>
        %mul3A_661 = arith.mulf %sub3A_650, %sub3A_650 : vector<16xf32>
        %add3A_662 = arith.addf %mul3A_660, %mul3A_661 : vector<16xf32>
        %mul3A_663 = arith.mulf %sub3A_659, %sub3A_659 : vector<16xf32>
        %add3A_664 = arith.addf %add3A_662, %mul3A_663 : vector<16xf32>
        %max3A_665 = arith.constant 1.000000e-30 : f32
        %max3A_666 = vector.broadcast %max3A_665 : f32 to vector<16xf32>
        %max3A_667 = arith.maximumf %add3A_664, %max3A_666 : vector<16xf32>
        %bitcast3A_668 = vector.bitcast %max3A_667 : vector<16xf32> to vector<16xi32>
        %shift_right_arithmetic3A_669 = arith.constant 1 : i32
        %shift_right_arithmetic3A_670 = vector.broadcast %shift_right_arithmetic3A_669 : i32 to vector<16xi32>
        %shift_right_arithmetic3A_671 = arith.shrsi %bitcast3A_668, %shift_right_arithmetic3A_670 : vector<16xi32>
        %sub3A_672 = arith.constant 1597463007 : i32
        %sub3A_673 = vector.broadcast %sub3A_672 : i32 to vector<16xi32>
        %sub3A_674 = arith.subi %sub3A_673, %shift_right_arithmetic3A_671 : vector<16xi32>
        %bitcast3A_675 = vector.bitcast %sub3A_674 : vector<16xi32> to vector<16xf32>
        %mul3A_676 = arith.constant 5.000000e-01 : f32
        %mul3A_677 = vector.broadcast %mul3A_676 : f32 to vector<16xf32>
        %mul3A_678 = arith.mulf %mul3A_677, %max3A_667 : vector<16xf32>
        %mul3A_679 = arith.mulf %mul3A_678, %bitcast3A_675 : vector<16xf32>
        %mul3A_680 = arith.mulf %mul3A_679, %bitcast3A_675 : vector<16xf32>
        %sub3A_681 = arith.constant 1.500000e+00 : f32
        %sub3A_682 = vector.broadcast %sub3A_681 : f32 to vector<16xf32>
        %sub3A_683 = arith.subf %sub3A_682, %mul3A_680 : vector<16xf32>
        %mul3A_684 = arith.mulf %bitcast3A_675, %sub3A_683 : vector<16xf32>
        %mul3A_685 = arith.constant 5.000000e-01 : f32
        %mul3A_686 = vector.broadcast %mul3A_685 : f32 to vector<16xf32>
        %mul3A_687 = arith.mulf %mul3A_686, %max3A_667 : vector<16xf32>
        %mul3A_688 = arith.mulf %mul3A_687, %mul3A_684 : vector<16xf32>
        %mul3A_689 = arith.mulf %mul3A_688, %mul3A_684 : vector<16xf32>
        %sub3A_690 = arith.constant 1.500000e+00 : f32
        %sub3A_691 = vector.broadcast %sub3A_690 : f32 to vector<16xf32>
        %sub3A_692 = arith.subf %sub3A_691, %mul3A_689 : vector<16xf32>
        %mul3A_693 = arith.mulf %mul3A_684, %sub3A_692 : vector<16xf32>
        %mul3A_694 = arith.constant 5.000000e-01 : f32
        %mul3A_695 = vector.broadcast %mul3A_694 : f32 to vector<16xf32>
        %mul3A_696 = arith.mulf %mul3A_695, %max3A_667 : vector<16xf32>
        %mul3A_697 = arith.mulf %mul3A_696, %mul3A_693 : vector<16xf32>
        %mul3A_698 = arith.mulf %mul3A_697, %mul3A_693 : vector<16xf32>
        %sub3A_699 = arith.constant 1.500000e+00 : f32
        %sub3A_700 = vector.broadcast %sub3A_699 : f32 to vector<16xf32>
        %sub3A_701 = arith.subf %sub3A_700, %mul3A_698 : vector<16xf32>
        %mul3A_702 = arith.mulf %mul3A_693, %sub3A_701 : vector<16xf32>
        %mul3A_703 = arith.constant 5.000000e-01 : f32
        %mul3A_704 = vector.broadcast %mul3A_703 : f32 to vector<16xf32>
        %mul3A_705 = arith.mulf %mul3A_704, %max3A_667 : vector<16xf32>
        %mul3A_706 = arith.mulf %mul3A_705, %mul3A_702 : vector<16xf32>
        %mul3A_707 = arith.mulf %mul3A_706, %mul3A_702 : vector<16xf32>
        %sub3A_708 = arith.constant 1.500000e+00 : f32
        %sub3A_709 = vector.broadcast %sub3A_708 : f32 to vector<16xf32>
        %sub3A_710 = arith.subf %sub3A_709, %mul3A_707 : vector<16xf32>
        %mul3A_711 = arith.mulf %mul3A_702, %sub3A_710 : vector<16xf32>
        %mul3A_712 = arith.mulf %add3A_664, %mul3A_711 : vector<16xf32>
        %broadcast_in_dim3A_713 = arith.constant 0.000000e+00 : f32
        %broadcast_in_dim3A_714 = vector.broadcast %broadcast_in_dim3A_713 : f32 to vector<16xf32>
        %scan3A_715 = arith.constant 0 : i32
        %scan3A_716 = arith.constant 128 : i32
        %scan3A_717 = arith.addi %scan3A_715, %scan3A_716 : i32
        %scan3A_718 = arith.constant 1 : i32
        %scan3A_719 = scf.for %scan3A_967 = %scan3A_715 to %scan3A_717 step %scan3A_718 iter_args(%scan3A_968 = %broadcast_in_dim3A_714) -> (vector<16xf32>)  : i32 {
          %broadcast_in_dim3A_969 = vector.broadcast %scan3A_967 : i32 to vector<16xi32>
          %gather3A_970 = tpu.vector_load_idx %arg12[%add3A_636, %broadcast_in_dim3A_969] : memref<80x272xf32, #tpu.memory_space<vmem>>[vector<16xi32>, vector<16xi32>], vector<16xf32>,
          %gather3A_971 = tpu.vector_load_idx %arg14[%add3A_636, %broadcast_in_dim3A_969] : memref<80x272xf32, #tpu.memory_space<vmem>>[vector<16xi32>, vector<16xi32>], vector<16xf32>,
          %gather3A_972 = tpu.vector_load_idx %arg17[%broadcast_in_dim3A_969, %iota3A] : memref<520x16xf32, #tpu.memory_space<vmem>>[vector<16xi32>, vector<16xi32>], vector<16xf32>,
          %add3A_973 = arith.constant 256 : i32
          %add3A_974 = vector.broadcast %add3A_973 : i32 to vector<16xi32>
          %add3A_975 = arith.addi %broadcast_in_dim3A_969, %add3A_974 : vector<16xi32>
          %gather3A_976 = tpu.vector_load_idx %arg17[%add3A_975, %iota3A] : memref<520x16xf32, #tpu.memory_space<vmem>>[vector<16xi32>, vector<16xi32>], vector<16xf32>,
          %add3A_977 = arith.addf %gather3A_970, %gather3A_971 : vector<16xf32>
          %mul3A_978 = arith.mulf %mul3A_712, %gather3A_972 : vector<16xf32>
          %add3A_979 = arith.addf %add3A_977, %mul3A_978 : vector<16xf32>
          %neg3A = arith.constant 0.000000e+00 : f32
          %neg3A_980 = vector.broadcast %neg3A : f32 to vector<16xf32>
          %neg3A_981 = arith.subf %neg3A_980, %add3A_979 : vector<16xf32>
          %exp3A = math.exp %neg3A_981 : vector<16xf32>
          %add3A_982 = arith.constant 1.000000e+00 : f32
          %add3A_983 = vector.broadcast %add3A_982 : f32 to vector<16xf32>
          %add3A_984 = arith.addf %add3A_983, %exp3A : vector<16xf32>
          %div3A_985 = arith.divf %add3A_979, %add3A_984 : vector<16xf32>
          %mul3A_986 = arith.mulf %div3A_985, %gather3A_976 : vector<16xf32>
          %add3A_987 = arith.addf %scan3A_968, %mul3A_986 : vector<16xf32>
          scf.yield %add3A_987 : vector<16xf32>
        }
        %scan3A_720 = arith.constant 128 : i32
        %add3A_721 = arith.addf %scan3A_719, %gather3A : vector<16xf32>
        %broadcast_in_dim3A_722 = arith.constant 0.000000e+00 : f32
        %broadcast_in_dim3A_723 = vector.broadcast %broadcast_in_dim3A_722 : f32 to vector<16xf32>
        %scan3A_724 = arith.constant 128 : i32
        %scan3A_725 = arith.constant 128 : i32
        %scan3A_726 = arith.addi %scan3A_724, %scan3A_725 : i32
        %scan3A_727 = arith.constant 1 : i32
        %scan3A_728 = scf.for %scan3A_967 = %scan3A_724 to %scan3A_726 step %scan3A_727 iter_args(%scan3A_968 = %broadcast_in_dim3A_723) -> (vector<16xf32>)  : i32 {
          %broadcast_in_dim3A_969 = vector.broadcast %scan3A_967 : i32 to vector<16xi32>
          %gather3A_970 = tpu.vector_load_idx %arg12[%add3A_636, %broadcast_in_dim3A_969] : memref<80x272xf32, #tpu.memory_space<vmem>>[vector<16xi32>, vector<16xi32>], vector<16xf32>,
          %gather3A_971 = tpu.vector_load_idx %arg14[%add3A_636, %broadcast_in_dim3A_969] : memref<80x272xf32, #tpu.memory_space<vmem>>[vector<16xi32>, vector<16xi32>], vector<16xf32>,
          %gather3A_972 = tpu.vector_load_idx %arg17[%broadcast_in_dim3A_969, %iota3A] : memref<520x16xf32, #tpu.memory_space<vmem>>[vector<16xi32>, vector<16xi32>], vector<16xf32>,
          %add3A_973 = arith.constant 256 : i32
          %add3A_974 = vector.broadcast %add3A_973 : i32 to vector<16xi32>
          %add3A_975 = arith.addi %broadcast_in_dim3A_969, %add3A_974 : vector<16xi32>
          %gather3A_976 = tpu.vector_load_idx %arg17[%add3A_975, %iota3A] : memref<520x16xf32, #tpu.memory_space<vmem>>[vector<16xi32>, vector<16xi32>], vector<16xf32>,
          %add3A_977 = arith.addf %gather3A_970, %gather3A_971 : vector<16xf32>
          %mul3A_978 = arith.mulf %mul3A_712, %gather3A_972 : vector<16xf32>
          %add3A_979 = arith.addf %add3A_977, %mul3A_978 : vector<16xf32>
          %neg3A = arith.constant 0.000000e+00 : f32
          %neg3A_980 = vector.broadcast %neg3A : f32 to vector<16xf32>
          %neg3A_981 = arith.subf %neg3A_980, %add3A_979 : vector<16xf32>
          %exp3A = math.exp %neg3A_981 : vector<16xf32>
          %add3A_982 = arith.constant 1.000000e+00 : f32
          %add3A_983 = vector.broadcast %add3A_982 : f32 to vector<16xf32>
          %add3A_984 = arith.addf %add3A_983, %exp3A : vector<16xf32>
          %div3A_985 = arith.divf %add3A_979, %add3A_984 : vector<16xf32>
          %mul3A_986 = arith.mulf %div3A_985, %gather3A_976 : vector<16xf32>
          %add3A_987 = arith.addf %scan3A_968, %mul3A_986 : vector<16xf32>
          scf.yield %add3A_987 : vector<16xf32>
        }
        %scan3A_729 = arith.constant 128 : i32
        %add3A_730 = arith.addf %scan3A_728, %gather3A_160 : vector<16xf32>
        %mul3A_731 = arith.constant 0.222222224 : f32
        %mul3A_732 = vector.broadcast %mul3A_731 : f32 to vector<16xf32>
        %mul3A_733 = arith.mulf %mul3A_712, %mul3A_732 : vector<16xf32>
        %jit3A_734 = arith.constant 0.000000e+00 : f32
        %jit3A_735 = arith.constant 1.000000e+00 : f32
        %max3A_736 = vector.broadcast %jit3A_734 : f32 to vector<16xf32>
        %max3A_737 = arith.maximumf %max3A_736, %mul3A_733 : vector<16xf32>
        %min3A_738 = vector.broadcast %jit3A_735 : f32 to vector<16xf32>
        %min3A_739 = arith.minimumf %min3A_738, %max3A_737 : vector<16xf32>
        %mul3A_740 = arith.mulf %min3A_739, %min3A_739 : vector<16xf32>
        %mul3A_741 = arith.mulf %mul3A_740, %mul3A_740 : vector<16xf32>
        %mul3A_742 = arith.mulf %mul3A_741, %min3A_739 : vector<16xf32>
        %mul3A_743 = arith.constant 2.100000e+01 : f32
        %mul3A_744 = vector.broadcast %mul3A_743 : f32 to vector<16xf32>
        %mul3A_745 = arith.mulf %mul3A_744, %mul3A_742 : vector<16xf32>
        %sub3A_746 = arith.constant 1.000000e+00 : f32
        %sub3A_747 = vector.broadcast %sub3A_746 : f32 to vector<16xf32>
        %sub3A_748 = arith.subf %sub3A_747, %mul3A_745 : vector<16xf32>
        %mul3A_749 = arith.constant 3.500000e+01 : f32
        %mul3A_750 = vector.broadcast %mul3A_749 : f32 to vector<16xf32>
        %mul3A_751 = arith.mulf %mul3A_750, %mul3A_742 : vector<16xf32>
        %mul3A_752 = arith.mulf %mul3A_751, %min3A_739 : vector<16xf32>
        %add3A_753 = arith.addf %sub3A_748, %mul3A_752 : vector<16xf32>
        %mul3A_754 = arith.constant 1.500000e+01 : f32
        %mul3A_755 = vector.broadcast %mul3A_754 : f32 to vector<16xf32>
        %mul3A_756 = arith.mulf %mul3A_755, %mul3A_742 : vector<16xf32>
        %mul3A_757 = arith.mulf %mul3A_756, %mul3A_740 : vector<16xf32>
        %sub3A_758 = arith.subf %add3A_753, %mul3A_757 : vector<16xf32>
        %jit3A_759 = arith.constant 0.000000e+00 : f32
        %jit3A_760 = arith.constant 1.000000e+00 : f32
        %max3A_761 = vector.broadcast %jit3A_759 : f32 to vector<16xf32>
        %max3A_762 = arith.maximumf %max3A_761, %sub3A_758 : vector<16xf32>
        %min3A_763 = vector.broadcast %jit3A_760 : f32 to vector<16xf32>
        %min3A_764 = arith.minimumf %min3A_763, %max3A_762 : vector<16xf32>
        %add3A_765 = arith.constant 9.99999993E-9 : f32
        %add3A_766 = vector.broadcast %add3A_765 : f32 to vector<16xf32>
        %add3A_767 = arith.addf %mul3A_712, %add3A_766 : vector<16xf32>
        %div3A_768 = arith.divf %min3A_764, %add3A_767 : vector<16xf32>
        %mul3A_769 = arith.mulf %div3A_768, %add3A_721 : vector<16xf32>
        %mul3A_770 = arith.mulf %div3A_768, %add3A_730 : vector<16xf32>
        %broadcast_in_dim3A_771 = arith.constant 0 : i32
        %broadcast_in_dim3A_772 = vector.broadcast %broadcast_in_dim3A_771 : i32 to vector<16xi32>
        %mul3A_773 = arith.mulf %sub3A_641, %mul3A_769 : vector<16xf32>
        tpu.vector_store_idx %arg16[%add3A_636, %broadcast_in_dim3A_772], %mul3A_773 : memref<80x8xf32, #tpu.memory_space<vmem>>[vector<16xi32>, vector<16xi32>], vector<16xf32>,
        %add3A_774 = arith.constant 1 : i32
        %add3A_775 = vector.broadcast %add3A_774 : i32 to vector<16xi32>
        %add3A_776 = arith.addi %broadcast_in_dim3A_772, %add3A_775 : vector<16xi32>
        %mul3A_777 = arith.mulf %sub3A_650, %mul3A_769 : vector<16xf32>
        tpu.vector_store_idx %arg16[%add3A_636, %add3A_776], %mul3A_777 : memref<80x8xf32, #tpu.memory_space<vmem>>[vector<16xi32>, vector<16xi32>], vector<16xf32>,
        %add3A_778 = arith.constant 2 : i32
        %add3A_779 = vector.broadcast %add3A_778 : i32 to vector<16xi32>
        %add3A_780 = arith.addi %broadcast_in_dim3A_772, %add3A_779 : vector<16xi32>
        %mul3A_781 = arith.mulf %sub3A_659, %mul3A_769 : vector<16xf32>
        tpu.vector_store_idx %arg16[%add3A_636, %add3A_780], %mul3A_781 : memref<80x8xf32, #tpu.memory_space<vmem>>[vector<16xi32>, vector<16xi32>], vector<16xf32>,
        %add3A_782 = arith.constant 4 : i32
        %add3A_783 = vector.broadcast %add3A_782 : i32 to vector<16xi32>
        %add3A_784 = arith.addi %broadcast_in_dim3A_772, %add3A_783 : vector<16xi32>
        %mul3A_785 = arith.mulf %sub3A_641, %mul3A_770 : vector<16xf32>
        tpu.vector_store_idx %arg16[%add3A_636, %add3A_784], %mul3A_785 : memref<80x8xf32, #tpu.memory_space<vmem>>[vector<16xi32>, vector<16xi32>], vector<16xf32>,
        %add3A_786 = arith.constant 5 : i32
        %add3A_787 = vector.broadcast %add3A_786 : i32 to vector<16xi32>
        %add3A_788 = arith.addi %broadcast_in_dim3A_772, %add3A_787 : vector<16xi32>
        %mul3A_789 = arith.mulf %sub3A_650, %mul3A_770 : vector<16xf32>
        tpu.vector_store_idx %arg16[%add3A_636, %add3A_788], %mul3A_789 : memref<80x8xf32, #tpu.memory_space<vmem>>[vector<16xi32>, vector<16xi32>], vector<16xf32>,
        %add3A_790 = arith.constant 6 : i32
        %add3A_791 = vector.broadcast %add3A_790 : i32 to vector<16xi32>
        %add3A_792 = arith.addi %broadcast_in_dim3A_772, %add3A_791 : vector<16xi32>
        %mul3A_793 = arith.mulf %sub3A_659, %mul3A_770 : vector<16xf32>
        tpu.vector_store_idx %arg16[%add3A_636, %add3A_792], %mul3A_793 : memref<80x8xf32, #tpu.memory_space<vmem>>[vector<16xi32>, vector<16xi32>], vector<16xf32>,
        %add3A_794 = arith.constant 64 : i32
        %add3A_795 = vector.broadcast %add3A_794 : i32 to vector<16xi32>
        %add3A_796 = arith.addi %add3A_795, %iota3A : vector<16xi32>
        %broadcast_in_dim3A_797 = arith.constant 256 : i32
        %broadcast_in_dim3A_798 = vector.broadcast %broadcast_in_dim3A_797 : i32 to vector<16xi32>
        %gather3A_799 = tpu.vector_load_idx %arg12[%add3A_796, %broadcast_in_dim3A_798] : memref<80x272xf32, #tpu.memory_space<vmem>>[vector<16xi32>, vector<16xi32>], vector<16xf32>,
        %gather3A_800 = tpu.vector_load_idx %arg14[%add3A_796, %broadcast_in_dim3A_798] : memref<80x272xf32, #tpu.memory_space<vmem>>[vector<16xi32>, vector<16xi32>], vector<16xf32>,
        %sub3A_801 = arith.subf %gather3A_799, %gather3A_800 : vector<16xf32>
        %add3A_802 = arith.constant 1 : i32
        %add3A_803 = vector.broadcast %add3A_802 : i32 to vector<16xi32>
        %add3A_804 = arith.addi %broadcast_in_dim3A_798, %add3A_803 : vector<16xi32>
        %gather3A_805 = tpu.vector_load_idx %arg12[%add3A_796, %add3A_804] : memref<80x272xf32, #tpu.memory_space<vmem>>[vector<16xi32>, vector<16xi32>], vector<16xf32>,
        %add3A_806 = arith.constant 1 : i32
        %add3A_807 = vector.broadcast %add3A_806 : i32 to vector<16xi32>
        %add3A_808 = arith.addi %broadcast_in_dim3A_798, %add3A_807 : vector<16xi32>
        %gather3A_809 = tpu.vector_load_idx %arg14[%add3A_796, %add3A_808] : memref<80x272xf32, #tpu.memory_space<vmem>>[vector<16xi32>, vector<16xi32>], vector<16xf32>,
        %sub3A_810 = arith.subf %gather3A_805, %gather3A_809 : vector<16xf32>
        %add3A_811 = arith.constant 2 : i32
        %add3A_812 = vector.broadcast %add3A_811 : i32 to vector<16xi32>
        %add3A_813 = arith.addi %broadcast_in_dim3A_798, %add3A_812 : vector<16xi32>
        %gather3A_814 = tpu.vector_load_idx %arg12[%add3A_796, %add3A_813] : memref<80x272xf32, #tpu.memory_space<vmem>>[vector<16xi32>, vector<16xi32>], vector<16xf32>,
        %add3A_815 = arith.constant 2 : i32
        %add3A_816 = vector.broadcast %add3A_815 : i32 to vector<16xi32>
        %add3A_817 = arith.addi %broadcast_in_dim3A_798, %add3A_816 : vector<16xi32>
        %gather3A_818 = tpu.vector_load_idx %arg14[%add3A_796, %add3A_817] : memref<80x272xf32, #tpu.memory_space<vmem>>[vector<16xi32>, vector<16xi32>], vector<16xf32>,
        %sub3A_819 = arith.subf %gather3A_814, %gather3A_818 : vector<16xf32>
        %mul3A_820 = arith.mulf %sub3A_801, %sub3A_801 : vector<16xf32>
        %mul3A_821 = arith.mulf %sub3A_810, %sub3A_810 : vector<16xf32>
        %add3A_822 = arith.addf %mul3A_820, %mul3A_821 : vector<16xf32>
        %mul3A_823 = arith.mulf %sub3A_819, %sub3A_819 : vector<16xf32>
        %add3A_824 = arith.addf %add3A_822, %mul3A_823 : vector<16xf32>
        %max3A_825 = arith.constant 1.000000e-30 : f32
        %max3A_826 = vector.broadcast %max3A_825 : f32 to vector<16xf32>
        %max3A_827 = arith.maximumf %add3A_824, %max3A_826 : vector<16xf32>
        %bitcast3A_828 = vector.bitcast %max3A_827 : vector<16xf32> to vector<16xi32>
        %shift_right_arithmetic3A_829 = arith.constant 1 : i32
        %shift_right_arithmetic3A_830 = vector.broadcast %shift_right_arithmetic3A_829 : i32 to vector<16xi32>
        %shift_right_arithmetic3A_831 = arith.shrsi %bitcast3A_828, %shift_right_arithmetic3A_830 : vector<16xi32>
        %sub3A_832 = arith.constant 1597463007 : i32
        %sub3A_833 = vector.broadcast %sub3A_832 : i32 to vector<16xi32>
        %sub3A_834 = arith.subi %sub3A_833, %shift_right_arithmetic3A_831 : vector<16xi32>
        %bitcast3A_835 = vector.bitcast %sub3A_834 : vector<16xi32> to vector<16xf32>
        %mul3A_836 = arith.constant 5.000000e-01 : f32
        %mul3A_837 = vector.broadcast %mul3A_836 : f32 to vector<16xf32>
        %mul3A_838 = arith.mulf %mul3A_837, %max3A_827 : vector<16xf32>
        %mul3A_839 = arith.mulf %mul3A_838, %bitcast3A_835 : vector<16xf32>
        %mul3A_840 = arith.mulf %mul3A_839, %bitcast3A_835 : vector<16xf32>
        %sub3A_841 = arith.constant 1.500000e+00 : f32
        %sub3A_842 = vector.broadcast %sub3A_841 : f32 to vector<16xf32>
        %sub3A_843 = arith.subf %sub3A_842, %mul3A_840 : vector<16xf32>
        %mul3A_844 = arith.mulf %bitcast3A_835, %sub3A_843 : vector<16xf32>
        %mul3A_845 = arith.constant 5.000000e-01 : f32
        %mul3A_846 = vector.broadcast %mul3A_845 : f32 to vector<16xf32>
        %mul3A_847 = arith.mulf %mul3A_846, %max3A_827 : vector<16xf32>
        %mul3A_848 = arith.mulf %mul3A_847, %mul3A_844 : vector<16xf32>
        %mul3A_849 = arith.mulf %mul3A_848, %mul3A_844 : vector<16xf32>
        %sub3A_850 = arith.constant 1.500000e+00 : f32
        %sub3A_851 = vector.broadcast %sub3A_850 : f32 to vector<16xf32>
        %sub3A_852 = arith.subf %sub3A_851, %mul3A_849 : vector<16xf32>
        %mul3A_853 = arith.mulf %mul3A_844, %sub3A_852 : vector<16xf32>
        %mul3A_854 = arith.constant 5.000000e-01 : f32
        %mul3A_855 = vector.broadcast %mul3A_854 : f32 to vector<16xf32>
        %mul3A_856 = arith.mulf %mul3A_855, %max3A_827 : vector<16xf32>
        %mul3A_857 = arith.mulf %mul3A_856, %mul3A_853 : vector<16xf32>
        %mul3A_858 = arith.mulf %mul3A_857, %mul3A_853 : vector<16xf32>
        %sub3A_859 = arith.constant 1.500000e+00 : f32
        %sub3A_860 = vector.broadcast %sub3A_859 : f32 to vector<16xf32>
        %sub3A_861 = arith.subf %sub3A_860, %mul3A_858 : vector<16xf32>
        %mul3A_862 = arith.mulf %mul3A_853, %sub3A_861 : vector<16xf32>
        %mul3A_863 = arith.constant 5.000000e-01 : f32
        %mul3A_864 = vector.broadcast %mul3A_863 : f32 to vector<16xf32>
        %mul3A_865 = arith.mulf %mul3A_864, %max3A_827 : vector<16xf32>
        %mul3A_866 = arith.mulf %mul3A_865, %mul3A_862 : vector<16xf32>
        %mul3A_867 = arith.mulf %mul3A_866, %mul3A_862 : vector<16xf32>
        %sub3A_868 = arith.constant 1.500000e+00 : f32
        %sub3A_869 = vector.broadcast %sub3A_868 : f32 to vector<16xf32>
        %sub3A_870 = arith.subf %sub3A_869, %mul3A_867 : vector<16xf32>
        %mul3A_871 = arith.mulf %mul3A_862, %sub3A_870 : vector<16xf32>
        %mul3A_872 = arith.mulf %add3A_824, %mul3A_871 : vector<16xf32>
        %broadcast_in_dim3A_873 = arith.constant 0.000000e+00 : f32
        %broadcast_in_dim3A_874 = vector.broadcast %broadcast_in_dim3A_873 : f32 to vector<16xf32>
        %scan3A_875 = arith.constant 0 : i32
        %scan3A_876 = arith.constant 128 : i32
        %scan3A_877 = arith.addi %scan3A_875, %scan3A_876 : i32
        %scan3A_878 = arith.constant 1 : i32
        %scan3A_879 = scf.for %scan3A_967 = %scan3A_875 to %scan3A_877 step %scan3A_878 iter_args(%scan3A_968 = %broadcast_in_dim3A_874) -> (vector<16xf32>)  : i32 {
          %broadcast_in_dim3A_969 = vector.broadcast %scan3A_967 : i32 to vector<16xi32>
          %gather3A_970 = tpu.vector_load_idx %arg12[%add3A_796, %broadcast_in_dim3A_969] : memref<80x272xf32, #tpu.memory_space<vmem>>[vector<16xi32>, vector<16xi32>], vector<16xf32>,
          %gather3A_971 = tpu.vector_load_idx %arg14[%add3A_796, %broadcast_in_dim3A_969] : memref<80x272xf32, #tpu.memory_space<vmem>>[vector<16xi32>, vector<16xi32>], vector<16xf32>,
          %gather3A_972 = tpu.vector_load_idx %arg17[%broadcast_in_dim3A_969, %iota3A] : memref<520x16xf32, #tpu.memory_space<vmem>>[vector<16xi32>, vector<16xi32>], vector<16xf32>,
          %add3A_973 = arith.constant 256 : i32
          %add3A_974 = vector.broadcast %add3A_973 : i32 to vector<16xi32>
          %add3A_975 = arith.addi %broadcast_in_dim3A_969, %add3A_974 : vector<16xi32>
          %gather3A_976 = tpu.vector_load_idx %arg17[%add3A_975, %iota3A] : memref<520x16xf32, #tpu.memory_space<vmem>>[vector<16xi32>, vector<16xi32>], vector<16xf32>,
          %add3A_977 = arith.addf %gather3A_970, %gather3A_971 : vector<16xf32>
          %mul3A_978 = arith.mulf %mul3A_872, %gather3A_972 : vector<16xf32>
          %add3A_979 = arith.addf %add3A_977, %mul3A_978 : vector<16xf32>
          %neg3A = arith.constant 0.000000e+00 : f32
          %neg3A_980 = vector.broadcast %neg3A : f32 to vector<16xf32>
          %neg3A_981 = arith.subf %neg3A_980, %add3A_979 : vector<16xf32>
          %exp3A = math.exp %neg3A_981 : vector<16xf32>
          %add3A_982 = arith.constant 1.000000e+00 : f32
          %add3A_983 = vector.broadcast %add3A_982 : f32 to vector<16xf32>
          %add3A_984 = arith.addf %add3A_983, %exp3A : vector<16xf32>
          %div3A_985 = arith.divf %add3A_979, %add3A_984 : vector<16xf32>
          %mul3A_986 = arith.mulf %div3A_985, %gather3A_976 : vector<16xf32>
          %add3A_987 = arith.addf %scan3A_968, %mul3A_986 : vector<16xf32>
          scf.yield %add3A_987 : vector<16xf32>
        }
        %scan3A_880 = arith.constant 128 : i32
        %add3A_881 = arith.addf %scan3A_879, %gather3A : vector<16xf32>
        %broadcast_in_dim3A_882 = arith.constant 0.000000e+00 : f32
        %broadcast_in_dim3A_883 = vector.broadcast %broadcast_in_dim3A_882 : f32 to vector<16xf32>
        %scan3A_884 = arith.constant 128 : i32
        %scan3A_885 = arith.constant 128 : i32
        %scan3A_886 = arith.addi %scan3A_884, %scan3A_885 : i32
        %scan3A_887 = arith.constant 1 : i32
        %scan3A_888 = scf.for %scan3A_967 = %scan3A_884 to %scan3A_886 step %scan3A_887 iter_args(%scan3A_968 = %broadcast_in_dim3A_883) -> (vector<16xf32>)  : i32 {
          %broadcast_in_dim3A_969 = vector.broadcast %scan3A_967 : i32 to vector<16xi32>
          %gather3A_970 = tpu.vector_load_idx %arg12[%add3A_796, %broadcast_in_dim3A_969] : memref<80x272xf32, #tpu.memory_space<vmem>>[vector<16xi32>, vector<16xi32>], vector<16xf32>,
          %gather3A_971 = tpu.vector_load_idx %arg14[%add3A_796, %broadcast_in_dim3A_969] : memref<80x272xf32, #tpu.memory_space<vmem>>[vector<16xi32>, vector<16xi32>], vector<16xf32>,
          %gather3A_972 = tpu.vector_load_idx %arg17[%broadcast_in_dim3A_969, %iota3A] : memref<520x16xf32, #tpu.memory_space<vmem>>[vector<16xi32>, vector<16xi32>], vector<16xf32>,
          %add3A_973 = arith.constant 256 : i32
          %add3A_974 = vector.broadcast %add3A_973 : i32 to vector<16xi32>
          %add3A_975 = arith.addi %broadcast_in_dim3A_969, %add3A_974 : vector<16xi32>
          %gather3A_976 = tpu.vector_load_idx %arg17[%add3A_975, %iota3A] : memref<520x16xf32, #tpu.memory_space<vmem>>[vector<16xi32>, vector<16xi32>], vector<16xf32>,
          %add3A_977 = arith.addf %gather3A_970, %gather3A_971 : vector<16xf32>
          %mul3A_978 = arith.mulf %mul3A_872, %gather3A_972 : vector<16xf32>
          %add3A_979 = arith.addf %add3A_977, %mul3A_978 : vector<16xf32>
          %neg3A = arith.constant 0.000000e+00 : f32
          %neg3A_980 = vector.broadcast %neg3A : f32 to vector<16xf32>
          %neg3A_981 = arith.subf %neg3A_980, %add3A_979 : vector<16xf32>
          %exp3A = math.exp %neg3A_981 : vector<16xf32>
          %add3A_982 = arith.constant 1.000000e+00 : f32
          %add3A_983 = vector.broadcast %add3A_982 : f32 to vector<16xf32>
          %add3A_984 = arith.addf %add3A_983, %exp3A : vector<16xf32>
          %div3A_985 = arith.divf %add3A_979, %add3A_984 : vector<16xf32>
          %mul3A_986 = arith.mulf %div3A_985, %gather3A_976 : vector<16xf32>
          %add3A_987 = arith.addf %scan3A_968, %mul3A_986 : vector<16xf32>
          scf.yield %add3A_987 : vector<16xf32>
        }
        %scan3A_889 = arith.constant 128 : i32
        %add3A_890 = arith.addf %scan3A_888, %gather3A_160 : vector<16xf32>
        %mul3A_891 = arith.constant 0.222222224 : f32
        %mul3A_892 = vector.broadcast %mul3A_891 : f32 to vector<16xf32>
        %mul3A_893 = arith.mulf %mul3A_872, %mul3A_892 : vector<16xf32>
        %jit3A_894 = arith.constant 0.000000e+00 : f32
        %jit3A_895 = arith.constant 1.000000e+00 : f32
        %max3A_896 = vector.broadcast %jit3A_894 : f32 to vector<16xf32>
        %max3A_897 = arith.maximumf %max3A_896, %mul3A_893 : vector<16xf32>
        %min3A_898 = vector.broadcast %jit3A_895 : f32 to vector<16xf32>
        %min3A_899 = arith.minimumf %min3A_898, %max3A_897 : vector<16xf32>
        %mul3A_900 = arith.mulf %min3A_899, %min3A_899 : vector<16xf32>
        %mul3A_901 = arith.mulf %mul3A_900, %mul3A_900 : vector<16xf32>
        %mul3A_902 = arith.mulf %mul3A_901, %min3A_899 : vector<16xf32>
        %mul3A_903 = arith.constant 2.100000e+01 : f32
        %mul3A_904 = vector.broadcast %mul3A_903 : f32 to vector<16xf32>
        %mul3A_905 = arith.mulf %mul3A_904, %mul3A_902 : vector<16xf32>
        %sub3A_906 = arith.constant 1.000000e+00 : f32
        %sub3A_907 = vector.broadcast %sub3A_906 : f32 to vector<16xf32>
        %sub3A_908 = arith.subf %sub3A_907, %mul3A_905 : vector<16xf32>
        %mul3A_909 = arith.constant 3.500000e+01 : f32
        %mul3A_910 = vector.broadcast %mul3A_909 : f32 to vector<16xf32>
        %mul3A_911 = arith.mulf %mul3A_910, %mul3A_902 : vector<16xf32>
        %mul3A_912 = arith.mulf %mul3A_911, %min3A_899 : vector<16xf32>
        %add3A_913 = arith.addf %sub3A_908, %mul3A_912 : vector<16xf32>
        %mul3A_914 = arith.constant 1.500000e+01 : f32
        %mul3A_915 = vector.broadcast %mul3A_914 : f32 to vector<16xf32>
        %mul3A_916 = arith.mulf %mul3A_915, %mul3A_902 : vector<16xf32>
        %mul3A_917 = arith.mulf %mul3A_916, %mul3A_900 : vector<16xf32>
        %sub3A_918 = arith.subf %add3A_913, %mul3A_917 : vector<16xf32>
        %jit3A_919 = arith.constant 0.000000e+00 : f32
        %jit3A_920 = arith.constant 1.000000e+00 : f32
        %max3A_921 = vector.broadcast %jit3A_919 : f32 to vector<16xf32>
        %max3A_922 = arith.maximumf %max3A_921, %sub3A_918 : vector<16xf32>
        %min3A_923 = vector.broadcast %jit3A_920 : f32 to vector<16xf32>
        %min3A_924 = arith.minimumf %min3A_923, %max3A_922 : vector<16xf32>
        %add3A_925 = arith.constant 9.99999993E-9 : f32
        %add3A_926 = vector.broadcast %add3A_925 : f32 to vector<16xf32>
        %add3A_927 = arith.addf %mul3A_872, %add3A_926 : vector<16xf32>
        %div3A_928 = arith.divf %min3A_924, %add3A_927 : vector<16xf32>
        %mul3A_929 = arith.mulf %div3A_928, %add3A_881 : vector<16xf32>
        %mul3A_930 = arith.mulf %div3A_928, %add3A_890 : vector<16xf32>
        %broadcast_in_dim3A_931 = arith.constant 0 : i32
        %broadcast_in_dim3A_932 = vector.broadcast %broadcast_in_dim3A_931 : i32 to vector<16xi32>
        %mul3A_933 = arith.mulf %sub3A_801, %mul3A_929 : vector<16xf32>
        tpu.vector_store_idx %arg16[%add3A_796, %broadcast_in_dim3A_932], %mul3A_933 : memref<80x8xf32, #tpu.memory_space<vmem>>[vector<16xi32>, vector<16xi32>], vector<16xf32>,
        %add3A_934 = arith.constant 1 : i32
        %add3A_935 = vector.broadcast %add3A_934 : i32 to vector<16xi32>
        %add3A_936 = arith.addi %broadcast_in_dim3A_932, %add3A_935 : vector<16xi32>
        %mul3A_937 = arith.mulf %sub3A_810, %mul3A_929 : vector<16xf32>
        tpu.vector_store_idx %arg16[%add3A_796, %add3A_936], %mul3A_937 : memref<80x8xf32, #tpu.memory_space<vmem>>[vector<16xi32>, vector<16xi32>], vector<16xf32>,
        %add3A_938 = arith.constant 2 : i32
        %add3A_939 = vector.broadcast %add3A_938 : i32 to vector<16xi32>
        %add3A_940 = arith.addi %broadcast_in_dim3A_932, %add3A_939 : vector<16xi32>
        %mul3A_941 = arith.mulf %sub3A_819, %mul3A_929 : vector<16xf32>
        tpu.vector_store_idx %arg16[%add3A_796, %add3A_940], %mul3A_941 : memref<80x8xf32, #tpu.memory_space<vmem>>[vector<16xi32>, vector<16xi32>], vector<16xf32>,
        %add3A_942 = arith.constant 4 : i32
        %add3A_943 = vector.broadcast %add3A_942 : i32 to vector<16xi32>
        %add3A_944 = arith.addi %broadcast_in_dim3A_932, %add3A_943 : vector<16xi32>
        %mul3A_945 = arith.mulf %sub3A_801, %mul3A_930 : vector<16xf32>
        tpu.vector_store_idx %arg16[%add3A_796, %add3A_944], %mul3A_945 : memref<80x8xf32, #tpu.memory_space<vmem>>[vector<16xi32>, vector<16xi32>], vector<16xf32>,
        %add3A_946 = arith.constant 5 : i32
        %add3A_947 = vector.broadcast %add3A_946 : i32 to vector<16xi32>
        %add3A_948 = arith.addi %broadcast_in_dim3A_932, %add3A_947 : vector<16xi32>
        %mul3A_949 = arith.mulf %sub3A_810, %mul3A_930 : vector<16xf32>
        tpu.vector_store_idx %arg16[%add3A_796, %add3A_948], %mul3A_949 : memref<80x8xf32, #tpu.memory_space<vmem>>[vector<16xi32>, vector<16xi32>], vector<16xf32>,
        %add3A_950 = arith.constant 6 : i32
        %add3A_951 = vector.broadcast %add3A_950 : i32 to vector<16xi32>
        %add3A_952 = arith.addi %broadcast_in_dim3A_932, %add3A_951 : vector<16xi32>
        %mul3A_953 = arith.mulf %sub3A_819, %mul3A_930 : vector<16xf32>
        tpu.vector_store_idx %arg16[%add3A_796, %add3A_952], %mul3A_953 : memref<80x8xf32, #tpu.memory_space<vmem>>[vector<16xi32>, vector<16xi32>], vector<16xf32>,
        %dma_start3A_954 = arith.constant 0 : i32
        %dma_start3A_955 = tpu.memref_slice %arg10[%add3A_134, %dma_start3A_954] : memref<125x80xi32, #tpu.memory_space<vmem>> -> memref<1x80xi32, #tpu.memory_space<vmem>>
        %dma_start3A_956 = tpu.memref_squeeze %dma_start3A_955 : memref<1x80xi32, #tpu.memory_space<vmem>> -> memref<80xi32, #tpu.memory_space<vmem>>
        %dma_start3A_957 = arith.constant 0 : i32
        %dma_start3A_958 = arith.constant 0 : i32
        %dma_start3A_959 = tpu.memref_slice %arg18[%dma_start3A_957, %dma_start3A_958] : memref<10000x8xf32, #tpu.memory_space<vmem_shared>> -> memref<10000x8xf32, #tpu.memory_space<vmem_shared>>
        tpu.enqueue_indirect_dma source(%arg16 : memref<80x8xf32, #tpu.memory_space<vmem>>) target(%dma_start3A_959 : memref<10000x8xf32, #tpu.memory_space<vmem_shared>>) offsets(%dma_start3A_956 : memref<80xi32, #tpu.memory_space<vmem>>) semaphore(%arg24 : memref<!tpu.dma_semaphore, #tpu.memory_space<semaphore_mem>>) {add = true}
        %add3A_960 = arith.constant 2 : i32
        %add3A_961 = arith.addi %add3A_134, %add3A_960 : i32
        %lt3A_962 = arith.constant 125 : i32
        %lt3A_963 = arith.cmpi slt, %add3A_961, %lt3A_962 : i32
        %convert_element_type3A_964 = arith.extui %lt3A_963 : i1 to i32
        %cond3A_965 = arith.constant 0 : i32
        %cond3A_966 = arith.cmpi ne, %convert_element_type3A_964, %cond3A_965 : i32
        scf.if %cond3A_966 {
          %add3A_967 = arith.constant 2 : i32
          %add3A_968 = arith.addi %add3A_134, %add3A_967 : i32
          %dma_start3A_969 = arith.constant 0 : i32
          %dma_start3A_970 = tpu.memref_slice %arg9[%add3A_968, %dma_start3A_969] : memref<125x80xi32, #tpu.memory_space<vmem>> -> memref<1x80xi32, #tpu.memory_space<vmem>>
          %dma_start3A_971 = tpu.memref_squeeze %dma_start3A_970 : memref<1x80xi32, #tpu.memory_space<vmem>> -> memref<80xi32, #tpu.memory_space<vmem>>
          %dma_start3A_972 = arith.constant 0 : i32
          %dma_start3A_973 = arith.constant 0 : i32
          %dma_start3A_974 = tpu.memref_slice %arg2[%dma_start3A_972, %dma_start3A_973] : memref<10000x272xf32, #tpu.memory_space<hbm>> -> memref<10000x272xf32, #tpu.memory_space<hbm>>
          tpu.enqueue_indirect_dma source(%dma_start3A_974 : memref<10000x272xf32, #tpu.memory_space<hbm>>) target(%arg12 : memref<80x272xf32, #tpu.memory_space<vmem>>) offsets(%dma_start3A_971 : memref<80xi32, #tpu.memory_space<vmem>>) semaphore(%arg20 : memref<!tpu.dma_semaphore, #tpu.memory_space<semaphore_mem>>)
          %dma_start3A_975 = arith.constant 0 : i32
          %dma_start3A_976 = tpu.memref_slice %arg10[%add3A_968, %dma_start3A_975] : memref<125x80xi32, #tpu.memory_space<vmem>> -> memref<1x80xi32, #tpu.memory_space<vmem>>
          %dma_start3A_977 = tpu.memref_squeeze %dma_start3A_976 : memref<1x80xi32, #tpu.memory_space<vmem>> -> memref<80xi32, #tpu.memory_space<vmem>>
          %dma_start3A_978 = arith.constant 0 : i32
          %dma_start3A_979 = arith.constant 0 : i32
          %dma_start3A_980 = tpu.memref_slice %arg3[%dma_start3A_978, %dma_start3A_979] : memref<10000x272xf32, #tpu.memory_space<hbm>> -> memref<10000x272xf32, #tpu.memory_space<hbm>>
          tpu.enqueue_indirect_dma source(%dma_start3A_980 : memref<10000x272xf32, #tpu.memory_space<hbm>>) target(%arg14 : memref<80x272xf32, #tpu.memory_space<vmem>>) offsets(%dma_start3A_977 : memref<80xi32, #tpu.memory_space<vmem>>) semaphore(%arg22 : memref<!tpu.dma_semaphore, #tpu.memory_space<semaphore_mem>>)
        } else {
        }
      } else {
      }
    }
    %scan3A_103 = arith.constant 63 : i32
    %dma_wait3A = arith.constant 124 : i32
    %dma_wait3A_104 = arith.constant 0 : i32
    %dma_wait3A_105 = tpu.memref_slice %arg10[%dma_wait3A, %dma_wait3A_104] : memref<125x80xi32, #tpu.memory_space<vmem>> -> memref<1x80xi32, #tpu.memory_space<vmem>>
    %dma_wait3A_106 = tpu.memref_squeeze %dma_wait3A_105 : memref<1x80xi32, #tpu.memory_space<vmem>> -> memref<80xi32, #tpu.memory_space<vmem>>
    %dma_wait3A_107 = arith.constant 0 : i32
    %dma_wait3A_108 = arith.constant 0 : i32
    %dma_wait3A_109 = tpu.memref_slice %arg18[%dma_wait3A_107, %dma_wait3A_108] : memref<10000x8xf32, #tpu.memory_space<vmem_shared>> -> memref<10000x8xf32, #tpu.memory_space<vmem_shared>>
    tpu.wait_indirect_dma semaphore(%arg23 : memref<!tpu.dma_semaphore, #tpu.memory_space<semaphore_mem>>) src(%arg15 : memref<80x8xf32, #tpu.memory_space<vmem>>) dst(%dma_wait3A_109 : memref<10000x8xf32, #tpu.memory_space<vmem_shared>>)
    %dma_wait3A_110 = arith.constant 123 : i32
    %dma_wait3A_111 = arith.constant 0 : i32
    %dma_wait3A_112 = tpu.memref_slice %arg10[%dma_wait3A_110, %dma_wait3A_111] : memref<125x80xi32, #tpu.memory_space<vmem>> -> memref<1x80xi32, #tpu.memory_space<vmem>>
    %dma_wait3A_113 = tpu.memref_squeeze %dma_wait3A_112 : memref<1x80xi32, #tpu.memory_space<vmem>> -> memref<80xi32, #tpu.memory_space<vmem>>
    %dma_wait3A_114 = arith.constant 0 : i32
    %dma_wait3A_115 = arith.constant 0 : i32
    %dma_wait3A_116 = tpu.memref_slice %arg18[%dma_wait3A_114, %dma_wait3A_115] : memref<10000x8xf32, #tpu.memory_space<vmem_shared>> -> memref<10000x8xf32, #tpu.memory_space<vmem_shared>>
    tpu.wait_indirect_dma semaphore(%arg24 : memref<!tpu.dma_semaphore, #tpu.memory_space<semaphore_mem>>) src(%arg16 : memref<80x8xf32, #tpu.memory_space<vmem>>) dst(%dma_wait3A_116 : memref<10000x8xf32, #tpu.memory_space<vmem_shared>>)
    %barrier3A_117 = arith.constant 0 : index
    tpu.barrier barrier_id(%barrier3A_117)
    %eq3A_118 = arith.constant 0 : i32
    %eq3A_119 = arith.cmpi eq, %arg1, %eq3A_118 : i32
    %convert_element_type3A_120 = arith.extui %eq3A_119 : i1 to i32
    %cond3A_121 = arith.constant 0 : i32
    %cond3A_122 = arith.cmpi ne, %convert_element_type3A_120, %cond3A_121 : i32
    scf.if %cond3A_122 {
      "tpu.region"() ({
        %run_scoped3A = tpu.sem_alloc : memref<!tpu.dma_semaphore, #tpu.memory_space<semaphore_mem>>
        %dma_start3A_123 = arith.constant 0 : i32
        %dma_start3A_124 = arith.constant 0 : i32
        %dma_start3A_125 = tpu.memref_slice %arg8[%arg0, %dma_start3A_123, %dma_start3A_124] : memref<2x10000x8xf32, #tpu.memory_space<hbm>> -> memref<1x10000x8xf32, #tpu.memory_space<hbm>>
        %dma_start3A_126 = tpu.memref_squeeze %dma_start3A_125 : memref<1x10000x8xf32, #tpu.memory_space<hbm>> -> memref<10000x8xf32, #tpu.memory_space<hbm>>
        tpu.enqueue_dma source(%arg18 : memref<10000x8xf32, #tpu.memory_space<vmem_shared>>) target(%dma_start3A_126 : memref<10000x8xf32, #tpu.memory_space<hbm>>) target_semaphore(%run_scoped3A : memref<!tpu.dma_semaphore, #tpu.memory_space<semaphore_mem>>)
        %dma_wait3A_127 = arith.constant 0 : i32
        %dma_wait3A_128 = arith.constant 0 : i32
        %dma_wait3A_129 = tpu.memref_slice %arg8[%arg0, %dma_wait3A_127, %dma_wait3A_128] : memref<2x10000x8xf32, #tpu.memory_space<hbm>> -> memref<1x10000x8xf32, #tpu.memory_space<hbm>>
        %dma_wait3A_130 = tpu.memref_squeeze %dma_wait3A_129 : memref<1x10000x8xf32, #tpu.memory_space<hbm>> -> memref<10000x8xf32, #tpu.memory_space<hbm>>
        tpu.wait_dma2 semaphore(%run_scoped3A : memref<!tpu.dma_semaphore, #tpu.memory_space<semaphore_mem>>) src(%arg18 : memref<10000x8xf32, #tpu.memory_space<vmem_shared>>) dst(%dma_wait3A_130 : memref<10000x8xf32, #tpu.memory_space<hbm>>)
        tpu.yield
      }) : () -> ()
    } else {
    }
    return
  }
}

module attributes {stable_mosaic.version = 14 : i64} {
  func.func @_prep_body(%arg0: i32, %arg1: memref<1000x128xf32, #tpu.memory_space<vmem>>, %arg2: memref<128x512xf32, #tpu.memory_space<vmem>>, %arg3: memref<1x512xf32, #tpu.memory_space<vmem>>, %arg4: memref<1000x512xf32, #tpu.memory_space<vmem>>) attributes {dimension_semantics = [#tpu.dimension_semantics<arbitrary>], iteration_bounds = array<i64: 10>, scalar_prefetch = 0 : i64, scratch_operands = 0 : i64, tpu.core_type = #tpu.core_type<tc>, window_params = [{transform_indices = @transform_0, window_bounds = array<i64: 1000, 128>}, {pipeline_mode = #tpu.pipeline_mode<synchronous>, transform_indices = @transform_1, window_bounds = array<i64: 128, 512>}, {pipeline_mode = #tpu.pipeline_mode<synchronous>, transform_indices = @transform_2, window_bounds = array<i64: 1, 512>}, {transform_indices = @transform_3, window_bounds = array<i64: 1000, 512>}]} {
    %get3A = arith.constant 0 : index
    %get3A_0 = arith.constant 0 : index
    %get3A_1 = vector.load %arg1[%get3A, %get3A_0] : memref<1000x128xf32, #tpu.memory_space<vmem>>, vector<1000x128xf32>
    %get3A_2 = arith.constant 0 : index
    %get3A_3 = arith.constant 0 : index
    %get3A_4 = vector.load %arg2[%get3A_2, %get3A_3] : memref<128x512xf32, #tpu.memory_space<vmem>>, vector<128x512xf32>
    %dot_general3A = arith.constant dense<0.000000e+00> : vector<1000x512xf32>
    %dot_general3A_5 = tpu.matmul %get3A_1, %get3A_4, %dot_general3A {dimension_numbers = #tpu.dot_dimension_numbers<[1], [0], [0], [1], [0, 0, 1, 1], [], []>, transpose_lhs_hint = false} : vector<1000x128xf32>, vector<128x512xf32>, vector<1000x512xf32> -> vector<1000x512xf32>
    %get3A_6 = arith.constant 0 : index
    %get3A_7 = arith.constant 0 : index
    %get3A_8 = vector.load %arg3[%get3A_6, %get3A_7] : memref<1x512xf32, #tpu.memory_space<vmem>>, vector<1x512xf32>
    %add3A = vector.broadcast %get3A_8 : vector<1x512xf32> to vector<1000x512xf32>
    %add3A_9 = arith.addf %dot_general3A_5, %add3A : vector<1000x512xf32>
    %swap3A = arith.constant 0 : index
    %swap3A_10 = arith.constant 0 : index
    %swap3A_11 = vector.load %arg4[%swap3A, %swap3A_10] : memref<1000x512xf32, #tpu.memory_space<vmem>>, vector<1000x512xf32>
    tpu.vector_store %arg4[%swap3A, %swap3A_10], %add3A_9 {strides = array<i32>} : memref<1000x512xf32, #tpu.memory_space<vmem>>, vector<1000x512xf32>,
    return
  }
  func.func @transform_0(%arg0: i32) -> (i32, i32) {
    %c0_i32 = arith.constant 0 : i32
    %c0_i32_0 = arith.constant 0 : i32
    return %arg0, %c0_i32 : i32, i32
  }
  func.func @transform_1(%arg0: i32) -> (i32, i32) {
    %c0_i32 = arith.constant 0 : i32
    %c0_i32_0 = arith.constant 0 : i32
    %c0_i32_1 = arith.constant 0 : i32
    return %c0_i32, %c0_i32_0 : i32, i32
  }
  func.func @transform_2(%arg0: i32) -> (i32, i32) {
    %c0_i32 = arith.constant 0 : i32
    %c0_i32_0 = arith.constant 0 : i32
    %c0_i32_1 = arith.constant 0 : i32
    return %c0_i32, %c0_i32_0 : i32, i32
  }
  func.func @transform_3(%arg0: i32) -> (i32, i32) {
    %c0_i32 = arith.constant 0 : i32
    %c0_i32_0 = arith.constant 0 : i32
    return %arg0, %c0_i32 : i32, i32
  }
}

module attributes {stable_mosaic.version = 14 : i64} {
  func.func @_finish_body(%arg0: memref<16x10000xf32, #tpu.memory_space<vmem>>, %arg1: memref<8x10000xf32, #tpu.memory_space<vmem>>, %arg2: memref<9x10000xf32, #tpu.memory_space<vmem>>) attributes {dimension_semantics = [], scalar_prefetch = 0 : i64, scratch_operands = 0 : i64, tpu.core_type = #tpu.core_type<tc>} {
    %get3A = arith.constant 0 : index
    %get3A_0 = arith.constant 0 : index
    %get3A_1 = vector.load %arg0[%get3A, %get3A_0] : memref<16x10000xf32, #tpu.memory_space<vmem>>, vector<16x10000xf32>
    %slice3A = vector.extract_strided_slice %get3A_1 {offsets = [0, 0], sizes = [8, 10000], strides = [1, 1]} : vector<16x10000xf32> to vector<8x10000xf32>
    %slice3A_2 = vector.extract_strided_slice %get3A_1 {offsets = [8, 0], sizes = [8, 10000], strides = [1, 1]} : vector<16x10000xf32> to vector<8x10000xf32>
    %add3A = arith.addf %slice3A, %slice3A_2 : vector<8x10000xf32>
    %slice3A_3 = vector.extract_strided_slice %add3A {offsets = [0, 0], sizes = [3, 10000], strides = [1, 1]} : vector<8x10000xf32> to vector<3x10000xf32>
    %slice3A_4 = vector.extract_strided_slice %add3A {offsets = [4, 0], sizes = [3, 10000], strides = [1, 1]} : vector<8x10000xf32> to vector<3x10000xf32>
    %get3A_5 = arith.constant 0 : index
    %get3A_6 = arith.constant 0 : index
    %get3A_7 = vector.load %arg1[%get3A_5, %get3A_6] : memref<8x10000xf32, #tpu.memory_space<vmem>>, vector<3x10000xf32>
    %mul3A = arith.mulf %get3A_7, %get3A_7 : vector<3x10000xf32>
    %reduce_sum3A = arith.constant dense<0.000000e+00> : vector<10000xf32>
    %reduce_sum3A_8 = vector.multi_reduction <add>, %mul3A, %reduce_sum3A [0] : vector<3x10000xf32> to vector<10000xf32>
    %broadcast_in_dim3A = vector.shape_cast %reduce_sum3A_8 : vector<10000xf32> to vector<1x10000xf32>
    %sqrt3A = math.sqrt %broadcast_in_dim3A : vector<1x10000xf32>
    %div3A = vector.broadcast %sqrt3A : vector<1x10000xf32> to vector<3x10000xf32>
    %div3A_9 = arith.divf %get3A_7, %div3A : vector<3x10000xf32>
    %mul3A_10 = arith.mulf %slice3A_3, %slice3A_3 : vector<3x10000xf32>
    %reduce_sum3A_11 = arith.constant dense<0.000000e+00> : vector<10000xf32>
    %reduce_sum3A_12 = vector.multi_reduction <add>, %mul3A_10, %reduce_sum3A_11 [0] : vector<3x10000xf32> to vector<10000xf32>
    %broadcast_in_dim3A_13 = vector.shape_cast %reduce_sum3A_12 : vector<10000xf32> to vector<1x10000xf32>
    %sqrt3A_14 = math.sqrt %broadcast_in_dim3A_13 : vector<1x10000xf32>
    %gt3A = arith.constant 9.99999997E-7 : f32
    %gt3A_15 = vector.broadcast %gt3A : f32 to vector<1x10000xf32>
    %gt3A_16 = arith.cmpf ogt, %sqrt3A_14, %gt3A_15 : vector<1x10000xf32>
    %add3A_17 = arith.constant 9.99999997E-7 : f32
    %add3A_18 = vector.broadcast %add3A_17 : f32 to vector<1x10000xf32>
    %add3A_19 = arith.addf %sqrt3A_14, %add3A_18 : vector<1x10000xf32>
    %div3A_20 = vector.broadcast %add3A_19 : vector<1x10000xf32> to vector<3x10000xf32>
    %div3A_21 = arith.divf %slice3A_3, %div3A_20 : vector<3x10000xf32>
    %broadcast_in_dim3A_22 = vector.shape_cast %gt3A_16 : vector<1x10000xi1> to vector<1x10000xi1>
    %broadcast_in_dim3A_23 = vector.broadcast %broadcast_in_dim3A_22 : vector<1x10000xi1> to vector<3x10000xi1>
    %select_n3A = arith.select %broadcast_in_dim3A_23, %div3A_21, %div3A_9 : vector<3x10000xi1>, vector<3x10000xf32>
    %mul3A_24 = arith.mulf %select_n3A, %slice3A_4 : vector<3x10000xf32>
    %reduce_sum3A_25 = arith.constant dense<0.000000e+00> : vector<10000xf32>
    %reduce_sum3A_26 = vector.multi_reduction <add>, %mul3A_24, %reduce_sum3A_25 [0] : vector<3x10000xf32> to vector<10000xf32>
    %broadcast_in_dim3A_27 = vector.shape_cast %reduce_sum3A_26 : vector<10000xf32> to vector<1x10000xf32>
    %mul3A_28 = vector.broadcast %broadcast_in_dim3A_27 : vector<1x10000xf32> to vector<3x10000xf32>
    %mul3A_29 = arith.mulf %mul3A_28, %select_n3A : vector<3x10000xf32>
    %sub3A = arith.subf %slice3A_4, %mul3A_29 : vector<3x10000xf32>
    %mul3A_30 = arith.mulf %sub3A, %sub3A : vector<3x10000xf32>
    %reduce_sum3A_31 = arith.constant dense<0.000000e+00> : vector<10000xf32>
    %reduce_sum3A_32 = vector.multi_reduction <add>, %mul3A_30, %reduce_sum3A_31 [0] : vector<3x10000xf32> to vector<10000xf32>
    %broadcast_in_dim3A_33 = vector.shape_cast %reduce_sum3A_32 : vector<10000xf32> to vector<1x10000xf32>
    %sqrt3A_34 = math.sqrt %broadcast_in_dim3A_33 : vector<1x10000xf32>
    %broadcast_in_dim3A_35 = arith.constant 0.000000e+00 : f32
    %broadcast_in_dim3A_36 = vector.broadcast %broadcast_in_dim3A_35 : f32 to vector<1x10000xf32>
    %slice3A_37 = vector.extract_strided_slice %select_n3A {offsets = [1, 0], sizes = [1, 10000], strides = [1, 1]} : vector<3x10000xf32> to vector<1x10000xf32>
    %neg3A = arith.constant 0.000000e+00 : f32
    %neg3A_38 = vector.broadcast %neg3A : f32 to vector<1x10000xf32>
    %neg3A_39 = arith.subf %neg3A_38, %slice3A_37 : vector<1x10000xf32>
    %slice3A_40 = vector.extract_strided_slice %select_n3A {offsets = [0, 0], sizes = [1, 10000], strides = [1, 1]} : vector<3x10000xf32> to vector<1x10000xf32>
    %concatenate3A = tpu.concatenate %neg3A_39, %slice3A_40, %broadcast_in_dim3A_36 in 0 : vector<1x10000xf32>, vector<1x10000xf32>, vector<1x10000xf32> -> vector<3x10000xf32>
    %mul3A_41 = arith.mulf %concatenate3A, %concatenate3A : vector<3x10000xf32>
    %reduce_sum3A_42 = arith.constant dense<0.000000e+00> : vector<10000xf32>
    %reduce_sum3A_43 = vector.multi_reduction <add>, %mul3A_41, %reduce_sum3A_42 [0] : vector<3x10000xf32> to vector<10000xf32>
    %broadcast_in_dim3A_44 = vector.shape_cast %reduce_sum3A_43 : vector<10000xf32> to vector<1x10000xf32>
    %sqrt3A_45 = math.sqrt %broadcast_in_dim3A_44 : vector<1x10000xf32>
    %add3A_46 = arith.constant 1.000000e+00 : f32
    %add3A_47 = vector.broadcast %add3A_46 : f32 to vector<1x10000xf32>
    %add3A_48 = arith.addf %broadcast_in_dim3A_36, %add3A_47 : vector<1x10000xf32>
    %concatenate3A_49 = tpu.concatenate %broadcast_in_dim3A_36, %broadcast_in_dim3A_36, %add3A_48 in 0 : vector<1x10000xf32>, vector<1x10000xf32>, vector<1x10000xf32> -> vector<3x10000xf32>
    %gt3A_50 = arith.constant 9.99999997E-7 : f32
    %gt3A_51 = vector.broadcast %gt3A_50 : f32 to vector<1x10000xf32>
    %gt3A_52 = arith.cmpf ogt, %sqrt3A_45, %gt3A_51 : vector<1x10000xf32>
    %add3A_53 = arith.constant 9.99999997E-7 : f32
    %add3A_54 = vector.broadcast %add3A_53 : f32 to vector<1x10000xf32>
    %add3A_55 = arith.addf %sqrt3A_45, %add3A_54 : vector<1x10000xf32>
    %div3A_56 = vector.broadcast %add3A_55 : vector<1x10000xf32> to vector<3x10000xf32>
    %div3A_57 = arith.divf %concatenate3A, %div3A_56 : vector<3x10000xf32>
    %broadcast_in_dim3A_58 = vector.shape_cast %gt3A_52 : vector<1x10000xi1> to vector<1x10000xi1>
    %broadcast_in_dim3A_59 = vector.broadcast %broadcast_in_dim3A_58 : vector<1x10000xi1> to vector<3x10000xi1>
    %select_n3A_60 = arith.select %broadcast_in_dim3A_59, %div3A_57, %concatenate3A_49 : vector<3x10000xi1>, vector<3x10000xf32>
    %gt3A_61 = arith.constant 9.99999997E-7 : f32
    %gt3A_62 = vector.broadcast %gt3A_61 : f32 to vector<1x10000xf32>
    %gt3A_63 = arith.cmpf ogt, %sqrt3A_34, %gt3A_62 : vector<1x10000xf32>
    %add3A_64 = arith.constant 9.99999997E-7 : f32
    %add3A_65 = vector.broadcast %add3A_64 : f32 to vector<1x10000xf32>
    %add3A_66 = arith.addf %sqrt3A_34, %add3A_65 : vector<1x10000xf32>
    %div3A_67 = vector.broadcast %add3A_66 : vector<1x10000xf32> to vector<3x10000xf32>
    %div3A_68 = arith.divf %sub3A, %div3A_67 : vector<3x10000xf32>
    %broadcast_in_dim3A_69 = vector.shape_cast %gt3A_63 : vector<1x10000xi1> to vector<1x10000xi1>
    %broadcast_in_dim3A_70 = vector.broadcast %broadcast_in_dim3A_69 : vector<1x10000xi1> to vector<3x10000xi1>
    %select_n3A_71 = arith.select %broadcast_in_dim3A_70, %div3A_68, %select_n3A_60 : vector<3x10000xi1>, vector<3x10000xf32>
    %slice3A_72 = vector.extract_strided_slice %select_n3A {offsets = [1, 0], sizes = [1, 10000], strides = [1, 1]} : vector<3x10000xf32> to vector<1x10000xf32>
    %slice3A_73 = vector.extract_strided_slice %select_n3A_71 {offsets = [2, 0], sizes = [1, 10000], strides = [1, 1]} : vector<3x10000xf32> to vector<1x10000xf32>
    %mul3A_74 = arith.mulf %slice3A_72, %slice3A_73 : vector<1x10000xf32>
    %slice3A_75 = vector.extract_strided_slice %select_n3A {offsets = [2, 0], sizes = [1, 10000], strides = [1, 1]} : vector<3x10000xf32> to vector<1x10000xf32>
    %slice3A_76 = vector.extract_strided_slice %select_n3A_71 {offsets = [1, 0], sizes = [1, 10000], strides = [1, 1]} : vector<3x10000xf32> to vector<1x10000xf32>
    %mul3A_77 = arith.mulf %slice3A_75, %slice3A_76 : vector<1x10000xf32>
    %sub3A_78 = arith.subf %mul3A_74, %mul3A_77 : vector<1x10000xf32>
    %slice3A_79 = vector.extract_strided_slice %select_n3A {offsets = [2, 0], sizes = [1, 10000], strides = [1, 1]} : vector<3x10000xf32> to vector<1x10000xf32>
    %slice3A_80 = vector.extract_strided_slice %select_n3A_71 {offsets = [0, 0], sizes = [1, 10000], strides = [1, 1]} : vector<3x10000xf32> to vector<1x10000xf32>
    %mul3A_81 = arith.mulf %slice3A_79, %slice3A_80 : vector<1x10000xf32>
    %slice3A_82 = vector.extract_strided_slice %select_n3A {offsets = [0, 0], sizes = [1, 10000], strides = [1, 1]} : vector<3x10000xf32> to vector<1x10000xf32>
    %slice3A_83 = vector.extract_strided_slice %select_n3A_71 {offsets = [2, 0], sizes = [1, 10000], strides = [1, 1]} : vector<3x10000xf32> to vector<1x10000xf32>
    %mul3A_84 = arith.mulf %slice3A_82, %slice3A_83 : vector<1x10000xf32>
    %sub3A_85 = arith.subf %mul3A_81, %mul3A_84 : vector<1x10000xf32>
    %slice3A_86 = vector.extract_strided_slice %select_n3A {offsets = [0, 0], sizes = [1, 10000], strides = [1, 1]} : vector<3x10000xf32> to vector<1x10000xf32>
    %slice3A_87 = vector.extract_strided_slice %select_n3A_71 {offsets = [1, 0], sizes = [1, 10000], strides = [1, 1]} : vector<3x10000xf32> to vector<1x10000xf32>
    %mul3A_88 = arith.mulf %slice3A_86, %slice3A_87 : vector<1x10000xf32>
    %slice3A_89 = vector.extract_strided_slice %select_n3A {offsets = [1, 0], sizes = [1, 10000], strides = [1, 1]} : vector<3x10000xf32> to vector<1x10000xf32>
    %slice3A_90 = vector.extract_strided_slice %select_n3A_71 {offsets = [0, 0], sizes = [1, 10000], strides = [1, 1]} : vector<3x10000xf32> to vector<1x10000xf32>
    %mul3A_91 = arith.mulf %slice3A_89, %slice3A_90 : vector<1x10000xf32>
    %sub3A_92 = arith.subf %mul3A_88, %mul3A_91 : vector<1x10000xf32>
    %concatenate3A_93 = tpu.concatenate %sub3A_78, %sub3A_85, %sub3A_92 in 0 : vector<1x10000xf32>, vector<1x10000xf32>, vector<1x10000xf32> -> vector<3x10000xf32>
    %mul3A_94 = arith.mulf %concatenate3A_93, %concatenate3A_93 : vector<3x10000xf32>
    %reduce_sum3A_95 = arith.constant dense<0.000000e+00> : vector<10000xf32>
    %reduce_sum3A_96 = vector.multi_reduction <add>, %mul3A_94, %reduce_sum3A_95 [0] : vector<3x10000xf32> to vector<10000xf32>
    %broadcast_in_dim3A_97 = vector.shape_cast %reduce_sum3A_96 : vector<10000xf32> to vector<1x10000xf32>
    %sqrt3A_98 = math.sqrt %broadcast_in_dim3A_97 : vector<1x10000xf32>
    %add3A_99 = arith.constant 9.99999997E-7 : f32
    %add3A_100 = vector.broadcast %add3A_99 : f32 to vector<1x10000xf32>
    %add3A_101 = arith.addf %sqrt3A_98, %add3A_100 : vector<1x10000xf32>
    %div3A_102 = vector.broadcast %add3A_101 : vector<1x10000xf32> to vector<3x10000xf32>
    %div3A_103 = arith.divf %concatenate3A_93, %div3A_102 : vector<3x10000xf32>
    %slice3A_104 = vector.extract_strided_slice %select_n3A {offsets = [0, 0], sizes = [1, 10000], strides = [1, 1]} : vector<3x10000xf32> to vector<1x10000xf32>
    %slice3A_105 = vector.extract_strided_slice %select_n3A_71 {offsets = [0, 0], sizes = [1, 10000], strides = [1, 1]} : vector<3x10000xf32> to vector<1x10000xf32>
    %slice3A_106 = vector.extract_strided_slice %div3A_103 {offsets = [0, 0], sizes = [1, 10000], strides = [1, 1]} : vector<3x10000xf32> to vector<1x10000xf32>
    %slice3A_107 = vector.extract_strided_slice %select_n3A {offsets = [1, 0], sizes = [1, 10000], strides = [1, 1]} : vector<3x10000xf32> to vector<1x10000xf32>
    %slice3A_108 = vector.extract_strided_slice %select_n3A_71 {offsets = [1, 0], sizes = [1, 10000], strides = [1, 1]} : vector<3x10000xf32> to vector<1x10000xf32>
    %slice3A_109 = vector.extract_strided_slice %div3A_103 {offsets = [1, 0], sizes = [1, 10000], strides = [1, 1]} : vector<3x10000xf32> to vector<1x10000xf32>
    %slice3A_110 = vector.extract_strided_slice %select_n3A {offsets = [2, 0], sizes = [1, 10000], strides = [1, 1]} : vector<3x10000xf32> to vector<1x10000xf32>
    %slice3A_111 = vector.extract_strided_slice %select_n3A_71 {offsets = [2, 0], sizes = [1, 10000], strides = [1, 1]} : vector<3x10000xf32> to vector<1x10000xf32>
    %slice3A_112 = vector.extract_strided_slice %div3A_103 {offsets = [2, 0], sizes = [1, 10000], strides = [1, 1]} : vector<3x10000xf32> to vector<1x10000xf32>
    %concatenate3A_113 = tpu.concatenate %slice3A_104, %slice3A_105, %slice3A_106, %slice3A_107, %slice3A_108, %slice3A_109, %slice3A_110, %slice3A_111, %slice3A_112 in 0 : vector<1x10000xf32>, vector<1x10000xf32>, vector<1x10000xf32>, vector<1x10000xf32>, vector<1x10000xf32>, vector<1x10000xf32>, vector<1x10000xf32>, vector<1x10000xf32>, vector<1x10000xf32> -> vector<9x10000xf32>
    %swap3A = arith.constant 0 : index
    %swap3A_114 = arith.constant 0 : index
    %swap3A_115 = vector.load %arg2[%swap3A, %swap3A_114] : memref<9x10000xf32, #tpu.memory_space<vmem>>, vector<9x10000xf32>
    tpu.vector_store %arg2[%swap3A, %swap3A_114], %concatenate3A_113 {strides = array<i32>} : memref<9x10000xf32, #tpu.memory_space<vmem>>, vector<9x10000xf32>,
    return
  }
}

</mosaic_0001>

<sc_bundles>
// kernel: kernel.5.cloned.1.call-start
scs
__scs_entry_jumppad:
0x0: {  	(pc) =	sbr.rel $0x88, $3  }
0x1: {  	(tag) =	ssettag $0x0;
	lr =	simm.s32 $0x1  }
0x2: {  	[smem:$0x3F96] =	sst lr;
	_ =	strace $0xD0000000  }
0x3: {  	_ = 	snop  }
0x4: {  	_ = 	snop  }
0x5: {  	_ = 	snop  }
0x6: {  	_ = 	snop  }
0x7: {  	_ = 	snop  }
__scs_overlays_trampoline_lowered:
0x8: {  	[smem:$0x3FA5] =	sst s0  }
0x9: {  	[smem:$0x3FA6] =	sst s1  }
0xa: {  	[smem:$0x3FA7] =	sst s2  }
0xb: {  	[smem:$0x3FA8] =	sst s3  }
0xc: {  	[smem:$0x3FA9] =	sst s4  }
0xd: {  	[smem:$0x3FAA] =	sst s5  }
0xe: {  	[smem:$0x3FAB] =	sst s6  }
0xf: {  	[smem:$0x3FAC] =	sst s7  }
0x10: {  	[smem:$0x3FAD] =	sst s8  }
0x11: {  	[smem:$0x3FAE] =	sst s9;
	s0 =	simm.s32 @!p0 $0x0  }
0x12: {  	s1 =	sld [smem:$0x3F94];
	s0 =	simm.s32 @p0 $0x1  }
0x13: {  	[smem:$0x3FAF] =	sst s0;
	s0 =	simm.s32 @!p1 $0x0  }
0x14: {  	s2 =	sld [smem:$0x3F93];
	s0 =	simm.s32 @p1 $0x1  }
0x15: {  	[smem:$0x3FB0] =	sst s0;
	s0 =	simm.s32 @!p2 $0x0  }
0x16: {  	s3 =	sld [smem:$0x3FDB];
	s0 =	simm.s32 @p2 $0x1  }
0x17: {  	s4 =	simm.s32 $0x1BF5;
	[smem:$0x3FB2] =	sst s0  }
0x18: {  	s0 =	sld [smem:$0x3F95];
	_ =	swait.ge [sflag:s4], $0x0  }
0x19: {  	s7 =	sld [smem:$0x3F96]  }
0x1a: {  	s8 =	sadd.s32 $0xFFFFE003, lr  }
0x1b: {  	s9 =	sadd.s32 $0xFFFFFEF7, lr;
	s5 =	simm.s32 $0xFFFFFFFF;
	p2 =	slt.u32 s8, $0xFFFFF086  }
0x1c: {  	p1 =	slt.u32 s9, $0xF7A;
	s5 =	simm.s32 @!p2 $0x0  }
0x1d: {  	s5 =	simm.s32 @p1 $0x1;
	p0 =	seq.s32 s7, s2  }
0x1e: {  	s7 =	smul.u32 @!p0 $0xF7A, s2;
	p2 =	seq.s32 @!p0 s5, $0x0  }
0x1f: {  	s9 =	smul.u32 $0xF7A, s1;
	s8 =	simm.s32 @!p0 $0x1BF5;
	p2 =	por !p2, p0  }
0x20: {  	[sflag:s8] =	ssyncset.s32 @!p0 $0xFFFFF086;
	s6 =	sadd.s32 @!p0 s3, s7;
	s7 =	simm.s32 @!p0 $0x108  }
0x21: {  	s3 =	sadd.s32 s3, s9;
	s6 =	sadd.s32 @!p0 $0x88, s6;
	s7 =	simm.s32 @p2 $0x1082  }
0x22: {  	[simem:s7], [sflag:s8] =	dma.local @!p0 [hbm:s6], $0xF7A  }
0x23: {  	s9 =	sor.u32 $0xD0000000, s2;
	s6 =	simm.s32 $0x108;
	_ =	swait.ge @!p0 [sflag:s8], $0x0  }
0x24: {  	s3 =	sadd.s32 $0x88, s3;
	s6 =	simm.s32 @!p1 $0x1082;
	[sflag:s4] =	ssyncset.s32 $0xFFFFF086  }
0x25: {  	[simem:s6], [sflag:s4] =	dma.local [hbm:s3], $0xF7A  }
0x26: {  	[smem:$0x3F96] =	sst s1;
	(tag) =	ssettag s2;
	_ =	strace s9  }
0x27: {  	s1 =	sld [smem:$0x3FA6]  }
0x28: {  	s2 =	sld [smem:$0x3FA7]  }
0x29: {  	s4 =	sld [smem:$0x3FA9]  }
0x2a: {  	p0 =	seq.s32 s5, $0x0;
	s5 =	sld [smem:$0x3FAA]  }
0x2b: {  	s6 =	sld [smem:$0x3FAB]  }
0x2c: {  	s7 =	sld [smem:$0x3FAC]  }
0x2d: {  	s3 =	simm.s32 $0x108;
	s8 =	sld [smem:$0x3FAD]  }
0x2e: {  	s3 =	simm.s32 @!p0 $0x1082;
	s9 =	sld [smem:$0x3FAE]  }
0x2f: {  	lr =	sadd.s32 s0, s3;
	s0 =	sld [smem:$0x3FA5]  }
0x30: {  	s3 =	sld [smem:$0x3FA8]  }
0x31: {  	[smem:$0x3FB1] =	sst s10  }
0x32: {  	s10 =	sld [smem:$0x3FAF];
	_ =	sdelay $0x3  }
0x33: {  	p0 =	seq.s32 s10, $0x1;
	s10 =	sld [smem:$0x3FB1];
	_ =	sdelay $0x3  }
0x34: {  	[smem:$0x3FB1] =	sst s10  }
0x35: {  	s10 =	sld [smem:$0x3FB0];
	_ =	sdelay $0x3  }
0x36: {  	p1 =	seq.s32 s10, $0x1;
	s10 =	sld [smem:$0x3FB1];
	_ =	sdelay $0x3  }
0x37: {  	[smem:$0x3FB1] =	sst s10  }
0x38: {  	s10 =	sld [smem:$0x3FB2]  }
0x39: {  	_ = 	snop;
	(pc) =	sbr.ind lr, $3  }
0x3a: {  	_ = 	snop  }
0x3b: {  	_ = 	snop  }
0x3c: {  	p2 =	seq.s32 s10, $0x1;
	s10 =	sld [smem:$0x3FB1]  }
0x3d: {  	_ =	shalt  }
0x3e: {  	_ =	shalt  }
0x3f: {  	_ =	shalt  }
0x40: {  	_ =	shalt  }
0x41: {  	_ =	shalt  }
0x42: {  	_ =	shalt  }
0x43: {  	_ =	shalt  }
0x44: {  	_ =	shalt  }
0x45: {  	_ =	shalt  }
0x46: {  	_ =	shalt  }
0x47: {  	_ =	shalt  }
0x48: {  	_ =	shalt  }
0x49: {  	_ =	shalt  }
0x4a: {  	_ =	shalt  }
0x4b: {  	_ =	shalt  }
0x4c: {  	_ =	shalt  }
0x4d: {  	_ =	shalt  }
0x4e: {  	_ =	shalt  }
0x4f: {  	_ =	shalt  }
0x50: {  	_ =	shalt  }
0x51: {  	_ =	shalt  }
0x52: {  	_ =	shalt  }
0x53: {  	_ =	shalt  }
0x54: {  	_ =	shalt  }
0x55: {  	_ =	shalt  }
0x56: {  	_ =	shalt  }
0x57: {  	_ =	shalt  }
0x58: {  	_ =	shalt  }
0x59: {  	_ =	shalt  }
0x5a: {  	_ =	shalt  }
0x5b: {  	_ =	shalt  }
0x5c: {  	_ =	shalt  }
0x5d: {  	_ =	shalt  }
0x5e: {  	_ =	shalt  }
0x5f: {  	_ =	shalt  }
0x60: {  	_ =	shalt  }
0x61: {  	_ =	shalt  }
0x62: {  	_ =	shalt  }
0x63: {  	_ =	shalt  }
0x64: {  	_ =	shalt  }
0x65: {  	_ =	shalt  }
0x66: {  	_ =	shalt  }
0x67: {  	_ =	shalt  }
0x68: {  	_ =	shalt  }
0x69: {  	_ =	shalt  }
0x6a: {  	_ =	shalt  }
0x6b: {  	_ =	shalt  }
0x6c: {  	_ =	shalt  }
0x6d: {  	_ =	shalt  }
0x6e: {  	_ =	shalt  }
0x6f: {  	_ =	shalt  }
0x70: {  	_ =	shalt  }
0x71: {  	_ =	shalt  }
0x72: {  	_ =	shalt  }
0x73: {  	_ =	shalt  }
0x74: {  	_ =	shalt  }
0x75: {  	_ =	shalt  }
0x76: {  	_ =	shalt  }
0x77: {  	_ =	shalt  }
0x78: {  	_ =	shalt  }
0x79: {  	_ =	shalt  }
0x7a: {  	_ =	shalt  }
0x7b: {  	_ =	shalt  }
0x7c: {  	_ =	shalt  }
0x7d: {  	_ =	shalt  }
0x7e: {  	_ =	shalt  }
0x7f: {  	_ =	shalt  }
0x80: {  	_ =	shalt  }
0x81: {  	_ =	shalt  }
0x82: {  	_ =	shalt  }
0x83: {  	_ =	shalt  }
0x84: {  	_ =	shalt  }
0x85: {  	_ =	shalt  }
0x86: {  	_ =	shalt  }
0x87: {  	_ =	shalt  }
.Lfunc_end0:
.L_simem_size_0:
called_computation_lowered:
.L_overlay_start_0:
0x88: {  	s2 =	sld [smem:$0x3FD9]  }
0x89: {  	s3 =	sld [smem:$0x3FFE];
	_ =	sdelay $0x1  }
0x8a: {  	s1 =	srdreg.scid  }
0x8b: {  	s0 =	sand.u32 $0x1, s1  }
0x8c: {  	s17 =	sshll.u32 s0, $0xA;
	s2 =	sadd.s32 s3, s2  }
0x8d: {  	s2 =	sadd.s32 s2, s17  }
0x8e: {  	[smem:$0x3FBD] =	sst s2  }
0x8f: {  	_ = 	snop  }
0x90: {  	s2 =	sld [smem:$0x3FD0];
	(tm) =	ssettm $0x1  }
0x91: {  	s18 =	sld [smem:$0x3FFB];
	_ =	sdelay $0x3  }
0x92: {  	_ =	strace s18  }
0x93: {  	s3 =	sld [smem:$0x3FFC];
	_ =	sdelay $0x3  }
0x94: {  	_ =	strace s3  }
0x95: {  	s3 =	sld [smem:$0x3FFD];
	_ =	sdelay $0x3  }
0x96: {  	_ =	strace s3  }
0x97: {  	_ =	strace $0x8FFFFFFF  }
0x98: {  	s19 =	sld [smem:$0x3FDB];
	_ =	sdelay $0x1  }
0x99: {  	s4 =	simm.s32 $_scs_section_size  }
0x9a: {  	s5 =	simm.s32 $_size__tile_overlayer_lowered;
	s6 =	simm.s32 $_tile_overlayer_lowered  }
0x9b: {  	s22 =	simm.s32 $0x1BFF;
	s21 =	sshll.u32 s6, $0x1;
	s3 =	sadd.s32 s4, s19  }
0x9c: {  	s7 =	simm.s32 $0x0;
	s20 =	sshll.u32 s5, $0x1;
	s5 =	sadd.s32 s21, s3  }
0x9d: {  	[timem:s7], [sflag:s22] =	dma.local [hbm:s5], s20  }
0x9e: {  	_ =	swait.ge [sflag:s22], s20  }
0x9f: {  	s4 =	ssub.s32 $0x0, s20;
	[sflag:s22] =	ssyncset.done $0x0  }
0xa0: {  	[sflag:s22] =	ssyncadd.s32 s4;
	_ =	sdelay $0x1  }
0xa1: {  	s23 =	simm.s32 $0x1B8B  }
0xa2: {  	_ =	swait.ge [sflag:s23], $0x1  }
0xa3: {  	[sflag:s23] =	ssyncset.done $0x0  }
0xa4: {  	s25 =	simm.s32 $0x1B8E;
	s24 =	sld [smem:$0x3FFE];
	[sflag:s23] =	ssyncadd.s32 $0xFFFFFFFF  }
0xa5: {  	s26 =	simm.s32 $execute0_lowered;
	[smem:$0x3FD2] =	sst s25  }
0xa6: {  	s5 =	sshll.u32 s26, $0x1;
	_ =	strace $0x80000046;
	[dreg:$0x1] =	wrdreg $0xFFFFFFFF  }
0xa7: {  	s28 =	simm.s32 $_size_execute0_lowered;
	s3 =	sadd.s32 s3, s5;
	[dreg:$0x0] =	wrdreg $0x0  }
0xa8: {  	s5 =	sshll.u32 s28, $0x1;
	[dreg:$0x2] =	wrdreg s3  }
0xa9: {  	[dreg:$0x3] =	wrdreg s5  }
0xaa: {  	[dreg:$0x4] =	wrdreg $0xC0  }
0xab: {  	_ =	task [dreg:s7], $0x5FFFF  }
0xac: {  	[dreg:$0x1] =	wrdreg $0xFFFFFFFF  }
0xad: {  	[dreg:$0x0] =	wrdreg $0x60  }
0xae: {  	[dreg:$0x2] =	wrdreg s24  }
0xaf: {  	[dreg:$0x3] =	wrdreg s2  }
0xb0: {  	[dreg:$0x4] =	wrdreg $0x1C7A00  }
0xb1: {  	[dreg:$0x5] =	wrdreg $0x9  }
0xb2: {  	_ =	task.clear_ibuf [dreg:s7], $0x6FFFF;
	_ =	strace $0x90000046  }
0xb3: {  	s29 =	simm.s32 $0x9;
	_ =	strace $0x80000048  }
0xb4: {  	_ =	swait.ge [sflag:s29], $0x1  }
0xb5: {  	[sflag:s29] =	ssyncadd.s32 $0xFFFFFFFF  }
0xb6: {  	_ =	strace $0x90000048  }
0xb7: {  	_ =	sfence  }
0xb8: {  	s30 =	sld [smem:$0x0];
	_ =	sdelay $0x2  }
0xb9: {  	s31 =	sshll.u32 s1, $0xD;
	s1 =	sshrl.u32 s1, $0x2  }
0xba: {  	s3 =	sand.u32 $0x4000, s31;
	s1 =	sadd.s32 s1, s30  }
0xbb: {  	s0 =	sor.u32 s3, s0;
	s1 =	sshll.u32 s1, $0x11  }
0xbc: {  	s0 =	sor.u32 s1, s0  }
0xbd: {  	s0 =	sadd.s32 $0x8F2B, s0  }
0xbe: {  	[sflag:s0] =	ssyncadd.remote.s32 $0x1  }
0xbf: {  	_ =	sfence.sel $0xFFFF  }
0xc0: {  	[dreg:$0x0] =	wrdreg $0xFFFFFFFF;
	(pc) =	sbr.abs _section_cstart, $3  }
0xc1: {  	[dreg:$0x1] =	wrdreg $0xFFFFFFFF  }
0xc2: {  	_ =	task.clear_ibuf [dreg:s7], $0x2FFFF;
	_ =	strace $0x9FFFFFFF  }
0xc3: {  	(tm) =	ssettm $0x7FFFFFFF  }
tec
execute0_lowered:
.L_overlay_start_1:
0x0: {  	(tag) =	ssettag $0x1  }
0x1: {  	s0 =	rddreg [dreg:$0x0];
	s3 =	simm.s32 $0x0;
	v0 =	vlaneseq.u32  }
0x2: {  	[smem:$0x7FF] =	sst s3;
	v1 =	vmul.u32 $0x8, v0;
	v37 =	vor.u32 $0x2000, v0  }
0x3: {  	s2 =	rddreg [dreg:$0x2];
	v44 =	vor.u32 $0x2010, v0;
	_ =	strace $0x80000047;
	[tilespmem:$0x1FFE0] =	vst v37  }
0x4: {  	[tilespmem:$0x1FFF0] =	vst v44;
	v2 =	vor.u32 $0x3, v1  }
0x5: {  	[tilespmem:$0x1FE90] =	vst v2;
	v2 =	vor.u32 $0x7, v1  }
0x6: {  	[tilespmem:$0x1FEA0] =	vst v2;
	v2 =	vor.u32 $0x83, v1  }
0x7: {  	[tilespmem:$0x1FEB0] =	vst v2;
	v2 =	vor.u32 $0x87, v1  }
0x8: {  	[tilespmem:$0x1FEC0] =	vst v2;
	v2 =	vor.u32 $0x103, v1  }
0x9: {  	[tilespmem:$0x1FED0] =	vst v2;
	v2 =	vor.u32 $0x107, v1  }
0xa: {  	[tilespmem:$0x1FEE0] =	vst v2;
	v2 =	vor.u32 $0x183, v1  }
0xb: {  	[tilespmem:$0x1FEF0] =	vst v2;
	v2 =	vor.u32 $0x187, v1  }
0xc: {  	v10 =	vmul.u32 $0x110, v0;
	[tilespmem:$0x1FF00] =	vst v2;
	v2 =	vor.u32 $0x203, v1  }
0xd: {  	s1 =	srdreg.scid;
	s11 =	stileid.u32;
	s13 =	simm.s32 $0x1A720;
	[tilespmem:$0x1FF10] =	vst v2;
	v2 =	vor.u32 $0x207, v1  }
0xe: {  	s15 =	simm.s32 $0x1A220;
	s16 =	simm.s32 $0x1A4A0;
	s17 =	simm.s32 $0x50;
	[tilespmem:$0x1FF20] =	vst v2;
	v2 =	vadd.s32 $0x100, v10  }
0xf: {  	s18 =	simm.s32 $0x4E20;
	s19 =	simm.s32 $0xF820;
	s20 =	simm.s32 $0xA320;
	[tilespmem:$0x1FF30] =	vst v2;
	v2 =	vadd.s32 $0x101, v10  }
0x10: {  	s22 =	simm.s32 $0x14D20;
	s23 =	simm.s32 $0x1;
	s24 =	simm.s32 $0x3;
	[tilespmem:$0x1FF40] =	vst v2;
	v2 =	vadd.s32 $0x102, v10  }
0x11: {  	s25 =	simm.s32 $0x5;
	s26 =	simm.s32 $0x6;
	s28 =	simm.s32 $0x2;
	[tilespmem:$0x1FF50] =	vst v2;
	v2 =	vor.u32 $0x1, v1  }
0x12: {  	s29 =	simm.s32 $0x4;
	s1 =	sand.u32 $0x1, s1;
	s6 =	smul.u32 $0x2710, s11;
	[tilespmem:$0x1FF60] =	vst v2;
	v2 =	vor.u32 $0x2, v1  }
0x13: {  	s30 =	simm.s32 $0x0;
	s4 =	sadd.s32 $0x54200, s0;
	s5 =	smul.u32 $0x27100, s1;
	[tilespmem:$0x1FF70] =	vst v2;
	v2 =	vor.u32 $0x4, v1  }
0x14: {  	p0 =	sne.s32 s11, $0x0;
	s7 =	smul.u32 $0x2710, s1;
	s1 =	ssub.s32 $0x2, s1;
	[tilespmem:$0x1FF80] =	vst v2;
	v2 =	vor.u32 $0x5, v1  }
.Ltmp0:
0x15: {  	s11 =	simm.s32 $0x7;
	s9 =	sshrl.u32 s1, $0x1;
	[tilespmem:$0x1FF90] =	vst v2;
	v2 =	vor.u32 $0x6, v1;
	(pc) =	sbr.rel .LBB2_1-.Ltmp0, $4  }
0x16: {  	s14 =	sshrl.u32 @!p0 s2, $0x3;
	s5 =	sadd.s32 s6, s5;
	s1 =	ssub.s32 s1, s9;
	[tilespmem:$0x1FFA0] =	vst v2;
	v2 =	vadd.s32 $0x1200, v10  }
0x17: {  	s6 =	sshrl.u32 s5, $0x3;
	s5 =	sadd.s32 $0x1000, s0;
	s10 =	smax.u32 s1, $0x1;
	[tilespmem:$0x1FFB0] =	vst v2;
	v2 =	vadd.s32 $0x1201, v10  }
0x18: {  	s8 =	sadd.s32 s6, s0;
	s6 =	sadd.s32 $0xA7400, s0;
	s0 =	sadd.s32 s7, s0;
	[tilespmem:$0x1FFC0] =	vst v2;
	v2 =	vadd.s32 $0x1202, v10  }
0x19: {  	v19 =	vor.u32 $0x1000, v0;
	v28 =	vadd.s32 $0x1100, v10;
	s7 =	sadd.s32 $0xB1800, s8;
	s8 =	sadd.s32 $0xA7A00, s8;
	s9 =	sadd.s32 $0xBB600, s0;
	[tilespmem:$0x1FFD0] =	vst v2  }
.LBB2_46:
0x1a: {  	_ =	swait.ge [sflag:s25], $0x280  }
0x1b: {  	[sflag:s25] =	ssyncset.done $0x0  }
0x1c: {  	[sflag:s25] =	ssyncadd.s32 $0xFFFFFD80  }
0x1d: {  	_ =	swait.ge [sflag:s26], $0x280  }
0x1e: {  	[sflag:s26] =	ssyncset.done $0x0  }
0x1f: {  	s30 =	sadd.s32 $0x1, s30;
	[sflag:s26] =	ssyncadd.s32 $0xFFFFFD80  }
0x20: {  	s0 =	simm.s32 @!p0 $0x1C07;
	p1 =	sne.s32 s30, s10;
	[bflag:$0x0] =	sbarrier.arrive $0xFFFF  }
0x21: {  	[hbm:s9], [sflag:s0] =	dma.local @!p0 [spmem:s14], $0x2710  }
.Ltmp1:
0x22: {  	_ = 	snop;
	(pc) =	sbr.rel @!p1 .LBB2_47-.Ltmp1, $4  }
0x23: {  	s0 =	simm.s32 @!p0 $0x7  }
0x24: {  	_ =	swait.ge @!p0 [sflag:s0], $0x2710  }
0x25: {  	[sflag:s0] =	ssyncset.done @!p0 $0x0  }
0x26: {  	[sflag:s0] =	ssyncadd.s32 @!p0 $0xFFFFD8F0  }
.LBB2_1:
0x27: {  	[tilespmem:s3], [sflag:$0x7] =	stream.linear.gather [hbm4b:s7+s3], $0x2710, $0x38;
	[tilespmem:$0x1DB28] =	vst v63  }
0x28: {  	_ =	swait.ge [sflag:s11], $0x2710  }
0x29: {  	[sflag:s11] =	ssyncset.done $0x0  }
0x2a: {  	s12 =	simm.s32 $0x2710;
	[sflag:s11] =	ssyncadd.s32 $0xFFFFD8F0  }
0x2b: {  	[tilespmem:s12], [sflag:$0x7] =	stream.linear.gather [hbm4b:s8+s3], $0x2710, $0x38;
	[tilespmem:$0x1DB28] =	vst v63  }
0x2c: {  	_ =	swait.ge [sflag:s11], $0x2710  }
0x2d: {  	[sflag:s11] =	ssyncset.done $0x0  }
0x2e: {  	[sflag:s11] =	ssyncadd.s32 $0xFFFFD8F0  }
0x2f: {  	[tilespmem:s13], [sflag:$0x7] =	stream.linear.gather [hbm4b:s6+s3], $0x2080, $0x38;
	[tilespmem:$0x1DB28] =	vst v63  }
0x30: {  	_ =	swait.ge [sflag:s11], $0x2080  }
0x31: {  	[sflag:s11] =	ssyncset.done $0x0  }
0x32: {  	[sflag:s11] =	ssyncadd.s32 $0xFFFFDF80  }
0x33: {  	s0 =	simm.s32 @!p0 $0x1C07;
	s1 =	rddreg [dreg:$0x1]  }
0x34: {  	[spmem:s14], [sflag:s0] =	dma.local @!p0 [hbm:s1], $0x2710  }
0x35: {  	s0 =	simm.s32 @!p0 $0x7  }
0x36: {  	_ =	swait.ge @!p0 [sflag:s0], $0x2710  }
0x37: {  	v2 =	vld [tilespmem:$0x1FE90]  }
0x38: {  	v4 =	vld [tilespmem:$0x1FEA0]  }
0x39: {  	v5 =	vld [tilespmem:$0x1FEB0]  }
0x3a: {  	v6 =	vld [tilespmem:$0x1FEC0]  }
0x3b: {  	v7 =	vld [tilespmem:$0x1FED0]  }
0x3c: {  	v8 =	vld [tilespmem:$0x1FEE0]  }
0x3d: {  	[sflag:s0] =	ssyncset.done @!p0 $0x0;
	v9 =	vld [tilespmem:$0x1FEF0]  }
0x3e: {  	v3 =	vimm.f32 $0.0e+00;
	v11 =	vld [tilespmem:$0x1FF00];
	[sflag:s0] =	ssyncadd.s32 @!p0 $0xFFFFD8F0  }
0x3f: {  	v12 =	vld [tilespmem:$0x1FF10];
	[tilespmem:v2+s15+$0x0] =	vst.idx.msk $0xffff, v3  }
0x40: {  	v13 =	vld [tilespmem:$0x1FF20];
	[tilespmem:v4+s15+$0x0] =	vst.idx.msk $0xffff, v3  }
0x41: {  	[tilespmem:v5+s15+$0x0] =	vst.idx.msk $0xffff, v3  }
0x42: {  	[tilespmem:v6+s15+$0x0] =	vst.idx.msk $0xffff, v3  }
0x43: {  	[tilespmem:v7+s15+$0x0] =	vst.idx.msk $0xffff, v3  }
0x44: {  	[tilespmem:v8+s15+$0x0] =	vst.idx.msk $0xffff, v3  }
0x45: {  	[tilespmem:v9+s15+$0x0] =	vst.idx.msk $0xffff, v3  }
0x46: {  	[tilespmem:v11+s15+$0x0] =	vst.idx.msk $0xffff, v3  }
0x47: {  	[tilespmem:v12+s15+$0x0] =	vst.idx.msk $0xffff, v3  }
0x48: {  	[tilespmem:v13+s15+$0x0] =	vst.idx.msk $0xffff, v3  }
0x49: {  	[tilespmem:v2+s16+$0x0] =	vst.idx.msk $0xffff, v3  }
0x4a: {  	[tilespmem:v4+s16+$0x0] =	vst.idx.msk $0xffff, v3  }
0x4b: {  	[tilespmem:v5+s16+$0x0] =	vst.idx.msk $0xffff, v3  }
0x4c: {  	[tilespmem:v6+s16+$0x0] =	vst.idx.msk $0xffff, v3  }
0x4d: {  	[tilespmem:v7+s16+$0x0] =	vst.idx.msk $0xffff, v3  }
0x4e: {  	[tilespmem:v8+s16+$0x0] =	vst.idx.msk $0xffff, v3  }
0x4f: {  	[tilespmem:v9+s16+$0x0] =	vst.idx.msk $0xffff, v3  }
0x50: {  	[tilespmem:v11+s16+$0x0] =	vst.idx.msk $0xffff, v3  }
0x51: {  	[tilespmem:v12+s16+$0x0] =	vst.idx.msk $0xffff, v3  }
0x52: {  	[tilespmem:v13+s16+$0x0] =	vst.idx.msk $0xffff, v3  }
0x53: {  	[bflag:$0x0] =	sbarrier.arrive $0xFFFF  }
0x54: {  	[tilespmem:s18], [sflag:$0x1] =	stream.indirect.gather [hbm4b:s4+s17], $0x110, s3, s17, $0xb8;
	[tilespmem:$0x1DB28] =	vst v63  }
0x55: {  	_ = 	snop  }
0x56: {  	[tilespmem:s19], [sflag:$0x3] =	stream.indirect.gather [hbm4b:s5+s17], $0x110, s12, s17, $0xb8;
	[tilespmem:$0x1DB28] =	vst v63  }
.Ltmp2:
0x57: {  	_ = 	snop;
	(pc) =	sbr.rel .LBB2_2-.Ltmp2, $4  }
0x58: {  	_ = 	snop  }
0x59: {  	[tilespmem:s20], [sflag:$0x2] =	stream.indirect.gather [hbm4b:s4+s17], $0x110, s17, s17, $0xb8;
	[tilespmem:$0x1DB28] =	vst v63  }
0x5a: {  	s21 =	simm.s32 $0x2760;
	s31 =	simm.s32 $0x0  }
0x5b: {  	[tilespmem:s22], [sflag:$0x4] =	stream.indirect.gather [hbm4b:s5+s17], $0x110, s21, s17, $0xb8;
	[tilespmem:$0x1DB28] =	vst v63  }
.LBB2_45:
0x5c: {  	s31 =	sadd.s32 $0x1, s31  }
0x5d: {  	p1 =	sne.s32 s31, $0x3F  }
.Ltmp3:
0x5e: {  	_ = 	snop;
	(pc) =	sbr.rel @!p1 .LBB2_46-.Ltmp3, $1  }
0x5f: {  	_ =	sdelay $0x3  }
.LBB2_2:
0x60: {  	_ =	swait.ge [sflag:s23], $0x5500  }
0x61: {  	[sflag:s23] =	ssyncset.done $0x0  }
0x62: {  	[sflag:s23] =	ssyncadd.s32 $0xFFFFAB00  }
0x63: {  	_ =	swait.ge [sflag:s24], $0x5500  }
0x64: {  	p1 =	seq.s32 s31, $0x0;
	[sflag:s24] =	ssyncset.done $0x0  }
0x65: {  	s0 =	simm.s32 @!p1 $0x5;
	[sflag:s24] =	ssyncadd.s32 $0xFFFFAB00  }
0x66: {  	_ =	swait.ge @!p1 [sflag:s0], $0x280  }
0x67: {  	v3 =	vld [tilespmem:$0x1FF30];
	_ =	sdelay $0x1  }
0x68: {  	v5 =	vld [tilespmem:$0x1FF40];
	_ =	sdelay $0x1  }
0x69: {  	v6 =	vld [tilespmem:$0x1FF50];
	_ =	sdelay $0x1  }
0x6a: {  	[sflag:s0] =	ssyncset.done @!p1 $0x0  }
0x6b: {  	[sflag:s0] =	ssyncadd.s32 @!p1 $0xFFFFFD80  }
0x6c: {  	v2 =	vld.idx.msk [tilespmem:v3+s18+$0x0], $0xffff  }
0x6d: {  	v3 =	vld.idx.msk [tilespmem:v3+s19+$0x0], $0xffff  }
0x6e: {  	v4 =	vld.idx.msk [tilespmem:v5+s18+$0x0], $0xffff  }
0x6f: {  	v5 =	vld.idx.msk [tilespmem:v5+s19+$0x0], $0xffff  }
0x70: {  	v7 =	vld.idx.msk [tilespmem:v6+s18+$0x0], $0xffff  }
0x71: {  	v8 =	vld.idx.msk [tilespmem:v6+s19+$0x0], $0xffff;
	_ =	sdelay $0x2  }
0x72: {  	v6 =	vsub.f32 v2, v3;
	v5 =	vsub.f32 v4, v5;
	_ =	sdelay $0x1  }
0x73: {  	v4 =	vsub.f32 v7, v8;
	v2 =	vmul.f32 v6, v6;
	v3 =	vmul.f32 v5, v5;
	_ =	sdelay $0x1  }
0x74: {  	v2 =	vadd.f32 v3, v2;
	v3 =	vmul.f32 v4, v4;
	_ =	sdelay $0x1  }
0x75: {  	v2 =	vadd.f32 v3, v2;
	_ =	sdelay $0x1  }
0x76: {  	v3 =	vmax.f32 v2, $1.000000000e-30  }
0x77: {  	v7 =	vshra.s32 v3, $0x1;
	v3 =	vmul.f32 $5.000000000e-01, v3  }
0x78: {  	v7 =	vsub.s32 $0x5F3759DF, v7  }
0x79: {  	v8 =	vmul.f32 v7, v3;
	_ =	sdelay $0x1  }
0x7a: {  	v8 =	vmul.f32 v7, v8;
	_ =	sdelay $0x1  }
0x7b: {  	v8 =	vsub.f32 $1.500000000e+00, v8;
	_ =	sdelay $0x1  }
0x7c: {  	v7 =	vmul.f32 v7, v8;
	_ =	sdelay $0x1  }
0x7d: {  	v8 =	vmul.f32 v7, v3;
	_ =	sdelay $0x1  }
0x7e: {  	v8 =	vmul.f32 v8, v7;
	_ =	sdelay $0x1  }
0x7f: {  	v8 =	vsub.f32 $1.500000000e+00, v8;
	_ =	sdelay $0x1  }
0x80: {  	v7 =	vmul.f32 v8, v7;
	_ =	sdelay $0x1  }
0x81: {  	v8 =	vmul.f32 v7, v3;
	_ =	sdelay $0x1  }
0x82: {  	v8 =	vmul.f32 v8, v7  }
0x83: {  	s21 =	simm.s32 $0x0  }
0x84: {  	v9 =	vmov s21;
	v8 =	vsub.f32 $1.500000000e+00, v8  }
0x85: {  	v13 =	vshll.u32 v9, $0x4  }
0x86: {  	v11 =	vand.u32 $0x7F, v9;
	v9 =	vor.u32 v0, v13;
	v7 =	vmul.f32 v8, v7  }
0x87: {  	v8 =	vadd.s32 v10, v11  }
0x88: {  	v3 =	vmul.f32 v7, v3;
	_ =	sdelay $0x1  }
0x89: {  	s1 =	simm.s32 $0x1;
	v3 =	vmul.f32 v3, v7  }
0x8a: {  	v9 =	vld.idx.msk [tilespmem:v9+s13+$0x0], $0xffff;
	v11 =	vmov s1  }
0x8b: {  	v18 =	vshll.u32 v11, $0x4;
	v12 =	vld.idx.msk [tilespmem:v8+s18+$0x0], $0xffff;
	v3 =	vsub.f32 $1.500000000e+00, v3  }
0x8c: {  	v14 =	vand.u32 $0x7F, v11;
	v11 =	vor.u32 v0, v18;
	v8 =	vld.idx.msk [tilespmem:v8+s19+$0x0], $0xffff  }
0x8d: {  	v14 =	vadd.s32 v10, v14;
	v3 =	vmul.f32 v3, v7;
	_ =	sdelay $0x1  }
0x8e: {  	v7 =	vmul.f32 v3, v2;
	_ =	sdelay $0x1  }
0x8f: {  	v11 =	vld.idx.msk [tilespmem:v11+s13+$0x0], $0xffff;
	v3 =	vadd.f32 v8, v12;
	v8 =	vmul.f32 v9, v7  }
0x90: {  	s12 =	simm.s32 $0x2;
	v2 =	vld.idx.msk [tilespmem:v14+s18+$0x0], $0xffff  }
0x91: {  	v9 =	vld.idx.msk [tilespmem:v14+s19+$0x0], $0xffff;
	v15 =	vadd.f32 v8, v3;
	v3 =	vmov s12  }
0x92: {  	v12 =	vand.u32 $0x7F, v3  }
0x93: {  	v8 =	vsub.f32 $0.0e+00, v15;
	v12 =	vadd.s32 v10, v12  }
0x94: {  	s21 =	simm.s32 $0x3;
	v3 =	vshll.u32 v3, $0x4  }
0x95: {  	v14 =	vmov s21;
	v16 =	vor.u32 v0, v3;
	v8 =	vmul.f32 $1.442695020e+00, v8  }
0x96: {  	v2 =	vadd.f32 v9, v2;
	v9 =	vmul.f32 v11, v7;
	v11 =	vand.u32 $0x7F, v14  }
0x97: {  	(erf) = vpow2.f32 v8;
	v8 =	vadd.s32 v10, v11  }
0x98: {  	v9 =	vadd.f32 v9, v2;
	v11 =	vshll.u32 v14, $0x4;
	v2 =	vld.idx.msk [tilespmem:v12+s18+$0x0], $0xffff  }
0x99: {  	v14 =	vor.u32 v0, v11;
	v12 =	vld.idx.msk [tilespmem:v12+s19+$0x0], $0xffff  }
0x9a: {  	v17 =	vsub.f32 $0.0e+00, v9;
	v16 =	vld.idx.msk [tilespmem:v16+s13+$0x0], $0xffff  }
0x9b: {  	s1 =	simm.s32 $0x4  }
0x9c: {  	v20 =	vmov s1;
	v17 =	vmul.f32 $1.442695020e+00, v17;
	v21 =	vld.idx.msk [tilespmem:v8+s18+$0x0], $0xffff  }
0x9d: {  	v22 =	vand.u32 $0x7F, v20;
	v8 =	vld.idx.msk [tilespmem:v8+s19+$0x0], $0xffff  }
0x9e: {  	(erf) = vpow2.f32 v17;
	v17 =	vadd.s32 v10, v22;
	v22 =	vld.idx.msk [tilespmem:v14+s13+$0x0], $0xffff  }
0x9f: {  	v2 =	vadd.f32 v12, v2;
	v16 =	vmul.f32 v16, v7  }
0xa0: {  	v12 =	vpop (erf)  }
0xa1: {  	v14 =	vshll.u32 v20, $0x4;
	v23 =	vadd.f32 $1.000000000e+00, v12;
	v12 =	vadd.f32 v16, v2  }
0xa2: {  	v20 =	vor.u32 v0, v14  }
0xa3: {  	s12 =	simm.s32 $0x5;
	v8 =	vadd.f32 v8, v21;
	v16 =	vmul.f32 v22, v7;
	v22 =	vsub.f32 $0.0e+00, v12  }
0xa4: {  	v24 =	vmov s12  }
0xa5: {  	(erf) = vrcp.f32 v23;
	v29 =	vadd.f32 v16, v8;
	v16 =	vmul.f32 $1.442695020e+00, v22  }
0xa6: {  	v2 =	vand.u32 $0x7F, v24;
	v25 =	vld.idx.msk [tilespmem:v17+s18+$0x0], $0xffff;
	v21 =	vor.u32 v19, v13  }
0xa7: {  	v26 =	vld.idx.msk [tilespmem:v17+s19+$0x0], $0xffff;
	v17 =	vadd.s32 v10, v2;
	(erf) = vpow2.f32 v16  }
0xa8: {  	v13 =	vshll.u32 v24, $0x4;
	v27 =	vld.idx.msk [tilespmem:v20+s13+$0x0], $0xffff;
	v8 =	vpop (erf);
	v22 =	vsub.f32 $0.0e+00, v29  }
0xa9: {  	v59 =	vld.idx.msk [tilespmem:v37+s13+$0x0], $0xffff;
	v24 =	vor.u32 v0, v13;
	v30 =	vadd.f32 $1.000000000e+00, v8  }
0xaa: {  	s21 =	simm.s32 $0x6;
	v2 =	vld.idx.msk [tilespmem:v44+s13+$0x0], $0xffff;
	v31 =	vmul.f32 $1.442695020e+00, v22  }
0xab: {  	v23 =	vmov s21;
	v20 =	vld.idx.msk [tilespmem:v21+s13+$0x0], $0xffff;
	(erf) = vrcp.f32 v30  }
0xac: {  	v21 =	vand.u32 $0x7F, v23;
	v16 =	vld.idx.msk [tilespmem:v17+s18+$0x0], $0xffff;
	(erf) = vpow2.f32 v31  }
0xad: {  	v26 =	vadd.f32 v26, v25;
	v17 =	vld.idx.msk [tilespmem:v17+s19+$0x0], $0xffff;
	v27 =	vmul.f32 v27, v7;
	v22 =	vor.u32 v19, v18  }
0xae: {  	s0 =	sshll.u32 s31, $0x1;
	s1 =	simm.s32 $0x7;
	v8 =	vimm.f32 $0.0e+00;
	v25 =	vadd.s32 v10, v21;
	v21 =	vimm.f32 $0.0e+00;
	v18 =	vld.idx.msk [tilespmem:v24+s13+$0x0], $0xffff;
	v24 =	vpop (erf)  }
.LBB2_3:
0xaf: {  	p2 =	sne.s32 s1, $0x7F;
	v30 =	vshll.u32 v23, $0x4;
	v26 =	vadd.f32 v27, v26;
	v34 =	vmul.f32 v24, v15;
	v31 =	vmovc v11;
	v11 =	vmovc v14  }
0xb0: {  	v23 =	vmov s1;
	v14 =	vmov v13;
	v24 =	vor.u32 v0, v30;
	v27 =	vpop (erf)  }
.Ltmp4:
0xb1: {  	v15 =	vmovc v9;
	v13 =	vmovc v30;
	v32 =	vsub.f32 $0.0e+00, v26;
	v27 =	vadd.f32 $1.000000000e+00, v27;
	v33 =	vmul.f32 v34, v20;
	(pc) =	sbr.rel @p2 .LBB2_3-.Ltmp4, $4  }
0xb2: {  	v9 =	vmovc v12;
	v12 =	vmovc v29;
	v30 =	vand.u32 $0x7F, v23;
	v29 =	vmov v26;
	v20 =	vld.idx.msk [tilespmem:v22+s13+$0x0], $0xffff;
	v22 =	vmov v16  }
0xb3: {  	v16 =	vld.idx.msk [tilespmem:v25+s18+$0x0], $0xffff;
	v32 =	vmul.f32 $1.442695020e+00, v32;
	(erf) = vrcp.f32 v27;
	v21 =	vadd.f32 v33, v21  }
0xb4: {  	v26 =	vadd.f32 v17, v22;
	v27 =	vmul.f32 v18, v7;
	v22 =	vor.u32 v19, v3;
	v17 =	vld.idx.msk [tilespmem:v25+s19+$0x0], $0xffff  }
0xb5: {  	s1 =	sadd.s32 $0x1, s1;
	v3 =	vmov v31;
	v25 =	vadd.s32 v10, v30;
	v18 =	vld.idx.msk [tilespmem:v24+s13+$0x0], $0xffff;
	(erf) = vpow2.f32 v32;
	v24 =	vpop (erf)  }
0xb6: {  	v23 =	vshll.u32 v23, $0x4;
	v26 =	vadd.f32 v27, v26  }
0xb7: {  	v27 =	vor.u32 v0, v23  }
0xb8: {  	v30 =	vpop (erf);
	v31 =	vsub.f32 $0.0e+00, v26  }
0xb9: {  	v30 =	vadd.f32 $1.000000000e+00, v30  }
0xba: {  	v32 =	vld.idx.msk [tilespmem:v25+s18+$0x0], $0xffff;
	v31 =	vmul.f32 $1.442695020e+00, v31  }
0xbb: {  	v25 =	vld.idx.msk [tilespmem:v25+s19+$0x0], $0xffff;
	(erf) = vrcp.f32 v30  }
0xbc: {  	v27 =	vld.idx.msk [tilespmem:v27+s13+$0x0], $0xffff;
	(erf) = vpow2.f32 v31;
	_ =	sdelay $0x2  }
0xbd: {  	v16 =	vadd.f32 v17, v16;
	v17 =	vmul.f32 v18, v7;
	_ =	sdelay $0x1  }
0xbe: {  	s1 =	simm.s32 $0x80;
	v16 =	vadd.f32 v17, v16;
	v17 =	vadd.f32 v25, v32;
	v18 =	vmul.f32 v27, v7  }
0xbf: {  	v25 =	vpop (erf);
	v27 =	vmov s1  }
0xc0: {  	v30 =	vpop (erf);
	v31 =	vsub.f32 $0.0e+00, v16;
	v17 =	vadd.f32 v18, v17;
	v18 =	vand.u32 $0xFF, v27  }
0xc1: {  	v30 =	vadd.f32 $1.000000000e+00, v30;
	v50 =	vpop (erf);
	v18 =	vadd.s32 v10, v18  }
0xc2: {  	v31 =	vmul.f32 $1.442695020e+00, v31;
	v27 =	vshll.u32 v27, $0x4;
	v33 =	vpop (erf);
	v34 =	vsub.f32 $0.0e+00, v17  }
0xc3: {  	(erf) = vrcp.f32 v30;
	v51 =	vor.u32 v0, v27;
	v30 =	vadd.f32 $1.000000000e+00, v33  }
0xc4: {  	(erf) = vpow2.f32 v31;
	v31 =	vmul.f32 $1.442695020e+00, v34  }
0xc5: {  	(erf) = vrcp.f32 v30  }
0xc6: {  	s12 =	simm.s32 $0x81;
	(erf) = vpow2.f32 v31;
	v30 =	vld.idx.msk [tilespmem:v18+s18+$0x0], $0xffff  }
0xc7: {  	v31 =	vmov s12;
	v18 =	vld.idx.msk [tilespmem:v18+s19+$0x0], $0xffff  }
0xc8: {  	v33 =	vld.idx.msk [tilespmem:v51+s13+$0x0], $0xffff;
	v52 =	vand.u32 $0xFF, v31  }
0xc9: {  	v34 =	vadd.s32 v10, v52  }
0xca: {  	v15 =	vmul.f32 v24, v15;
	v24 =	vshll.u32 v31, $0x4  }
0xcb: {  	v22 =	vld.idx.msk [tilespmem:v22+s13+$0x0], $0xffff;
	v31 =	vor.u32 v0, v24  }
0xcc: {  	v3 =	vor.u32 v19, v3;
	v15 =	vmul.f32 v15, v20;
	v20 =	vpop (erf)  }
0xcd: {  	v35 =	vpop (erf);
	v18 =	vadd.f32 v18, v30;
	v30 =	vmul.f32 v33, v7  }
0xce: {  	v11 =	vor.u32 v19, v11;
	v15 =	vadd.f32 v15, v21;
	v21 =	vmul.f32 v25, v9;
	v53 =	vld.idx.msk [tilespmem:v34+s18+$0x0], $0xffff;
	v25 =	vpop (erf)  }
0xcf: {  	s21 =	simm.s32 $0x82;
	v14 =	vor.u32 v19, v14;
	v35 =	vadd.f32 $1.000000000e+00, v35;
	v34 =	vld.idx.msk [tilespmem:v34+s19+$0x0], $0xffff;
	v9 =	vadd.f32 v30, v18;
	v36 =	vpop (erf)  }
0xd0: {  	v18 =	vmul.f32 v21, v22;
	v22 =	vld.idx.msk [tilespmem:v31+s13+$0x0], $0xffff;
	v30 =	vmov s21;
	v21 =	vadd.f32 $1.000000000e+00, v36  }
0xd1: {  	v54 =	vld.idx.msk [tilespmem:v3+s13+$0x0], $0xffff;
	(erf) = vrcp.f32 v35;
	v3 =	vshll.u32 v30, $0x4;
	v31 =	vsub.f32 $0.0e+00, v9  }
0xd2: {  	v55 =	vor.u32 v0, v3;
	(erf) = vrcp.f32 v21;
	v21 =	vand.u32 $0xFF, v30  }
0xd3: {  	v21 =	vadd.s32 v10, v21  }
0xd4: {  	v13 =	vor.u32 v19, v13;
	s12 =	simm.s32 $0x83;
	v30 =	vmul.f32 $1.442695020e+00, v31  }
0xd5: {  	v56 =	vld.idx.msk [tilespmem:v11+s13+$0x0], $0xffff;
	v31 =	vmov s12;
	v33 =	vadd.f32 v34, v53;
	v22 =	vmul.f32 v22, v7  }
0xd6: {  	v14 =	vld.idx.msk [tilespmem:v14+s13+$0x0], $0xffff;
	v11 =	vand.u32 $0xFF, v31;
	(erf) = vpow2.f32 v30;
	v30 =	vmul.f32 v50, v12  }
0xd7: {  	v57 =	vadd.s32 v10, v11;
	v12 =	vshll.u32 v31, $0x4;
	v11 =	vadd.f32 v22, v33;
	v31 =	vld.idx.msk [tilespmem:v55+s13+$0x0], $0xffff  }
0xd8: {  	v20 =	vmul.f32 v20, v29;
	v15 =	vadd.f32 v18, v15;
	v18 =	vmul.f32 v30, v54;
	v22 =	vld.idx.msk [tilespmem:v21+s18+$0x0], $0xffff  }
0xd9: {  	v23 =	vor.u32 v19, v23;
	v29 =	vor.u32 v0, v12;
	v30 =	vsub.f32 $0.0e+00, v11;
	v21 =	vld.idx.msk [tilespmem:v21+s19+$0x0], $0xffff  }
0xda: {  	v25 =	vmul.f32 v25, v26;
	v15 =	vadd.f32 v18, v15;
	v18 =	vmul.f32 v20, v56  }
0xdb: {  	v13 =	vld.idx.msk [tilespmem:v13+s13+$0x0], $0xffff;
	v30 =	vmul.f32 $1.442695020e+00, v30  }
0xdc: {  	s21 =	simm.s32 $0x84;
	v14 =	vmul.f32 v25, v14;
	v58 =	vld.idx.msk [tilespmem:v57+s18+$0x0], $0xffff  }
0xdd: {  	v26 =	vpop (erf);
	v20 =	vmov s21;
	v32 =	vld.idx.msk [tilespmem:v57+s19+$0x0], $0xffff;
	v15 =	vadd.f32 v18, v15;
	(erf) = vpow2.f32 v30  }
0xde: {  	v60 =	vand.u32 $0xFF, v20;
	v25 =	vmul.f32 v31, v7;
	v29 =	vld.idx.msk [tilespmem:v29+s13+$0x0], $0xffff;
	v18 =	vpop (erf);
	v21 =	vadd.f32 v21, v22  }
0xdf: {  	v20 =	vshll.u32 v20, $0x4;
	v61 =	vadd.f32 v14, v15;
	v15 =	vmul.f32 v26, v16;
	v16 =	vld.idx.msk [tilespmem:v23+s13+$0x0], $0xffff;
	v22 =	vpop (erf)  }
0xe0: {  	v30 =	vadd.s32 v10, v60;
	v22 =	vadd.f32 $1.000000000e+00, v22;
	v14 =	vadd.f32 v25, v21  }
0xe1: {  	v31 =	vor.u32 v0, v20;
	v17 =	vmul.f32 v18, v17  }
0xe2: {  	(erf) = vrcp.f32 v22;
	v22 =	vadd.f32 v32, v58;
	v18 =	vsub.f32 $0.0e+00, v14  }
0xe3: {  	s12 =	simm.s32 $0x85;
	v13 =	vmul.f32 v15, v13;
	v26 =	vmul.f32 v29, v7  }
0xe4: {  	v23 =	vmov s12;
	v16 =	vmul.f32 v17, v16;
	v17 =	vmul.f32 $1.442695020e+00, v18  }
0xe5: {  	v27 =	vor.u32 v19, v27;
	v21 =	vand.u32 $0xFF, v23;
	v25 =	vld.idx.msk [tilespmem:v30+s18+$0x0], $0xffff;
	v15 =	vadd.f32 v26, v22  }
0xe6: {  	v29 =	vld.idx.msk [tilespmem:v30+s19+$0x0], $0xffff;
	v30 =	vadd.s32 v10, v21;
	v13 =	vadd.f32 v13, v61;
	v22 =	vpop (erf);
	(erf) = vpow2.f32 v17  }
0xe7: {  	v31 =	vld.idx.msk [tilespmem:v31+s13+$0x0], $0xffff;
	v21 =	vshll.u32 v23, $0x4;
	v62 =	vsub.f32 $0.0e+00, v15  }
0xe8: {  	v26 =	vor.u32 v0, v21;
	v13 =	vadd.f32 v16, v13;
	v16 =	vadd.f32 $1.000000000e+00, v22  }
0xe9: {  	s21 =	simm.s32 $0x86;
	v32 =	vmul.f32 $1.442695020e+00, v62  }
0xea: {  	v18 =	vmov s21;
	v22 =	vld.idx.msk [tilespmem:v27+s13+$0x0], $0xffff;
	(erf) = vrcp.f32 v16  }
0xeb: {  	v63 =	vand.u32 $0xFF, v18;
	v23 =	vld.idx.msk [tilespmem:v30+s18+$0x0], $0xffff;
	(erf) = vpow2.f32 v32  }
0xec: {  	v17 =	vld.idx.msk [tilespmem:v30+s19+$0x0], $0xffff;
	v27 =	vadd.f32 v29, v25;
	v29 =	vmul.f32 v31, v7;
	v16 =	vor.u32 v19, v24  }
0xed: {  	s1 =	simm.s32 $0x87;
	v25 =	vadd.s32 v10, v63;
	v24 =	vld.idx.msk [tilespmem:v26+s13+$0x0], $0xffff;
	v26 =	vpop (erf)  }
.LBB2_5:
0xee: {  	p2 =	sne.s32 s1, $0xFF;
	v30 =	vshll.u32 v18, $0x4;
	v27 =	vadd.f32 v29, v27;
	v34 =	vmul.f32 v26, v9;
	v31 =	vmovc v12;
	v12 =	vmovc v20  }
0xef: {  	v18 =	vmov s1;
	v20 =	vmov v21;
	v26 =	vor.u32 v0, v30;
	v29 =	vpop (erf)  }
.Ltmp5:
0xf0: {  	v9 =	vmovc v11;
	v21 =	vmovc v30;
	v32 =	vsub.f32 $0.0e+00, v27;
	v29 =	vadd.f32 $1.000000000e+00, v29;
	v33 =	vmul.f32 v34, v22;
	(pc) =	sbr.rel @p2 .LBB2_5-.Ltmp5, $4  }
0xf1: {  	v11 =	vmovc v14;
	v14 =	vmovc v15;
	v30 =	vand.u32 $0xFF, v18;
	v15 =	vmov v27;
	v22 =	vld.idx.msk [tilespmem:v16+s13+$0x0], $0xffff;
	v16 =	vmov v23  }
0xf2: {  	v23 =	vld.idx.msk [tilespmem:v25+s18+$0x0], $0xffff;
	v32 =	vmul.f32 $1.442695020e+00, v32;
	(erf) = vrcp.f32 v29;
	v8 =	vadd.f32 v33, v8  }
0xf3: {  	v27 =	vadd.f32 v17, v16;
	v29 =	vmul.f32 v24, v7;
	v16 =	vor.u32 v19, v3;
	v17 =	vld.idx.msk [tilespmem:v25+s19+$0x0], $0xffff  }
0xf4: {  	s1 =	sadd.s32 $0x1, s1;
	v3 =	vmov v31;
	v25 =	vadd.s32 v10, v30;
	v24 =	vld.idx.msk [tilespmem:v26+s13+$0x0], $0xffff;
	(erf) = vpow2.f32 v32;
	v26 =	vpop (erf)  }
0xf5: {  	v18 =	vshll.u32 v18, $0x4;
	v27 =	vadd.f32 v29, v27  }
0xf6: {  	v29 =	vor.u32 v0, v18  }
0xf7: {  	v30 =	vpop (erf);
	v31 =	vsub.f32 $0.0e+00, v27  }
0xf8: {  	v30 =	vadd.f32 $1.000000000e+00, v30  }
0xf9: {  	v32 =	vld.idx.msk [tilespmem:v25+s18+$0x0], $0xffff;
	v31 =	vmul.f32 $1.442695020e+00, v31  }
0xfa: {  	v25 =	vld.idx.msk [tilespmem:v25+s19+$0x0], $0xffff;
	(erf) = vrcp.f32 v30  }
0xfb: {  	v29 =	vld.idx.msk [tilespmem:v29+s13+$0x0], $0xffff;
	(erf) = vpow2.f32 v31;
	_ =	sdelay $0x1  }
0xfc: {  	v17 =	vadd.f32 v17, v23;
	v23 =	vmul.f32 v24, v7;
	_ =	sdelay $0x1  }
0xfd: {  	v17 =	vadd.f32 v23, v17  }
0xfe: {  	v23 =	vadd.f32 v25, v32;
	v25 =	vpop (erf);
	v24 =	vmul.f32 v29, v7  }
0xff: {  	v30 =	vsub.f32 $0.0e+00, v17;
	v29 =	vpop (erf)  }
0x100: {  	v23 =	vadd.f32 v24, v23;
	v24 =	vadd.f32 $1.000000000e+00, v29  }
0x101: {  	v30 =	vmul.f32 $1.442695020e+00, v30;
	v29 =	vpop (erf)  }
0x102: {  	v31 =	vpop (erf);
	v62 =	vsub.f32 $0.0e+00, v23;
	(erf) = vrcp.f32 v24  }
0x103: {  	v24 =	vadd.f32 $1.000000000e+00, v31;
	(erf) = vpow2.f32 v30  }
0x104: {  	v30 =	vmul.f32 $1.442695020e+00, v62  }
0x105: {  	(erf) = vrcp.f32 v24  }
0x106: {  	(erf) = vpow2.f32 v30;
	_ =	sdelay $0x1  }
0x107: {  	v3 =	vor.u32 v19, v3  }
0x108: {  	v24 =	vmul.f32 $2.222222240e-01, v7;
	_ =	sdelay $0x1  }
0x109: {  	v16 =	vld.idx.msk [tilespmem:v16+s13+$0x0], $0xffff;
	v12 =	vor.u32 v19, v12;
	v9 =	vmul.f32 v26, v9;
	v24 =	vmax.f32 v24, $0.0e+00;
	v30 =	vpop (erf)  }
0x10a: {  	v24 =	vmin.f32 v24, $1.000000000e+00;
	v31 =	vpop (erf)  }
0x10b: {  	v9 =	vmul.f32 v9, v22;
	v3 =	vld.idx.msk [tilespmem:v3+s13+$0x0], $0xffff;
	v33 =	vmul.f32 v24, v24;
	v31 =	vadd.f32 $1.000000000e+00, v31  }
0x10c: {  	v20 =	vor.u32 v19, v20;
	v11 =	vmul.f32 v25, v11;
	v63 =	vpop (erf)  }
0x10d: {  	v8 =	vadd.f32 v9, v8;
	v26 =	vpop (erf);
	(erf) = vrcp.f32 v31;
	v31 =	vmul.f32 v33, v33  }
0x10e: {  	v9 =	vmul.f32 v11, v16;
	v11 =	vld.idx.msk [tilespmem:v12+s13+$0x0], $0xffff;
	v12 =	vmul.f32 v29, v14;
	v26 =	vadd.f32 $1.000000000e+00, v26  }
0x10f: {  	v21 =	vor.u32 v19, v21;
	v22 =	vmul.f32 v31, v24  }
0x110: {  	v3 =	vmul.f32 v12, v3;
	v7 =	vadd.f32 $9.999999930e-09, v7;
	(erf) = vrcp.f32 v26  }
0x111: {  	v14 =	vor.u32 v19, v18;
	v18 =	vld.idx.msk [tilespmem:v20+s13+$0x0], $0xffff;
	v16 =	vmul.f32 $-2.100000000e+01, v22;
	v20 =	vmul.f32 $3.500000000e+01, v22  }
0x112: {  	(erf) = vrcp.f32 v7;
	v7 =	vadd.f32 v9, v8;
	v8 =	vmul.f32 v30, v15  }
0x113: {  	v12 =	vadd.f32 $1.000000000e+00, v16;
	v15 =	vmul.f32 v20, v24;
	v16 =	vmul.f32 $-1.500000000e+01, v22  }
0x114: {  	v9 =	vld.idx.msk [tilespmem:v21+s13+$0x0], $0xffff;
	v3 =	vadd.f32 v3, v7;
	v7 =	vmul.f32 v8, v11  }
0x115: {  	v8 =	vmul.f32 v63, v27;
	v12 =	vadd.f32 v15, v12;
	v15 =	vmul.f32 v16, v33  }
0x116: {  	v3 =	vadd.f32 v7, v3;
	v11 =	vpop (erf)  }
0x117: {  	v14 =	vld.idx.msk [tilespmem:v14+s13+$0x0], $0xffff;
	v7 =	vmul.f32 v8, v18;
	v8 =	vmul.f32 v11, v17;
	v12 =	vadd.f32 v15, v12;
	_ =	sdelay $0x1  }
0x118: {  	v3 =	vadd.f32 v7, v3;
	v11 =	vpop (erf);
	v7 =	vmul.f32 v8, v9;
	v9 =	vmax.f32 v12, $0.0e+00  }
0x119: {  	v8 =	vmul.f32 v11, v23;
	_ =	sdelay $0x1  }
0x11a: {  	v3 =	vadd.f32 v7, v3;
	v7 =	vmul.f32 v8, v14;
	v8 =	vmin.f32 v9, $1.000000000e+00;
	v9 =	vpop (erf)  }
0x11b: {  	v11 =	vadd.f32 v13, v59;
	v8 =	vmul.f32 v8, v9;
	_ =	sdelay $0x1  }
0x11c: {  	v3 =	vadd.f32 v7, v3;
	v7 =	vmul.f32 v11, v8;
	_ =	sdelay $0x1  }
0x11d: {  	v9 =	vmul.f32 v7, v6;
	_ =	sdelay $0x1  }
0x11e: {  	[tilespmem:v1+s15+$0x0] =	vst.idx.msk $0xffff, v9;
	v9 =	vld [tilespmem:$0x1FF60];
	_ =	sdelay $0x3  }
0x11f: {  	v3 =	vadd.f32 v3, v2;
	_ =	sdelay $0x1  }
0x120: {  	v3 =	vmul.f32 v3, v8;
	v8 =	vmul.f32 v7, v5;
	_ =	sdelay $0x1  }
0x121: {  	[tilespmem:v9+s15+$0x0] =	vst.idx.msk $0xffff, v8;
	v8 =	vld [tilespmem:$0x1FF70];
	_ =	sdelay $0x5  }
0x122: {  	v7 =	vmul.f32 v7, v4;
	_ =	sdelay $0x1  }
0x123: {  	v6 =	vmul.f32 v3, v6;
	[tilespmem:v8+s15+$0x0] =	vst.idx.msk $0xffff, v7;
	v7 =	vld [tilespmem:$0x1FF80]  }
0x124: {  	v5 =	vmul.f32 v3, v5;
	v3 =	vmul.f32 v3, v4;
	v4 =	vld [tilespmem:$0x1FF90];
	_ =	sdelay $0x6  }
0x125: {  	[tilespmem:v7+s15+$0x0] =	vst.idx.msk $0xffff, v6  }
0x126: {  	[tilespmem:v4+s15+$0x0] =	vst.idx.msk $0xffff, v5;
	v4 =	vld [tilespmem:$0x1FFA0]  }
0x127: {  	v6 =	vld [tilespmem:$0x1FFC0];
	_ =	sdelay $0x6  }
0x128: {  	[tilespmem:v4+s15+$0x0] =	vst.idx.msk $0xffff, v3;
	v4 =	vld [tilespmem:$0x1FFB0]  }
0x129: {  	v5 =	vld.idx.msk [tilespmem:v6+s18+$0x0], $0xffff  }
0x12a: {  	v7 =	vld.idx.msk [tilespmem:v6+s19+$0x0], $0xffff  }
0x12b: {  	v6 =	vld [tilespmem:$0x1FFD0];
	_ =	sdelay $0x5  }
0x12c: {  	v3 =	vld.idx.msk [tilespmem:v4+s18+$0x0], $0xffff  }
0x12d: {  	v4 =	vld.idx.msk [tilespmem:v4+s19+$0x0], $0xffff  }
0x12e: {  	v8 =	vld.idx.msk [tilespmem:v6+s18+$0x0], $0xffff  }
0x12f: {  	v9 =	vld.idx.msk [tilespmem:v6+s19+$0x0], $0xffff;
	_ =	sdelay $0x2  }
0x130: {  	v5 =	vsub.f32 v5, v7;
	v6 =	vsub.f32 v3, v4;
	_ =	sdelay $0x1  }
0x131: {  	v7 =	vmul.f32 v5, v5;
	v4 =	vsub.f32 v8, v9;
	v3 =	vmul.f32 v6, v6;
	_ =	sdelay $0x1  }
0x132: {  	v3 =	vadd.f32 v7, v3;
	v7 =	vmul.f32 v4, v4;
	_ =	sdelay $0x1  }
0x133: {  	v3 =	vadd.f32 v7, v3;
	_ =	sdelay $0x1  }
0x134: {  	v7 =	vmax.f32 v3, $1.000000000e-30  }
0x135: {  	v8 =	vshra.s32 v7, $0x1;
	v7 =	vmul.f32 $5.000000000e-01, v7  }
0x136: {  	v8 =	vsub.s32 $0x5F3759DF, v8  }
0x137: {  	v9 =	vmul.f32 v8, v7;
	_ =	sdelay $0x1  }
0x138: {  	v9 =	vmul.f32 v8, v9;
	_ =	sdelay $0x1  }
0x139: {  	v9 =	vsub.f32 $1.500000000e+00, v9;
	_ =	sdelay $0x1  }
0x13a: {  	v8 =	vmul.f32 v8, v9;
	_ =	sdelay $0x1  }
0x13b: {  	v9 =	vmul.f32 v8, v7;
	_ =	sdelay $0x1  }
0x13c: {  	v9 =	vmul.f32 v9, v8;
	_ =	sdelay $0x1  }
0x13d: {  	v9 =	vsub.f32 $1.500000000e+00, v9;
	_ =	sdelay $0x1  }
0x13e: {  	v8 =	vmul.f32 v9, v8;
	_ =	sdelay $0x1  }
0x13f: {  	v9 =	vmul.f32 v8, v7;
	_ =	sdelay $0x1  }
0x140: {  	v9 =	vmul.f32 v9, v8  }
0x141: {  	s1 =	simm.s32 $0x0  }
0x142: {  	v11 =	vmov s1;
	v9 =	vsub.f32 $1.500000000e+00, v9  }
0x143: {  	v13 =	vshll.u32 v11, $0x4  }
0x144: {  	v12 =	vand.u32 $0x7F, v11;
	v11 =	vor.u32 v0, v13;
	v8 =	vmul.f32 v9, v8  }
0x145: {  	v9 =	vadd.s32 v28, v12  }
0x146: {  	v7 =	vmul.f32 v8, v7;
	_ =	sdelay $0x1  }
0x147: {  	s12 =	simm.s32 $0x1;
	v7 =	vmul.f32 v7, v8  }
0x148: {  	v11 =	vld.idx.msk [tilespmem:v11+s13+$0x0], $0xffff;
	v12 =	vmov s12  }
0x149: {  	v15 =	vand.u32 $0x7F, v12;
	v14 =	vld.idx.msk [tilespmem:v9+s18+$0x0], $0xffff;
	v7 =	vsub.f32 $1.500000000e+00, v7  }
0x14a: {  	v15 =	vadd.s32 v28, v15;
	v9 =	vld.idx.msk [tilespmem:v9+s19+$0x0], $0xffff  }
0x14b: {  	v18 =	vshll.u32 v12, $0x4;
	v7 =	vmul.f32 v7, v8  }
0x14c: {  	v8 =	vor.u32 v0, v18  }
0x14d: {  	v7 =	vmul.f32 v7, v3;
	_ =	sdelay $0x1  }
0x14e: {  	v12 =	vld.idx.msk [tilespmem:v15+s19+$0x0], $0xffff;
	v9 =	vadd.f32 v9, v14;
	v11 =	vmul.f32 v11, v7  }
0x14f: {  	s21 =	simm.s32 $0x2;
	v3 =	vld.idx.msk [tilespmem:v15+s18+$0x0], $0xffff  }
0x150: {  	v8 =	vld.idx.msk [tilespmem:v8+s13+$0x0], $0xffff;
	v20 =	vadd.f32 v11, v9;
	v9 =	vmov s21  }
0x151: {  	v14 =	vand.u32 $0x7F, v9  }
0x152: {  	v11 =	vsub.f32 $0.0e+00, v20;
	v14 =	vadd.s32 v28, v14  }
0x153: {  	v9 =	vshll.u32 v9, $0x4  }
0x154: {  	s12 =	simm.s32 $0x3;
	v16 =	vor.u32 v0, v9;
	v11 =	vmul.f32 $1.442695020e+00, v11  }
0x155: {  	v15 =	vmov s12;
	v3 =	vadd.f32 v12, v3;
	v8 =	vmul.f32 v8, v7  }
0x156: {  	v12 =	vand.u32 $0x7F, v15;
	(erf) = vpow2.f32 v11  }
0x157: {  	v11 =	vadd.s32 v28, v12;
	v12 =	vadd.f32 v8, v3;
	v3 =	vshll.u32 v15, $0x4;
	v8 =	vld.idx.msk [tilespmem:v14+s18+$0x0], $0xffff  }
0x158: {  	v15 =	vor.u32 v0, v3;
	v14 =	vld.idx.msk [tilespmem:v14+s19+$0x0], $0xffff  }
0x159: {  	v16 =	vld.idx.msk [tilespmem:v16+s13+$0x0], $0xffff;
	v17 =	vsub.f32 $0.0e+00, v12  }
0x15a: {  	s21 =	simm.s32 $0x4  }
0x15b: {  	v21 =	vmov s21;
	v17 =	vmul.f32 $1.442695020e+00, v17  }
0x15c: {  	v23 =	vand.u32 $0x7F, v21;
	v22 =	vld.idx.msk [tilespmem:v11+s18+$0x0], $0xffff  }
0x15d: {  	(erf) = vpow2.f32 v17;
	v17 =	vadd.s32 v28, v23;
	v23 =	vld.idx.msk [tilespmem:v15+s13+$0x0], $0xffff  }
0x15e: {  	v24 =	vld.idx.msk [tilespmem:v11+s19+$0x0], $0xffff;
	v8 =	vadd.f32 v14, v8;
	v15 =	vshll.u32 v21, $0x4;
	v14 =	vmul.f32 v16, v7  }
0x15f: {  	v16 =	vor.u32 v0, v15;
	v11 =	vpop (erf)  }
0x160: {  	v21 =	vadd.f32 $1.000000000e+00, v11;
	v11 =	vadd.f32 v14, v8;
	_ =	sdelay $0x1  }
0x161: {  	s12 =	simm.s32 $0x5;
	(erf) = vrcp.f32 v21;
	v21 =	vmul.f32 v23, v7;
	v23 =	vsub.f32 $0.0e+00, v11  }
0x162: {  	v25 =	vmov s12;
	v14 =	vadd.f32 v24, v22  }
0x163: {  	v8 =	vand.u32 $0x7F, v25;
	v29 =	vld.idx.msk [tilespmem:v16+s13+$0x0], $0xffff;
	v16 =	vmul.f32 $1.442695020e+00, v23  }
0x164: {  	v22 =	vor.u32 v19, v13;
	v27 =	vld.idx.msk [tilespmem:v17+s18+$0x0], $0xffff;
	v14 =	vadd.f32 v21, v14  }
0x165: {  	v24 =	vld.idx.msk [tilespmem:v17+s19+$0x0], $0xffff;
	v17 =	vadd.s32 v28, v8;
	(erf) = vpow2.f32 v16  }
0x166: {  	v13 =	vshll.u32 v25, $0x4;
	v8 =	vpop (erf);
	v23 =	vsub.f32 $0.0e+00, v14  }
0x167: {  	v30 =	vor.u32 v0, v13;
	v25 =	vadd.f32 $1.000000000e+00, v8  }
0x168: {  	s21 =	simm.s32 $0x6;
	v31 =	vmul.f32 $1.442695020e+00, v23  }
0x169: {  	v26 =	vmov s21;
	v21 =	vld.idx.msk [tilespmem:v22+s13+$0x0], $0xffff;
	(erf) = vrcp.f32 v25  }
0x16a: {  	v22 =	vand.u32 $0x7F, v26;
	v16 =	vld.idx.msk [tilespmem:v17+s18+$0x0], $0xffff;
	(erf) = vpow2.f32 v31  }
0x16b: {  	v17 =	vld.idx.msk [tilespmem:v17+s19+$0x0], $0xffff;
	v27 =	vadd.f32 v24, v27;
	v29 =	vmul.f32 v29, v7;
	v23 =	vor.u32 v19, v18  }
0x16c: {  	s1 =	simm.s32 $0x7;
	v8 =	vimm.f32 $0.0e+00;
	v25 =	vadd.s32 v28, v22;
	v18 =	vld.idx.msk [tilespmem:v30+s13+$0x0], $0xffff;
	v22 =	vimm.f32 $0.0e+00;
	v24 =	vpop (erf)  }
.LBB2_7:
0x16d: {  	p2 =	sne.s32 s1, $0x7F;
	v30 =	vshll.u32 v26, $0x4;
	v27 =	vadd.f32 v29, v27;
	v34 =	vmul.f32 v24, v20;
	v31 =	vmovc v3;
	v3 =	vmovc v15  }
0x16e: {  	v26 =	vmov s1;
	v15 =	vmov v13;
	v24 =	vor.u32 v0, v30;
	v29 =	vpop (erf)  }
.Ltmp6:
0x16f: {  	v20 =	vmovc v12;
	v13 =	vmovc v30;
	v32 =	vsub.f32 $0.0e+00, v27;
	v29 =	vadd.f32 $1.000000000e+00, v29;
	v33 =	vmul.f32 v34, v21;
	(pc) =	sbr.rel @p2 .LBB2_7-.Ltmp6, $4  }
0x170: {  	v12 =	vmovc v11;
	v11 =	vmovc v14;
	v30 =	vand.u32 $0x7F, v26;
	v14 =	vmov v27;
	v21 =	vld.idx.msk [tilespmem:v23+s13+$0x0], $0xffff;
	v23 =	vmov v16  }
0x171: {  	v16 =	vld.idx.msk [tilespmem:v25+s18+$0x0], $0xffff;
	v32 =	vmul.f32 $1.442695020e+00, v32;
	(erf) = vrcp.f32 v29;
	v22 =	vadd.f32 v33, v22  }
0x172: {  	v27 =	vadd.f32 v17, v23;
	v29 =	vmul.f32 v18, v7;
	v23 =	vor.u32 v19, v9;
	v17 =	vld.idx.msk [tilespmem:v25+s19+$0x0], $0xffff  }
0x173: {  	s1 =	sadd.s32 $0x1, s1;
	v9 =	vmov v31;
	v25 =	vadd.s32 v28, v30;
	v18 =	vld.idx.msk [tilespmem:v24+s13+$0x0], $0xffff;
	(erf) = vpow2.f32 v32;
	v24 =	vpop (erf)  }
0x174: {  	v26 =	vshll.u32 v26, $0x4;
	v27 =	vadd.f32 v29, v27  }
0x175: {  	v29 =	vor.u32 v0, v26  }
0x176: {  	v30 =	vpop (erf);
	v31 =	vsub.f32 $0.0e+00, v27  }
0x177: {  	v30 =	vadd.f32 $1.000000000e+00, v30  }
0x178: {  	v32 =	vld.idx.msk [tilespmem:v25+s18+$0x0], $0xffff;
	v31 =	vmul.f32 $1.442695020e+00, v31  }
0x179: {  	v25 =	vld.idx.msk [tilespmem:v25+s19+$0x0], $0xffff;
	(erf) = vrcp.f32 v30  }
0x17a: {  	v29 =	vld.idx.msk [tilespmem:v29+s13+$0x0], $0xffff;
	(erf) = vpow2.f32 v31;
	_ =	sdelay $0x2  }
0x17b: {  	v16 =	vadd.f32 v17, v16;
	v17 =	vmul.f32 v18, v7;
	_ =	sdelay $0x1  }
0x17c: {  	v16 =	vadd.f32 v17, v16;
	v17 =	vadd.f32 v25, v32;
	v18 =	vmul.f32 v29, v7  }
0x17d: {  	s1 =	simm.s32 $0x80;
	v25 =	vpop (erf)  }
0x17e: {  	v30 =	vpop (erf);
	v31 =	vsub.f32 $0.0e+00, v16;
	v29 =	vmov s1;
	v17 =	vadd.f32 v18, v17  }
0x17f: {  	v30 =	vadd.f32 $1.000000000e+00, v30;
	v50 =	vpop (erf);
	v18 =	vand.u32 $0xFF, v29  }
0x180: {  	v31 =	vmul.f32 $1.442695020e+00, v31;
	v18 =	vadd.s32 v28, v18;
	v33 =	vpop (erf);
	v34 =	vsub.f32 $0.0e+00, v17  }
0x181: {  	(erf) = vrcp.f32 v30;
	v29 =	vshll.u32 v29, $0x4;
	v30 =	vadd.f32 $1.000000000e+00, v33  }
0x182: {  	(erf) = vpow2.f32 v31;
	v51 =	vor.u32 v0, v29;
	v31 =	vmul.f32 $1.442695020e+00, v34  }
0x183: {  	(erf) = vrcp.f32 v30  }
0x184: {  	s12 =	simm.s32 $0x81;
	(erf) = vpow2.f32 v31  }
0x185: {  	v30 =	vld.idx.msk [tilespmem:v18+s18+$0x0], $0xffff;
	v31 =	vmov s12  }
0x186: {  	v18 =	vld.idx.msk [tilespmem:v18+s19+$0x0], $0xffff;
	v52 =	vand.u32 $0xFF, v31  }
0x187: {  	v33 =	vld.idx.msk [tilespmem:v51+s13+$0x0], $0xffff;
	v34 =	vadd.s32 v28, v52  }
0x188: {  	v20 =	vmul.f32 v24, v20;
	v23 =	vld.idx.msk [tilespmem:v23+s13+$0x0], $0xffff;
	v24 =	vshll.u32 v31, $0x4  }
0x189: {  	v31 =	vor.u32 v0, v24  }
0x18a: {  	v20 =	vmul.f32 v20, v21;
	v21 =	vpop (erf)  }
0x18b: {  	v12 =	vmul.f32 v25, v12;
	v35 =	vpop (erf)  }
0x18c: {  	v20 =	vadd.f32 v20, v22;
	v18 =	vadd.f32 v18, v30;
	v30 =	vmul.f32 v33, v7;
	v53 =	vld.idx.msk [tilespmem:v34+s18+$0x0], $0xffff;
	v25 =	vpop (erf)  }
0x18d: {  	v22 =	vor.u32 v19, v9;
	v12 =	vmul.f32 v12, v23;
	v35 =	vadd.f32 $1.000000000e+00, v35;
	v34 =	vld.idx.msk [tilespmem:v34+s19+$0x0], $0xffff;
	v36 =	vpop (erf)  }
0x18e: {  	s21 =	simm.s32 $0x82;
	v9 =	vadd.f32 v30, v18;
	v18 =	vor.u32 v19, v3;
	v23 =	vld.idx.msk [tilespmem:v31+s13+$0x0], $0xffff;
	v3 =	vadd.f32 $1.000000000e+00, v36  }
0x18f: {  	(erf) = vrcp.f32 v35;
	v30 =	vmov s21  }
0x190: {  	v15 =	vor.u32 v19, v15;
	(erf) = vrcp.f32 v3;
	v3 =	vand.u32 $0xFF, v30  }
0x191: {  	v13 =	vor.u32 v19, v13;
	v54 =	vadd.s32 v28, v3  }
0x192: {  	v22 =	vld.idx.msk [tilespmem:v22+s13+$0x0], $0xffff;
	v20 =	vadd.f32 v12, v20;
	v31 =	vsub.f32 $0.0e+00, v9;
	v3 =	vshll.u32 v30, $0x4  }
0x193: {  	s12 =	simm.s32 $0x83;
	v33 =	vadd.f32 v34, v53;
	v18 =	vld.idx.msk [tilespmem:v18+s13+$0x0], $0xffff;
	v23 =	vmul.f32 v23, v7;
	v55 =	vor.u32 v0, v3  }
0x194: {  	v32 =	vmul.f32 v50, v11;
	v30 =	vmul.f32 $1.442695020e+00, v31;
	v31 =	vmov s12  }
0x195: {  	v15 =	vld.idx.msk [tilespmem:v15+s13+$0x0], $0xffff;
	v14 =	vmul.f32 v21, v14;
	v12 =	vshll.u32 v31, $0x4;
	v11 =	vadd.f32 v23, v33  }
0x196: {  	(erf) = vpow2.f32 v30;
	v30 =	vand.u32 $0xFF, v31;
	v23 =	vor.u32 v0, v12;
	v21 =	vld.idx.msk [tilespmem:v54+s18+$0x0], $0xffff  }
0x197: {  	v22 =	vmul.f32 v32, v22;
	v30 =	vadd.s32 v28, v30;
	v31 =	vld.idx.msk [tilespmem:v54+s19+$0x0], $0xffff  }
0x198: {  	v56 =	vsub.f32 $0.0e+00, v11;
	v14 =	vmul.f32 v14, v18;
	v18 =	vld.idx.msk [tilespmem:v55+s13+$0x0], $0xffff  }
0x199: {  	v20 =	vadd.f32 v22, v20;
	v22 =	vor.u32 v19, v26;
	s21 =	simm.s32 $0x84  }
0x19a: {  	v13 =	vld.idx.msk [tilespmem:v13+s13+$0x0], $0xffff;
	v26 =	vmov s21;
	v25 =	vmul.f32 v25, v27;
	v32 =	vmul.f32 $1.442695020e+00, v56  }
0x19b: {  	v58 =	vand.u32 $0xFF, v26;
	v23 =	vld.idx.msk [tilespmem:v23+s13+$0x0], $0xffff  }
0x19c: {  	v15 =	vmul.f32 v25, v15;
	v14 =	vadd.f32 v14, v20;
	(erf) = vpow2.f32 v32;
	v57 =	vld.idx.msk [tilespmem:v30+s18+$0x0], $0xffff  }
0x19d: {  	v34 =	vadd.s32 v28, v58;
	v27 =	vpop (erf);
	v30 =	vld.idx.msk [tilespmem:v30+s19+$0x0], $0xffff;
	v21 =	vadd.f32 v31, v21;
	v18 =	vmul.f32 v18, v7  }
0x19e: {  	s12 =	simm.s32 $0x85;
	v20 =	vshll.u32 v26, $0x4;
	v60 =	vpop (erf);
	v31 =	vadd.f32 v15, v14;
	v15 =	vmul.f32 v27, v16;
	v16 =	vld.idx.msk [tilespmem:v22+s13+$0x0], $0xffff  }
0x19f: {  	v26 =	vor.u32 v0, v20;
	v22 =	vmov s12;
	v25 =	vpop (erf);
	v14 =	vadd.f32 v18, v21  }
0x1a0: {  	v17 =	vmul.f32 v60, v17;
	v25 =	vadd.f32 $1.000000000e+00, v25;
	v18 =	vand.u32 $0xFF, v22  }
0x1a1: {  	v23 =	vmul.f32 v23, v7;
	v61 =	vadd.s32 v28, v18;
	v18 =	vsub.f32 $0.0e+00, v14  }
0x1a2: {  	v13 =	vmul.f32 v15, v13;
	(erf) = vrcp.f32 v25;
	v25 =	vadd.f32 v30, v57  }
0x1a3: {  	v16 =	vmul.f32 v17, v16;
	v17 =	vmul.f32 $1.442695020e+00, v18  }
0x1a4: {  	v29 =	vor.u32 v19, v29;
	v27 =	vld.idx.msk [tilespmem:v34+s18+$0x0], $0xffff;
	v15 =	vadd.f32 v23, v25  }
0x1a5: {  	v26 =	vld.idx.msk [tilespmem:v26+s13+$0x0], $0xffff;
	v21 =	vshll.u32 v22, $0x4;
	v13 =	vadd.f32 v13, v31;
	v22 =	vpop (erf);
	(erf) = vpow2.f32 v17  }
0x1a6: {  	v30 =	vld.idx.msk [tilespmem:v34+s19+$0x0], $0xffff;
	v25 =	vsub.f32 $0.0e+00, v15  }
0x1a7: {  	v31 =	vor.u32 v0, v21;
	v13 =	vadd.f32 v16, v13;
	v16 =	vadd.f32 $1.000000000e+00, v22  }
0x1a8: {  	v63 =	vmul.f32 $1.442695020e+00, v25  }
0x1a9: {  	s21 =	simm.s32 $0x86;
	v22 =	vld.idx.msk [tilespmem:v29+s13+$0x0], $0xffff;
	(erf) = vrcp.f32 v16  }
0x1aa: {  	v18 =	vmov s21;
	v29 =	vmul.f32 v26, v7;
	v23 =	vld.idx.msk [tilespmem:v61+s18+$0x0], $0xffff;
	(erf) = vpow2.f32 v63  }
0x1ab: {  	v62 =	vand.u32 $0xFF, v18;
	v17 =	vld.idx.msk [tilespmem:v61+s19+$0x0], $0xffff;
	v27 =	vadd.f32 v30, v27;
	v16 =	vor.u32 v19, v24  }
0x1ac: {  	s1 =	simm.s32 $0x87;
	v25 =	vadd.s32 v28, v62;
	v24 =	vld.idx.msk [tilespmem:v31+s13+$0x0], $0xffff;
	v26 =	vpop (erf)  }
.LBB2_9:
0x1ad: {  	p2 =	sne.s32 s1, $0xFF;
	v30 =	vshll.u32 v18, $0x4;
	v27 =	vadd.f32 v29, v27;
	v34 =	vmul.f32 v26, v9;
	v31 =	vmovc v12;
	v12 =	vmovc v20  }
0x1ae: {  	v18 =	vmov s1;
	v20 =	vmov v21;
	v26 =	vor.u32 v0, v30;
	v29 =	vpop (erf)  }
.Ltmp7:
0x1af: {  	v9 =	vmovc v11;
	v21 =	vmovc v30;
	v32 =	vsub.f32 $0.0e+00, v27;
	v29 =	vadd.f32 $1.000000000e+00, v29;
	v33 =	vmul.f32 v34, v22;
	(pc) =	sbr.rel @p2 .LBB2_9-.Ltmp7, $4  }
0x1b0: {  	v11 =	vmovc v14;
	v14 =	vmovc v15;
	v30 =	vand.u32 $0xFF, v18;
	v15 =	vmov v27;
	v22 =	vld.idx.msk [tilespmem:v16+s13+$0x0], $0xffff;
	v16 =	vmov v23  }
0x1b1: {  	v23 =	vld.idx.msk [tilespmem:v25+s18+$0x0], $0xffff;
	v32 =	vmul.f32 $1.442695020e+00, v32;
	(erf) = vrcp.f32 v29;
	v8 =	vadd.f32 v33, v8  }
0x1b2: {  	v27 =	vadd.f32 v17, v16;
	v29 =	vmul.f32 v24, v7;
	v16 =	vor.u32 v19, v3;
	v17 =	vld.idx.msk [tilespmem:v25+s19+$0x0], $0xffff  }
0x1b3: {  	s1 =	sadd.s32 $0x1, s1;
	v3 =	vmov v31;
	v25 =	vadd.s32 v28, v30;
	v24 =	vld.idx.msk [tilespmem:v26+s13+$0x0], $0xffff;
	(erf) = vpow2.f32 v32;
	v26 =	vpop (erf)  }
0x1b4: {  	v18 =	vshll.u32 v18, $0x4;
	v27 =	vadd.f32 v29, v27  }
0x1b5: {  	v29 =	vor.u32 v0, v18  }
0x1b6: {  	v30 =	vpop (erf);
	v31 =	vsub.f32 $0.0e+00, v27  }
0x1b7: {  	v30 =	vadd.f32 $1.000000000e+00, v30  }
0x1b8: {  	v32 =	vld.idx.msk [tilespmem:v25+s18+$0x0], $0xffff;
	v31 =	vmul.f32 $1.442695020e+00, v31  }
0x1b9: {  	v25 =	vld.idx.msk [tilespmem:v25+s19+$0x0], $0xffff;
	(erf) = vrcp.f32 v30  }
0x1ba: {  	v29 =	vld.idx.msk [tilespmem:v29+s13+$0x0], $0xffff;
	(erf) = vpow2.f32 v31;
	_ =	sdelay $0x1  }
0x1bb: {  	v17 =	vadd.f32 v17, v23;
	v23 =	vmul.f32 v24, v7;
	_ =	sdelay $0x1  }
0x1bc: {  	v17 =	vadd.f32 v23, v17  }
0x1bd: {  	v23 =	vadd.f32 v25, v32;
	v25 =	vpop (erf);
	v24 =	vmul.f32 v29, v7  }
0x1be: {  	v30 =	vsub.f32 $0.0e+00, v17;
	v29 =	vpop (erf)  }
0x1bf: {  	v23 =	vadd.f32 v24, v23;
	v24 =	vadd.f32 $1.000000000e+00, v29  }
0x1c0: {  	v30 =	vmul.f32 $1.442695020e+00, v30;
	v29 =	vpop (erf)  }
0x1c1: {  	v31 =	vpop (erf);
	v61 =	vsub.f32 $0.0e+00, v23;
	(erf) = vrcp.f32 v24  }
0x1c2: {  	v24 =	vadd.f32 $1.000000000e+00, v31;
	(erf) = vpow2.f32 v30  }
0x1c3: {  	v30 =	vmul.f32 $1.442695020e+00, v61  }
0x1c4: {  	(erf) = vrcp.f32 v24  }
0x1c5: {  	(erf) = vpow2.f32 v30;
	_ =	sdelay $0x1  }
0x1c6: {  	v3 =	vor.u32 v19, v3  }
0x1c7: {  	v24 =	vmul.f32 $2.222222240e-01, v7;
	_ =	sdelay $0x1  }
0x1c8: {  	v16 =	vld.idx.msk [tilespmem:v16+s13+$0x0], $0xffff;
	v12 =	vor.u32 v19, v12;
	v9 =	vmul.f32 v26, v9;
	v24 =	vmax.f32 v24, $0.0e+00;
	v30 =	vpop (erf)  }
0x1c9: {  	v24 =	vmin.f32 v24, $1.000000000e+00;
	v31 =	vpop (erf)  }
0x1ca: {  	v9 =	vmul.f32 v9, v22;
	v3 =	vld.idx.msk [tilespmem:v3+s13+$0x0], $0xffff;
	v33 =	vmul.f32 v24, v24;
	v31 =	vadd.f32 $1.000000000e+00, v31  }
0x1cb: {  	v20 =	vor.u32 v19, v20;
	v11 =	vmul.f32 v25, v11;
	v62 =	vpop (erf)  }
0x1cc: {  	v8 =	vadd.f32 v9, v8;
	v26 =	vpop (erf);
	(erf) = vrcp.f32 v31;
	v31 =	vmul.f32 v33, v33  }
0x1cd: {  	v9 =	vmul.f32 v11, v16;
	v11 =	vld.idx.msk [tilespmem:v12+s13+$0x0], $0xffff;
	v12 =	vmul.f32 v29, v14;
	v26 =	vadd.f32 $1.000000000e+00, v26  }
0x1ce: {  	v21 =	vor.u32 v19, v21;
	v22 =	vmul.f32 v31, v24  }
0x1cf: {  	v3 =	vmul.f32 v12, v3;
	v7 =	vadd.f32 $9.999999930e-09, v7;
	(erf) = vrcp.f32 v26  }
0x1d0: {  	v14 =	vor.u32 v19, v18;
	v18 =	vld.idx.msk [tilespmem:v20+s13+$0x0], $0xffff;
	v16 =	vmul.f32 $-2.100000000e+01, v22;
	v20 =	vmul.f32 $3.500000000e+01, v22  }
0x1d1: {  	(erf) = vrcp.f32 v7;
	v7 =	vadd.f32 v9, v8;
	v8 =	vmul.f32 v30, v15  }
0x1d2: {  	v12 =	vadd.f32 $1.000000000e+00, v16;
	v15 =	vmul.f32 v20, v24;
	v16 =	vmul.f32 $-1.500000000e+01, v22  }
0x1d3: {  	v9 =	vld.idx.msk [tilespmem:v21+s13+$0x0], $0xffff;
	v3 =	vadd.f32 v3, v7;
	v7 =	vmul.f32 v8, v11  }
0x1d4: {  	v8 =	vmul.f32 v62, v27;
	v12 =	vadd.f32 v15, v12;
	v15 =	vmul.f32 v16, v33  }
0x1d5: {  	v3 =	vadd.f32 v7, v3;
	v11 =	vpop (erf)  }
0x1d6: {  	v14 =	vld.idx.msk [tilespmem:v14+s13+$0x0], $0xffff;
	v7 =	vmul.f32 v8, v18;
	v8 =	vmul.f32 v11, v17;
	v12 =	vadd.f32 v15, v12;
	_ =	sdelay $0x1  }
0x1d7: {  	v3 =	vadd.f32 v7, v3;
	v11 =	vpop (erf);
	v7 =	vmul.f32 v8, v9;
	v9 =	vmax.f32 v12, $0.0e+00  }
0x1d8: {  	v8 =	vmul.f32 v11, v23;
	_ =	sdelay $0x1  }
0x1d9: {  	v3 =	vadd.f32 v7, v3;
	v7 =	vmul.f32 v8, v14;
	v8 =	vmin.f32 v9, $1.000000000e+00;
	v9 =	vpop (erf)  }
0x1da: {  	v11 =	vadd.f32 v13, v59;
	v8 =	vmul.f32 v8, v9  }
0x1db: {  	v36 =	vor.u32 $0x80, v1;
	v3 =	vadd.f32 v7, v3  }
0x1dc: {  	v7 =	vmul.f32 v11, v8;
	v11 =	vor.u32 $0x81, v1  }
0x1dd: {  	v12 =	vor.u32 $0x82, v1;
	v3 =	vadd.f32 v3, v2  }
0x1de: {  	v13 =	vor.u32 $0x84, v1;
	v9 =	vmul.f32 v7, v6  }
0x1df: {  	v14 =	vor.u32 $0x85, v1;
	v3 =	vmul.f32 v3, v8;
	v8 =	vmul.f32 v7, v5  }
0x1e0: {  	v7 =	vmul.f32 v7, v4;
	[tilespmem:v36+s15+$0x0] =	vst.idx.msk $0xffff, v9;
	v9 =	vor.u32 $0x86, v1  }
0x1e1: {  	v38 =	vadd.s32 $0x2300, v10;
	[tilespmem:v11+s15+$0x0] =	vst.idx.msk $0xffff, v8;
	v6 =	vmul.f32 v3, v6  }
0x1e2: {  	v5 =	vmul.f32 v3, v5;
	[tilespmem:v12+s15+$0x0] =	vst.idx.msk $0xffff, v7  }
0x1e3: {  	v39 =	vadd.s32 $0x2301, v10;
	v3 =	vmul.f32 v3, v4;
	[tilespmem:v13+s15+$0x0] =	vst.idx.msk $0xffff, v6  }
0x1e4: {  	[tilespmem:v14+s15+$0x0] =	vst.idx.msk $0xffff, v5  }
0x1e5: {  	v40 =	vadd.s32 $0x2302, v10;
	[tilespmem:v9+s15+$0x0] =	vst.idx.msk $0xffff, v3  }
0x1e6: {  	v3 =	vld.idx.msk [tilespmem:v38+s18+$0x0], $0xffff  }
0x1e7: {  	v4 =	vld.idx.msk [tilespmem:v38+s19+$0x0], $0xffff  }
0x1e8: {  	v5 =	vld.idx.msk [tilespmem:v39+s18+$0x0], $0xffff  }
0x1e9: {  	v6 =	vld.idx.msk [tilespmem:v39+s19+$0x0], $0xffff  }
0x1ea: {  	v7 =	vld.idx.msk [tilespmem:v40+s18+$0x0], $0xffff  }
0x1eb: {  	v8 =	vld.idx.msk [tilespmem:v40+s19+$0x0], $0xffff;
	_ =	sdelay $0x2  }
0x1ec: {  	v30 =	vsub.f32 v3, v4;
	v5 =	vsub.f32 v5, v6;
	_ =	sdelay $0x1  }
0x1ed: {  	v4 =	vsub.f32 v7, v8;
	v3 =	vmul.f32 v30, v30;
	v6 =	vmul.f32 v5, v5;
	_ =	sdelay $0x1  }
0x1ee: {  	v3 =	vadd.f32 v6, v3;
	v6 =	vmul.f32 v4, v4;
	_ =	sdelay $0x1  }
0x1ef: {  	v3 =	vadd.f32 v6, v3;
	_ =	sdelay $0x1  }
0x1f0: {  	v6 =	vmax.f32 v3, $1.000000000e-30  }
0x1f1: {  	v7 =	vshra.s32 v6, $0x1;
	v6 =	vmul.f32 $5.000000000e-01, v6  }
0x1f2: {  	v7 =	vsub.s32 $0x5F3759DF, v7  }
0x1f3: {  	v8 =	vmul.f32 v7, v6;
	_ =	sdelay $0x1  }
0x1f4: {  	v8 =	vmul.f32 v7, v8;
	_ =	sdelay $0x1  }
0x1f5: {  	v8 =	vsub.f32 $1.500000000e+00, v8;
	_ =	sdelay $0x1  }
0x1f6: {  	v7 =	vmul.f32 v7, v8;
	_ =	sdelay $0x1  }
0x1f7: {  	v8 =	vmul.f32 v7, v6;
	_ =	sdelay $0x1  }
0x1f8: {  	v8 =	vmul.f32 v8, v7;
	_ =	sdelay $0x1  }
0x1f9: {  	v8 =	vsub.f32 $1.500000000e+00, v8;
	_ =	sdelay $0x1  }
0x1fa: {  	v7 =	vmul.f32 v8, v7;
	_ =	sdelay $0x1  }
0x1fb: {  	v8 =	vmul.f32 v7, v6;
	_ =	sdelay $0x1  }
0x1fc: {  	v8 =	vmul.f32 v8, v7  }
0x1fd: {  	s1 =	simm.s32 $0x0  }
0x1fe: {  	[tilespmem:$0x1FE80] =	vst v9;
	v9 =	vmov s1;
	v8 =	vsub.f32 $1.500000000e+00, v8  }
0x1ff: {  	v29 =	vadd.s32 $0x2200, v10;
	[tilespmem:$0x1FE50] =	vst v12;
	v12 =	vshll.u32 v9, $0x4  }
0x200: {  	[tilespmem:$0x1FE40] =	vst v11;
	v11 =	vand.u32 $0x7F, v9;
	v9 =	vor.u32 v0, v12;
	v7 =	vmul.f32 v8, v7  }
0x201: {  	v8 =	vadd.s32 v29, v11  }
0x202: {  	v6 =	vmul.f32 v7, v6;
	_ =	sdelay $0x1  }
0x203: {  	s12 =	simm.s32 $0x1;
	v6 =	vmul.f32 v6, v7  }
0x204: {  	[tilespmem:$0x1FE60] =	vst v13;
	v9 =	vld.idx.msk [tilespmem:v9+s13+$0x0], $0xffff;
	v11 =	vmov s12  }
0x205: {  	[tilespmem:$0x1FE70] =	vst v14;
	v14 =	vand.u32 $0x7F, v11;
	v13 =	vld.idx.msk [tilespmem:v8+s18+$0x0], $0xffff;
	v6 =	vsub.f32 $1.500000000e+00, v6  }
0x206: {  	v14 =	vadd.s32 v29, v14;
	v8 =	vld.idx.msk [tilespmem:v8+s19+$0x0], $0xffff  }
0x207: {  	v18 =	vshll.u32 v11, $0x4;
	v6 =	vmul.f32 v6, v7  }
0x208: {  	v7 =	vor.u32 v0, v18  }
0x209: {  	v6 =	vmul.f32 v6, v3;
	_ =	sdelay $0x1  }
0x20a: {  	v11 =	vld.idx.msk [tilespmem:v14+s19+$0x0], $0xffff;
	v8 =	vadd.f32 v8, v13;
	v9 =	vmul.f32 v9, v6  }
0x20b: {  	s21 =	simm.s32 $0x2;
	v3 =	vld.idx.msk [tilespmem:v14+s18+$0x0], $0xffff  }
0x20c: {  	v7 =	vld.idx.msk [tilespmem:v7+s13+$0x0], $0xffff;
	v15 =	vadd.f32 v9, v8;
	v8 =	vmov s21  }
0x20d: {  	v13 =	vand.u32 $0x7F, v8  }
0x20e: {  	v9 =	vsub.f32 $0.0e+00, v15;
	v13 =	vadd.s32 v29, v13  }
0x20f: {  	v8 =	vshll.u32 v8, $0x4  }
0x210: {  	s12 =	simm.s32 $0x3;
	v16 =	vor.u32 v0, v8;
	v9 =	vmul.f32 $1.442695020e+00, v9  }
0x211: {  	v14 =	vmov s12;
	v3 =	vadd.f32 v11, v3;
	v7 =	vmul.f32 v7, v6  }
0x212: {  	v11 =	vand.u32 $0x7F, v14;
	(erf) = vpow2.f32 v9  }
0x213: {  	v9 =	vadd.s32 v29, v11;
	v11 =	vadd.f32 v7, v3;
	v3 =	vshll.u32 v14, $0x4;
	v7 =	vld.idx.msk [tilespmem:v13+s18+$0x0], $0xffff  }
0x214: {  	v14 =	vor.u32 v0, v3;
	v13 =	vld.idx.msk [tilespmem:v13+s19+$0x0], $0xffff  }
0x215: {  	v16 =	vld.idx.msk [tilespmem:v16+s13+$0x0], $0xffff;
	v17 =	vsub.f32 $0.0e+00, v11  }
0x216: {  	s21 =	simm.s32 $0x4  }
0x217: {  	v20 =	vmov s21;
	v17 =	vmul.f32 $1.442695020e+00, v17  }
0x218: {  	v22 =	vand.u32 $0x7F, v20;
	v21 =	vld.idx.msk [tilespmem:v9+s18+$0x0], $0xffff  }
0x219: {  	(erf) = vpow2.f32 v17;
	v17 =	vadd.s32 v29, v22;
	v22 =	vld.idx.msk [tilespmem:v14+s13+$0x0], $0xffff  }
0x21a: {  	v23 =	vld.idx.msk [tilespmem:v9+s19+$0x0], $0xffff;
	v7 =	vadd.f32 v13, v7;
	v14 =	vshll.u32 v20, $0x4;
	v13 =	vmul.f32 v16, v6  }
0x21b: {  	v16 =	vor.u32 v0, v14;
	v9 =	vpop (erf)  }
0x21c: {  	v20 =	vadd.f32 $1.000000000e+00, v9;
	v9 =	vadd.f32 v13, v7;
	_ =	sdelay $0x1  }
0x21d: {  	s12 =	simm.s32 $0x5;
	(erf) = vrcp.f32 v20;
	v20 =	vmul.f32 v22, v6;
	v22 =	vsub.f32 $0.0e+00, v9  }
0x21e: {  	v24 =	vmov s12;
	v13 =	vadd.f32 v23, v21  }
0x21f: {  	v7 =	vand.u32 $0x7F, v24;
	v27 =	vld.idx.msk [tilespmem:v16+s13+$0x0], $0xffff;
	v16 =	vmul.f32 $1.442695020e+00, v22  }
0x220: {  	v21 =	vor.u32 v19, v12;
	v26 =	vld.idx.msk [tilespmem:v17+s18+$0x0], $0xffff;
	v13 =	vadd.f32 v20, v13  }
0x221: {  	v23 =	vld.idx.msk [tilespmem:v17+s19+$0x0], $0xffff;
	v17 =	vadd.s32 v29, v7;
	(erf) = vpow2.f32 v16  }
0x222: {  	v12 =	vshll.u32 v24, $0x4;
	v7 =	vpop (erf);
	v22 =	vsub.f32 $0.0e+00, v13  }
0x223: {  	v31 =	vor.u32 v0, v12;
	v24 =	vadd.f32 $1.000000000e+00, v7  }
0x224: {  	s21 =	simm.s32 $0x6;
	v63 =	vmul.f32 $1.442695020e+00, v22  }
0x225: {  	v25 =	vmov s21;
	v20 =	vld.idx.msk [tilespmem:v21+s13+$0x0], $0xffff;
	(erf) = vrcp.f32 v24  }
0x226: {  	v21 =	vand.u32 $0x7F, v25;
	v16 =	vld.idx.msk [tilespmem:v17+s18+$0x0], $0xffff;
	(erf) = vpow2.f32 v63  }
0x227: {  	v17 =	vld.idx.msk [tilespmem:v17+s19+$0x0], $0xffff;
	v26 =	vadd.f32 v23, v26;
	v27 =	vmul.f32 v27, v6;
	v22 =	vor.u32 v19, v18  }
0x228: {  	s1 =	simm.s32 $0x7;
	v7 =	vimm.f32 $0.0e+00;
	v24 =	vadd.s32 v29, v21;
	v18 =	vld.idx.msk [tilespmem:v31+s13+$0x0], $0xffff;
	v21 =	vimm.f32 $0.0e+00;
	v23 =	vpop (erf)  }
.LBB2_11:
0x229: {  	p2 =	sne.s32 s1, $0x7F;
	v31 =	vshll.u32 v25, $0x4;
	v26 =	vadd.f32 v27, v26;
	v35 =	vmul.f32 v23, v15;
	v32 =	vmovc v3;
	v3 =	vmovc v14  }
0x22a: {  	v25 =	vmov s1;
	v14 =	vmov v12;
	v23 =	vor.u32 v0, v31;
	v27 =	vpop (erf)  }
.Ltmp8:
0x22b: {  	v15 =	vmovc v11;
	v12 =	vmovc v31;
	v33 =	vsub.f32 $0.0e+00, v26;
	v27 =	vadd.f32 $1.000000000e+00, v27;
	v34 =	vmul.f32 v35, v20;
	(pc) =	sbr.rel @p2 .LBB2_11-.Ltmp8, $4  }
0x22c: {  	v11 =	vmovc v9;
	v9 =	vmov v13;
	v31 =	vand.u32 $0x7F, v25;
	v13 =	vmov v26;
	v20 =	vld.idx.msk [tilespmem:v22+s13+$0x0], $0xffff  }
0x22d: {  	v22 =	vmovc v16;
	v33 =	vmul.f32 $1.442695020e+00, v33;
	(erf) = vrcp.f32 v27;
	v21 =	vadd.f32 v34, v21;
	v16 =	vld.idx.msk [tilespmem:v24+s18+$0x0], $0xffff  }
0x22e: {  	v26 =	vadd.f32 v17, v22;
	v27 =	vmul.f32 v18, v6;
	v22 =	vor.u32 v19, v8;
	v17 =	vld.idx.msk [tilespmem:v24+s19+$0x0], $0xffff  }
0x22f: {  	s1 =	sadd.s32 $0x1, s1;
	v8 =	vmov v32;
	v24 =	vadd.s32 v29, v31;
	v18 =	vld.idx.msk [tilespmem:v23+s13+$0x0], $0xffff;
	(erf) = vpow2.f32 v33;
	v23 =	vpop (erf)  }
0x230: {  	v25 =	vshll.u32 v25, $0x4;
	v26 =	vadd.f32 v27, v26  }
0x231: {  	v27 =	vor.u32 v0, v25  }
0x232: {  	v31 =	vpop (erf);
	v32 =	vsub.f32 $0.0e+00, v26  }
0x233: {  	v31 =	vadd.f32 $1.000000000e+00, v31  }
0x234: {  	v33 =	vld.idx.msk [tilespmem:v24+s18+$0x0], $0xffff;
	v32 =	vmul.f32 $1.442695020e+00, v32  }
0x235: {  	v24 =	vld.idx.msk [tilespmem:v24+s19+$0x0], $0xffff;
	(erf) = vrcp.f32 v31  }
0x236: {  	v27 =	vld.idx.msk [tilespmem:v27+s13+$0x0], $0xffff;
	(erf) = vpow2.f32 v32;
	_ =	sdelay $0x2  }
0x237: {  	v16 =	vadd.f32 v17, v16;
	v17 =	vmul.f32 v18, v6;
	_ =	sdelay $0x1  }
0x238: {  	v16 =	vadd.f32 v17, v16;
	v17 =	vadd.f32 v24, v33;
	v18 =	vmul.f32 v27, v6  }
0x239: {  	s1 =	simm.s32 $0x80;
	v24 =	vpop (erf)  }
0x23a: {  	v31 =	vpop (erf);
	v61 =	vsub.f32 $0.0e+00, v16;
	v27 =	vmov s1;
	v17 =	vadd.f32 v18, v17  }
0x23b: {  	v31 =	vadd.f32 $1.000000000e+00, v31;
	v62 =	vpop (erf);
	v18 =	vand.u32 $0xFF, v27  }
0x23c: {  	v32 =	vmul.f32 $1.442695020e+00, v61;
	v18 =	vadd.s32 v29, v18;
	v34 =	vpop (erf);
	v41 =	vsub.f32 $0.0e+00, v17  }
0x23d: {  	(erf) = vrcp.f32 v31;
	v27 =	vshll.u32 v27, $0x4;
	v31 =	vadd.f32 $1.000000000e+00, v34  }
0x23e: {  	(erf) = vpow2.f32 v32;
	v63 =	vor.u32 v0, v27;
	v45 =	vmul.f32 $1.442695020e+00, v41  }
0x23f: {  	(erf) = vrcp.f32 v31  }
0x240: {  	s12 =	simm.s32 $0x81;
	v22 =	vld.idx.msk [tilespmem:v22+s13+$0x0], $0xffff;
	(erf) = vpow2.f32 v45  }
0x241: {  	v46 =	vmov s12;
	v31 =	vld.idx.msk [tilespmem:v18+s18+$0x0], $0xffff  }
0x242: {  	v15 =	vmul.f32 v23, v15;
	v23 =	vshll.u32 v46, $0x4;
	v18 =	vld.idx.msk [tilespmem:v18+s19+$0x0], $0xffff  }
0x243: {  	v47 =	vand.u32 $0xFF, v46;
	v32 =	vor.u32 v0, v23;
	v34 =	vld.idx.msk [tilespmem:v63+s13+$0x0], $0xffff  }
0x244: {  	v41 =	vadd.s32 v29, v47;
	_ =	sdelay $0x1  }
0x245: {  	v15 =	vmul.f32 v15, v20;
	v11 =	vmul.f32 v24, v11;
	v20 =	vpop (erf)  }
0x246: {  	v42 =	vpop (erf)  }
0x247: {  	v11 =	vmul.f32 v11, v22;
	v22 =	vld.idx.msk [tilespmem:v32+s13+$0x0], $0xffff;
	v18 =	vadd.f32 v18, v31;
	v31 =	vmul.f32 v34, v6;
	v24 =	vpop (erf)  }
0x248: {  	v15 =	vadd.f32 v15, v21;
	v21 =	vor.u32 v19, v8;
	v48 =	vld.idx.msk [tilespmem:v41+s18+$0x0], $0xffff;
	v42 =	vadd.f32 $1.000000000e+00, v42;
	v43 =	vpop (erf)  }
0x249: {  	s21 =	simm.s32 $0x82;
	v41 =	vld.idx.msk [tilespmem:v41+s19+$0x0], $0xffff;
	v8 =	vadd.f32 v31, v18;
	v18 =	vor.u32 v19, v3;
	v3 =	vadd.f32 $1.000000000e+00, v43  }
0x24a: {  	(erf) = vrcp.f32 v42;
	v31 =	vmov s21  }
0x24b: {  	v14 =	vor.u32 v19, v14;
	(erf) = vrcp.f32 v3;
	v3 =	vand.u32 $0xFF, v31  }
0x24c: {  	v12 =	vor.u32 v19, v12;
	s12 =	simm.s32 $0x83;
	v50 =	vadd.s32 v29, v3  }
0x24d: {  	v51 =	vmov s12;
	v21 =	vld.idx.msk [tilespmem:v21+s13+$0x0], $0xffff;
	v49 =	vsub.f32 $0.0e+00, v8;
	v3 =	vshll.u32 v31, $0x4  }
0x24e: {  	v22 =	vmul.f32 v22, v6;
	v34 =	vadd.f32 v41, v48;
	v18 =	vld.idx.msk [tilespmem:v18+s13+$0x0], $0xffff;
	v52 =	vor.u32 v0, v3  }
0x24f: {  	v15 =	vadd.f32 v11, v15;
	v11 =	vshll.u32 v51, $0x4;
	v31 =	vmul.f32 $1.442695020e+00, v49  }
0x250: {  	v14 =	vld.idx.msk [tilespmem:v14+s13+$0x0], $0xffff;
	v33 =	vmul.f32 v62, v9;
	v13 =	vmul.f32 v20, v13;
	v9 =	vadd.f32 v22, v34  }
0x251: {  	v22 =	vor.u32 v0, v11;
	(erf) = vpow2.f32 v31;
	v31 =	vand.u32 $0xFF, v51;
	v20 =	vld.idx.msk [tilespmem:v50+s18+$0x0], $0xffff  }
0x252: {  	v21 =	vmul.f32 v33, v21;
	v31 =	vadd.s32 v29, v31;
	v53 =	vld.idx.msk [tilespmem:v50+s19+$0x0], $0xffff  }
0x253: {  	v54 =	vsub.f32 $0.0e+00, v9;
	v13 =	vmul.f32 v13, v18;
	v18 =	vld.idx.msk [tilespmem:v52+s13+$0x0], $0xffff  }
0x254: {  	v15 =	vadd.f32 v21, v15;
	v21 =	vor.u32 v19, v25;
	s21 =	simm.s32 $0x84  }
0x255: {  	v12 =	vld.idx.msk [tilespmem:v12+s13+$0x0], $0xffff;
	v25 =	vmov s21;
	v24 =	vmul.f32 v24, v26;
	v33 =	vmul.f32 $1.442695020e+00, v54  }
0x256: {  	v56 =	vand.u32 $0xFF, v25;
	v22 =	vld.idx.msk [tilespmem:v22+s13+$0x0], $0xffff  }
0x257: {  	v14 =	vmul.f32 v24, v14;
	(erf) = vpow2.f32 v33;
	v13 =	vadd.f32 v13, v15;
	v55 =	vld.idx.msk [tilespmem:v31+s18+$0x0], $0xffff  }
0x258: {  	v41 =	vadd.s32 v29, v56;
	v26 =	vpop (erf);
	v31 =	vld.idx.msk [tilespmem:v31+s19+$0x0], $0xffff;
	v20 =	vadd.f32 v53, v20;
	v18 =	vmul.f32 v18, v6  }
0x259: {  	s12 =	simm.s32 $0x85;
	v15 =	vshll.u32 v25, $0x4;
	v57 =	vpop (erf);
	v58 =	vadd.f32 v14, v13;
	v14 =	vmul.f32 v26, v16;
	v16 =	vld.idx.msk [tilespmem:v21+s13+$0x0], $0xffff  }
0x25a: {  	v25 =	vor.u32 v0, v15;
	v21 =	vmov s12;
	v24 =	vpop (erf);
	v13 =	vadd.f32 v18, v20  }
0x25b: {  	v22 =	vmul.f32 v22, v6;
	v24 =	vadd.f32 $1.000000000e+00, v24;
	v18 =	vand.u32 $0xFF, v21  }
0x25c: {  	v17 =	vmul.f32 v57, v17;
	v60 =	vadd.s32 v29, v18;
	v18 =	vsub.f32 $0.0e+00, v13  }
0x25d: {  	v12 =	vmul.f32 v14, v12;
	(erf) = vrcp.f32 v24;
	v24 =	vadd.f32 v31, v55  }
0x25e: {  	v16 =	vmul.f32 v17, v16;
	v17 =	vmul.f32 $1.442695020e+00, v18  }
0x25f: {  	v27 =	vor.u32 v19, v27;
	v26 =	vld.idx.msk [tilespmem:v41+s18+$0x0], $0xffff;
	v14 =	vadd.f32 v22, v24  }
0x260: {  	v25 =	vld.idx.msk [tilespmem:v25+s13+$0x0], $0xffff;
	v12 =	vadd.f32 v12, v58;
	v20 =	vshll.u32 v21, $0x4;
	v21 =	vpop (erf);
	(erf) = vpow2.f32 v17  }
0x261: {  	v31 =	vld.idx.msk [tilespmem:v41+s19+$0x0], $0xffff;
	v24 =	vsub.f32 $0.0e+00, v14  }
0x262: {  	v61 =	vor.u32 v0, v20;
	v12 =	vadd.f32 v16, v12;
	v16 =	vadd.f32 $1.000000000e+00, v21  }
0x263: {  	v63 =	vmul.f32 $1.442695020e+00, v24  }
0x264: {  	s21 =	simm.s32 $0x86;
	v21 =	vld.idx.msk [tilespmem:v27+s13+$0x0], $0xffff;
	(erf) = vrcp.f32 v16  }
0x265: {  	v18 =	vmov s21;
	v27 =	vmul.f32 v25, v6;
	v22 =	vld.idx.msk [tilespmem:v60+s18+$0x0], $0xffff;
	(erf) = vpow2.f32 v63  }
0x266: {  	v62 =	vand.u32 $0xFF, v18;
	v17 =	vld.idx.msk [tilespmem:v60+s19+$0x0], $0xffff;
	v26 =	vadd.f32 v31, v26;
	v16 =	vor.u32 v19, v23  }
0x267: {  	s1 =	simm.s32 $0x87;
	v24 =	vadd.s32 v29, v62;
	v23 =	vld.idx.msk [tilespmem:v61+s13+$0x0], $0xffff;
	v25 =	vpop (erf)  }
.LBB2_13:
0x268: {  	p2 =	sne.s32 s1, $0xFF;
	v31 =	vshll.u32 v18, $0x4;
	v26 =	vadd.f32 v27, v26;
	v35 =	vmul.f32 v25, v8;
	v32 =	vmovc v11;
	v11 =	vmovc v15  }
0x269: {  	v18 =	vmov s1;
	v15 =	vmov v20;
	v25 =	vor.u32 v0, v31;
	v27 =	vpop (erf)  }
.Ltmp9:
0x26a: {  	v8 =	vmovc v9;
	v20 =	vmovc v31;
	v33 =	vsub.f32 $0.0e+00, v26;
	v27 =	vadd.f32 $1.000000000e+00, v27;
	v34 =	vmul.f32 v35, v21;
	(pc) =	sbr.rel @p2 .LBB2_13-.Ltmp9, $4  }
0x26b: {  	v9 =	vmovc v13;
	v13 =	vmovc v14;
	v31 =	vand.u32 $0xFF, v18;
	v14 =	vmov v26;
	v21 =	vld.idx.msk [tilespmem:v16+s13+$0x0], $0xffff;
	v16 =	vmov v22  }
0x26c: {  	v22 =	vld.idx.msk [tilespmem:v24+s18+$0x0], $0xffff;
	v33 =	vmul.f32 $1.442695020e+00, v33;
	(erf) = vrcp.f32 v27;
	v7 =	vadd.f32 v34, v7  }
0x26d: {  	v26 =	vadd.f32 v17, v16;
	v27 =	vmul.f32 v23, v6;
	v16 =	vor.u32 v19, v3;
	v17 =	vld.idx.msk [tilespmem:v24+s19+$0x0], $0xffff  }
0x26e: {  	s1 =	sadd.s32 $0x1, s1;
	v3 =	vmov v32;
	v24 =	vadd.s32 v29, v31;
	v23 =	vld.idx.msk [tilespmem:v25+s13+$0x0], $0xffff;
	(erf) = vpow2.f32 v33;
	v25 =	vpop (erf)  }
0x26f: {  	v18 =	vshll.u32 v18, $0x4;
	v26 =	vadd.f32 v27, v26  }
0x270: {  	v27 =	vor.u32 v0, v18  }
0x271: {  	v31 =	vpop (erf);
	v32 =	vsub.f32 $0.0e+00, v26  }
0x272: {  	v31 =	vadd.f32 $1.000000000e+00, v31  }
0x273: {  	v33 =	vld.idx.msk [tilespmem:v24+s18+$0x0], $0xffff;
	v32 =	vmul.f32 $1.442695020e+00, v32  }
0x274: {  	v24 =	vld.idx.msk [tilespmem:v24+s19+$0x0], $0xffff;
	(erf) = vrcp.f32 v31  }
0x275: {  	v27 =	vld.idx.msk [tilespmem:v27+s13+$0x0], $0xffff;
	(erf) = vpow2.f32 v32;
	_ =	sdelay $0x1  }
0x276: {  	v17 =	vadd.f32 v17, v22;
	v22 =	vmul.f32 v23, v6;
	_ =	sdelay $0x1  }
0x277: {  	v17 =	vadd.f32 v22, v17  }
0x278: {  	v22 =	vadd.f32 v24, v33;
	v24 =	vpop (erf);
	v23 =	vmul.f32 v27, v6  }
0x279: {  	v31 =	vsub.f32 $0.0e+00, v17;
	v27 =	vpop (erf)  }
0x27a: {  	v22 =	vadd.f32 v23, v22;
	v23 =	vadd.f32 $1.000000000e+00, v27  }
0x27b: {  	v31 =	vmul.f32 $1.442695020e+00, v31;
	v27 =	vpop (erf)  }
0x27c: {  	v32 =	vpop (erf);
	v57 =	vsub.f32 $0.0e+00, v22;
	(erf) = vrcp.f32 v23  }
0x27d: {  	v23 =	vadd.f32 $1.000000000e+00, v32;
	(erf) = vpow2.f32 v31  }
0x27e: {  	v31 =	vmul.f32 $1.442695020e+00, v57  }
0x27f: {  	(erf) = vrcp.f32 v23  }
0x280: {  	(erf) = vpow2.f32 v31;
	_ =	sdelay $0x1  }
0x281: {  	v3 =	vor.u32 v19, v3  }
0x282: {  	v23 =	vmul.f32 $2.222222240e-01, v6;
	_ =	sdelay $0x1  }
0x283: {  	v16 =	vld.idx.msk [tilespmem:v16+s13+$0x0], $0xffff;
	v11 =	vor.u32 v19, v11;
	v8 =	vmul.f32 v25, v8;
	v23 =	vmax.f32 v23, $0.0e+00;
	v31 =	vpop (erf)  }
0x284: {  	v23 =	vmin.f32 v23, $1.000000000e+00;
	v58 =	vpop (erf)  }
0x285: {  	v8 =	vmul.f32 v8, v21;
	v3 =	vld.idx.msk [tilespmem:v3+s13+$0x0], $0xffff;
	v34 =	vmul.f32 v23, v23;
	v32 =	vadd.f32 $1.000000000e+00, v58  }
0x286: {  	v15 =	vor.u32 v19, v15;
	v9 =	vmul.f32 v24, v9;
	v60 =	vpop (erf)  }
0x287: {  	v7 =	vadd.f32 v8, v7;
	v61 =	vmul.f32 v34, v34;
	v25 =	vpop (erf);
	(erf) = vrcp.f32 v32  }
0x288: {  	v8 =	vmul.f32 v9, v16;
	v9 =	vld.idx.msk [tilespmem:v11+s13+$0x0], $0xffff;
	v11 =	vmul.f32 v27, v13;
	v25 =	vadd.f32 $1.000000000e+00, v25  }
0x289: {  	v20 =	vor.u32 v19, v20;
	v21 =	vmul.f32 v61, v23  }
0x28a: {  	v3 =	vmul.f32 v11, v3;
	v6 =	vadd.f32 $9.999999930e-09, v6;
	(erf) = vrcp.f32 v25  }
0x28b: {  	v13 =	vor.u32 v19, v18;
	v16 =	vmul.f32 $-2.100000000e+01, v21;
	v18 =	vmul.f32 $3.500000000e+01, v21  }
0x28c: {  	v15 =	vld.idx.msk [tilespmem:v15+s13+$0x0], $0xffff;
	(erf) = vrcp.f32 v6;
	v6 =	vadd.f32 v8, v7;
	v7 =	vmul.f32 v31, v14  }
0x28d: {  	v11 =	vadd.f32 $1.000000000e+00, v16;
	v16 =	vmul.f32 $-1.500000000e+01, v21;
	v14 =	vmul.f32 v18, v23  }
0x28e: {  	v8 =	vld.idx.msk [tilespmem:v20+s13+$0x0], $0xffff;
	v3 =	vadd.f32 v3, v6;
	v6 =	vmul.f32 v7, v9  }
0x28f: {  	v7 =	vmul.f32 v60, v26;
	v11 =	vadd.f32 v14, v11;
	v14 =	vmul.f32 v16, v34  }
0x290: {  	v3 =	vadd.f32 v6, v3;
	v9 =	vpop (erf)  }
0x291: {  	v13 =	vld.idx.msk [tilespmem:v13+s13+$0x0], $0xffff;
	v6 =	vmul.f32 v7, v15;
	v11 =	vadd.f32 v14, v11;
	v7 =	vmul.f32 v9, v17;
	_ =	sdelay $0x1  }
0x292: {  	v3 =	vadd.f32 v6, v3;
	v9 =	vpop (erf);
	v6 =	vmul.f32 v7, v8;
	v8 =	vmax.f32 v11, $0.0e+00  }
0x293: {  	v7 =	vmul.f32 v9, v22;
	_ =	sdelay $0x1  }
0x294: {  	v3 =	vadd.f32 v6, v3;
	v6 =	vmul.f32 v7, v13;
	v7 =	vmin.f32 v8, $1.000000000e+00;
	v8 =	vpop (erf)  }
0x295: {  	v9 =	vadd.f32 v12, v59;
	v7 =	vmul.f32 v7, v8  }
0x296: {  	v41 =	vor.u32 $0x100, v1;
	v3 =	vadd.f32 v6, v3  }
0x297: {  	v42 =	vor.u32 $0x101, v1;
	v6 =	vmul.f32 v9, v7  }
0x298: {  	v43 =	vor.u32 $0x102, v1;
	v3 =	vadd.f32 v3, v2  }
0x299: {  	v9 =	vor.u32 $0x104, v1;
	v8 =	vmul.f32 v6, v30  }
0x29a: {  	v45 =	vor.u32 $0x105, v1;
	v3 =	vmul.f32 v3, v7;
	v7 =	vmul.f32 v6, v5  }
0x29b: {  	v46 =	vor.u32 $0x106, v1;
	v6 =	vmul.f32 v6, v4;
	[tilespmem:v41+s15+$0x0] =	vst.idx.msk $0xffff, v8  }
0x29c: {  	v47 =	vadd.s32 $0x3400, v10;
	[tilespmem:v42+s15+$0x0] =	vst.idx.msk $0xffff, v7;
	v7 =	vmul.f32 v3, v30  }
0x29d: {  	v5 =	vmul.f32 v3, v5;
	[tilespmem:v43+s15+$0x0] =	vst.idx.msk $0xffff, v6  }
0x29e: {  	v48 =	vadd.s32 $0x3401, v10;
	v3 =	vmul.f32 v3, v4;
	[tilespmem:v9+s15+$0x0] =	vst.idx.msk $0xffff, v7  }
0x29f: {  	[tilespmem:v45+s15+$0x0] =	vst.idx.msk $0xffff, v5  }
0x2a0: {  	v49 =	vadd.s32 $0x3402, v10;
	[tilespmem:v46+s15+$0x0] =	vst.idx.msk $0xffff, v3  }
0x2a1: {  	v3 =	vld.idx.msk [tilespmem:v47+s18+$0x0], $0xffff  }
0x2a2: {  	v4 =	vld.idx.msk [tilespmem:v47+s19+$0x0], $0xffff  }
0x2a3: {  	v5 =	vld.idx.msk [tilespmem:v48+s18+$0x0], $0xffff  }
0x2a4: {  	v6 =	vld.idx.msk [tilespmem:v48+s19+$0x0], $0xffff  }
0x2a5: {  	v7 =	vld.idx.msk [tilespmem:v49+s18+$0x0], $0xffff  }
0x2a6: {  	v8 =	vld.idx.msk [tilespmem:v49+s19+$0x0], $0xffff;
	_ =	sdelay $0x2  }
0x2a7: {  	v31 =	vsub.f32 v3, v4;
	v5 =	vsub.f32 v5, v6;
	_ =	sdelay $0x1  }
0x2a8: {  	v4 =	vsub.f32 v7, v8;
	v3 =	vmul.f32 v31, v31;
	v6 =	vmul.f32 v5, v5;
	_ =	sdelay $0x1  }
0x2a9: {  	v3 =	vadd.f32 v6, v3;
	v6 =	vmul.f32 v4, v4;
	_ =	sdelay $0x1  }
0x2aa: {  	v3 =	vadd.f32 v6, v3;
	_ =	sdelay $0x1  }
0x2ab: {  	v6 =	vmax.f32 v3, $1.000000000e-30  }
0x2ac: {  	v7 =	vshra.s32 v6, $0x1;
	v6 =	vmul.f32 $5.000000000e-01, v6  }
0x2ad: {  	v7 =	vsub.s32 $0x5F3759DF, v7  }
0x2ae: {  	v8 =	vmul.f32 v7, v6;
	_ =	sdelay $0x1  }
0x2af: {  	v8 =	vmul.f32 v7, v8;
	_ =	sdelay $0x1  }
0x2b0: {  	v8 =	vsub.f32 $1.500000000e+00, v8;
	_ =	sdelay $0x1  }
0x2b1: {  	v7 =	vmul.f32 v7, v8;
	_ =	sdelay $0x1  }
0x2b2: {  	v8 =	vmul.f32 v7, v6;
	_ =	sdelay $0x1  }
0x2b3: {  	v8 =	vmul.f32 v8, v7;
	_ =	sdelay $0x1  }
0x2b4: {  	v8 =	vsub.f32 $1.500000000e+00, v8;
	_ =	sdelay $0x1  }
0x2b5: {  	v7 =	vmul.f32 v8, v7;
	_ =	sdelay $0x1  }
0x2b6: {  	v8 =	vmul.f32 v7, v6;
	_ =	sdelay $0x1  }
0x2b7: {  	v8 =	vmul.f32 v8, v7  }
0x2b8: {  	s1 =	simm.s32 $0x0  }
0x2b9: {  	[tilespmem:$0x1FE30] =	vst v9;
	v9 =	vmov s1;
	v8 =	vsub.f32 $1.500000000e+00, v8  }
0x2ba: {  	v30 =	vadd.s32 $0x3300, v10;
	v12 =	vshll.u32 v9, $0x4  }
0x2bb: {  	v11 =	vand.u32 $0x7F, v9;
	v9 =	vor.u32 v0, v12;
	v7 =	vmul.f32 v8, v7  }
0x2bc: {  	v8 =	vadd.s32 v30, v11  }
0x2bd: {  	v6 =	vmul.f32 v7, v6;
	_ =	sdelay $0x1  }
0x2be: {  	s12 =	simm.s32 $0x1;
	v6 =	vmul.f32 v6, v7  }
0x2bf: {  	v9 =	vld.idx.msk [tilespmem:v9+s13+$0x0], $0xffff;
	v11 =	vmov s12  }
0x2c0: {  	v14 =	vand.u32 $0x7F, v11;
	v13 =	vld.idx.msk [tilespmem:v8+s18+$0x0], $0xffff;
	v6 =	vsub.f32 $1.500000000e+00, v6  }
0x2c1: {  	v14 =	vadd.s32 v30, v14;
	v8 =	vld.idx.msk [tilespmem:v8+s19+$0x0], $0xffff  }
0x2c2: {  	v18 =	vshll.u32 v11, $0x4;
	v6 =	vmul.f32 v6, v7  }
0x2c3: {  	v7 =	vor.u32 v0, v18  }
0x2c4: {  	v6 =	vmul.f32 v6, v3;
	_ =	sdelay $0x1  }
0x2c5: {  	v11 =	vld.idx.msk [tilespmem:v14+s19+$0x0], $0xffff;
	v8 =	vadd.f32 v8, v13;
	v9 =	vmul.f32 v9, v6  }
0x2c6: {  	s21 =	simm.s32 $0x2;
	v3 =	vld.idx.msk [tilespmem:v14+s18+$0x0], $0xffff  }
0x2c7: {  	v7 =	vld.idx.msk [tilespmem:v7+s13+$0x0], $0xffff;
	v15 =	vadd.f32 v9, v8;
	v8 =	vmov s21  }
0x2c8: {  	v13 =	vand.u32 $0x7F, v8  }
0x2c9: {  	v9 =	vsub.f32 $0.0e+00, v15;
	v13 =	vadd.s32 v30, v13  }
0x2ca: {  	v8 =	vshll.u32 v8, $0x4  }
0x2cb: {  	s12 =	simm.s32 $0x3;
	v16 =	vor.u32 v0, v8;
	v9 =	vmul.f32 $1.442695020e+00, v9  }
0x2cc: {  	v14 =	vmov s12;
	v3 =	vadd.f32 v11, v3;
	v7 =	vmul.f32 v7, v6  }
0x2cd: {  	v11 =	vand.u32 $0x7F, v14;
	(erf) = vpow2.f32 v9  }
0x2ce: {  	v9 =	vadd.s32 v30, v11;
	v11 =	vadd.f32 v7, v3;
	v3 =	vshll.u32 v14, $0x4;
	v7 =	vld.idx.msk [tilespmem:v13+s18+$0x0], $0xffff  }
0x2cf: {  	v14 =	vor.u32 v0, v3;
	v13 =	vld.idx.msk [tilespmem:v13+s19+$0x0], $0xffff  }
0x2d0: {  	v16 =	vld.idx.msk [tilespmem:v16+s13+$0x0], $0xffff;
	v17 =	vsub.f32 $0.0e+00, v11  }
0x2d1: {  	s21 =	simm.s32 $0x4  }
0x2d2: {  	v20 =	vmov s21;
	v17 =	vmul.f32 $1.442695020e+00, v17  }
0x2d3: {  	v22 =	vand.u32 $0x7F, v20;
	v21 =	vld.idx.msk [tilespmem:v9+s18+$0x0], $0xffff  }
0x2d4: {  	(erf) = vpow2.f32 v17;
	v17 =	vadd.s32 v30, v22;
	v22 =	vld.idx.msk [tilespmem:v14+s13+$0x0], $0xffff  }
0x2d5: {  	v23 =	vld.idx.msk [tilespmem:v9+s19+$0x0], $0xffff;
	v7 =	vadd.f32 v13, v7;
	v14 =	vshll.u32 v20, $0x4;
	v13 =	vmul.f32 v16, v6  }
0x2d6: {  	v16 =	vor.u32 v0, v14;
	v9 =	vpop (erf)  }
0x2d7: {  	v20 =	vadd.f32 $1.000000000e+00, v9;
	v9 =	vadd.f32 v13, v7;
	_ =	sdelay $0x1  }
0x2d8: {  	s12 =	simm.s32 $0x5;
	(erf) = vrcp.f32 v20;
	v20 =	vmul.f32 v22, v6;
	v22 =	vsub.f32 $0.0e+00, v9  }
0x2d9: {  	v24 =	vmov s12;
	v13 =	vadd.f32 v23, v21  }
0x2da: {  	v7 =	vand.u32 $0x7F, v24;
	v27 =	vld.idx.msk [tilespmem:v16+s13+$0x0], $0xffff;
	v16 =	vmul.f32 $1.442695020e+00, v22  }
0x2db: {  	v21 =	vor.u32 v19, v12;
	v26 =	vld.idx.msk [tilespmem:v17+s18+$0x0], $0xffff;
	v13 =	vadd.f32 v20, v13  }
0x2dc: {  	v23 =	vld.idx.msk [tilespmem:v17+s19+$0x0], $0xffff;
	v17 =	vadd.s32 v30, v7;
	(erf) = vpow2.f32 v16  }
0x2dd: {  	v12 =	vshll.u32 v24, $0x4;
	v7 =	vpop (erf);
	v22 =	vsub.f32 $0.0e+00, v13  }
0x2de: {  	v62 =	vor.u32 v0, v12;
	v24 =	vadd.f32 $1.000000000e+00, v7  }
0x2df: {  	s21 =	simm.s32 $0x6;
	v63 =	vmul.f32 $1.442695020e+00, v22  }
0x2e0: {  	v25 =	vmov s21;
	v20 =	vld.idx.msk [tilespmem:v21+s13+$0x0], $0xffff;
	(erf) = vrcp.f32 v24  }
0x2e1: {  	v21 =	vand.u32 $0x7F, v25;
	v16 =	vld.idx.msk [tilespmem:v17+s18+$0x0], $0xffff;
	(erf) = vpow2.f32 v63  }
0x2e2: {  	v17 =	vld.idx.msk [tilespmem:v17+s19+$0x0], $0xffff;
	v26 =	vadd.f32 v23, v26;
	v27 =	vmul.f32 v27, v6;
	v22 =	vor.u32 v19, v18  }
0x2e3: {  	s1 =	simm.s32 $0x7;
	v7 =	vimm.f32 $0.0e+00;
	v24 =	vadd.s32 v30, v21;
	v18 =	vld.idx.msk [tilespmem:v62+s13+$0x0], $0xffff;
	v21 =	vimm.f32 $0.0e+00;
	v23 =	vpop (erf)  }
.LBB2_15:
0x2e4: {  	p2 =	sne.s32 s1, $0x7F;
	v32 =	vshll.u32 v25, $0x4;
	v26 =	vadd.f32 v27, v26;
	v35 =	vmul.f32 v23, v15;
	v33 =	vmovc v3;
	v3 =	vmovc v14  }
0x2e5: {  	v25 =	vmov s1;
	v14 =	vmov v12;
	v23 =	vor.u32 v0, v32;
	v27 =	vpop (erf)  }
.Ltmp10:
0x2e6: {  	v15 =	vmovc v11;
	v12 =	vmovc v32;
	v34 =	vsub.f32 $0.0e+00, v26;
	v27 =	vadd.f32 $1.000000000e+00, v27;
	v50 =	vmul.f32 v35, v20;
	(pc) =	sbr.rel @p2 .LBB2_15-.Ltmp10, $4  }
0x2e7: {  	v11 =	vmovc v9;
	v9 =	vmov v13;
	v32 =	vand.u32 $0x7F, v25;
	v13 =	vmov v26;
	v20 =	vld.idx.msk [tilespmem:v22+s13+$0x0], $0xffff  }
0x2e8: {  	v22 =	vmovc v16;
	v34 =	vmul.f32 $1.442695020e+00, v34;
	(erf) = vrcp.f32 v27;
	v21 =	vadd.f32 v50, v21;
	v16 =	vld.idx.msk [tilespmem:v24+s18+$0x0], $0xffff  }
0x2e9: {  	v26 =	vadd.f32 v17, v22;
	v27 =	vmul.f32 v18, v6;
	v22 =	vor.u32 v19, v8;
	v17 =	vld.idx.msk [tilespmem:v24+s19+$0x0], $0xffff  }
0x2ea: {  	s1 =	sadd.s32 $0x1, s1;
	v8 =	vmov v33;
	v24 =	vadd.s32 v30, v32;
	v18 =	vld.idx.msk [tilespmem:v23+s13+$0x0], $0xffff;
	(erf) = vpow2.f32 v34;
	v23 =	vpop (erf)  }
0x2eb: {  	v25 =	vshll.u32 v25, $0x4;
	v26 =	vadd.f32 v27, v26  }
0x2ec: {  	v27 =	vor.u32 v0, v25  }
0x2ed: {  	v32 =	vpop (erf);
	v33 =	vsub.f32 $0.0e+00, v26  }
0x2ee: {  	v32 =	vadd.f32 $1.000000000e+00, v32  }
0x2ef: {  	v34 =	vld.idx.msk [tilespmem:v24+s18+$0x0], $0xffff;
	v33 =	vmul.f32 $1.442695020e+00, v33  }
0x2f0: {  	v24 =	vld.idx.msk [tilespmem:v24+s19+$0x0], $0xffff;
	(erf) = vrcp.f32 v32  }
0x2f1: {  	v27 =	vld.idx.msk [tilespmem:v27+s13+$0x0], $0xffff;
	(erf) = vpow2.f32 v33;
	_ =	sdelay $0x2  }
0x2f2: {  	v16 =	vadd.f32 v17, v16;
	v17 =	vmul.f32 v18, v6;
	_ =	sdelay $0x1  }
0x2f3: {  	v16 =	vadd.f32 v17, v16;
	v17 =	vadd.f32 v24, v34;
	v18 =	vmul.f32 v27, v6  }
0x2f4: {  	s1 =	simm.s32 $0x80;
	v24 =	vpop (erf)  }
0x2f5: {  	v52 =	vpop (erf);
	v53 =	vsub.f32 $0.0e+00, v16;
	v27 =	vmov s1;
	v17 =	vadd.f32 v18, v17  }
0x2f6: {  	v32 =	vadd.f32 $1.000000000e+00, v52;
	v34 =	vpop (erf);
	v18 =	vand.u32 $0xFF, v27  }
0x2f7: {  	v33 =	vmul.f32 $1.442695020e+00, v53;
	v18 =	vadd.s32 v30, v18;
	v50 =	vpop (erf);
	v51 =	vsub.f32 $0.0e+00, v17  }
0x2f8: {  	(erf) = vrcp.f32 v32;
	v27 =	vshll.u32 v27, $0x4;
	v54 =	vadd.f32 $1.000000000e+00, v50  }
0x2f9: {  	(erf) = vpow2.f32 v33;
	v55 =	vor.u32 v0, v27;
	v56 =	vmul.f32 $1.442695020e+00, v51  }
0x2fa: {  	(erf) = vrcp.f32 v54  }
0x2fb: {  	(erf) = vpow2.f32 v56  }
0x2fc: {  	s12 =	simm.s32 $0x81;
	v57 =	vld.idx.msk [tilespmem:v18+s18+$0x0], $0xffff  }
0x2fd: {  	v58 =	vmov s12;
	v18 =	vld.idx.msk [tilespmem:v18+s19+$0x0], $0xffff  }
0x2fe: {  	v15 =	vmul.f32 v23, v15;
	v23 =	vshll.u32 v58, $0x4;
	v50 =	vld.idx.msk [tilespmem:v55+s13+$0x0], $0xffff  }
0x2ff: {  	v22 =	vld.idx.msk [tilespmem:v22+s13+$0x0], $0xffff;
	v60 =	vand.u32 $0xFF, v58;
	v33 =	vor.u32 v0, v23  }
0x300: {  	v51 =	vadd.s32 v30, v60  }
0x301: {  	v15 =	vmul.f32 v15, v20;
	v20 =	vpop (erf)  }
0x302: {  	v11 =	vmul.f32 v24, v11;
	v52 =	vpop (erf)  }
0x303: {  	v15 =	vadd.f32 v15, v21;
	v18 =	vadd.f32 v18, v57;
	v61 =	vmul.f32 v50, v6;
	v24 =	vpop (erf)  }
0x304: {  	v21 =	vor.u32 v19, v8;
	v11 =	vmul.f32 v11, v22;
	v22 =	vld.idx.msk [tilespmem:v33+s13+$0x0], $0xffff;
	v52 =	vadd.f32 $1.000000000e+00, v52;
	v53 =	vpop (erf)  }
0x305: {  	s21 =	simm.s32 $0x82;
	v62 =	vld.idx.msk [tilespmem:v51+s18+$0x0], $0xffff;
	v8 =	vadd.f32 v61, v18;
	v18 =	vor.u32 v19, v3;
	v3 =	vadd.f32 $1.000000000e+00, v53  }
0x306: {  	v63 =	vmov s21;
	v51 =	vld.idx.msk [tilespmem:v51+s19+$0x0], $0xffff;
	(erf) = vrcp.f32 v52  }
0x307: {  	v14 =	vor.u32 v19, v14;
	(erf) = vrcp.f32 v3;
	v3 =	vand.u32 $0xFF, v63  }
0x308: {  	v12 =	vor.u32 v19, v12;
	v57 =	vadd.s32 v30, v3  }
0x309: {  	s12 =	simm.s32 $0x83;
	v21 =	vld.idx.msk [tilespmem:v21+s13+$0x0], $0xffff;
	v15 =	vadd.f32 v11, v15;
	v56 =	vsub.f32 $0.0e+00, v8;
	v3 =	vshll.u32 v63, $0x4  }
0x30a: {  	v34 =	vmul.f32 v34, v9;
	v60 =	vmov s12;
	v18 =	vld.idx.msk [tilespmem:v18+s13+$0x0], $0xffff;
	v61 =	vor.u32 v0, v3  }
0x30b: {  	v22 =	vmul.f32 v22, v6;
	v50 =	vadd.f32 v51, v62;
	v58 =	vmul.f32 $1.442695020e+00, v56  }
0x30c: {  	v14 =	vld.idx.msk [tilespmem:v14+s13+$0x0], $0xffff;
	v11 =	vshll.u32 v60, $0x4;
	v13 =	vmul.f32 v20, v13;
	v62 =	vand.u32 $0xFF, v60  }
0x30d: {  	v9 =	vadd.f32 v22, v50;
	v22 =	vor.u32 v0, v11;
	(erf) = vpow2.f32 v58;
	v20 =	vld.idx.msk [tilespmem:v57+s18+$0x0], $0xffff  }
0x30e: {  	v21 =	vmul.f32 v34, v21;
	v32 =	vadd.s32 v30, v62;
	v63 =	vld.idx.msk [tilespmem:v57+s19+$0x0], $0xffff  }
0x30f: {  	v53 =	vsub.f32 $0.0e+00, v9;
	v13 =	vmul.f32 v13, v18;
	v18 =	vld.idx.msk [tilespmem:v61+s13+$0x0], $0xffff  }
0x310: {  	s21 =	simm.s32 $0x84;
	v15 =	vadd.f32 v21, v15;
	v21 =	vor.u32 v19, v25  }
0x311: {  	v12 =	vld.idx.msk [tilespmem:v12+s13+$0x0], $0xffff;
	v25 =	vmov s21;
	v24 =	vmul.f32 v24, v26;
	v34 =	vmul.f32 $1.442695020e+00, v53  }
0x312: {  	v55 =	vand.u32 $0xFF, v25;
	v22 =	vld.idx.msk [tilespmem:v22+s13+$0x0], $0xffff  }
0x313: {  	v14 =	vmul.f32 v24, v14;
	v54 =	vld.idx.msk [tilespmem:v32+s18+$0x0], $0xffff;
	(erf) = vpow2.f32 v34;
	v13 =	vadd.f32 v13, v15  }
0x314: {  	v51 =	vadd.s32 v30, v55;
	v32 =	vld.idx.msk [tilespmem:v32+s19+$0x0], $0xffff;
	v26 =	vpop (erf);
	v20 =	vadd.f32 v63, v20;
	v18 =	vmul.f32 v18, v6  }
0x315: {  	s12 =	simm.s32 $0x85;
	v15 =	vshll.u32 v25, $0x4;
	v56 =	vpop (erf);
	v57 =	vadd.f32 v14, v13;
	v14 =	vmul.f32 v26, v16;
	v16 =	vld.idx.msk [tilespmem:v21+s13+$0x0], $0xffff  }
0x316: {  	v25 =	vor.u32 v0, v15;
	v21 =	vmov s12;
	v24 =	vpop (erf);
	v13 =	vadd.f32 v18, v20  }
0x317: {  	v22 =	vmul.f32 v22, v6;
	v24 =	vadd.f32 $1.000000000e+00, v24;
	v18 =	vand.u32 $0xFF, v21  }
0x318: {  	v17 =	vmul.f32 v56, v17;
	v60 =	vadd.s32 v30, v18;
	v18 =	vsub.f32 $0.0e+00, v13  }
0x319: {  	v12 =	vmul.f32 v14, v12;
	(erf) = vrcp.f32 v24;
	v24 =	vadd.f32 v32, v54  }
0x31a: {  	v16 =	vmul.f32 v17, v16;
	v17 =	vmul.f32 $1.442695020e+00, v18  }
0x31b: {  	v27 =	vor.u32 v19, v27;
	v58 =	vld.idx.msk [tilespmem:v51+s19+$0x0], $0xffff;
	v14 =	vadd.f32 v22, v24  }
0x31c: {  	v26 =	vld.idx.msk [tilespmem:v51+s18+$0x0], $0xffff;
	v12 =	vadd.f32 v12, v57;
	v20 =	vshll.u32 v21, $0x4;
	v21 =	vpop (erf);
	(erf) = vpow2.f32 v17  }
0x31d: {  	v25 =	vld.idx.msk [tilespmem:v25+s13+$0x0], $0xffff;
	v24 =	vsub.f32 $0.0e+00, v14  }
0x31e: {  	v61 =	vor.u32 v0, v20;
	v12 =	vadd.f32 v16, v12;
	v16 =	vadd.f32 $1.000000000e+00, v21  }
0x31f: {  	v63 =	vmul.f32 $1.442695020e+00, v24  }
0x320: {  	s21 =	simm.s32 $0x86;
	v21 =	vld.idx.msk [tilespmem:v27+s13+$0x0], $0xffff;
	(erf) = vrcp.f32 v16  }
0x321: {  	v26 =	vadd.f32 v58, v26;
	v18 =	vmov s21;
	v22 =	vld.idx.msk [tilespmem:v60+s18+$0x0], $0xffff;
	(erf) = vpow2.f32 v63  }
0x322: {  	v27 =	vmul.f32 v25, v6;
	v62 =	vand.u32 $0xFF, v18;
	v17 =	vld.idx.msk [tilespmem:v60+s19+$0x0], $0xffff;
	v16 =	vor.u32 v19, v23  }
0x323: {  	s1 =	simm.s32 $0x87;
	v24 =	vadd.s32 v30, v62;
	v23 =	vld.idx.msk [tilespmem:v61+s13+$0x0], $0xffff;
	v25 =	vpop (erf)  }
.LBB2_17:
0x324: {  	p2 =	sne.s32 s1, $0xFF;
	v32 =	vshll.u32 v18, $0x4;
	v26 =	vadd.f32 v27, v26;
	v35 =	vmul.f32 v25, v8;
	v33 =	vmovc v11;
	v11 =	vmovc v15  }
0x325: {  	v18 =	vmov s1;
	v15 =	vmov v20;
	v25 =	vor.u32 v0, v32;
	v27 =	vpop (erf)  }
.Ltmp11:
0x326: {  	v8 =	vmovc v9;
	v20 =	vmovc v32;
	v34 =	vsub.f32 $0.0e+00, v26;
	v27 =	vadd.f32 $1.000000000e+00, v27;
	v50 =	vmul.f32 v35, v21;
	(pc) =	sbr.rel @p2 .LBB2_17-.Ltmp11, $4  }
0x327: {  	v9 =	vmovc v13;
	v13 =	vmovc v14;
	v32 =	vand.u32 $0xFF, v18;
	v14 =	vmov v26;
	v21 =	vld.idx.msk [tilespmem:v16+s13+$0x0], $0xffff;
	v16 =	vmov v22  }
0x328: {  	v22 =	vld.idx.msk [tilespmem:v24+s18+$0x0], $0xffff;
	v34 =	vmul.f32 $1.442695020e+00, v34;
	(erf) = vrcp.f32 v27;
	v7 =	vadd.f32 v50, v7  }
0x329: {  	v26 =	vadd.f32 v17, v16;
	v27 =	vmul.f32 v23, v6;
	v16 =	vor.u32 v19, v3;
	v17 =	vld.idx.msk [tilespmem:v24+s19+$0x0], $0xffff  }
0x32a: {  	s1 =	sadd.s32 $0x1, s1;
	v3 =	vmov v33;
	v24 =	vadd.s32 v30, v32;
	v23 =	vld.idx.msk [tilespmem:v25+s13+$0x0], $0xffff;
	(erf) = vpow2.f32 v34;
	v25 =	vpop (erf)  }
0x32b: {  	v18 =	vshll.u32 v18, $0x4;
	v26 =	vadd.f32 v27, v26  }
0x32c: {  	v27 =	vor.u32 v0, v18  }
0x32d: {  	v32 =	vpop (erf);
	v33 =	vsub.f32 $0.0e+00, v26  }
0x32e: {  	v32 =	vadd.f32 $1.000000000e+00, v32  }
0x32f: {  	v34 =	vld.idx.msk [tilespmem:v24+s18+$0x0], $0xffff;
	v33 =	vmul.f32 $1.442695020e+00, v33  }
0x330: {  	v24 =	vld.idx.msk [tilespmem:v24+s19+$0x0], $0xffff;
	(erf) = vrcp.f32 v32  }
0x331: {  	v27 =	vld.idx.msk [tilespmem:v27+s13+$0x0], $0xffff;
	(erf) = vpow2.f32 v33;
	_ =	sdelay $0x1  }
0x332: {  	v17 =	vadd.f32 v17, v22;
	v22 =	vmul.f32 v23, v6;
	_ =	sdelay $0x1  }
0x333: {  	v17 =	vadd.f32 v22, v17  }
0x334: {  	v22 =	vadd.f32 v24, v34;
	v24 =	vpop (erf);
	v23 =	vmul.f32 v27, v6  }
0x335: {  	v53 =	vsub.f32 $0.0e+00, v17;
	v27 =	vpop (erf)  }
0x336: {  	v22 =	vadd.f32 v23, v22;
	v23 =	vadd.f32 $1.000000000e+00, v27  }
0x337: {  	v32 =	vmul.f32 $1.442695020e+00, v53;
	v27 =	vpop (erf)  }
0x338: {  	v33 =	vpop (erf);
	v54 =	vsub.f32 $0.0e+00, v22;
	(erf) = vrcp.f32 v23  }
0x339: {  	v23 =	vadd.f32 $1.000000000e+00, v33;
	(erf) = vpow2.f32 v32  }
0x33a: {  	v55 =	vmul.f32 $1.442695020e+00, v54  }
0x33b: {  	(erf) = vrcp.f32 v23  }
0x33c: {  	(erf) = vpow2.f32 v55;
	_ =	sdelay $0x1  }
0x33d: {  	v3 =	vor.u32 v19, v3  }
0x33e: {  	v23 =	vmul.f32 $2.222222240e-01, v6;
	_ =	sdelay $0x1  }
0x33f: {  	v16 =	vld.idx.msk [tilespmem:v16+s13+$0x0], $0xffff;
	v11 =	vor.u32 v19, v11;
	v8 =	vmul.f32 v25, v8;
	v23 =	vmax.f32 v23, $0.0e+00;
	v56 =	vpop (erf)  }
0x340: {  	v23 =	vmin.f32 v23, $1.000000000e+00;
	v57 =	vpop (erf)  }
0x341: {  	v8 =	vmul.f32 v8, v21;
	v3 =	vld.idx.msk [tilespmem:v3+s13+$0x0], $0xffff;
	v50 =	vmul.f32 v23, v23;
	v33 =	vadd.f32 $1.000000000e+00, v57  }
0x342: {  	v15 =	vor.u32 v19, v15;
	v9 =	vmul.f32 v24, v9;
	v58 =	vpop (erf)  }
0x343: {  	v7 =	vadd.f32 v8, v7;
	v60 =	vmul.f32 v50, v50;
	v25 =	vpop (erf);
	(erf) = vrcp.f32 v33  }
0x344: {  	v8 =	vmul.f32 v9, v16;
	v9 =	vld.idx.msk [tilespmem:v11+s13+$0x0], $0xffff;
	v11 =	vmul.f32 v27, v13;
	v25 =	vadd.f32 $1.000000000e+00, v25  }
0x345: {  	v20 =	vor.u32 v19, v20;
	v21 =	vmul.f32 v60, v23  }
0x346: {  	v3 =	vmul.f32 v11, v3;
	v6 =	vadd.f32 $9.999999930e-09, v6;
	(erf) = vrcp.f32 v25  }
0x347: {  	v13 =	vor.u32 v19, v18;
	v16 =	vmul.f32 $-2.100000000e+01, v21;
	v18 =	vmul.f32 $3.500000000e+01, v21  }
0x348: {  	v15 =	vld.idx.msk [tilespmem:v15+s13+$0x0], $0xffff;
	(erf) = vrcp.f32 v6;
	v6 =	vadd.f32 v8, v7;
	v7 =	vmul.f32 v56, v14  }
0x349: {  	v11 =	vadd.f32 $1.000000000e+00, v16;
	v16 =	vmul.f32 $-1.500000000e+01, v21;
	v14 =	vmul.f32 v18, v23  }
0x34a: {  	v8 =	vld.idx.msk [tilespmem:v20+s13+$0x0], $0xffff;
	v3 =	vadd.f32 v3, v6;
	v6 =	vmul.f32 v7, v9  }
0x34b: {  	v7 =	vmul.f32 v58, v26;
	v11 =	vadd.f32 v14, v11;
	v14 =	vmul.f32 v16, v50  }
0x34c: {  	v3 =	vadd.f32 v6, v3;
	v9 =	vpop (erf)  }
0x34d: {  	v13 =	vld.idx.msk [tilespmem:v13+s13+$0x0], $0xffff;
	v6 =	vmul.f32 v7, v15;
	v11 =	vadd.f32 v14, v11;
	v7 =	vmul.f32 v9, v17;
	_ =	sdelay $0x1  }
0x34e: {  	v3 =	vadd.f32 v6, v3;
	v9 =	vpop (erf);
	v6 =	vmul.f32 v7, v8;
	v8 =	vmax.f32 v11, $0.0e+00  }
0x34f: {  	v7 =	vmul.f32 v9, v22;
	_ =	sdelay $0x1  }
0x350: {  	v3 =	vadd.f32 v6, v3;
	v6 =	vmul.f32 v7, v13;
	v7 =	vmin.f32 v8, $1.000000000e+00;
	v8 =	vpop (erf)  }
0x351: {  	v9 =	vadd.f32 v12, v59;
	v7 =	vmul.f32 v7, v8  }
0x352: {  	v50 =	vor.u32 $0x180, v1;
	v3 =	vadd.f32 v6, v3  }
0x353: {  	v51 =	vor.u32 $0x181, v1;
	v6 =	vmul.f32 v9, v7  }
0x354: {  	v52 =	vor.u32 $0x182, v1;
	v3 =	vadd.f32 v3, v2  }
0x355: {  	v53 =	vor.u32 $0x184, v1;
	v8 =	vmul.f32 v6, v31  }
0x356: {  	v54 =	vor.u32 $0x185, v1;
	v3 =	vmul.f32 v3, v7;
	v7 =	vmul.f32 v6, v5  }
0x357: {  	v55 =	vor.u32 $0x186, v1;
	v6 =	vmul.f32 v6, v4;
	[tilespmem:v50+s15+$0x0] =	vst.idx.msk $0xffff, v8  }
0x358: {  	v56 =	vadd.s32 $0x4500, v10;
	[tilespmem:v51+s15+$0x0] =	vst.idx.msk $0xffff, v7;
	v7 =	vmul.f32 v3, v31  }
0x359: {  	v5 =	vmul.f32 v3, v5;
	[tilespmem:v52+s15+$0x0] =	vst.idx.msk $0xffff, v6  }
0x35a: {  	v57 =	vadd.s32 $0x4501, v10;
	v3 =	vmul.f32 v3, v4;
	[tilespmem:v53+s15+$0x0] =	vst.idx.msk $0xffff, v7  }
0x35b: {  	[tilespmem:v54+s15+$0x0] =	vst.idx.msk $0xffff, v5  }
0x35c: {  	v58 =	vadd.s32 $0x4502, v10;
	[tilespmem:v55+s15+$0x0] =	vst.idx.msk $0xffff, v3  }
0x35d: {  	v3 =	vld.idx.msk [tilespmem:v56+s18+$0x0], $0xffff  }
0x35e: {  	v4 =	vld.idx.msk [tilespmem:v56+s19+$0x0], $0xffff  }
0x35f: {  	v5 =	vld.idx.msk [tilespmem:v57+s18+$0x0], $0xffff  }
0x360: {  	v7 =	vld.idx.msk [tilespmem:v57+s19+$0x0], $0xffff  }
0x361: {  	v8 =	vld.idx.msk [tilespmem:v58+s18+$0x0], $0xffff  }
0x362: {  	v9 =	vld.idx.msk [tilespmem:v58+s19+$0x0], $0xffff;
	_ =	sdelay $0x2  }
0x363: {  	v6 =	vsub.f32 v3, v4;
	v5 =	vsub.f32 v5, v7;
	_ =	sdelay $0x1  }
0x364: {  	v4 =	vsub.f32 v8, v9;
	v3 =	vmul.f32 v6, v6;
	v7 =	vmul.f32 v5, v5;
	_ =	sdelay $0x1  }
0x365: {  	v3 =	vadd.f32 v7, v3;
	v7 =	vmul.f32 v4, v4;
	_ =	sdelay $0x1  }
0x366: {  	v3 =	vadd.f32 v7, v3;
	_ =	sdelay $0x1  }
0x367: {  	v7 =	vmax.f32 v3, $1.000000000e-30  }
0x368: {  	v8 =	vshra.s32 v7, $0x1;
	v7 =	vmul.f32 $5.000000000e-01, v7  }
0x369: {  	v8 =	vsub.s32 $0x5F3759DF, v8  }
0x36a: {  	v9 =	vmul.f32 v8, v7;
	_ =	sdelay $0x1  }
0x36b: {  	v9 =	vmul.f32 v8, v9;
	_ =	sdelay $0x1  }
0x36c: {  	v9 =	vsub.f32 $1.500000000e+00, v9;
	_ =	sdelay $0x1  }
0x36d: {  	v8 =	vmul.f32 v8, v9;
	_ =	sdelay $0x1  }
0x36e: {  	v9 =	vmul.f32 v8, v7;
	_ =	sdelay $0x1  }
0x36f: {  	v9 =	vmul.f32 v9, v8;
	_ =	sdelay $0x1  }
0x370: {  	v9 =	vsub.f32 $1.500000000e+00, v9;
	_ =	sdelay $0x1  }
0x371: {  	v8 =	vmul.f32 v9, v8;
	_ =	sdelay $0x1  }
0x372: {  	v9 =	vmul.f32 v8, v7;
	_ =	sdelay $0x1  }
0x373: {  	v9 =	vmul.f32 v9, v8  }
0x374: {  	s1 =	simm.s32 $0x0  }
0x375: {  	v11 =	vmov s1;
	v9 =	vsub.f32 $1.500000000e+00, v9  }
0x376: {  	v12 =	vand.u32 $0x7F, v11;
	v13 =	vshll.u32 v11, $0x4  }
0x377: {  	v11 =	vor.u32 v0, v13;
	v31 =	vadd.s32 $0x4400, v10;
	v8 =	vmul.f32 v9, v8  }
0x378: {  	v9 =	vadd.s32 v31, v12  }
0x379: {  	v7 =	vmul.f32 v8, v7;
	_ =	sdelay $0x1  }
0x37a: {  	s12 =	simm.s32 $0x1;
	v7 =	vmul.f32 v7, v8  }
0x37b: {  	v11 =	vld.idx.msk [tilespmem:v11+s13+$0x0], $0xffff;
	v12 =	vmov s12  }
0x37c: {  	v15 =	vand.u32 $0x7F, v12;
	v14 =	vld.idx.msk [tilespmem:v9+s18+$0x0], $0xffff;
	v7 =	vsub.f32 $1.500000000e+00, v7  }
0x37d: {  	v15 =	vadd.s32 v31, v15;
	v9 =	vld.idx.msk [tilespmem:v9+s19+$0x0], $0xffff  }
0x37e: {  	v18 =	vshll.u32 v12, $0x4;
	v7 =	vmul.f32 v7, v8  }
0x37f: {  	v8 =	vor.u32 v0, v18  }
0x380: {  	v7 =	vmul.f32 v7, v3;
	_ =	sdelay $0x1  }
0x381: {  	v12 =	vld.idx.msk [tilespmem:v15+s19+$0x0], $0xffff;
	v9 =	vadd.f32 v9, v14;
	v11 =	vmul.f32 v11, v7  }
0x382: {  	s21 =	simm.s32 $0x2;
	v3 =	vld.idx.msk [tilespmem:v15+s18+$0x0], $0xffff  }
0x383: {  	v8 =	vld.idx.msk [tilespmem:v8+s13+$0x0], $0xffff;
	v20 =	vadd.f32 v11, v9;
	v9 =	vmov s21  }
0x384: {  	v14 =	vand.u32 $0x7F, v9  }
0x385: {  	v11 =	vsub.f32 $0.0e+00, v20;
	v14 =	vadd.s32 v31, v14  }
0x386: {  	v9 =	vshll.u32 v9, $0x4  }
0x387: {  	s12 =	simm.s32 $0x3;
	v16 =	vor.u32 v0, v9;
	v11 =	vmul.f32 $1.442695020e+00, v11  }
0x388: {  	v15 =	vmov s12;
	v3 =	vadd.f32 v12, v3;
	v8 =	vmul.f32 v8, v7  }
0x389: {  	v12 =	vand.u32 $0x7F, v15;
	(erf) = vpow2.f32 v11  }
0x38a: {  	v11 =	vadd.s32 v31, v12;
	v12 =	vadd.f32 v8, v3;
	v3 =	vshll.u32 v15, $0x4;
	v8 =	vld.idx.msk [tilespmem:v14+s18+$0x0], $0xffff  }
0x38b: {  	v15 =	vor.u32 v0, v3;
	v14 =	vld.idx.msk [tilespmem:v14+s19+$0x0], $0xffff  }
0x38c: {  	v16 =	vld.idx.msk [tilespmem:v16+s13+$0x0], $0xffff;
	v17 =	vsub.f32 $0.0e+00, v12  }
0x38d: {  	s21 =	simm.s32 $0x4  }
0x38e: {  	v21 =	vmov s21;
	v17 =	vmul.f32 $1.442695020e+00, v17  }
0x38f: {  	v23 =	vand.u32 $0x7F, v21;
	v22 =	vld.idx.msk [tilespmem:v11+s18+$0x0], $0xffff  }
0x390: {  	(erf) = vpow2.f32 v17;
	v17 =	vadd.s32 v31, v23;
	v23 =	vld.idx.msk [tilespmem:v15+s13+$0x0], $0xffff  }
0x391: {  	v24 =	vld.idx.msk [tilespmem:v11+s19+$0x0], $0xffff;
	v8 =	vadd.f32 v14, v8;
	v15 =	vshll.u32 v21, $0x4;
	v14 =	vmul.f32 v16, v7  }
0x392: {  	v16 =	vor.u32 v0, v15;
	v11 =	vpop (erf)  }
0x393: {  	v21 =	vadd.f32 $1.000000000e+00, v11;
	v11 =	vadd.f32 v14, v8;
	_ =	sdelay $0x1  }
0x394: {  	s12 =	simm.s32 $0x5;
	(erf) = vrcp.f32 v21;
	v21 =	vmul.f32 v23, v7;
	v23 =	vsub.f32 $0.0e+00, v11  }
0x395: {  	v25 =	vmov s12;
	v14 =	vadd.f32 v24, v22  }
0x396: {  	v8 =	vand.u32 $0x7F, v25;
	v61 =	vld.idx.msk [tilespmem:v16+s13+$0x0], $0xffff;
	v16 =	vmul.f32 $1.442695020e+00, v23  }
0x397: {  	v22 =	vor.u32 v19, v13;
	v27 =	vld.idx.msk [tilespmem:v17+s18+$0x0], $0xffff;
	v14 =	vadd.f32 v21, v14  }
0x398: {  	v24 =	vld.idx.msk [tilespmem:v17+s19+$0x0], $0xffff;
	v17 =	vadd.s32 v31, v8;
	(erf) = vpow2.f32 v16  }
0x399: {  	v13 =	vshll.u32 v25, $0x4;
	v8 =	vpop (erf);
	v23 =	vsub.f32 $0.0e+00, v14  }
0x39a: {  	v62 =	vor.u32 v0, v13;
	v25 =	vadd.f32 $1.000000000e+00, v8  }
0x39b: {  	s21 =	simm.s32 $0x6;
	v63 =	vmul.f32 $1.442695020e+00, v23  }
0x39c: {  	v26 =	vmov s21;
	v21 =	vld.idx.msk [tilespmem:v22+s13+$0x0], $0xffff;
	(erf) = vrcp.f32 v25  }
0x39d: {  	v22 =	vand.u32 $0x7F, v26;
	v16 =	vld.idx.msk [tilespmem:v17+s18+$0x0], $0xffff;
	(erf) = vpow2.f32 v63  }
0x39e: {  	v17 =	vld.idx.msk [tilespmem:v17+s19+$0x0], $0xffff;
	v27 =	vadd.f32 v24, v27;
	v32 =	vmul.f32 v61, v7;
	v23 =	vor.u32 v19, v18  }
0x39f: {  	s1 =	simm.s32 $0x7;
	v8 =	vimm.f32 $0.0e+00;
	v25 =	vadd.s32 v31, v22;
	v18 =	vld.idx.msk [tilespmem:v62+s13+$0x0], $0xffff;
	v22 =	vimm.f32 $0.0e+00;
	v24 =	vpop (erf)  }
.LBB2_19:
0x3a0: {  	p2 =	sne.s32 s1, $0x7F;
	v33 =	vshll.u32 v26, $0x4;
	v27 =	vadd.f32 v32, v27;
	v35 =	vmul.f32 v24, v20;
	v34 =	vmovc v3;
	v3 =	vmovc v15  }
0x3a1: {  	v26 =	vmov s1;
	v15 =	vmov v13;
	v24 =	vor.u32 v0, v33;
	v32 =	vpop (erf)  }
.Ltmp12:
0x3a2: {  	v20 =	vmovc v12;
	v13 =	vmovc v33;
	v60 =	vsub.f32 $0.0e+00, v27;
	v32 =	vadd.f32 $1.000000000e+00, v32;
	v61 =	vmul.f32 v35, v21;
	(pc) =	sbr.rel @p2 .LBB2_19-.Ltmp12, $4  }
0x3a3: {  	v12 =	vmovc v11;
	v11 =	vmov v14;
	v33 =	vand.u32 $0x7F, v26;
	v14 =	vmov v27;
	v21 =	vld.idx.msk [tilespmem:v23+s13+$0x0], $0xffff  }
0x3a4: {  	v23 =	vmovc v16;
	v60 =	vmul.f32 $1.442695020e+00, v60;
	(erf) = vrcp.f32 v32;
	v22 =	vadd.f32 v61, v22;
	v16 =	vld.idx.msk [tilespmem:v25+s18+$0x0], $0xffff  }
0x3a5: {  	v27 =	vadd.f32 v17, v23;
	v32 =	vmul.f32 v18, v7;
	v23 =	vor.u32 v19, v9;
	v17 =	vld.idx.msk [tilespmem:v25+s19+$0x0], $0xffff  }
0x3a6: {  	s1 =	sadd.s32 $0x1, s1;
	v9 =	vmov v34;
	v25 =	vadd.s32 v31, v33;
	v18 =	vld.idx.msk [tilespmem:v24+s13+$0x0], $0xffff;
	(erf) = vpow2.f32 v60;
	v24 =	vpop (erf)  }
0x3a7: {  	v26 =	vshll.u32 v26, $0x4;
	v27 =	vadd.f32 v32, v27  }
0x3a8: {  	v32 =	vor.u32 v0, v26  }
0x3a9: {  	v33 =	vpop (erf);
	v34 =	vsub.f32 $0.0e+00, v27  }
0x3aa: {  	v33 =	vadd.f32 $1.000000000e+00, v33  }
0x3ab: {  	v60 =	vld.idx.msk [tilespmem:v25+s18+$0x0], $0xffff;
	v34 =	vmul.f32 $1.442695020e+00, v34  }
0x3ac: {  	v25 =	vld.idx.msk [tilespmem:v25+s19+$0x0], $0xffff;
	(erf) = vrcp.f32 v33  }
0x3ad: {  	v32 =	vld.idx.msk [tilespmem:v32+s13+$0x0], $0xffff;
	(erf) = vpow2.f32 v34;
	_ =	sdelay $0x2  }
0x3ae: {  	v16 =	vadd.f32 v17, v16;
	v17 =	vmul.f32 v18, v7;
	_ =	sdelay $0x1  }
0x3af: {  	v16 =	vadd.f32 v17, v16;
	v17 =	vadd.f32 v25, v60;
	v18 =	vmul.f32 v32, v7  }
0x3b0: {  	s1 =	simm.s32 $0x80;
	v25 =	vpop (erf)  }
0x3b1: {  	v62 =	vpop (erf);
	v34 =	vsub.f32 $0.0e+00, v16;
	v32 =	vmov s1;
	v17 =	vadd.f32 v18, v17  }
0x3b2: {  	v33 =	vadd.f32 $1.000000000e+00, v62;
	v60 =	vpop (erf);
	v18 =	vand.u32 $0xFF, v32  }
0x3b3: {  	v34 =	vmul.f32 $1.442695020e+00, v34;
	v18 =	vadd.s32 v31, v18;
	v61 =	vpop (erf);
	v62 =	vsub.f32 $0.0e+00, v17  }
0x3b4: {  	(erf) = vrcp.f32 v33;
	v32 =	vshll.u32 v32, $0x4;
	v33 =	vadd.f32 $1.000000000e+00, v61  }
0x3b5: {  	(erf) = vpow2.f32 v34;
	v61 =	vor.u32 v0, v32;
	v63 =	vmul.f32 $1.442695020e+00, v62  }
0x3b6: {  	(erf) = vrcp.f32 v33  }
0x3b7: {  	s12 =	simm.s32 $0x81;
	v23 =	vld.idx.msk [tilespmem:v23+s13+$0x0], $0xffff;
	(erf) = vpow2.f32 v63  }
0x3b8: {  	v34 =	vmov s12;
	v33 =	vld.idx.msk [tilespmem:v18+s18+$0x0], $0xffff  }
0x3b9: {  	v20 =	vmul.f32 v24, v20;
	v24 =	vshll.u32 v34, $0x4;
	v18 =	vld.idx.msk [tilespmem:v18+s19+$0x0], $0xffff  }
0x3ba: {  	v35 =	vand.u32 $0xFF, v34;
	v34 =	vor.u32 v0, v24;
	v61 =	vld.idx.msk [tilespmem:v61+s13+$0x0], $0xffff  }
0x3bb: {  	v62 =	vadd.s32 v31, v35;
	_ =	sdelay $0x1  }
0x3bc: {  	v20 =	vmul.f32 v20, v21;
	v12 =	vmul.f32 v25, v12;
	v21 =	vpop (erf)  }
0x3bd: {  	v63 =	vpop (erf)  }
0x3be: {  	v12 =	vmul.f32 v12, v23;
	v23 =	vld.idx.msk [tilespmem:v34+s13+$0x0], $0xffff;
	v18 =	vadd.f32 v18, v33;
	v33 =	vmul.f32 v61, v7;
	v25 =	vpop (erf)  }
0x3bf: {  	v20 =	vadd.f32 v20, v22;
	v22 =	vor.u32 v19, v9;
	v63 =	vadd.f32 $1.000000000e+00, v63;
	v61 =	vld.idx.msk [tilespmem:v62+s18+$0x0], $0xffff;
	v35 =	vpop (erf)  }
0x3c0: {  	s21 =	simm.s32 $0x82;
	v62 =	vld.idx.msk [tilespmem:v62+s19+$0x0], $0xffff;
	v9 =	vadd.f32 v33, v18;
	v18 =	vor.u32 v19, v3;
	v3 =	vadd.f32 $1.000000000e+00, v35  }
0x3c1: {  	(erf) = vrcp.f32 v63;
	v33 =	vmov s21  }
0x3c2: {  	v15 =	vor.u32 v19, v15;
	(erf) = vrcp.f32 v3;
	v3 =	vand.u32 $0xFF, v33  }
0x3c3: {  	v13 =	vor.u32 v19, v13;
	v35 =	vadd.s32 v31, v3  }
0x3c4: {  	v22 =	vld.idx.msk [tilespmem:v22+s13+$0x0], $0xffff;
	v20 =	vadd.f32 v12, v20;
	v63 =	vsub.f32 $0.0e+00, v9;
	v3 =	vshll.u32 v33, $0x4  }
0x3c5: {  	s12 =	simm.s32 $0x83;
	v23 =	vmul.f32 v23, v7;
	v61 =	vadd.f32 v62, v61;
	v62 =	vor.u32 v0, v3;
	v18 =	vld.idx.msk [tilespmem:v18+s13+$0x0], $0xffff  }
0x3c6: {  	v60 =	vmul.f32 v60, v11;
	v34 =	vmov s12;
	v33 =	vmul.f32 $1.442695020e+00, v63  }
0x3c7: {  	v15 =	vld.idx.msk [tilespmem:v15+s13+$0x0], $0xffff;
	v12 =	vshll.u32 v34, $0x4;
	v14 =	vmul.f32 v21, v14;
	v11 =	vadd.f32 v23, v61  }
0x3c8: {  	v23 =	vor.u32 v0, v12;
	(erf) = vpow2.f32 v33;
	v33 =	vand.u32 $0xFF, v34;
	v21 =	vld.idx.msk [tilespmem:v35+s18+$0x0], $0xffff  }
0x3c9: {  	v22 =	vmul.f32 v60, v22;
	v33 =	vadd.s32 v31, v33;
	v34 =	vld.idx.msk [tilespmem:v35+s19+$0x0], $0xffff  }
0x3ca: {  	v35 =	vsub.f32 $0.0e+00, v11;
	v14 =	vmul.f32 v14, v18;
	v18 =	vld.idx.msk [tilespmem:v62+s13+$0x0], $0xffff  }
0x3cb: {  	v20 =	vadd.f32 v22, v20;
	v22 =	vor.u32 v19, v26;
	v25 =	vmul.f32 v25, v27  }
0x3cc: {  	v13 =	vld.idx.msk [tilespmem:v13+s13+$0x0], $0xffff;
	s21 =	simm.s32 $0x84;
	v35 =	vmul.f32 $1.442695020e+00, v35  }
0x3cd: {  	v26 =	vmov s21;
	v15 =	vmul.f32 v25, v15;
	v23 =	vld.idx.msk [tilespmem:v23+s13+$0x0], $0xffff  }
0x3ce: {  	v61 =	vand.u32 $0xFF, v26;
	v60 =	vld.idx.msk [tilespmem:v33+s18+$0x0], $0xffff;
	v14 =	vadd.f32 v14, v20;
	(erf) = vpow2.f32 v35  }
0x3cf: {  	v27 =	vpop (erf);
	v61 =	vadd.s32 v31, v61;
	v33 =	vld.idx.msk [tilespmem:v33+s19+$0x0], $0xffff;
	v21 =	vadd.f32 v34, v21;
	v18 =	vmul.f32 v18, v7  }
0x3d0: {  	s12 =	simm.s32 $0x85;
	v20 =	vshll.u32 v26, $0x4;
	v63 =	vadd.f32 v15, v14;
	v15 =	vmul.f32 v27, v16;
	v16 =	vld.idx.msk [tilespmem:v22+s13+$0x0], $0xffff;
	v35 =	vpop (erf)  }
0x3d1: {  	v26 =	vor.u32 v0, v20;
	v22 =	vmov s12;
	v25 =	vpop (erf);
	v14 =	vadd.f32 v18, v21  }
0x3d2: {  	v23 =	vmul.f32 v23, v7;
	v25 =	vadd.f32 $1.000000000e+00, v25;
	v18 =	vand.u32 $0xFF, v22  }
0x3d3: {  	v17 =	vmul.f32 v35, v17;
	v35 =	vadd.s32 v31, v18;
	v18 =	vsub.f32 $0.0e+00, v14  }
0x3d4: {  	v13 =	vmul.f32 v15, v13;
	(erf) = vrcp.f32 v25;
	v25 =	vadd.f32 v33, v60  }
0x3d5: {  	v16 =	vmul.f32 v17, v16;
	v17 =	vmul.f32 $1.442695020e+00, v18  }
0x3d6: {  	v32 =	vor.u32 v19, v32;
	v27 =	vld.idx.msk [tilespmem:v61+s18+$0x0], $0xffff;
	v15 =	vadd.f32 v23, v25  }
0x3d7: {  	v21 =	vshll.u32 v22, $0x4;
	v26 =	vld.idx.msk [tilespmem:v26+s13+$0x0], $0xffff;
	v13 =	vadd.f32 v13, v63;
	v22 =	vpop (erf);
	(erf) = vpow2.f32 v17  }
0x3d8: {  	v33 =	vld.idx.msk [tilespmem:v61+s19+$0x0], $0xffff;
	v25 =	vsub.f32 $0.0e+00, v15  }
0x3d9: {  	v34 =	vor.u32 v0, v21;
	v13 =	vadd.f32 v16, v13;
	v16 =	vadd.f32 $1.000000000e+00, v22  }
0x3da: {  	s21 =	simm.s32 $0x86;
	v61 =	vmul.f32 $1.442695020e+00, v25  }
0x3db: {  	v18 =	vmov s21;
	v22 =	vld.idx.msk [tilespmem:v32+s13+$0x0], $0xffff;
	(erf) = vrcp.f32 v16  }
0x3dc: {  	v60 =	vand.u32 $0xFF, v18;
	v23 =	vld.idx.msk [tilespmem:v35+s18+$0x0], $0xffff;
	(erf) = vpow2.f32 v61  }
0x3dd: {  	v17 =	vld.idx.msk [tilespmem:v35+s19+$0x0], $0xffff;
	v32 =	vmul.f32 v26, v7;
	v27 =	vadd.f32 v33, v27;
	v16 =	vor.u32 v19, v24  }
0x3de: {  	s1 =	simm.s32 $0x87;
	v25 =	vadd.s32 v31, v60;
	v24 =	vld.idx.msk [tilespmem:v34+s13+$0x0], $0xffff;
	v26 =	vpop (erf)  }
.LBB2_21:
0x3df: {  	p2 =	sne.s32 s1, $0xFF;
	v33 =	vshll.u32 v18, $0x4;
	v27 =	vadd.f32 v32, v27;
	v61 =	vmul.f32 v26, v9;
	v34 =	vmovc v12;
	v12 =	vmovc v20  }
0x3e0: {  	v18 =	vmov s1;
	v20 =	vmov v21;
	v26 =	vor.u32 v0, v33;
	v32 =	vpop (erf)  }
.Ltmp13:
0x3e1: {  	v9 =	vmovc v11;
	v21 =	vmovc v33;
	v35 =	vsub.f32 $0.0e+00, v27;
	v32 =	vadd.f32 $1.000000000e+00, v32;
	v60 =	vmul.f32 v61, v22;
	(pc) =	sbr.rel @p2 .LBB2_21-.Ltmp13, $4  }
0x3e2: {  	v11 =	vmovc v14;
	v14 =	vmovc v15;
	v33 =	vand.u32 $0xFF, v18;
	v15 =	vmov v27;
	v22 =	vld.idx.msk [tilespmem:v16+s13+$0x0], $0xffff;
	v16 =	vmov v23  }
0x3e3: {  	v23 =	vld.idx.msk [tilespmem:v25+s18+$0x0], $0xffff;
	v35 =	vmul.f32 $1.442695020e+00, v35;
	(erf) = vrcp.f32 v32;
	v8 =	vadd.f32 v60, v8  }
0x3e4: {  	v27 =	vadd.f32 v17, v16;
	v32 =	vmul.f32 v24, v7;
	v16 =	vor.u32 v19, v3;
	v17 =	vld.idx.msk [tilespmem:v25+s19+$0x0], $0xffff  }
0x3e5: {  	s1 =	sadd.s32 $0x1, s1;
	v3 =	vmov v34;
	v25 =	vadd.s32 v31, v33;
	v24 =	vld.idx.msk [tilespmem:v26+s13+$0x0], $0xffff;
	(erf) = vpow2.f32 v35;
	v26 =	vpop (erf)  }
0x3e6: {  	v18 =	vshll.u32 v18, $0x4;
	v27 =	vadd.f32 v32, v27  }
0x3e7: {  	v62 =	vor.u32 v0, v18  }
0x3e8: {  	v33 =	vpop (erf);
	v34 =	vsub.f32 $0.0e+00, v27  }
0x3e9: {  	v33 =	vadd.f32 $1.000000000e+00, v33  }
0x3ea: {  	v35 =	vld.idx.msk [tilespmem:v25+s18+$0x0], $0xffff;
	v34 =	vmul.f32 $1.442695020e+00, v34  }
0x3eb: {  	v63 =	vld.idx.msk [tilespmem:v25+s19+$0x0], $0xffff;
	(erf) = vrcp.f32 v33  }
0x3ec: {  	v32 =	vld.idx.msk [tilespmem:v62+s13+$0x0], $0xffff;
	(erf) = vpow2.f32 v34;
	_ =	sdelay $0x1  }
0x3ed: {  	v17 =	vadd.f32 v17, v23;
	v34 =	vmul.f32 v24, v7;
	_ =	sdelay $0x1  }
0x3ee: {  	v17 =	vadd.f32 v34, v17  }
0x3ef: {  	v60 =	vadd.f32 v63, v35;
	v25 =	vpop (erf);
	v61 =	vmul.f32 v32, v7  }
0x3f0: {  	v62 =	vpop (erf);
	v63 =	vsub.f32 $0.0e+00, v17  }
0x3f1: {  	v23 =	vadd.f32 v61, v60;
	v60 =	vadd.f32 $1.000000000e+00, v62  }
0x3f2: {  	v32 =	vpop (erf);
	v33 =	vmul.f32 $1.442695020e+00, v63  }
0x3f3: {  	v34 =	vpop (erf);
	v61 =	vsub.f32 $0.0e+00, v23;
	(erf) = vrcp.f32 v60  }
0x3f4: {  	v62 =	vadd.f32 $1.000000000e+00, v34;
	(erf) = vpow2.f32 v33  }
0x3f5: {  	v63 =	vmul.f32 $1.442695020e+00, v61  }
0x3f6: {  	(erf) = vrcp.f32 v62  }
0x3f7: {  	(erf) = vpow2.f32 v63  }
0x3f8: {  	v60 =	vmul.f32 $2.222222240e-01, v7;
	_ =	sdelay $0x1  }
0x3f9: {  	v24 =	vmax.f32 v60, $0.0e+00  }
0x3fa: {  	v24 =	vmin.f32 v24, $1.000000000e+00  }
0x3fb: {  	v3 =	vor.u32 v19, v3;
	v60 =	vmul.f32 v24, v24;
	v33 =	vpop (erf)  }
0x3fc: {  	v16 =	vld.idx.msk [tilespmem:v16+s13+$0x0], $0xffff;
	v12 =	vor.u32 v19, v12;
	v9 =	vmul.f32 v26, v9;
	v61 =	vpop (erf)  }
0x3fd: {  	v20 =	vor.u32 v19, v20;
	v63 =	vmul.f32 v60, v60;
	v34 =	vadd.f32 $1.000000000e+00, v61  }
0x3fe: {  	v9 =	vmul.f32 v9, v22;
	v11 =	vmul.f32 v25, v11;
	v35 =	vpop (erf)  }
0x3ff: {  	v25 =	vmul.f32 v63, v24;
	v62 =	vpop (erf);
	(erf) = vrcp.f32 v34  }
0x400: {  	v21 =	vor.u32 v19, v21;
	v3 =	vld.idx.msk [tilespmem:v3+s13+$0x0], $0xffff;
	v26 =	vadd.f32 $1.000000000e+00, v62  }
0x401: {  	v8 =	vadd.f32 v9, v8;
	v9 =	vmul.f32 v11, v16;
	v11 =	vld.idx.msk [tilespmem:v12+s13+$0x0], $0xffff;
	v16 =	vmul.f32 $-2.100000000e+01, v25  }
0x402: {  	v61 =	vor.u32 v19, v18;
	v18 =	vld.idx.msk [tilespmem:v20+s13+$0x0], $0xffff;
	v20 =	vmul.f32 $3.500000000e+01, v25;
	(erf) = vrcp.f32 v26  }
0x403: {  	v63 =	vadd.f32 $1.000000000e+00, v16;
	v16 =	vmul.f32 $-1.500000000e+01, v25;
	v26 =	vadd.f32 $9.999999930e-09, v7  }
0x404: {  	v34 =	vmul.f32 v32, v14;
	v62 =	vadd.f32 v9, v8;
	v8 =	vmul.f32 v33, v15  }
0x405: {  	v9 =	vld.idx.msk [tilespmem:v21+s13+$0x0], $0xffff;
	v21 =	vmul.f32 v20, v24;
	(erf) = vrcp.f32 v26  }
0x406: {  	v24 =	vmul.f32 v16, v60;
	v3 =	vmul.f32 v34, v3  }
0x407: {  	v22 =	vmul.f32 v8, v11;
	v8 =	vmul.f32 v35, v27;
	v12 =	vadd.f32 v21, v63  }
0x408: {  	v3 =	vadd.f32 v3, v62;
	v11 =	vpop (erf)  }
0x409: {  	v14 =	vld.idx.msk [tilespmem:v61+s13+$0x0], $0xffff;
	v25 =	vmul.f32 v8, v18;
	v12 =	vadd.f32 v24, v12;
	v8 =	vmul.f32 v11, v17  }
0x40a: {  	v3 =	vadd.f32 v22, v3  }
0x40b: {  	v11 =	vpop (erf);
	v26 =	vmul.f32 v8, v9;
	v9 =	vmax.f32 v12, $0.0e+00  }
0x40c: {  	v3 =	vadd.f32 v25, v3;
	v8 =	vmul.f32 v11, v23;
	_ =	sdelay $0x1  }
0x40d: {  	v3 =	vadd.f32 v26, v3;
	v32 =	vmul.f32 v8, v14;
	v8 =	vmin.f32 v9, $1.000000000e+00;
	v9 =	vpop (erf)  }
0x40e: {  	v11 =	vadd.f32 v13, v59;
	v8 =	vmul.f32 v8, v9  }
0x40f: {  	v60 =	vor.u32 $0x200, v1;
	v3 =	vadd.f32 v32, v3  }
0x410: {  	v61 =	vor.u32 $0x201, v1;
	v33 =	vmul.f32 v11, v8  }
0x411: {  	v62 =	vor.u32 $0x202, v1;
	v2 =	vadd.f32 v3, v2  }
0x412: {  	v59 =	vor.u32 $0x204, v1;
	v3 =	vmul.f32 v33, v6  }
0x413: {  	v63 =	vor.u32 $0x205, v1;
	v9 =	vmul.f32 v33, v5;
	v8 =	vmul.f32 v2, v8  }
0x414: {  	v2 =	vor.u32 $0x206, v1;
	[tilespmem:v60+s15+$0x0] =	vst.idx.msk $0xffff, v3;
	v3 =	vmul.f32 v33, v4  }
0x415: {  	s1 =	smul.u32 $0x280, s31;
	p2 =	seq.s32 s31, $0x3E;
	[tilespmem:v61+s15+$0x0] =	vst.idx.msk $0xffff, v9;
	v34 =	vmul.f32 v8, v6  }
.Ltmp14:
0x416: {  	[tilespmem:v62+s15+$0x0] =	vst.idx.msk $0xffff, v3;
	v3 =	vmul.f32 v8, v5;
	(pc) =	sbr.rel @p2 .LBB2_46-.Ltmp14, $4  }
0x417: {  	v35 =	vmul.f32 v8, v4;
	[tilespmem:v59+s15+$0x0] =	vst.idx.msk $0xffff, v34  }
0x418: {  	s1 =	sshra.s32 s1, $0x2;
	[tilespmem:v63+s15+$0x0] =	vst.idx.msk $0xffff, v3  }
0x419: {  	s1 =	sadd.s32 $0x2710, s1;
	[tilespmem:v2+s15+$0x0] =	vst.idx.msk $0xffff, v35  }
0x41a: {  	[spmem:s2] =	stream.indirect.scatter.add.f32 [tilespmem:s15], [sflag:$0x5], $0x8, s1, s17, $0xb8;
	[tilespmem:$0x1DB28] =	vst v63  }
0x41b: {  	s0 =	sor.u32 $0x1, s0  }
0x41c: {  	s1 =	smul.u32 $0xA0, s31;
	p2 =	sgt.u32 s0, $0x7C  }
.Ltmp15:
0x41d: {  	_ = 	snop;
	(pc) =	sbr.rel @p2 .LBB2_45-.Ltmp15, $4  }
0x41e: {  	s21 =	sadd.s32 $0xA0, s1  }
0x41f: {  	[tilespmem:s18], [sflag:$0x1] =	stream.indirect.gather [hbm4b:s4+s17], $0x110, s21, s17, $0xb8;
	[tilespmem:$0x1DB28] =	vst v63  }
0x420: {  	s12 =	sadd.s32 $0x27B0, s1  }
0x421: {  	[tilespmem:s19], [sflag:$0x3] =	stream.indirect.gather [hbm4b:s5+s17], $0x110, s12, s17, $0xb8;
	[tilespmem:$0x1DB28] =	vst v63  }
0x422: {  	[tilespmem:$0x1FDF0] =	vst v43  }
0x423: {  	[tilespmem:$0x1FE00] =	vst v42  }
0x424: {  	[tilespmem:$0x1FE10] =	vst v41  }
0x425: {  	[tilespmem:$0x1FE20] =	vst v36  }
0x426: {  	_ =	swait.ge [sflag:s28], $0x5500  }
0x427: {  	[sflag:s28] =	ssyncset.done $0x0  }
0x428: {  	[sflag:s28] =	ssyncadd.s32 $0xFFFFAB00  }
0x429: {  	_ =	swait.ge [sflag:s29], $0x5500  }
0x42a: {  	[sflag:s29] =	ssyncset.done $0x0  }
0x42b: {  	s21 =	simm.s32 @!p1 $0x6;
	[sflag:s29] =	ssyncadd.s32 $0xFFFFAB00  }
0x42c: {  	_ =	swait.ge @!p1 [sflag:s21], $0x280  }
0x42d: {  	v4 =	vld [tilespmem:$0x1FF30];
	_ =	sdelay $0x1  }
0x42e: {  	v6 =	vld [tilespmem:$0x1FF40];
	_ =	sdelay $0x1  }
0x42f: {  	v7 =	vld [tilespmem:$0x1FF50];
	_ =	sdelay $0x1  }
0x430: {  	[sflag:s21] =	ssyncset.done @!p1 $0x0  }
0x431: {  	[sflag:s21] =	ssyncadd.s32 @!p1 $0xFFFFFD80  }
0x432: {  	v3 =	vld.idx.msk [tilespmem:v4+s20+$0x0], $0xffff  }
0x433: {  	v4 =	vld.idx.msk [tilespmem:v4+s22+$0x0], $0xffff  }
0x434: {  	v5 =	vld.idx.msk [tilespmem:v6+s20+$0x0], $0xffff  }
0x435: {  	v6 =	vld.idx.msk [tilespmem:v6+s22+$0x0], $0xffff  }
0x436: {  	v9 =	vld.idx.msk [tilespmem:v7+s20+$0x0], $0xffff  }
0x437: {  	v11 =	vld.idx.msk [tilespmem:v7+s22+$0x0], $0xffff;
	_ =	sdelay $0x2  }
0x438: {  	v8 =	vsub.f32 v3, v4;
	v7 =	vsub.f32 v5, v6;
	_ =	sdelay $0x1  }
0x439: {  	v6 =	vsub.f32 v9, v11;
	v3 =	vmul.f32 v8, v8;
	v4 =	vmul.f32 v7, v7;
	_ =	sdelay $0x1  }
0x43a: {  	v3 =	vadd.f32 v4, v3;
	v4 =	vmul.f32 v6, v6;
	_ =	sdelay $0x1  }
0x43b: {  	v3 =	vadd.f32 v4, v3;
	_ =	sdelay $0x1  }
0x43c: {  	v4 =	vmax.f32 v3, $1.000000000e-30  }
0x43d: {  	v5 =	vshra.s32 v4, $0x1;
	v4 =	vmul.f32 $5.000000000e-01, v4  }
0x43e: {  	v5 =	vsub.s32 $0x5F3759DF, v5  }
0x43f: {  	v9 =	vmul.f32 v5, v4;
	_ =	sdelay $0x1  }
0x440: {  	v9 =	vmul.f32 v5, v9;
	_ =	sdelay $0x1  }
0x441: {  	v9 =	vsub.f32 $1.500000000e+00, v9;
	_ =	sdelay $0x1  }
0x442: {  	v5 =	vmul.f32 v5, v9;
	_ =	sdelay $0x1  }
0x443: {  	v9 =	vmul.f32 v5, v4;
	_ =	sdelay $0x1  }
0x444: {  	v9 =	vmul.f32 v9, v5;
	_ =	sdelay $0x1  }
0x445: {  	v9 =	vsub.f32 $1.500000000e+00, v9;
	_ =	sdelay $0x1  }
0x446: {  	v5 =	vmul.f32 v9, v5;
	_ =	sdelay $0x1  }
0x447: {  	v9 =	vmul.f32 v5, v4;
	_ =	sdelay $0x1  }
0x448: {  	v9 =	vmul.f32 v9, v5  }
0x449: {  	s12 =	simm.s32 $0x0  }
0x44a: {  	v11 =	vmov s12;
	v9 =	vsub.f32 $1.500000000e+00, v9  }
0x44b: {  	v12 =	vand.u32 $0x7F, v11  }
0x44c: {  	v5 =	vmul.f32 v9, v5;
	v9 =	vadd.s32 v10, v12  }
0x44d: {  	v11 =	vshll.u32 v11, $0x4  }
0x44e: {  	v12 =	vor.u32 v0, v11;
	v4 =	vmul.f32 v5, v4;
	_ =	sdelay $0x1  }
0x44f: {  	s12 =	simm.s32 $0x1;
	v4 =	vmul.f32 v4, v5  }
0x450: {  	v13 =	vmov s12;
	v14 =	vld.idx.msk [tilespmem:v9+s20+$0x0], $0xffff  }
0x451: {  	v15 =	vand.u32 $0x7F, v13;
	v16 =	vld.idx.msk [tilespmem:v9+s22+$0x0], $0xffff;
	v4 =	vsub.f32 $1.500000000e+00, v4  }
0x452: {  	v15 =	vadd.s32 v10, v15;
	v12 =	vld.idx.msk [tilespmem:v12+s13+$0x0], $0xffff  }
0x453: {  	v24 =	vshll.u32 v13, $0x4;
	v4 =	vmul.f32 v4, v5  }
0x454: {  	v5 =	vor.u32 v0, v24  }
0x455: {  	v9 =	vmul.f32 v4, v3;
	_ =	sdelay $0x1  }
0x456: {  	v13 =	vld.idx.msk [tilespmem:v15+s22+$0x0], $0xffff;
	v4 =	vadd.f32 v16, v14;
	v12 =	vmul.f32 v12, v9  }
0x457: {  	s12 =	simm.s32 $0x2;
	v3 =	vld.idx.msk [tilespmem:v15+s20+$0x0], $0xffff  }
0x458: {  	v5 =	vld.idx.msk [tilespmem:v5+s13+$0x0], $0xffff;
	v22 =	vadd.f32 v12, v4;
	v4 =	vmov s12  }
0x459: {  	v12 =	vand.u32 $0x7F, v4  }
0x45a: {  	v15 =	vadd.s32 v10, v12  }
0x45b: {  	v14 =	vsub.f32 $0.0e+00, v22;
	v12 =	vshll.u32 v4, $0x4  }
0x45c: {  	s12 =	simm.s32 $0x3;
	v3 =	vadd.f32 v13, v3;
	v16 =	vor.u32 v0, v12  }
0x45d: {  	v4 =	vmul.f32 $1.442695020e+00, v14;
	v14 =	vmov s12;
	v5 =	vmul.f32 v5, v9  }
0x45e: {  	v13 =	vand.u32 $0x7F, v14  }
0x45f: {  	(erf) = vpow2.f32 v4;
	v4 =	vadd.s32 v10, v13;
	v20 =	vadd.f32 v5, v3;
	v3 =	vld.idx.msk [tilespmem:v15+s20+$0x0], $0xffff  }
0x460: {  	v13 =	vshll.u32 v14, $0x4;
	v15 =	vld.idx.msk [tilespmem:v15+s22+$0x0], $0xffff  }
0x461: {  	v5 =	vor.u32 v0, v13;
	v14 =	vsub.f32 $0.0e+00, v20;
	v16 =	vld.idx.msk [tilespmem:v16+s13+$0x0], $0xffff  }
0x462: {  	s12 =	simm.s32 $0x4  }
0x463: {  	v17 =	vmov s12;
	v14 =	vmul.f32 $1.442695020e+00, v14  }
0x464: {  	v21 =	vand.u32 $0x7F, v17;
	v18 =	vld.idx.msk [tilespmem:v4+s20+$0x0], $0xffff  }
0x465: {  	v4 =	vld.idx.msk [tilespmem:v4+s22+$0x0], $0xffff;
	(erf) = vpow2.f32 v14;
	v14 =	vadd.s32 v10, v21  }
0x466: {  	v5 =	vld.idx.msk [tilespmem:v5+s13+$0x0], $0xffff;
	v3 =	vadd.f32 v15, v3;
	v21 =	vshll.u32 v17, $0x4;
	v16 =	vmul.f32 v16, v9  }
0x467: {  	v17 =	vor.u32 v0, v21  }
0x468: {  	v15 =	vpop (erf);
	v3 =	vadd.f32 v16, v3  }
0x469: {  	v15 =	vadd.f32 $1.000000000e+00, v15  }
0x46a: {  	v4 =	vadd.f32 v4, v18;
	v18 =	vor.u32 v19, v11;
	v11 =	vsub.f32 $0.0e+00, v3  }
0x46b: {  	s12 =	simm.s32 $0x5;
	v5 =	vmul.f32 v5, v9  }
0x46c: {  	v23 =	vmov s12;
	(erf) = vrcp.f32 v15;
	v27 =	vld.idx.msk [tilespmem:v17+s13+$0x0], $0xffff;
	v17 =	vmul.f32 $1.442695020e+00, v11  }
0x46d: {  	v16 =	vand.u32 $0x7F, v23;
	v15 =	vadd.f32 v5, v4  }
0x46e: {  	v16 =	vadd.s32 v10, v16;
	v25 =	vld.idx.msk [tilespmem:v14+s20+$0x0], $0xffff;
	(erf) = vpow2.f32 v17  }
0x46f: {  	v26 =	vld.idx.msk [tilespmem:v14+s22+$0x0], $0xffff;
	v14 =	vshll.u32 v23, $0x4;
	v11 =	vpop (erf);
	v33 =	vsub.f32 $0.0e+00, v15  }
0x470: {  	v35 =	vor.u32 v0, v14;
	v4 =	vld.idx.msk [tilespmem:v37+s13+$0x0], $0xffff;
	v34 =	vadd.f32 $1.000000000e+00, v11  }
0x471: {  	s12 =	simm.s32 $0x6;
	v5 =	vld.idx.msk [tilespmem:v44+s13+$0x0], $0xffff;
	v44 =	vmul.f32 $1.442695020e+00, v33  }
0x472: {  	v32 =	vmov s12;
	v23 =	vld.idx.msk [tilespmem:v18+s13+$0x0], $0xffff;
	(erf) = vrcp.f32 v34  }
0x473: {  	v43 =	vand.u32 $0x7F, v32;
	v17 =	vld.idx.msk [tilespmem:v16+s20+$0x0], $0xffff;
	(erf) = vpow2.f32 v44  }
0x474: {  	v18 =	vld.idx.msk [tilespmem:v16+s22+$0x0], $0xffff;
	v16 =	vor.u32 v19, v24;
	v33 =	vadd.f32 v26, v25;
	v34 =	vmul.f32 v27, v9  }
0x475: {  	s21 =	simm.s32 $0x7;
	v24 =	vimm.f32 $0.0e+00;
	v11 =	vimm.f32 $0.0e+00;
	v25 =	vld.idx.msk [tilespmem:v35+s13+$0x0], $0xffff;
	v27 =	vadd.s32 v10, v43;
	v26 =	vpop (erf)  }
.LBB2_25:
0x476: {  	p1 =	sne.s32 s21, $0x7F;
	v35 =	vshll.u32 v32, $0x4;
	v33 =	vadd.f32 v34, v33;
	v42 =	vmul.f32 v26, v22;
	v36 =	vmovc v13;
	v13 =	vmovc v21  }
0x477: {  	v32 =	vmov s21;
	v21 =	vmov v14;
	v26 =	vor.u32 v0, v35;
	v34 =	vpop (erf)  }
.Ltmp16:
0x478: {  	v22 =	vmovc v20;
	v14 =	vmovc v35;
	v37 =	vsub.f32 $0.0e+00, v33;
	v34 =	vadd.f32 $1.000000000e+00, v34;
	v41 =	vmul.f32 v42, v23;
	(pc) =	sbr.rel @p1 .LBB2_25-.Ltmp16, $4  }
0x479: {  	v20 =	vmovc v3;
	v3 =	vmovc v15;
	v35 =	vand.u32 $0x7F, v32;
	v15 =	vmov v33;
	v23 =	vld.idx.msk [tilespmem:v16+s13+$0x0], $0xffff;
	v16 =	vmov v17  }
0x47a: {  	v17 =	vld.idx.msk [tilespmem:v27+s20+$0x0], $0xffff;
	v37 =	vmul.f32 $1.442695020e+00, v37;
	(erf) = vrcp.f32 v34;
	v24 =	vadd.f32 v41, v24  }
0x47b: {  	v33 =	vadd.f32 v18, v16;
	v34 =	vmul.f32 v25, v9;
	v16 =	vor.u32 v19, v12;
	v18 =	vld.idx.msk [tilespmem:v27+s22+$0x0], $0xffff  }
0x47c: {  	s21 =	sadd.s32 $0x1, s21;
	v12 =	vmov v36;
	v27 =	vadd.s32 v10, v35;
	v25 =	vld.idx.msk [tilespmem:v26+s13+$0x0], $0xffff;
	(erf) = vpow2.f32 v37;
	v26 =	vpop (erf)  }
0x47d: {  	v32 =	vshll.u32 v32, $0x4;
	v33 =	vadd.f32 v34, v33  }
0x47e: {  	v41 =	vor.u32 v0, v32  }
0x47f: {  	v35 =	vpop (erf);
	v36 =	vsub.f32 $0.0e+00, v33  }
0x480: {  	v35 =	vadd.f32 $1.000000000e+00, v35  }
0x481: {  	v37 =	vld.idx.msk [tilespmem:v27+s20+$0x0], $0xffff;
	v36 =	vmul.f32 $1.442695020e+00, v36  }
0x482: {  	v27 =	vld.idx.msk [tilespmem:v27+s22+$0x0], $0xffff;
	(erf) = vrcp.f32 v35  }
0x483: {  	v34 =	vld.idx.msk [tilespmem:v41+s13+$0x0], $0xffff;
	(erf) = vpow2.f32 v36;
	_ =	sdelay $0x2  }
0x484: {  	v17 =	vadd.f32 v18, v17;
	v18 =	vmul.f32 v25, v9;
	_ =	sdelay $0x1  }
0x485: {  	v17 =	vadd.f32 v18, v17;
	v18 =	vadd.f32 v27, v37;
	v25 =	vmul.f32 v34, v9  }
0x486: {  	v27 =	vpop (erf)  }
0x487: {  	s21 =	simm.s32 $0x80;
	v42 =	vpop (erf);
	v43 =	vsub.f32 $0.0e+00, v17;
	v18 =	vadd.f32 v25, v18  }
0x488: {  	v35 =	vadd.f32 $1.000000000e+00, v42;
	v34 =	vmov s21;
	v37 =	vpop (erf)  }
0x489: {  	v36 =	vmul.f32 $1.442695020e+00, v43;
	v25 =	vand.u32 $0xFF, v34;
	v41 =	vpop (erf);
	v42 =	vsub.f32 $0.0e+00, v18  }
0x48a: {  	(erf) = vrcp.f32 v35;
	v25 =	vadd.s32 v10, v25;
	v44 =	vadd.f32 $1.000000000e+00, v41  }
0x48b: {  	v34 =	vshll.u32 v34, $0x4;
	(erf) = vpow2.f32 v36;
	v43 =	vmul.f32 $1.442695020e+00, v42  }
0x48c: {  	v41 =	vor.u32 v0, v34;
	(erf) = vrcp.f32 v44  }
0x48d: {  	(erf) = vpow2.f32 v43  }
0x48e: {  	s12 =	simm.s32 $0x81  }
0x48f: {  	v36 =	vmov s12;
	v35 =	vld.idx.msk [tilespmem:v25+s20+$0x0], $0xffff  }
0x490: {  	v42 =	vand.u32 $0xFF, v36;
	v25 =	vld.idx.msk [tilespmem:v25+s22+$0x0], $0xffff  }
0x491: {  	v22 =	vmul.f32 v26, v22;
	v42 =	vadd.s32 v10, v42;
	v41 =	vld.idx.msk [tilespmem:v41+s13+$0x0], $0xffff  }
0x492: {  	v16 =	vld.idx.msk [tilespmem:v16+s13+$0x0], $0xffff;
	v26 =	vshll.u32 v36, $0x4  }
0x493: {  	v22 =	vmul.f32 v22, v23;
	v36 =	vor.u32 v0, v26;
	v23 =	vpop (erf)  }
0x494: {  	v43 =	vpop (erf)  }
0x495: {  	v22 =	vadd.f32 v22, v24;
	v24 =	vor.u32 v19, v12;
	v20 =	vmul.f32 v27, v20;
	v27 =	vpop (erf)  }
0x496: {  	v43 =	vadd.f32 $1.000000000e+00, v43;
	v25 =	vadd.f32 v25, v35;
	v35 =	vmul.f32 v41, v9;
	v41 =	vld.idx.msk [tilespmem:v42+s20+$0x0], $0xffff;
	v44 =	vpop (erf)  }
0x497: {  	v21 =	vor.u32 v19, v21;
	v16 =	vmul.f32 v20, v16;
	s12 =	simm.s32 $0x82;
	v42 =	vld.idx.msk [tilespmem:v42+s22+$0x0], $0xffff;
	v20 =	vadd.f32 $1.000000000e+00, v44  }
0x498: {  	(erf) = vrcp.f32 v43;
	v12 =	vadd.f32 v35, v25;
	v25 =	vld.idx.msk [tilespmem:v36+s13+$0x0], $0xffff;
	v35 =	vmov s12  }
0x499: {  	v13 =	vor.u32 v19, v13;
	(erf) = vrcp.f32 v20;
	v20 =	vand.u32 $0xFF, v35  }
0x49a: {  	v36 =	vsub.f32 $0.0e+00, v12;
	v43 =	vadd.s32 v10, v20  }
0x49b: {  	v14 =	vor.u32 v19, v14;
	v24 =	vld.idx.msk [tilespmem:v24+s13+$0x0], $0xffff;
	v20 =	vshll.u32 v35, $0x4  }
0x49c: {  	s12 =	simm.s32 $0x83;
	v41 =	vadd.f32 v42, v41;
	v35 =	vmul.f32 $1.442695020e+00, v36;
	v42 =	vor.u32 v0, v20  }
0x49d: {  	v21 =	vld.idx.msk [tilespmem:v21+s13+$0x0], $0xffff;
	v15 =	vmul.f32 v23, v15;
	v36 =	vmov s12;
	v25 =	vmul.f32 v25, v9  }
0x49e: {  	v44 =	vld.idx.msk [tilespmem:v13+s13+$0x0], $0xffff;
	v13 =	vand.u32 $0xFF, v36;
	(erf) = vpow2.f32 v35;
	v35 =	vmul.f32 v37, v3  }
0x49f: {  	v37 =	vadd.s32 v10, v13;
	v3 =	vshll.u32 v36, $0x4;
	v13 =	vadd.f32 v25, v41;
	v23 =	vld.idx.msk [tilespmem:v43+s20+$0x0], $0xffff  }
0x4a0: {  	v16 =	vadd.f32 v16, v22;
	v22 =	vmul.f32 v35, v24;
	v24 =	vor.u32 v0, v3;
	v25 =	vld.idx.msk [tilespmem:v43+s22+$0x0], $0xffff  }
0x4a1: {  	v35 =	vsub.f32 $0.0e+00, v13;
	v36 =	vld.idx.msk [tilespmem:v42+s13+$0x0], $0xffff;
	_ =	sdelay $0x1  }
0x4a2: {  	v14 =	vld.idx.msk [tilespmem:v14+s13+$0x0], $0xffff;
	v27 =	vmul.f32 v27, v33;
	v16 =	vadd.f32 v22, v16;
	v35 =	vmul.f32 $1.442695020e+00, v35  }
0x4a3: {  	v32 =	vor.u32 v19, v32;
	s12 =	simm.s32 $0x84;
	v15 =	vmul.f32 v15, v44;
	v41 =	vld.idx.msk [tilespmem:v37+s20+$0x0], $0xffff  }
0x4a4: {  	v21 =	vmul.f32 v27, v21;
	v22 =	vmov s12;
	(erf) = vpow2.f32 v35;
	v24 =	vld.idx.msk [tilespmem:v24+s13+$0x0], $0xffff  }
0x4a5: {  	v33 =	vpop (erf);
	v37 =	vld.idx.msk [tilespmem:v37+s22+$0x0], $0xffff;
	v15 =	vadd.f32 v15, v16;
	v23 =	vadd.f32 v25, v23;
	v27 =	vmul.f32 v36, v9  }
0x4a6: {  	v44 =	vor.u32 v19, v34;
	v17 =	vmul.f32 v33, v17;
	v42 =	vand.u32 $0xFF, v22;
	v16 =	vpop (erf)  }
0x4a7: {  	v35 =	vadd.s32 v10, v42;
	v42 =	vadd.f32 v21, v15;
	v25 =	vpop (erf);
	v15 =	vadd.f32 v27, v23  }
0x4a8: {  	v32 =	vld.idx.msk [tilespmem:v32+s13+$0x0], $0xffff;
	v14 =	vmul.f32 v17, v14;
	v22 =	vshll.u32 v22, $0x4;
	v25 =	vadd.f32 $1.000000000e+00, v25  }
0x4a9: {  	s12 =	simm.s32 $0x85;
	v36 =	vor.u32 v0, v22;
	v24 =	vmul.f32 v24, v9;
	v17 =	vsub.f32 $0.0e+00, v15  }
0x4aa: {  	v21 =	vmov s12;
	(erf) = vrcp.f32 v25;
	v25 =	vadd.f32 v37, v41  }
0x4ab: {  	v16 =	vmul.f32 v16, v18;
	v23 =	vand.u32 $0xFF, v21;
	v17 =	vmul.f32 $1.442695020e+00, v17  }
0x4ac: {  	v27 =	vld.idx.msk [tilespmem:v35+s20+$0x0], $0xffff;
	v18 =	vadd.s32 v10, v23;
	v23 =	vshll.u32 v21, $0x4;
	v21 =	vadd.f32 v24, v25  }
0x4ad: {  	v14 =	vadd.f32 v14, v42;
	v16 =	vmul.f32 v16, v32;
	v34 =	vld.idx.msk [tilespmem:v35+s22+$0x0], $0xffff;
	v24 =	vpop (erf);
	(erf) = vpow2.f32 v17  }
0x4ae: {  	v41 =	vld.idx.msk [tilespmem:v36+s13+$0x0], $0xffff;
	v43 =	vsub.f32 $0.0e+00, v21  }
0x4af: {  	v42 =	vor.u32 v0, v23;
	v14 =	vadd.f32 v16, v14;
	v16 =	vadd.f32 $1.000000000e+00, v24  }
0x4b0: {  	s12 =	simm.s32 $0x86;
	v36 =	vmul.f32 $1.442695020e+00, v43  }
0x4b1: {  	v25 =	vmov s12;
	v24 =	vld.idx.msk [tilespmem:v44+s13+$0x0], $0xffff;
	(erf) = vrcp.f32 v16  }
0x4b2: {  	v44 =	vand.u32 $0xFF, v25;
	v17 =	vld.idx.msk [tilespmem:v18+s20+$0x0], $0xffff;
	(erf) = vpow2.f32 v36  }
0x4b3: {  	v18 =	vld.idx.msk [tilespmem:v18+s22+$0x0], $0xffff;
	v33 =	vadd.f32 v34, v27;
	v34 =	vmul.f32 v41, v9;
	v16 =	vor.u32 v19, v26  }
0x4b4: {  	s21 =	simm.s32 $0x87;
	v27 =	vadd.s32 v10, v44;
	v26 =	vld.idx.msk [tilespmem:v42+s13+$0x0], $0xffff;
	v32 =	vpop (erf)  }
.LBB2_27:
0x4b5: {  	p1 =	sne.s32 s21, $0xFF;
	v35 =	vshll.u32 v25, $0x4;
	v33 =	vadd.f32 v34, v33;
	v42 =	vmul.f32 v32, v12;
	v36 =	vmovc v3;
	v3 =	vmovc v22  }
0x4b6: {  	v25 =	vmov s21;
	v22 =	vmov v23;
	v32 =	vor.u32 v0, v35;
	v34 =	vpop (erf)  }
.Ltmp17:
0x4b7: {  	v12 =	vmovc v13;
	v23 =	vmovc v35;
	v37 =	vsub.f32 $0.0e+00, v33;
	v34 =	vadd.f32 $1.000000000e+00, v34;
	v41 =	vmul.f32 v42, v24;
	(pc) =	sbr.rel @p1 .LBB2_27-.Ltmp17, $4  }
0x4b8: {  	v13 =	vmovc v15;
	v15 =	vmovc v21;
	v35 =	vand.u32 $0xFF, v25;
	v21 =	vmov v33;
	v24 =	vld.idx.msk [tilespmem:v16+s13+$0x0], $0xffff;
	v16 =	vmov v17  }
0x4b9: {  	v17 =	vld.idx.msk [tilespmem:v27+s20+$0x0], $0xffff;
	v37 =	vmul.f32 $1.442695020e+00, v37;
	(erf) = vrcp.f32 v34;
	v11 =	vadd.f32 v41, v11  }
0x4ba: {  	v33 =	vadd.f32 v18, v16;
	v34 =	vmul.f32 v26, v9;
	v16 =	vor.u32 v19, v20;
	v18 =	vld.idx.msk [tilespmem:v27+s22+$0x0], $0xffff  }
0x4bb: {  	s21 =	sadd.s32 $0x1, s21;
	v20 =	vmov v36;
	v27 =	vadd.s32 v10, v35;
	v26 =	vld.idx.msk [tilespmem:v32+s13+$0x0], $0xffff;
	(erf) = vpow2.f32 v37;
	v32 =	vpop (erf)  }
0x4bc: {  	v25 =	vshll.u32 v25, $0x4;
	v33 =	vadd.f32 v34, v33  }
0x4bd: {  	v41 =	vor.u32 v0, v25  }
0x4be: {  	v35 =	vpop (erf);
	v36 =	vsub.f32 $0.0e+00, v33  }
0x4bf: {  	v35 =	vadd.f32 $1.000000000e+00, v35  }
0x4c0: {  	v37 =	vld.idx.msk [tilespmem:v27+s20+$0x0], $0xffff;
	v36 =	vmul.f32 $1.442695020e+00, v36  }
0x4c1: {  	v27 =	vld.idx.msk [tilespmem:v27+s22+$0x0], $0xffff;
	(erf) = vrcp.f32 v35  }
0x4c2: {  	v34 =	vld.idx.msk [tilespmem:v41+s13+$0x0], $0xffff;
	(erf) = vpow2.f32 v36;
	_ =	sdelay $0x2  }
0x4c3: {  	v17 =	vadd.f32 v18, v17;
	v18 =	vmul.f32 v26, v9;
	_ =	sdelay $0x1  }
0x4c4: {  	v17 =	vadd.f32 v18, v17;
	v18 =	vadd.f32 v27, v37;
	v26 =	vmul.f32 v34, v9  }
0x4c5: {  	v27 =	vpop (erf)  }
0x4c6: {  	v42 =	vpop (erf);
	v43 =	vsub.f32 $0.0e+00, v17;
	v18 =	vadd.f32 v26, v18  }
0x4c7: {  	v34 =	vpop (erf);
	v26 =	vadd.f32 $1.000000000e+00, v42  }
0x4c8: {  	v35 =	vmul.f32 $1.442695020e+00, v43;
	v36 =	vpop (erf);
	v44 =	vsub.f32 $0.0e+00, v18  }
0x4c9: {  	(erf) = vrcp.f32 v26;
	v26 =	vadd.f32 $1.000000000e+00, v36  }
0x4ca: {  	(erf) = vpow2.f32 v35;
	v41 =	vmul.f32 $1.442695020e+00, v44  }
0x4cb: {  	(erf) = vrcp.f32 v26  }
0x4cc: {  	(erf) = vpow2.f32 v41;
	_ =	sdelay $0x2  }
0x4cd: {  	v26 =	vmul.f32 $2.222222240e-01, v9;
	_ =	sdelay $0x1  }
0x4ce: {  	v20 =	vor.u32 v19, v20;
	v26 =	vmax.f32 v26, $0.0e+00  }
0x4cf: {  	v26 =	vmin.f32 v26, $1.000000000e+00;
	v35 =	vpop (erf)  }
0x4d0: {  	v16 =	vld.idx.msk [tilespmem:v16+s13+$0x0], $0xffff;
	v3 =	vor.u32 v19, v3;
	v12 =	vmul.f32 v32, v12;
	v41 =	vmul.f32 v26, v26;
	v42 =	vpop (erf)  }
0x4d1: {  	v36 =	vadd.f32 $1.000000000e+00, v42;
	v37 =	vpop (erf)  }
0x4d2: {  	v22 =	vor.u32 v19, v22;
	v12 =	vmul.f32 v12, v24;
	v44 =	vmul.f32 v41, v41;
	v43 =	vpop (erf)  }
0x4d3: {  	v20 =	vld.idx.msk [tilespmem:v20+s13+$0x0], $0xffff;
	v13 =	vmul.f32 v27, v13;
	(erf) = vrcp.f32 v36;
	v32 =	vadd.f32 $1.000000000e+00, v43  }
0x4d4: {  	v23 =	vor.u32 v19, v23;
	v11 =	vadd.f32 v12, v11;
	v24 =	vmul.f32 v44, v26  }
0x4d5: {  	v3 =	vld.idx.msk [tilespmem:v3+s13+$0x0], $0xffff;
	v12 =	vmul.f32 v13, v16;
	v9 =	vadd.f32 $9.999999930e-09, v9;
	(erf) = vrcp.f32 v32  }
0x4d6: {  	v13 =	vmul.f32 v34, v15;
	v16 =	vmul.f32 $-2.100000000e+01, v24  }
0x4d7: {  	v22 =	vld.idx.msk [tilespmem:v22+s13+$0x0], $0xffff;
	v15 =	vor.u32 v19, v25;
	v25 =	vmul.f32 $3.500000000e+01, v24;
	(erf) = vrcp.f32 v9  }
0x4d8: {  	v9 =	vadd.f32 v12, v11;
	v11 =	vmul.f32 v13, v20;
	v12 =	vmul.f32 v35, v21  }
0x4d9: {  	v16 =	vadd.f32 $1.000000000e+00, v16;
	v20 =	vmul.f32 v25, v26;
	v21 =	vmul.f32 $-1.500000000e+01, v24  }
0x4da: {  	v13 =	vld.idx.msk [tilespmem:v23+s13+$0x0], $0xffff;
	v9 =	vadd.f32 v11, v9;
	v3 =	vmul.f32 v12, v3;
	v11 =	vmul.f32 v37, v33  }
0x4db: {  	v16 =	vadd.f32 v20, v16;
	v20 =	vmul.f32 v21, v41  }
0x4dc: {  	v3 =	vadd.f32 v3, v9;
	v9 =	vmul.f32 v11, v22;
	v12 =	vpop (erf)  }
0x4dd: {  	v15 =	vld.idx.msk [tilespmem:v15+s13+$0x0], $0xffff;
	v16 =	vadd.f32 v20, v16;
	v11 =	vmul.f32 v12, v17  }
0x4de: {  	v3 =	vadd.f32 v9, v3;
	v12 =	vpop (erf)  }
0x4df: {  	v9 =	vmul.f32 v11, v13;
	v11 =	vmul.f32 v12, v18;
	v12 =	vmax.f32 v16, $0.0e+00;
	_ =	sdelay $0x2  }
0x4e0: {  	v3 =	vadd.f32 v9, v3;
	v9 =	vmul.f32 v11, v15;
	v11 =	vmin.f32 v12, $1.000000000e+00;
	v12 =	vpop (erf)  }
0x4e1: {  	v13 =	vadd.f32 v14, v4;
	v11 =	vmul.f32 v11, v12;
	_ =	sdelay $0x1  }
0x4e2: {  	v3 =	vadd.f32 v9, v3;
	v9 =	vmul.f32 v13, v11;
	_ =	sdelay $0x1  }
0x4e3: {  	v12 =	vmul.f32 v9, v8;
	_ =	sdelay $0x1  }
0x4e4: {  	[tilespmem:v1+s16+$0x0] =	vst.idx.msk $0xffff, v12;
	v12 =	vld [tilespmem:$0x1FF60];
	_ =	sdelay $0x3  }
0x4e5: {  	v3 =	vadd.f32 v3, v5;
	_ =	sdelay $0x1  }
0x4e6: {  	v3 =	vmul.f32 v3, v11;
	v11 =	vmul.f32 v9, v7;
	_ =	sdelay $0x1  }
0x4e7: {  	[tilespmem:v12+s16+$0x0] =	vst.idx.msk $0xffff, v11;
	v11 =	vld [tilespmem:$0x1FF70];
	_ =	sdelay $0x5  }
0x4e8: {  	v9 =	vmul.f32 v9, v6;
	_ =	sdelay $0x1  }
0x4e9: {  	v8 =	vmul.f32 v3, v8;
	[tilespmem:v11+s16+$0x0] =	vst.idx.msk $0xffff, v9;
	v9 =	vld [tilespmem:$0x1FF80]  }
0x4ea: {  	v7 =	vmul.f32 v3, v7;
	v3 =	vmul.f32 v3, v6;
	v6 =	vld [tilespmem:$0x1FF90];
	_ =	sdelay $0x6  }
0x4eb: {  	[tilespmem:v9+s16+$0x0] =	vst.idx.msk $0xffff, v8  }
0x4ec: {  	[tilespmem:v6+s16+$0x0] =	vst.idx.msk $0xffff, v7;
	v6 =	vld [tilespmem:$0x1FFA0]  }
0x4ed: {  	v8 =	vld [tilespmem:$0x1FFC0];
	_ =	sdelay $0x6  }
0x4ee: {  	[tilespmem:v6+s16+$0x0] =	vst.idx.msk $0xffff, v3;
	v6 =	vld [tilespmem:$0x1FFB0]  }
0x4ef: {  	v7 =	vld.idx.msk [tilespmem:v8+s20+$0x0], $0xffff  }
0x4f0: {  	v9 =	vld.idx.msk [tilespmem:v8+s22+$0x0], $0xffff  }
0x4f1: {  	v8 =	vld [tilespmem:$0x1FFD0];
	_ =	sdelay $0x5  }
0x4f2: {  	v3 =	vld.idx.msk [tilespmem:v6+s20+$0x0], $0xffff  }
0x4f3: {  	v6 =	vld.idx.msk [tilespmem:v6+s22+$0x0], $0xffff  }
0x4f4: {  	v11 =	vld.idx.msk [tilespmem:v8+s20+$0x0], $0xffff  }
0x4f5: {  	v12 =	vld.idx.msk [tilespmem:v8+s22+$0x0], $0xffff;
	_ =	sdelay $0x2  }
0x4f6: {  	v7 =	vsub.f32 v7, v9;
	v8 =	vsub.f32 v3, v6;
	_ =	sdelay $0x1  }
0x4f7: {  	v9 =	vmul.f32 v7, v7;
	v6 =	vsub.f32 v11, v12;
	v3 =	vmul.f32 v8, v8;
	_ =	sdelay $0x1  }
0x4f8: {  	v3 =	vadd.f32 v9, v3;
	v9 =	vmul.f32 v6, v6;
	_ =	sdelay $0x1  }
0x4f9: {  	v3 =	vadd.f32 v9, v3;
	_ =	sdelay $0x1  }
0x4fa: {  	v9 =	vmax.f32 v3, $1.000000000e-30  }
0x4fb: {  	v11 =	vshra.s32 v9, $0x1;
	v9 =	vmul.f32 $5.000000000e-01, v9  }
0x4fc: {  	v11 =	vsub.s32 $0x5F3759DF, v11  }
0x4fd: {  	v12 =	vmul.f32 v11, v9;
	_ =	sdelay $0x1  }
0x4fe: {  	v12 =	vmul.f32 v11, v12;
	_ =	sdelay $0x1  }
0x4ff: {  	v12 =	vsub.f32 $1.500000000e+00, v12;
	_ =	sdelay $0x1  }
0x500: {  	v11 =	vmul.f32 v11, v12;
	_ =	sdelay $0x1  }
0x501: {  	v12 =	vmul.f32 v11, v9;
	_ =	sdelay $0x1  }
0x502: {  	v12 =	vmul.f32 v12, v11;
	_ =	sdelay $0x1  }
0x503: {  	v12 =	vsub.f32 $1.500000000e+00, v12;
	_ =	sdelay $0x1  }
0x504: {  	v11 =	vmul.f32 v12, v11;
	_ =	sdelay $0x1  }
0x505: {  	v12 =	vmul.f32 v11, v9;
	_ =	sdelay $0x1  }
0x506: {  	v12 =	vmul.f32 v12, v11  }
0x507: {  	s21 =	simm.s32 $0x0  }
0x508: {  	v13 =	vmov s21;
	v12 =	vsub.f32 $1.500000000e+00, v12  }
0x509: {  	v15 =	vshll.u32 v13, $0x4  }
0x50a: {  	v14 =	vand.u32 $0x7F, v13;
	v13 =	vor.u32 v0, v15;
	v11 =	vmul.f32 v12, v11  }
0x50b: {  	v12 =	vadd.s32 v28, v14  }
0x50c: {  	v9 =	vmul.f32 v11, v9;
	_ =	sdelay $0x1  }
0x50d: {  	s12 =	simm.s32 $0x1;
	v9 =	vmul.f32 v9, v11  }
0x50e: {  	v13 =	vld.idx.msk [tilespmem:v13+s13+$0x0], $0xffff;
	v14 =	vmov s12  }
0x50f: {  	v17 =	vand.u32 $0x7F, v14;
	v16 =	vld.idx.msk [tilespmem:v12+s20+$0x0], $0xffff;
	v9 =	vsub.f32 $1.500000000e+00, v9  }
0x510: {  	v17 =	vadd.s32 v28, v17;
	v12 =	vld.idx.msk [tilespmem:v12+s22+$0x0], $0xffff  }
0x511: {  	v24 =	vshll.u32 v14, $0x4;
	v9 =	vmul.f32 v9, v11  }
0x512: {  	v11 =	vor.u32 v0, v24  }
0x513: {  	v9 =	vmul.f32 v9, v3;
	_ =	sdelay $0x1  }
0x514: {  	v14 =	vld.idx.msk [tilespmem:v17+s22+$0x0], $0xffff;
	v12 =	vadd.f32 v12, v16;
	v13 =	vmul.f32 v13, v9  }
0x515: {  	s12 =	simm.s32 $0x2;
	v3 =	vld.idx.msk [tilespmem:v17+s20+$0x0], $0xffff  }
0x516: {  	v11 =	vld.idx.msk [tilespmem:v11+s13+$0x0], $0xffff;
	v22 =	vadd.f32 v13, v12;
	v12 =	vmov s12  }
0x517: {  	v16 =	vand.u32 $0x7F, v12  }
0x518: {  	v13 =	vsub.f32 $0.0e+00, v22;
	v16 =	vadd.s32 v28, v16  }
0x519: {  	s12 =	simm.s32 $0x3;
	v12 =	vshll.u32 v12, $0x4  }
0x51a: {  	v17 =	vmov s12;
	v18 =	vor.u32 v0, v12;
	v13 =	vmul.f32 $1.442695020e+00, v13  }
0x51b: {  	v3 =	vadd.f32 v14, v3;
	v14 =	vand.u32 $0x7F, v17;
	v11 =	vmul.f32 v11, v9  }
0x51c: {  	(erf) = vpow2.f32 v13;
	v13 =	vadd.s32 v28, v14  }
0x51d: {  	v14 =	vadd.f32 v11, v3;
	v3 =	vshll.u32 v17, $0x4;
	v11 =	vld.idx.msk [tilespmem:v16+s20+$0x0], $0xffff  }
0x51e: {  	v17 =	vor.u32 v0, v3;
	v16 =	vld.idx.msk [tilespmem:v16+s22+$0x0], $0xffff  }
0x51f: {  	v18 =	vld.idx.msk [tilespmem:v18+s13+$0x0], $0xffff;
	v20 =	vsub.f32 $0.0e+00, v14;
	_ =	sdelay $0x1  }
0x520: {  	s12 =	simm.s32 $0x4;
	v20 =	vmul.f32 $1.442695020e+00, v20;
	v23 =	vld.idx.msk [tilespmem:v13+s20+$0x0], $0xffff  }
0x521: {  	v21 =	vmov s12;
	v26 =	vld.idx.msk [tilespmem:v13+s22+$0x0], $0xffff  }
0x522: {  	v25 =	vand.u32 $0x7F, v21;
	(erf) = vpow2.f32 v20;
	v17 =	vld.idx.msk [tilespmem:v17+s13+$0x0], $0xffff  }
0x523: {  	v20 =	vadd.s32 v28, v25;
	v11 =	vadd.f32 v16, v11;
	v16 =	vmul.f32 v18, v9  }
0x524: {  	v13 =	vpop (erf)  }
0x525: {  	s12 =	simm.s32 $0x5;
	v21 =	vshll.u32 v21, $0x4;
	v25 =	vadd.f32 $1.000000000e+00, v13;
	v13 =	vadd.f32 v16, v11  }
0x526: {  	v27 =	vmov s12;
	v18 =	vor.u32 v0, v21  }
0x527: {  	v23 =	vadd.f32 v26, v23;
	v17 =	vmul.f32 v17, v9;
	v26 =	vsub.f32 $0.0e+00, v13  }
0x528: {  	v11 =	vand.u32 $0x7F, v27;
	v16 =	vld.idx.msk [tilespmem:v20+s20+$0x0], $0xffff  }
0x529: {  	v41 =	vld.idx.msk [tilespmem:v20+s22+$0x0], $0xffff;
	(erf) = vrcp.f32 v25;
	v20 =	vadd.f32 v17, v23;
	v17 =	vmul.f32 $1.442695020e+00, v26  }
0x52a: {  	v42 =	vadd.s32 v28, v11  }
0x52b: {  	v25 =	vor.u32 v19, v15;
	(erf) = vpow2.f32 v17  }
0x52c: {  	v43 =	vld.idx.msk [tilespmem:v18+s13+$0x0], $0xffff;
	v15 =	vshll.u32 v27, $0x4;
	v11 =	vpop (erf);
	v18 =	vsub.f32 $0.0e+00, v20  }
0x52d: {  	v26 =	vor.u32 v0, v15;
	v27 =	vadd.f32 $1.000000000e+00, v11  }
0x52e: {  	v44 =	vmul.f32 $1.442695020e+00, v18  }
0x52f: {  	s12 =	simm.s32 $0x6;
	v17 =	vld.idx.msk [tilespmem:v42+s20+$0x0], $0xffff;
	(erf) = vrcp.f32 v27  }
0x530: {  	v32 =	vmov s12;
	v33 =	vadd.f32 v41, v16;
	v23 =	vld.idx.msk [tilespmem:v25+s13+$0x0], $0xffff;
	(erf) = vpow2.f32 v44  }
0x531: {  	v34 =	vmul.f32 v43, v9;
	v16 =	vor.u32 v19, v24;
	v25 =	vand.u32 $0x7F, v32;
	v18 =	vld.idx.msk [tilespmem:v42+s22+$0x0], $0xffff  }
0x532: {  	s21 =	simm.s32 $0x7;
	v11 =	vimm.f32 $0.0e+00;
	v24 =	vimm.f32 $0.0e+00;
	v27 =	vadd.s32 v28, v25;
	v25 =	vld.idx.msk [tilespmem:v26+s13+$0x0], $0xffff;
	v26 =	vpop (erf)  }
.LBB2_29:
0x533: {  	p1 =	sne.s32 s21, $0x7F;
	v35 =	vshll.u32 v32, $0x4;
	v33 =	vadd.f32 v34, v33;
	v42 =	vmul.f32 v26, v22;
	v36 =	vmovc v3;
	v3 =	vmovc v21  }
0x534: {  	v32 =	vmov s21;
	v21 =	vmov v15;
	v26 =	vor.u32 v0, v35;
	v34 =	vpop (erf)  }
.Ltmp18:
0x535: {  	v22 =	vmovc v14;
	v15 =	vmovc v35;
	v37 =	vsub.f32 $0.0e+00, v33;
	v34 =	vadd.f32 $1.000000000e+00, v34;
	v41 =	vmul.f32 v42, v23;
	(pc) =	sbr.rel @p1 .LBB2_29-.Ltmp18, $4  }
0x536: {  	v14 =	vmovc v13;
	v13 =	vmovc v20;
	v35 =	vand.u32 $0x7F, v32;
	v20 =	vmov v33;
	v23 =	vld.idx.msk [tilespmem:v16+s13+$0x0], $0xffff;
	v16 =	vmov v17  }
0x537: {  	v17 =	vld.idx.msk [tilespmem:v27+s20+$0x0], $0xffff;
	v37 =	vmul.f32 $1.442695020e+00, v37;
	(erf) = vrcp.f32 v34;
	v24 =	vadd.f32 v41, v24  }
0x538: {  	v33 =	vadd.f32 v18, v16;
	v34 =	vmul.f32 v25, v9;
	v16 =	vor.u32 v19, v12;
	v18 =	vld.idx.msk [tilespmem:v27+s22+$0x0], $0xffff  }
0x539: {  	s21 =	sadd.s32 $0x1, s21;
	v12 =	vmov v36;
	v27 =	vadd.s32 v28, v35;
	v25 =	vld.idx.msk [tilespmem:v26+s13+$0x0], $0xffff;
	(erf) = vpow2.f32 v37;
	v26 =	vpop (erf)  }
0x53a: {  	v32 =	vshll.u32 v32, $0x4;
	v33 =	vadd.f32 v34, v33  }
0x53b: {  	v41 =	vor.u32 v0, v32  }
0x53c: {  	v35 =	vpop (erf);
	v36 =	vsub.f32 $0.0e+00, v33  }
0x53d: {  	v35 =	vadd.f32 $1.000000000e+00, v35  }
0x53e: {  	v37 =	vld.idx.msk [tilespmem:v27+s20+$0x0], $0xffff;
	v36 =	vmul.f32 $1.442695020e+00, v36  }
0x53f: {  	v27 =	vld.idx.msk [tilespmem:v27+s22+$0x0], $0xffff;
	(erf) = vrcp.f32 v35  }
0x540: {  	v34 =	vld.idx.msk [tilespmem:v41+s13+$0x0], $0xffff;
	(erf) = vpow2.f32 v36;
	_ =	sdelay $0x2  }
0x541: {  	v17 =	vadd.f32 v18, v17;
	v18 =	vmul.f32 v25, v9;
	_ =	sdelay $0x1  }
0x542: {  	v17 =	vadd.f32 v18, v17;
	v18 =	vadd.f32 v27, v37;
	v25 =	vmul.f32 v34, v9  }
0x543: {  	v27 =	vpop (erf)  }
0x544: {  	s21 =	simm.s32 $0x80;
	v42 =	vpop (erf);
	v43 =	vsub.f32 $0.0e+00, v17;
	v18 =	vadd.f32 v25, v18  }
0x545: {  	v35 =	vadd.f32 $1.000000000e+00, v42;
	v34 =	vmov s21;
	v37 =	vpop (erf)  }
0x546: {  	v36 =	vmul.f32 $1.442695020e+00, v43;
	v25 =	vand.u32 $0xFF, v34;
	v41 =	vpop (erf);
	v42 =	vsub.f32 $0.0e+00, v18  }
0x547: {  	(erf) = vrcp.f32 v35;
	v25 =	vadd.s32 v28, v25;
	v44 =	vadd.f32 $1.000000000e+00, v41  }
0x548: {  	v34 =	vshll.u32 v34, $0x4;
	(erf) = vpow2.f32 v36;
	v43 =	vmul.f32 $1.442695020e+00, v42  }
0x549: {  	v41 =	vor.u32 v0, v34;
	(erf) = vrcp.f32 v44  }
0x54a: {  	(erf) = vpow2.f32 v43  }
0x54b: {  	s12 =	simm.s32 $0x81  }
0x54c: {  	v36 =	vmov s12;
	v35 =	vld.idx.msk [tilespmem:v25+s20+$0x0], $0xffff  }
0x54d: {  	v42 =	vand.u32 $0xFF, v36;
	v25 =	vld.idx.msk [tilespmem:v25+s22+$0x0], $0xffff  }
0x54e: {  	v22 =	vmul.f32 v26, v22;
	v42 =	vadd.s32 v28, v42;
	v41 =	vld.idx.msk [tilespmem:v41+s13+$0x0], $0xffff  }
0x54f: {  	v16 =	vld.idx.msk [tilespmem:v16+s13+$0x0], $0xffff;
	v26 =	vshll.u32 v36, $0x4  }
0x550: {  	v22 =	vmul.f32 v22, v23;
	v36 =	vor.u32 v0, v26;
	v23 =	vpop (erf)  }
0x551: {  	v43 =	vpop (erf)  }
0x552: {  	v22 =	vadd.f32 v22, v24;
	v24 =	vor.u32 v19, v12;
	v14 =	vmul.f32 v27, v14;
	v27 =	vpop (erf)  }
0x553: {  	v43 =	vadd.f32 $1.000000000e+00, v43;
	v25 =	vadd.f32 v25, v35;
	v35 =	vmul.f32 v41, v9;
	v41 =	vld.idx.msk [tilespmem:v42+s20+$0x0], $0xffff;
	v44 =	vpop (erf)  }
0x554: {  	v14 =	vmul.f32 v14, v16;
	v16 =	vor.u32 v19, v3;
	s12 =	simm.s32 $0x82;
	v42 =	vld.idx.msk [tilespmem:v42+s22+$0x0], $0xffff;
	v3 =	vadd.f32 $1.000000000e+00, v44  }
0x555: {  	(erf) = vrcp.f32 v43;
	v12 =	vadd.f32 v35, v25;
	v25 =	vld.idx.msk [tilespmem:v36+s13+$0x0], $0xffff;
	v35 =	vmov s12  }
0x556: {  	v21 =	vor.u32 v19, v21;
	(erf) = vrcp.f32 v3;
	v3 =	vand.u32 $0xFF, v35  }
0x557: {  	v43 =	vadd.s32 v28, v3  }
0x558: {  	v24 =	vld.idx.msk [tilespmem:v24+s13+$0x0], $0xffff;
	v36 =	vsub.f32 $0.0e+00, v12;
	v3 =	vshll.u32 v35, $0x4  }
0x559: {  	v15 =	vor.u32 v19, v15;
	v16 =	vld.idx.msk [tilespmem:v16+s13+$0x0], $0xffff;
	s12 =	simm.s32 $0x83;
	v41 =	vadd.f32 v42, v41;
	v42 =	vor.u32 v0, v3  }
0x55a: {  	v35 =	vmul.f32 $1.442695020e+00, v36;
	v36 =	vmov s12;
	v25 =	vmul.f32 v25, v9  }
0x55b: {  	v21 =	vld.idx.msk [tilespmem:v21+s13+$0x0], $0xffff;
	v37 =	vmul.f32 v37, v13;
	v20 =	vmul.f32 v23, v20;
	v44 =	vand.u32 $0xFF, v36  }
0x55c: {  	(erf) = vpow2.f32 v35;
	v35 =	vadd.s32 v28, v44;
	v13 =	vadd.f32 v25, v41;
	v23 =	vld.idx.msk [tilespmem:v43+s20+$0x0], $0xffff  }
0x55d: {  	v22 =	vadd.f32 v14, v22;
	v24 =	vmul.f32 v37, v24;
	v14 =	vshll.u32 v36, $0x4;
	v36 =	vld.idx.msk [tilespmem:v43+s22+$0x0], $0xffff  }
0x55e: {  	v16 =	vmul.f32 v20, v16;
	v25 =	vor.u32 v0, v14;
	v44 =	vsub.f32 $0.0e+00, v13;
	v20 =	vld.idx.msk [tilespmem:v42+s13+$0x0], $0xffff  }
0x55f: {  	v15 =	vld.idx.msk [tilespmem:v15+s13+$0x0], $0xffff;
	v22 =	vadd.f32 v24, v22;
	v24 =	vor.u32 v19, v32;
	v27 =	vmul.f32 v27, v33  }
0x560: {  	v37 =	vmul.f32 $1.442695020e+00, v44  }
0x561: {  	v34 =	vor.u32 v19, v34;
	v21 =	vmul.f32 v27, v21;
	v33 =	vpop (erf);
	v41 =	vld.idx.msk [tilespmem:v35+s20+$0x0], $0xffff  }
0x562: {  	v16 =	vadd.f32 v16, v22;
	s12 =	simm.s32 $0x84;
	v17 =	vmul.f32 v33, v17;
	v35 =	vld.idx.msk [tilespmem:v35+s22+$0x0], $0xffff;
	(erf) = vpow2.f32 v37  }
0x563: {  	v32 =	vmov s12;
	v25 =	vld.idx.msk [tilespmem:v25+s13+$0x0], $0xffff;
	v23 =	vadd.f32 v36, v23;
	v20 =	vmul.f32 v20, v9  }
0x564: {  	v24 =	vld.idx.msk [tilespmem:v24+s13+$0x0], $0xffff;
	v16 =	vadd.f32 v21, v16;
	v22 =	vshll.u32 v32, $0x4;
	v15 =	vmul.f32 v17, v15;
	v37 =	vpop (erf)  }
0x565: {  	s12 =	simm.s32 $0x85;
	v42 =	vand.u32 $0xFF, v32;
	v32 =	vor.u32 v0, v22;
	v27 =	vpop (erf);
	v20 =	vadd.f32 v20, v23  }
0x566: {  	v21 =	vmov s12;
	v42 =	vadd.s32 v28, v42;
	v27 =	vadd.f32 $1.000000000e+00, v27  }
0x567: {  	v15 =	vadd.f32 v15, v16;
	v17 =	vmul.f32 v37, v18;
	v43 =	vsub.f32 $0.0e+00, v20  }
0x568: {  	v25 =	vmul.f32 v25, v9;
	(erf) = vrcp.f32 v27;
	v27 =	vadd.f32 v35, v41  }
0x569: {  	v23 =	vand.u32 $0xFF, v21;
	v16 =	vmul.f32 v17, v24;
	v17 =	vmul.f32 $1.442695020e+00, v43  }
0x56a: {  	v32 =	vld.idx.msk [tilespmem:v32+s13+$0x0], $0xffff;
	v18 =	vadd.s32 v28, v23;
	v23 =	vshll.u32 v21, $0x4;
	v21 =	vadd.f32 v25, v27  }
0x56b: {  	v33 =	vld.idx.msk [tilespmem:v42+s20+$0x0], $0xffff;
	v24 =	vpop (erf);
	(erf) = vpow2.f32 v17  }
0x56c: {  	v35 =	vld.idx.msk [tilespmem:v42+s22+$0x0], $0xffff;
	v27 =	vsub.f32 $0.0e+00, v21  }
0x56d: {  	v37 =	vor.u32 v0, v23;
	v15 =	vadd.f32 v16, v15;
	v16 =	vadd.f32 $1.000000000e+00, v24  }
0x56e: {  	s12 =	simm.s32 $0x86;
	v44 =	vmul.f32 $1.442695020e+00, v27  }
0x56f: {  	v25 =	vmov s12;
	v24 =	vld.idx.msk [tilespmem:v34+s13+$0x0], $0xffff;
	(erf) = vrcp.f32 v16  }
0x570: {  	v36 =	vand.u32 $0xFF, v25;
	v17 =	vld.idx.msk [tilespmem:v18+s20+$0x0], $0xffff;
	(erf) = vpow2.f32 v44  }
0x571: {  	v18 =	vld.idx.msk [tilespmem:v18+s22+$0x0], $0xffff;
	v34 =	vmul.f32 v32, v9;
	v33 =	vadd.f32 v35, v33;
	v16 =	vor.u32 v19, v26  }
0x572: {  	s21 =	simm.s32 $0x87;
	v27 =	vadd.s32 v28, v36;
	v26 =	vld.idx.msk [tilespmem:v37+s13+$0x0], $0xffff;
	v32 =	vpop (erf)  }
.LBB2_31:
0x573: {  	p1 =	sne.s32 s21, $0xFF;
	v35 =	vshll.u32 v25, $0x4;
	v33 =	vadd.f32 v34, v33;
	v42 =	vmul.f32 v32, v12;
	v36 =	vmovc v14;
	v14 =	vmovc v22  }
0x574: {  	v25 =	vmov s21;
	v22 =	vmov v23;
	v32 =	vor.u32 v0, v35;
	v34 =	vpop (erf)  }
.Ltmp19:
0x575: {  	v12 =	vmovc v13;
	v23 =	vmovc v35;
	v37 =	vsub.f32 $0.0e+00, v33;
	v34 =	vadd.f32 $1.000000000e+00, v34;
	v41 =	vmul.f32 v42, v24;
	(pc) =	sbr.rel @p1 .LBB2_31-.Ltmp19, $4  }
0x576: {  	v13 =	vmovc v20;
	v20 =	vmovc v21;
	v35 =	vand.u32 $0xFF, v25;
	v21 =	vmov v33;
	v24 =	vld.idx.msk [tilespmem:v16+s13+$0x0], $0xffff;
	v16 =	vmov v17  }
0x577: {  	v17 =	vld.idx.msk [tilespmem:v27+s20+$0x0], $0xffff;
	v37 =	vmul.f32 $1.442695020e+00, v37;
	(erf) = vrcp.f32 v34;
	v11 =	vadd.f32 v41, v11  }
0x578: {  	v33 =	vadd.f32 v18, v16;
	v34 =	vmul.f32 v26, v9;
	v16 =	vor.u32 v19, v3;
	v18 =	vld.idx.msk [tilespmem:v27+s22+$0x0], $0xffff  }
0x579: {  	s21 =	sadd.s32 $0x1, s21;
	v3 =	vmov v36;
	v27 =	vadd.s32 v28, v35;
	v26 =	vld.idx.msk [tilespmem:v32+s13+$0x0], $0xffff;
	(erf) = vpow2.f32 v37;
	v32 =	vpop (erf)  }
0x57a: {  	v25 =	vshll.u32 v25, $0x4;
	v33 =	vadd.f32 v34, v33  }
0x57b: {  	v41 =	vor.u32 v0, v25  }
0x57c: {  	v35 =	vpop (erf);
	v36 =	vsub.f32 $0.0e+00, v33  }
0x57d: {  	v35 =	vadd.f32 $1.000000000e+00, v35  }
0x57e: {  	v37 =	vld.idx.msk [tilespmem:v27+s20+$0x0], $0xffff;
	v36 =	vmul.f32 $1.442695020e+00, v36  }
0x57f: {  	v27 =	vld.idx.msk [tilespmem:v27+s22+$0x0], $0xffff;
	(erf) = vrcp.f32 v35  }
0x580: {  	v34 =	vld.idx.msk [tilespmem:v41+s13+$0x0], $0xffff;
	(erf) = vpow2.f32 v36;
	_ =	sdelay $0x1  }
0x581: {  	v17 =	vadd.f32 v18, v17;
	v18 =	vmul.f32 v26, v9;
	_ =	sdelay $0x1  }
0x582: {  	v17 =	vadd.f32 v18, v17  }
0x583: {  	v18 =	vadd.f32 v27, v37;
	v27 =	vpop (erf);
	v26 =	vmul.f32 v34, v9  }
0x584: {  	v42 =	vpop (erf);
	v43 =	vsub.f32 $0.0e+00, v17  }
0x585: {  	v18 =	vadd.f32 v26, v18;
	v26 =	vadd.f32 $1.000000000e+00, v42  }
0x586: {  	v35 =	vmul.f32 $1.442695020e+00, v43;
	v34 =	vpop (erf)  }
0x587: {  	v36 =	vpop (erf);
	v44 =	vsub.f32 $0.0e+00, v18;
	(erf) = vrcp.f32 v26  }
0x588: {  	v26 =	vadd.f32 $1.000000000e+00, v36;
	(erf) = vpow2.f32 v35  }
0x589: {  	v41 =	vmul.f32 $1.442695020e+00, v44  }
0x58a: {  	(erf) = vrcp.f32 v26  }
0x58b: {  	(erf) = vpow2.f32 v41;
	_ =	sdelay $0x1  }
0x58c: {  	v3 =	vor.u32 v19, v3  }
0x58d: {  	v26 =	vmul.f32 $2.222222240e-01, v9;
	_ =	sdelay $0x1  }
0x58e: {  	v16 =	vld.idx.msk [tilespmem:v16+s13+$0x0], $0xffff;
	v14 =	vor.u32 v19, v14;
	v12 =	vmul.f32 v32, v12;
	v26 =	vmax.f32 v26, $0.0e+00;
	v35 =	vpop (erf)  }
0x58f: {  	v26 =	vmin.f32 v26, $1.000000000e+00;
	v42 =	vpop (erf)  }
0x590: {  	v12 =	vmul.f32 v12, v24;
	v3 =	vld.idx.msk [tilespmem:v3+s13+$0x0], $0xffff;
	v41 =	vmul.f32 v26, v26;
	v36 =	vadd.f32 $1.000000000e+00, v42  }
0x591: {  	v22 =	vor.u32 v19, v22;
	v13 =	vmul.f32 v27, v13;
	v37 =	vpop (erf)  }
0x592: {  	v11 =	vadd.f32 v12, v11;
	v44 =	vmul.f32 v41, v41;
	v43 =	vpop (erf);
	(erf) = vrcp.f32 v36  }
0x593: {  	v12 =	vmul.f32 v13, v16;
	v13 =	vld.idx.msk [tilespmem:v14+s13+$0x0], $0xffff;
	v14 =	vmul.f32 v34, v20;
	v32 =	vadd.f32 $1.000000000e+00, v43  }
0x594: {  	v23 =	vor.u32 v19, v23;
	v24 =	vmul.f32 v44, v26  }
0x595: {  	v3 =	vmul.f32 v14, v3;
	v9 =	vadd.f32 $9.999999930e-09, v9;
	(erf) = vrcp.f32 v32  }
0x596: {  	v16 =	vor.u32 v19, v25;
	v20 =	vmul.f32 $-2.100000000e+01, v24;
	v25 =	vmul.f32 $3.500000000e+01, v24  }
0x597: {  	v22 =	vld.idx.msk [tilespmem:v22+s13+$0x0], $0xffff;
	(erf) = vrcp.f32 v9;
	v9 =	vadd.f32 v12, v11;
	v11 =	vmul.f32 v35, v21  }
0x598: {  	v14 =	vadd.f32 $1.000000000e+00, v20;
	v20 =	vmul.f32 v25, v26;
	v21 =	vmul.f32 $-1.500000000e+01, v24  }
0x599: {  	v12 =	vld.idx.msk [tilespmem:v23+s13+$0x0], $0xffff;
	v3 =	vadd.f32 v3, v9;
	v9 =	vmul.f32 v11, v13  }
0x59a: {  	v14 =	vadd.f32 v20, v14;
	v11 =	vmul.f32 v37, v33;
	v20 =	vmul.f32 v21, v41  }
0x59b: {  	v3 =	vadd.f32 v9, v3;
	v13 =	vpop (erf)  }
0x59c: {  	v16 =	vld.idx.msk [tilespmem:v16+s13+$0x0], $0xffff;
	v9 =	vmul.f32 v11, v22;
	v14 =	vadd.f32 v20, v14;
	v11 =	vmul.f32 v13, v17;
	_ =	sdelay $0x1  }
0x59d: {  	v3 =	vadd.f32 v9, v3;
	v13 =	vpop (erf);
	v9 =	vmul.f32 v11, v12;
	v12 =	vmax.f32 v14, $0.0e+00  }
0x59e: {  	v11 =	vmul.f32 v13, v18;
	_ =	sdelay $0x1  }
0x59f: {  	v3 =	vadd.f32 v9, v3;
	v9 =	vmul.f32 v11, v16;
	v11 =	vmin.f32 v12, $1.000000000e+00;
	v12 =	vpop (erf)  }
0x5a0: {  	v13 =	vadd.f32 v15, v4;
	v11 =	vmul.f32 v11, v12;
	_ =	sdelay $0x1  }
0x5a1: {  	v3 =	vadd.f32 v9, v3;
	v9 =	vmul.f32 v13, v11;
	v13 =	vld [tilespmem:$0x1FE20];
	_ =	sdelay $0x5  }
0x5a2: {  	v12 =	vmul.f32 v9, v8;
	_ =	sdelay $0x1  }
0x5a3: {  	[tilespmem:v13+s16+$0x0] =	vst.idx.msk $0xffff, v12;
	v12 =	vld [tilespmem:$0x1FE40];
	_ =	sdelay $0x3  }
0x5a4: {  	v3 =	vadd.f32 v3, v5;
	_ =	sdelay $0x1  }
0x5a5: {  	v3 =	vmul.f32 v3, v11;
	v11 =	vmul.f32 v9, v7;
	_ =	sdelay $0x1  }
0x5a6: {  	[tilespmem:v12+s16+$0x0] =	vst.idx.msk $0xffff, v11;
	v11 =	vld [tilespmem:$0x1FE50];
	_ =	sdelay $0x5  }
0x5a7: {  	v9 =	vmul.f32 v9, v6;
	_ =	sdelay $0x1  }
0x5a8: {  	v8 =	vmul.f32 v3, v8;
	[tilespmem:v11+s16+$0x0] =	vst.idx.msk $0xffff, v9;
	v9 =	vld [tilespmem:$0x1FE60]  }
0x5a9: {  	v7 =	vmul.f32 v3, v7;
	v3 =	vmul.f32 v3, v6;
	v6 =	vld [tilespmem:$0x1FE70];
	_ =	sdelay $0x6  }
0x5aa: {  	[tilespmem:v9+s16+$0x0] =	vst.idx.msk $0xffff, v8  }
0x5ab: {  	[tilespmem:v6+s16+$0x0] =	vst.idx.msk $0xffff, v7;
	v6 =	vld [tilespmem:$0x1FE80];
	_ =	sdelay $0x7  }
0x5ac: {  	[tilespmem:v6+s16+$0x0] =	vst.idx.msk $0xffff, v3  }
0x5ad: {  	v3 =	vld.idx.msk [tilespmem:v38+s20+$0x0], $0xffff  }
0x5ae: {  	v6 =	vld.idx.msk [tilespmem:v38+s22+$0x0], $0xffff  }
0x5af: {  	v7 =	vld.idx.msk [tilespmem:v39+s20+$0x0], $0xffff  }
0x5b0: {  	v9 =	vld.idx.msk [tilespmem:v39+s22+$0x0], $0xffff  }
0x5b1: {  	v11 =	vld.idx.msk [tilespmem:v40+s20+$0x0], $0xffff  }
0x5b2: {  	v12 =	vld.idx.msk [tilespmem:v40+s22+$0x0], $0xffff;
	_ =	sdelay $0x2  }
0x5b3: {  	v8 =	vsub.f32 v3, v6;
	v7 =	vsub.f32 v7, v9;
	_ =	sdelay $0x1  }
0x5b4: {  	v6 =	vsub.f32 v11, v12;
	v3 =	vmul.f32 v8, v8;
	v9 =	vmul.f32 v7, v7;
	_ =	sdelay $0x1  }
0x5b5: {  	v3 =	vadd.f32 v9, v3;
	v9 =	vmul.f32 v6, v6;
	_ =	sdelay $0x1  }
0x5b6: {  	v3 =	vadd.f32 v9, v3;
	_ =	sdelay $0x1  }
0x5b7: {  	v9 =	vmax.f32 v3, $1.000000000e-30  }
0x5b8: {  	v11 =	vshra.s32 v9, $0x1;
	v9 =	vmul.f32 $5.000000000e-01, v9  }
0x5b9: {  	v11 =	vsub.s32 $0x5F3759DF, v11  }
0x5ba: {  	v12 =	vmul.f32 v11, v9;
	_ =	sdelay $0x1  }
0x5bb: {  	v12 =	vmul.f32 v11, v12;
	_ =	sdelay $0x1  }
0x5bc: {  	v12 =	vsub.f32 $1.500000000e+00, v12;
	_ =	sdelay $0x1  }
0x5bd: {  	v11 =	vmul.f32 v11, v12;
	_ =	sdelay $0x1  }
0x5be: {  	v12 =	vmul.f32 v11, v9;
	_ =	sdelay $0x1  }
0x5bf: {  	v12 =	vmul.f32 v12, v11;
	_ =	sdelay $0x1  }
0x5c0: {  	v12 =	vsub.f32 $1.500000000e+00, v12;
	_ =	sdelay $0x1  }
0x5c1: {  	v11 =	vmul.f32 v12, v11;
	_ =	sdelay $0x1  }
0x5c2: {  	v12 =	vmul.f32 v11, v9;
	_ =	sdelay $0x1  }
0x5c3: {  	v12 =	vmul.f32 v12, v11  }
0x5c4: {  	s21 =	simm.s32 $0x0  }
0x5c5: {  	v13 =	vmov s21;
	v12 =	vsub.f32 $1.500000000e+00, v12  }
0x5c6: {  	v15 =	vshll.u32 v13, $0x4  }
0x5c7: {  	v14 =	vand.u32 $0x7F, v13;
	v13 =	vor.u32 v0, v15;
	v11 =	vmul.f32 v12, v11  }
0x5c8: {  	v12 =	vadd.s32 v29, v14  }
0x5c9: {  	v9 =	vmul.f32 v11, v9;
	_ =	sdelay $0x1  }
0x5ca: {  	s12 =	simm.s32 $0x1;
	v9 =	vmul.f32 v9, v11  }
0x5cb: {  	v13 =	vld.idx.msk [tilespmem:v13+s13+$0x0], $0xffff;
	v14 =	vmov s12  }
0x5cc: {  	v17 =	vand.u32 $0x7F, v14;
	v16 =	vld.idx.msk [tilespmem:v12+s20+$0x0], $0xffff;
	v9 =	vsub.f32 $1.500000000e+00, v9  }
0x5cd: {  	v17 =	vadd.s32 v29, v17;
	v12 =	vld.idx.msk [tilespmem:v12+s22+$0x0], $0xffff  }
0x5ce: {  	v24 =	vshll.u32 v14, $0x4;
	v9 =	vmul.f32 v9, v11  }
0x5cf: {  	v11 =	vor.u32 v0, v24  }
0x5d0: {  	v9 =	vmul.f32 v9, v3;
	_ =	sdelay $0x1  }
0x5d1: {  	v14 =	vld.idx.msk [tilespmem:v17+s22+$0x0], $0xffff;
	v12 =	vadd.f32 v12, v16;
	v13 =	vmul.f32 v13, v9  }
0x5d2: {  	s12 =	simm.s32 $0x2;
	v3 =	vld.idx.msk [tilespmem:v17+s20+$0x0], $0xffff  }
0x5d3: {  	v11 =	vld.idx.msk [tilespmem:v11+s13+$0x0], $0xffff;
	v22 =	vadd.f32 v13, v12;
	v12 =	vmov s12  }
0x5d4: {  	v16 =	vand.u32 $0x7F, v12  }
0x5d5: {  	v13 =	vsub.f32 $0.0e+00, v22;
	v16 =	vadd.s32 v29, v16  }
0x5d6: {  	s12 =	simm.s32 $0x3;
	v12 =	vshll.u32 v12, $0x4  }
0x5d7: {  	v17 =	vmov s12;
	v18 =	vor.u32 v0, v12;
	v13 =	vmul.f32 $1.442695020e+00, v13  }
0x5d8: {  	v3 =	vadd.f32 v14, v3;
	v14 =	vand.u32 $0x7F, v17;
	v11 =	vmul.f32 v11, v9  }
0x5d9: {  	(erf) = vpow2.f32 v13;
	v13 =	vadd.s32 v29, v14  }
0x5da: {  	v14 =	vadd.f32 v11, v3;
	v3 =	vshll.u32 v17, $0x4;
	v11 =	vld.idx.msk [tilespmem:v16+s20+$0x0], $0xffff  }
0x5db: {  	v17 =	vor.u32 v0, v3;
	v16 =	vld.idx.msk [tilespmem:v16+s22+$0x0], $0xffff  }
0x5dc: {  	v18 =	vld.idx.msk [tilespmem:v18+s13+$0x0], $0xffff;
	v20 =	vsub.f32 $0.0e+00, v14  }
0x5dd: {  	s12 =	simm.s32 $0x4  }
0x5de: {  	v21 =	vmov s12;
	v20 =	vmul.f32 $1.442695020e+00, v20;
	v23 =	vld.idx.msk [tilespmem:v13+s20+$0x0], $0xffff  }
0x5df: {  	v25 =	vand.u32 $0x7F, v21;
	v26 =	vld.idx.msk [tilespmem:v13+s22+$0x0], $0xffff  }
0x5e0: {  	v21 =	vshll.u32 v21, $0x4;
	(erf) = vpow2.f32 v20;
	v20 =	vadd.s32 v29, v25;
	v17 =	vld.idx.msk [tilespmem:v17+s13+$0x0], $0xffff  }
0x5e1: {  	v11 =	vadd.f32 v16, v11;
	v16 =	vmul.f32 v18, v9;
	v18 =	vor.u32 v0, v21  }
0x5e2: {  	s12 =	simm.s32 $0x5;
	v13 =	vpop (erf)  }
0x5e3: {  	v27 =	vmov s12;
	v25 =	vadd.f32 $1.000000000e+00, v13;
	v13 =	vadd.f32 v16, v11  }
0x5e4: {  	v11 =	vand.u32 $0x7F, v27;
	v23 =	vadd.f32 v26, v23  }
0x5e5: {  	v16 =	vld.idx.msk [tilespmem:v20+s20+$0x0], $0xffff;
	v17 =	vmul.f32 v17, v9;
	v42 =	vadd.s32 v29, v11;
	v26 =	vsub.f32 $0.0e+00, v13  }
0x5e6: {  	v43 =	vld.idx.msk [tilespmem:v18+s13+$0x0], $0xffff;
	(erf) = vrcp.f32 v25  }
0x5e7: {  	v41 =	vld.idx.msk [tilespmem:v20+s22+$0x0], $0xffff;
	v25 =	vor.u32 v19, v15;
	v20 =	vadd.f32 v17, v23;
	v17 =	vmul.f32 $1.442695020e+00, v26;
	_ =	sdelay $0x1  }
0x5e8: {  	v15 =	vshll.u32 v27, $0x4;
	(erf) = vpow2.f32 v17  }
0x5e9: {  	v26 =	vor.u32 v0, v15;
	v11 =	vpop (erf);
	v18 =	vsub.f32 $0.0e+00, v20;
	v17 =	vld.idx.msk [tilespmem:v42+s20+$0x0], $0xffff  }
0x5ea: {  	v27 =	vadd.f32 $1.000000000e+00, v11;
	v34 =	vmul.f32 v43, v9;
	v43 =	vld [tilespmem:$0x1FDF0]  }
0x5eb: {  	s12 =	simm.s32 $0x6;
	v23 =	vld.idx.msk [tilespmem:v25+s13+$0x0], $0xffff;
	v44 =	vmul.f32 $1.442695020e+00, v18  }
0x5ec: {  	v32 =	vmov s12;
	v18 =	vld.idx.msk [tilespmem:v42+s22+$0x0], $0xffff;
	(erf) = vrcp.f32 v27  }
0x5ed: {  	v25 =	vand.u32 $0x7F, v32;
	v42 =	vld [tilespmem:$0x1FE00];
	(erf) = vpow2.f32 v44  }
0x5ee: {  	v33 =	vadd.f32 v41, v16;
	v16 =	vor.u32 v19, v24;
	v27 =	vadd.s32 v29, v25;
	v25 =	vld.idx.msk [tilespmem:v26+s13+$0x0], $0xffff  }
0x5ef: {  	s21 =	simm.s32 $0x7;
	v11 =	vimm.f32 $0.0e+00;
	v24 =	vimm.f32 $0.0e+00;
	v44 =	vld [tilespmem:$0x1FFF0];
	v26 =	vpop (erf)  }
.LBB2_33:
0x5f0: {  	p1 =	sne.s32 s21, $0x7F;
	v35 =	vshll.u32 v32, $0x4;
	v33 =	vadd.f32 v34, v33;
	v39 =	vmul.f32 v26, v22;
	v36 =	vmovc v3;
	v3 =	vmovc v21  }
0x5f1: {  	v32 =	vmov s21;
	v21 =	vmov v15;
	v26 =	vor.u32 v0, v35;
	v34 =	vpop (erf)  }
.Ltmp20:
0x5f2: {  	v22 =	vmovc v14;
	v15 =	vmovc v35;
	v37 =	vsub.f32 $0.0e+00, v33;
	v34 =	vadd.f32 $1.000000000e+00, v34;
	v38 =	vmul.f32 v39, v23;
	(pc) =	sbr.rel @p1 .LBB2_33-.Ltmp20, $4  }
0x5f3: {  	v14 =	vmovc v13;
	v13 =	vmovc v20;
	v35 =	vand.u32 $0x7F, v32;
	v20 =	vmov v33;
	v23 =	vld.idx.msk [tilespmem:v16+s13+$0x0], $0xffff;
	v16 =	vmov v17  }
0x5f4: {  	v17 =	vld.idx.msk [tilespmem:v27+s20+$0x0], $0xffff;
	v37 =	vmul.f32 $1.442695020e+00, v37;
	(erf) = vrcp.f32 v34;
	v24 =	vadd.f32 v38, v24  }
0x5f5: {  	v33 =	vadd.f32 v18, v16;
	v34 =	vmul.f32 v25, v9;
	v16 =	vor.u32 v19, v12;
	v18 =	vld.idx.msk [tilespmem:v27+s22+$0x0], $0xffff  }
0x5f6: {  	s21 =	sadd.s32 $0x1, s21;
	v12 =	vmov v36;
	v27 =	vadd.s32 v29, v35;
	v25 =	vld.idx.msk [tilespmem:v26+s13+$0x0], $0xffff;
	(erf) = vpow2.f32 v37;
	v26 =	vpop (erf)  }
0x5f7: {  	v32 =	vshll.u32 v32, $0x4;
	v33 =	vadd.f32 v34, v33  }
0x5f8: {  	v40 =	vor.u32 v0, v32  }
0x5f9: {  	v35 =	vpop (erf);
	v36 =	vsub.f32 $0.0e+00, v33  }
0x5fa: {  	v35 =	vadd.f32 $1.000000000e+00, v35  }
0x5fb: {  	v37 =	vld.idx.msk [tilespmem:v27+s20+$0x0], $0xffff;
	v36 =	vmul.f32 $1.442695020e+00, v36  }
0x5fc: {  	v27 =	vld.idx.msk [tilespmem:v27+s22+$0x0], $0xffff;
	(erf) = vrcp.f32 v35  }
0x5fd: {  	v34 =	vld.idx.msk [tilespmem:v40+s13+$0x0], $0xffff;
	(erf) = vpow2.f32 v36;
	_ =	sdelay $0x2  }
0x5fe: {  	v17 =	vadd.f32 v18, v17;
	v18 =	vmul.f32 v25, v9;
	_ =	sdelay $0x1  }
0x5ff: {  	v17 =	vadd.f32 v18, v17;
	v18 =	vadd.f32 v27, v37;
	v25 =	vmul.f32 v34, v9  }
0x600: {  	v27 =	vpop (erf)  }
0x601: {  	s21 =	simm.s32 $0x80;
	v41 =	vpop (erf);
	v40 =	vsub.f32 $0.0e+00, v17;
	v18 =	vadd.f32 v25, v18  }
0x602: {  	v35 =	vadd.f32 $1.000000000e+00, v41;
	v34 =	vmov s21;
	v37 =	vpop (erf)  }
0x603: {  	v36 =	vmul.f32 $1.442695020e+00, v40;
	v25 =	vand.u32 $0xFF, v34;
	v38 =	vpop (erf);
	v39 =	vsub.f32 $0.0e+00, v18  }
0x604: {  	(erf) = vrcp.f32 v35;
	v25 =	vadd.s32 v29, v25;
	v41 =	vadd.f32 $1.000000000e+00, v38  }
0x605: {  	v34 =	vshll.u32 v34, $0x4;
	(erf) = vpow2.f32 v36;
	v40 =	vmul.f32 $1.442695020e+00, v39  }
0x606: {  	v38 =	vor.u32 v0, v34;
	(erf) = vrcp.f32 v41  }
0x607: {  	(erf) = vpow2.f32 v40  }
0x608: {  	s12 =	simm.s32 $0x81  }
0x609: {  	v36 =	vmov s12;
	v35 =	vld.idx.msk [tilespmem:v25+s20+$0x0], $0xffff  }
0x60a: {  	v39 =	vand.u32 $0xFF, v36;
	v25 =	vld.idx.msk [tilespmem:v25+s22+$0x0], $0xffff  }
0x60b: {  	v22 =	vmul.f32 v26, v22;
	v39 =	vadd.s32 v29, v39;
	v38 =	vld.idx.msk [tilespmem:v38+s13+$0x0], $0xffff  }
0x60c: {  	v16 =	vld.idx.msk [tilespmem:v16+s13+$0x0], $0xffff;
	v26 =	vshll.u32 v36, $0x4  }
0x60d: {  	v22 =	vmul.f32 v22, v23;
	v36 =	vor.u32 v0, v26;
	v23 =	vpop (erf)  }
0x60e: {  	v40 =	vpop (erf)  }
0x60f: {  	v22 =	vadd.f32 v22, v24;
	v24 =	vor.u32 v19, v12;
	v14 =	vmul.f32 v27, v14;
	v27 =	vpop (erf)  }
0x610: {  	v40 =	vadd.f32 $1.000000000e+00, v40;
	v25 =	vadd.f32 v25, v35;
	v35 =	vmul.f32 v38, v9;
	v38 =	vld.idx.msk [tilespmem:v39+s20+$0x0], $0xffff;
	v41 =	vpop (erf)  }
0x611: {  	v14 =	vmul.f32 v14, v16;
	v16 =	vor.u32 v19, v3;
	s12 =	simm.s32 $0x82;
	v39 =	vld.idx.msk [tilespmem:v39+s22+$0x0], $0xffff;
	v3 =	vadd.f32 $1.000000000e+00, v41  }
0x612: {  	(erf) = vrcp.f32 v40;
	v12 =	vadd.f32 v35, v25;
	v25 =	vld.idx.msk [tilespmem:v36+s13+$0x0], $0xffff;
	v35 =	vmov s12  }
0x613: {  	v21 =	vor.u32 v19, v21;
	(erf) = vrcp.f32 v3;
	v3 =	vand.u32 $0xFF, v35  }
0x614: {  	v40 =	vadd.s32 v29, v3  }
0x615: {  	v24 =	vld.idx.msk [tilespmem:v24+s13+$0x0], $0xffff;
	v36 =	vsub.f32 $0.0e+00, v12;
	v3 =	vshll.u32 v35, $0x4  }
0x616: {  	v15 =	vor.u32 v19, v15;
	v16 =	vld.idx.msk [tilespmem:v16+s13+$0x0], $0xffff;
	s12 =	simm.s32 $0x83;
	v38 =	vadd.f32 v39, v38;
	v39 =	vor.u32 v0, v3  }
0x617: {  	v35 =	vmul.f32 $1.442695020e+00, v36;
	v36 =	vmov s12;
	v25 =	vmul.f32 v25, v9  }
0x618: {  	v21 =	vld.idx.msk [tilespmem:v21+s13+$0x0], $0xffff;
	v37 =	vmul.f32 v37, v13;
	v20 =	vmul.f32 v23, v20;
	v41 =	vand.u32 $0xFF, v36  }
0x619: {  	(erf) = vpow2.f32 v35;
	v35 =	vadd.s32 v29, v41;
	v13 =	vadd.f32 v25, v38;
	v23 =	vld.idx.msk [tilespmem:v40+s20+$0x0], $0xffff  }
0x61a: {  	v22 =	vadd.f32 v14, v22;
	v24 =	vmul.f32 v37, v24;
	v14 =	vshll.u32 v36, $0x4;
	v36 =	vld.idx.msk [tilespmem:v40+s22+$0x0], $0xffff  }
0x61b: {  	v16 =	vmul.f32 v20, v16;
	v25 =	vor.u32 v0, v14;
	v40 =	vsub.f32 $0.0e+00, v13;
	v20 =	vld.idx.msk [tilespmem:v39+s13+$0x0], $0xffff  }
0x61c: {  	v15 =	vld.idx.msk [tilespmem:v15+s13+$0x0], $0xffff;
	v22 =	vadd.f32 v24, v22;
	v24 =	vor.u32 v19, v32;
	v27 =	vmul.f32 v27, v33  }
0x61d: {  	v37 =	vmul.f32 $1.442695020e+00, v40  }
0x61e: {  	v34 =	vor.u32 v19, v34;
	v21 =	vmul.f32 v27, v21;
	v33 =	vpop (erf);
	v38 =	vld.idx.msk [tilespmem:v35+s20+$0x0], $0xffff  }
0x61f: {  	v16 =	vadd.f32 v16, v22;
	s12 =	simm.s32 $0x84;
	v17 =	vmul.f32 v33, v17;
	v35 =	vld.idx.msk [tilespmem:v35+s22+$0x0], $0xffff;
	(erf) = vpow2.f32 v37  }
0x620: {  	v32 =	vmov s12;
	v25 =	vld.idx.msk [tilespmem:v25+s13+$0x0], $0xffff;
	v23 =	vadd.f32 v36, v23;
	v20 =	vmul.f32 v20, v9  }
0x621: {  	v24 =	vld.idx.msk [tilespmem:v24+s13+$0x0], $0xffff;
	v16 =	vadd.f32 v21, v16;
	v22 =	vshll.u32 v32, $0x4;
	v15 =	vmul.f32 v17, v15;
	v37 =	vpop (erf)  }
0x622: {  	s12 =	simm.s32 $0x85;
	v39 =	vand.u32 $0xFF, v32;
	v32 =	vor.u32 v0, v22;
	v27 =	vpop (erf);
	v20 =	vadd.f32 v20, v23  }
0x623: {  	v21 =	vmov s12;
	v39 =	vadd.s32 v29, v39;
	v27 =	vadd.f32 $1.000000000e+00, v27  }
0x624: {  	v15 =	vadd.f32 v15, v16;
	v17 =	vmul.f32 v37, v18;
	v41 =	vsub.f32 $0.0e+00, v20  }
0x625: {  	v25 =	vmul.f32 v25, v9;
	(erf) = vrcp.f32 v27;
	v27 =	vadd.f32 v35, v38  }
0x626: {  	v23 =	vand.u32 $0xFF, v21;
	v16 =	vmul.f32 v17, v24;
	v17 =	vmul.f32 $1.442695020e+00, v41  }
0x627: {  	v32 =	vld.idx.msk [tilespmem:v32+s13+$0x0], $0xffff;
	v18 =	vadd.s32 v29, v23;
	v23 =	vshll.u32 v21, $0x4;
	v21 =	vadd.f32 v25, v27  }
0x628: {  	v33 =	vld.idx.msk [tilespmem:v39+s20+$0x0], $0xffff;
	v24 =	vpop (erf);
	(erf) = vpow2.f32 v17  }
0x629: {  	v35 =	vld.idx.msk [tilespmem:v39+s22+$0x0], $0xffff;
	v27 =	vsub.f32 $0.0e+00, v21  }
0x62a: {  	v37 =	vor.u32 v0, v23;
	v15 =	vadd.f32 v16, v15;
	v16 =	vadd.f32 $1.000000000e+00, v24  }
0x62b: {  	s12 =	simm.s32 $0x86;
	v41 =	vmul.f32 $1.442695020e+00, v27  }
0x62c: {  	v25 =	vmov s12;
	v24 =	vld.idx.msk [tilespmem:v34+s13+$0x0], $0xffff;
	(erf) = vrcp.f32 v16  }
0x62d: {  	v40 =	vand.u32 $0xFF, v25;
	v17 =	vld.idx.msk [tilespmem:v18+s20+$0x0], $0xffff;
	(erf) = vpow2.f32 v41  }
0x62e: {  	v18 =	vld.idx.msk [tilespmem:v18+s22+$0x0], $0xffff;
	v34 =	vmul.f32 v32, v9;
	v33 =	vadd.f32 v35, v33;
	v16 =	vor.u32 v19, v26  }
0x62f: {  	s21 =	simm.s32 $0x87;
	v27 =	vadd.s32 v29, v40;
	v26 =	vld.idx.msk [tilespmem:v37+s13+$0x0], $0xffff;
	v32 =	vpop (erf)  }
.LBB2_35:
0x630: {  	p1 =	sne.s32 s21, $0xFF;
	v35 =	vshll.u32 v25, $0x4;
	v33 =	vadd.f32 v34, v33;
	v39 =	vmul.f32 v32, v12;
	v36 =	vmovc v14;
	v14 =	vmovc v22  }
0x631: {  	v25 =	vmov s21;
	v22 =	vmov v23;
	v32 =	vor.u32 v0, v35;
	v34 =	vpop (erf)  }
.Ltmp21:
0x632: {  	v12 =	vmovc v13;
	v23 =	vmovc v35;
	v37 =	vsub.f32 $0.0e+00, v33;
	v34 =	vadd.f32 $1.000000000e+00, v34;
	v38 =	vmul.f32 v39, v24;
	(pc) =	sbr.rel @p1 .LBB2_35-.Ltmp21, $4  }
0x633: {  	v13 =	vmovc v20;
	v20 =	vmovc v21;
	v35 =	vand.u32 $0xFF, v25;
	v21 =	vmov v33;
	v24 =	vld.idx.msk [tilespmem:v16+s13+$0x0], $0xffff;
	v16 =	vmov v17  }
0x634: {  	v17 =	vld.idx.msk [tilespmem:v27+s20+$0x0], $0xffff;
	v37 =	vmul.f32 $1.442695020e+00, v37;
	(erf) = vrcp.f32 v34;
	v11 =	vadd.f32 v38, v11  }
0x635: {  	v33 =	vadd.f32 v18, v16;
	v34 =	vmul.f32 v26, v9;
	v16 =	vor.u32 v19, v3;
	v18 =	vld.idx.msk [tilespmem:v27+s22+$0x0], $0xffff  }
0x636: {  	s21 =	sadd.s32 $0x1, s21;
	v3 =	vmov v36;
	v27 =	vadd.s32 v29, v35;
	v26 =	vld.idx.msk [tilespmem:v32+s13+$0x0], $0xffff;
	(erf) = vpow2.f32 v37;
	v32 =	vpop (erf)  }
0x637: {  	v25 =	vshll.u32 v25, $0x4;
	v29 =	vadd.f32 v34, v33  }
0x638: {  	v41 =	vor.u32 v0, v25  }
0x639: {  	v38 =	vpop (erf);
	v35 =	vsub.f32 $0.0e+00, v29  }
0x63a: {  	v34 =	vadd.f32 $1.000000000e+00, v38  }
0x63b: {  	v36 =	vld.idx.msk [tilespmem:v27+s20+$0x0], $0xffff;
	v35 =	vmul.f32 $1.442695020e+00, v35  }
0x63c: {  	v27 =	vld.idx.msk [tilespmem:v27+s22+$0x0], $0xffff;
	(erf) = vrcp.f32 v34  }
0x63d: {  	v33 =	vld.idx.msk [tilespmem:v41+s13+$0x0], $0xffff;
	(erf) = vpow2.f32 v35;
	_ =	sdelay $0x1  }
0x63e: {  	v17 =	vadd.f32 v18, v17;
	v18 =	vmul.f32 v26, v9;
	_ =	sdelay $0x1  }
0x63f: {  	v17 =	vadd.f32 v18, v17  }
0x640: {  	v18 =	vadd.f32 v27, v36;
	v27 =	vpop (erf);
	v26 =	vmul.f32 v33, v9  }
0x641: {  	v39 =	vpop (erf);
	v40 =	vsub.f32 $0.0e+00, v17  }
0x642: {  	v18 =	vadd.f32 v26, v18;
	v26 =	vadd.f32 $1.000000000e+00, v39  }
0x643: {  	v34 =	vmul.f32 $1.442695020e+00, v40;
	v33 =	vpop (erf)  }
0x644: {  	v35 =	vpop (erf);
	v41 =	vsub.f32 $0.0e+00, v18;
	(erf) = vrcp.f32 v26  }
0x645: {  	v26 =	vadd.f32 $1.000000000e+00, v35;
	(erf) = vpow2.f32 v34  }
0x646: {  	v38 =	vmul.f32 $1.442695020e+00, v41  }
0x647: {  	(erf) = vrcp.f32 v26  }
0x648: {  	(erf) = vpow2.f32 v38;
	_ =	sdelay $0x1  }
0x649: {  	v3 =	vor.u32 v19, v3  }
0x64a: {  	v26 =	vmul.f32 $2.222222240e-01, v9;
	_ =	sdelay $0x1  }
0x64b: {  	v16 =	vld.idx.msk [tilespmem:v16+s13+$0x0], $0xffff;
	v14 =	vor.u32 v19, v14;
	v12 =	vmul.f32 v32, v12;
	v26 =	vmax.f32 v26, $0.0e+00;
	v34 =	vpop (erf)  }
0x64c: {  	v26 =	vmin.f32 v26, $1.000000000e+00;
	v39 =	vpop (erf)  }
0x64d: {  	v12 =	vmul.f32 v12, v24;
	v3 =	vld.idx.msk [tilespmem:v3+s13+$0x0], $0xffff;
	v37 =	vmul.f32 v26, v26;
	v35 =	vadd.f32 $1.000000000e+00, v39  }
0x64e: {  	v22 =	vor.u32 v19, v22;
	v13 =	vmul.f32 v27, v13;
	v36 =	vpop (erf)  }
0x64f: {  	v11 =	vadd.f32 v12, v11;
	v41 =	vmul.f32 v37, v37;
	v40 =	vpop (erf);
	(erf) = vrcp.f32 v35  }
0x650: {  	v12 =	vmul.f32 v13, v16;
	v13 =	vld.idx.msk [tilespmem:v14+s13+$0x0], $0xffff;
	v14 =	vmul.f32 v33, v20;
	v32 =	vadd.f32 $1.000000000e+00, v40  }
0x651: {  	v23 =	vor.u32 v19, v23;
	v24 =	vmul.f32 v41, v26  }
0x652: {  	v3 =	vmul.f32 v14, v3;
	v9 =	vadd.f32 $9.999999930e-09, v9;
	(erf) = vrcp.f32 v32  }
0x653: {  	v16 =	vor.u32 v19, v25;
	v20 =	vmul.f32 $-2.100000000e+01, v24;
	v25 =	vmul.f32 $3.500000000e+01, v24  }
0x654: {  	v22 =	vld.idx.msk [tilespmem:v22+s13+$0x0], $0xffff;
	(erf) = vrcp.f32 v9;
	v9 =	vadd.f32 v12, v11;
	v11 =	vmul.f32 v34, v21  }
0x655: {  	v14 =	vadd.f32 $1.000000000e+00, v20;
	v20 =	vmul.f32 v25, v26;
	v21 =	vmul.f32 $-1.500000000e+01, v24  }
0x656: {  	v12 =	vld.idx.msk [tilespmem:v23+s13+$0x0], $0xffff;
	v3 =	vadd.f32 v3, v9;
	v9 =	vmul.f32 v11, v13  }
0x657: {  	v14 =	vadd.f32 v20, v14;
	v11 =	vmul.f32 v36, v29;
	v20 =	vmul.f32 v21, v37  }
0x658: {  	v3 =	vadd.f32 v9, v3;
	v13 =	vpop (erf)  }
0x659: {  	v16 =	vld.idx.msk [tilespmem:v16+s13+$0x0], $0xffff;
	v9 =	vmul.f32 v11, v22;
	v14 =	vadd.f32 v20, v14;
	v11 =	vmul.f32 v13, v17;
	_ =	sdelay $0x1  }
0x65a: {  	v3 =	vadd.f32 v9, v3;
	v13 =	vpop (erf);
	v9 =	vmul.f32 v11, v12;
	v12 =	vmax.f32 v14, $0.0e+00  }
0x65b: {  	v11 =	vmul.f32 v13, v18;
	_ =	sdelay $0x1  }
0x65c: {  	v3 =	vadd.f32 v9, v3;
	v9 =	vmul.f32 v11, v16;
	v11 =	vmin.f32 v12, $1.000000000e+00;
	v12 =	vpop (erf)  }
0x65d: {  	v13 =	vadd.f32 v15, v4;
	v11 =	vmul.f32 v11, v12;
	_ =	sdelay $0x1  }
0x65e: {  	v3 =	vadd.f32 v9, v3;
	v9 =	vmul.f32 v13, v11;
	v13 =	vld [tilespmem:$0x1FE10];
	_ =	sdelay $0x4  }
0x65f: {  	v3 =	vadd.f32 v3, v5  }
0x660: {  	v12 =	vmul.f32 v9, v8  }
0x661: {  	v3 =	vmul.f32 v3, v11;
	v11 =	vmul.f32 v9, v7  }
0x662: {  	v9 =	vmul.f32 v9, v6;
	[tilespmem:v13+s16+$0x0] =	vst.idx.msk $0xffff, v12  }
0x663: {  	[tilespmem:v42+s16+$0x0] =	vst.idx.msk $0xffff, v11  }
0x664: {  	[tilespmem:v43+s16+$0x0] =	vst.idx.msk $0xffff, v9;
	v9 =	vld [tilespmem:$0x1FE30];
	_ =	sdelay $0x5  }
0x665: {  	v8 =	vmul.f32 v3, v8  }
0x666: {  	v7 =	vmul.f32 v3, v7  }
0x667: {  	v3 =	vmul.f32 v3, v6;
	[tilespmem:v9+s16+$0x0] =	vst.idx.msk $0xffff, v8  }
0x668: {  	[tilespmem:v45+s16+$0x0] =	vst.idx.msk $0xffff, v7  }
0x669: {  	[tilespmem:v46+s16+$0x0] =	vst.idx.msk $0xffff, v3  }
0x66a: {  	v3 =	vld.idx.msk [tilespmem:v47+s20+$0x0], $0xffff  }
0x66b: {  	v6 =	vld.idx.msk [tilespmem:v47+s22+$0x0], $0xffff  }
0x66c: {  	v7 =	vld.idx.msk [tilespmem:v48+s20+$0x0], $0xffff  }
0x66d: {  	v9 =	vld.idx.msk [tilespmem:v48+s22+$0x0], $0xffff  }
0x66e: {  	v11 =	vld.idx.msk [tilespmem:v49+s20+$0x0], $0xffff  }
0x66f: {  	v12 =	vld.idx.msk [tilespmem:v49+s22+$0x0], $0xffff;
	_ =	sdelay $0x2  }
0x670: {  	v8 =	vsub.f32 v3, v6;
	v7 =	vsub.f32 v7, v9;
	_ =	sdelay $0x1  }
0x671: {  	v6 =	vsub.f32 v11, v12;
	v3 =	vmul.f32 v8, v8;
	v9 =	vmul.f32 v7, v7;
	_ =	sdelay $0x1  }
0x672: {  	v3 =	vadd.f32 v9, v3;
	v9 =	vmul.f32 v6, v6;
	_ =	sdelay $0x1  }
0x673: {  	v3 =	vadd.f32 v9, v3;
	_ =	sdelay $0x1  }
0x674: {  	v9 =	vmax.f32 v3, $1.000000000e-30  }
0x675: {  	v11 =	vshra.s32 v9, $0x1;
	v9 =	vmul.f32 $5.000000000e-01, v9  }
0x676: {  	v11 =	vsub.s32 $0x5F3759DF, v11  }
0x677: {  	v12 =	vmul.f32 v11, v9;
	_ =	sdelay $0x1  }
0x678: {  	v12 =	vmul.f32 v11, v12;
	_ =	sdelay $0x1  }
0x679: {  	v12 =	vsub.f32 $1.500000000e+00, v12;
	_ =	sdelay $0x1  }
0x67a: {  	v11 =	vmul.f32 v11, v12;
	_ =	sdelay $0x1  }
0x67b: {  	v12 =	vmul.f32 v11, v9;
	_ =	sdelay $0x1  }
0x67c: {  	v12 =	vmul.f32 v12, v11;
	_ =	sdelay $0x1  }
0x67d: {  	v12 =	vsub.f32 $1.500000000e+00, v12;
	_ =	sdelay $0x1  }
0x67e: {  	v11 =	vmul.f32 v12, v11;
	_ =	sdelay $0x1  }
0x67f: {  	v12 =	vmul.f32 v11, v9;
	_ =	sdelay $0x1  }
0x680: {  	v12 =	vmul.f32 v12, v11  }
0x681: {  	s21 =	simm.s32 $0x0  }
0x682: {  	v13 =	vmov s21;
	v12 =	vsub.f32 $1.500000000e+00, v12  }
0x683: {  	v15 =	vshll.u32 v13, $0x4  }
0x684: {  	v14 =	vand.u32 $0x7F, v13;
	v13 =	vor.u32 v0, v15;
	v11 =	vmul.f32 v12, v11  }
0x685: {  	v12 =	vadd.s32 v30, v14  }
0x686: {  	v9 =	vmul.f32 v11, v9;
	_ =	sdelay $0x1  }
0x687: {  	s12 =	simm.s32 $0x1;
	v9 =	vmul.f32 v9, v11  }
0x688: {  	v13 =	vld.idx.msk [tilespmem:v13+s13+$0x0], $0xffff;
	v14 =	vmov s12  }
0x689: {  	v17 =	vand.u32 $0x7F, v14;
	v16 =	vld.idx.msk [tilespmem:v12+s20+$0x0], $0xffff;
	v9 =	vsub.f32 $1.500000000e+00, v9  }
0x68a: {  	v17 =	vadd.s32 v30, v17;
	v12 =	vld.idx.msk [tilespmem:v12+s22+$0x0], $0xffff  }
0x68b: {  	v24 =	vshll.u32 v14, $0x4;
	v9 =	vmul.f32 v9, v11  }
0x68c: {  	v11 =	vor.u32 v0, v24  }
0x68d: {  	v9 =	vmul.f32 v9, v3;
	_ =	sdelay $0x1  }
0x68e: {  	v14 =	vld.idx.msk [tilespmem:v17+s22+$0x0], $0xffff;
	v12 =	vadd.f32 v12, v16;
	v13 =	vmul.f32 v13, v9  }
0x68f: {  	s12 =	simm.s32 $0x2;
	v3 =	vld.idx.msk [tilespmem:v17+s20+$0x0], $0xffff  }
0x690: {  	v11 =	vld.idx.msk [tilespmem:v11+s13+$0x0], $0xffff;
	v22 =	vadd.f32 v13, v12;
	v12 =	vmov s12  }
0x691: {  	v16 =	vand.u32 $0x7F, v12  }
0x692: {  	v13 =	vsub.f32 $0.0e+00, v22;
	v16 =	vadd.s32 v30, v16  }
0x693: {  	s12 =	simm.s32 $0x3;
	v12 =	vshll.u32 v12, $0x4  }
0x694: {  	v17 =	vmov s12;
	v18 =	vor.u32 v0, v12;
	v13 =	vmul.f32 $1.442695020e+00, v13  }
0x695: {  	v3 =	vadd.f32 v14, v3;
	v14 =	vand.u32 $0x7F, v17;
	v11 =	vmul.f32 v11, v9  }
0x696: {  	(erf) = vpow2.f32 v13;
	v13 =	vadd.s32 v30, v14  }
0x697: {  	v14 =	vadd.f32 v11, v3;
	v3 =	vshll.u32 v17, $0x4;
	v11 =	vld.idx.msk [tilespmem:v16+s20+$0x0], $0xffff  }
0x698: {  	v17 =	vor.u32 v0, v3;
	v16 =	vld.idx.msk [tilespmem:v16+s22+$0x0], $0xffff  }
0x699: {  	v18 =	vld.idx.msk [tilespmem:v18+s13+$0x0], $0xffff;
	v20 =	vsub.f32 $0.0e+00, v14;
	_ =	sdelay $0x1  }
0x69a: {  	s12 =	simm.s32 $0x4;
	v20 =	vmul.f32 $1.442695020e+00, v20;
	v23 =	vld.idx.msk [tilespmem:v13+s20+$0x0], $0xffff  }
0x69b: {  	v21 =	vmov s12;
	v26 =	vld.idx.msk [tilespmem:v13+s22+$0x0], $0xffff  }
0x69c: {  	v25 =	vand.u32 $0x7F, v21;
	(erf) = vpow2.f32 v20;
	v17 =	vld.idx.msk [tilespmem:v17+s13+$0x0], $0xffff  }
0x69d: {  	v20 =	vadd.s32 v30, v25;
	v11 =	vadd.f32 v16, v11;
	v16 =	vmul.f32 v18, v9  }
0x69e: {  	v13 =	vpop (erf)  }
0x69f: {  	s12 =	simm.s32 $0x5;
	v21 =	vshll.u32 v21, $0x4;
	v25 =	vadd.f32 $1.000000000e+00, v13;
	v13 =	vadd.f32 v16, v11  }
0x6a0: {  	v27 =	vmov s12;
	v18 =	vor.u32 v0, v21  }
0x6a1: {  	v23 =	vadd.f32 v26, v23;
	v17 =	vmul.f32 v17, v9;
	v26 =	vsub.f32 $0.0e+00, v13  }
0x6a2: {  	v11 =	vand.u32 $0x7F, v27;
	v16 =	vld.idx.msk [tilespmem:v20+s20+$0x0], $0xffff  }
0x6a3: {  	v46 =	vld.idx.msk [tilespmem:v20+s22+$0x0], $0xffff;
	(erf) = vrcp.f32 v25;
	v20 =	vadd.f32 v17, v23;
	v17 =	vmul.f32 $1.442695020e+00, v26  }
0x6a4: {  	v47 =	vadd.s32 v30, v11  }
0x6a5: {  	v25 =	vor.u32 v19, v15;
	(erf) = vpow2.f32 v17  }
0x6a6: {  	v48 =	vld.idx.msk [tilespmem:v18+s13+$0x0], $0xffff;
	v15 =	vshll.u32 v27, $0x4;
	v11 =	vpop (erf);
	v18 =	vsub.f32 $0.0e+00, v20  }
0x6a7: {  	v26 =	vor.u32 v0, v15;
	v27 =	vadd.f32 $1.000000000e+00, v11  }
0x6a8: {  	v49 =	vmul.f32 $1.442695020e+00, v18  }
0x6a9: {  	s12 =	simm.s32 $0x6;
	v17 =	vld.idx.msk [tilespmem:v47+s20+$0x0], $0xffff;
	(erf) = vrcp.f32 v27  }
0x6aa: {  	v29 =	vmov s12;
	v32 =	vadd.f32 v46, v16;
	v23 =	vld.idx.msk [tilespmem:v25+s13+$0x0], $0xffff;
	(erf) = vpow2.f32 v49  }
0x6ab: {  	v33 =	vmul.f32 v48, v9;
	v16 =	vor.u32 v19, v24;
	v25 =	vand.u32 $0x7F, v29;
	v18 =	vld.idx.msk [tilespmem:v47+s22+$0x0], $0xffff  }
0x6ac: {  	s21 =	simm.s32 $0x7;
	v11 =	vimm.f32 $0.0e+00;
	v24 =	vimm.f32 $0.0e+00;
	v27 =	vadd.s32 v30, v25;
	v25 =	vld.idx.msk [tilespmem:v26+s13+$0x0], $0xffff;
	v26 =	vpop (erf)  }
.LBB2_37:
0x6ad: {  	p1 =	sne.s32 s21, $0x7F;
	v34 =	vshll.u32 v29, $0x4;
	v32 =	vadd.f32 v33, v32;
	v38 =	vmul.f32 v26, v22;
	v35 =	vmovc v3;
	v3 =	vmovc v21  }
0x6ae: {  	v29 =	vmov s21;
	v21 =	vmov v15;
	v26 =	vor.u32 v0, v34;
	v33 =	vpop (erf)  }
.Ltmp22:
0x6af: {  	v22 =	vmovc v14;
	v15 =	vmovc v34;
	v36 =	vsub.f32 $0.0e+00, v32;
	v33 =	vadd.f32 $1.000000000e+00, v33;
	v37 =	vmul.f32 v38, v23;
	(pc) =	sbr.rel @p1 .LBB2_37-.Ltmp22, $4  }
0x6b0: {  	v14 =	vmovc v13;
	v13 =	vmovc v20;
	v34 =	vand.u32 $0x7F, v29;
	v20 =	vmov v32;
	v23 =	vld.idx.msk [tilespmem:v16+s13+$0x0], $0xffff;
	v16 =	vmov v17  }
0x6b1: {  	v17 =	vld.idx.msk [tilespmem:v27+s20+$0x0], $0xffff;
	v36 =	vmul.f32 $1.442695020e+00, v36;
	(erf) = vrcp.f32 v33;
	v24 =	vadd.f32 v37, v24  }
0x6b2: {  	v32 =	vadd.f32 v18, v16;
	v33 =	vmul.f32 v25, v9;
	v16 =	vor.u32 v19, v12;
	v18 =	vld.idx.msk [tilespmem:v27+s22+$0x0], $0xffff  }
0x6b3: {  	s21 =	sadd.s32 $0x1, s21;
	v12 =	vmov v35;
	v27 =	vadd.s32 v30, v34;
	v25 =	vld.idx.msk [tilespmem:v26+s13+$0x0], $0xffff;
	(erf) = vpow2.f32 v36;
	v26 =	vpop (erf)  }
0x6b4: {  	v29 =	vshll.u32 v29, $0x4;
	v32 =	vadd.f32 v33, v32  }
0x6b5: {  	v41 =	vor.u32 v0, v29  }
0x6b6: {  	v34 =	vpop (erf);
	v35 =	vsub.f32 $0.0e+00, v32  }
0x6b7: {  	v34 =	vadd.f32 $1.000000000e+00, v34  }
0x6b8: {  	v36 =	vld.idx.msk [tilespmem:v27+s20+$0x0], $0xffff;
	v35 =	vmul.f32 $1.442695020e+00, v35  }
0x6b9: {  	v27 =	vld.idx.msk [tilespmem:v27+s22+$0x0], $0xffff;
	(erf) = vrcp.f32 v34  }
0x6ba: {  	v33 =	vld.idx.msk [tilespmem:v41+s13+$0x0], $0xffff;
	(erf) = vpow2.f32 v35;
	_ =	sdelay $0x1  }
0x6bb: {  	v17 =	vadd.f32 v18, v17;
	v18 =	vmul.f32 v25, v9;
	_ =	sdelay $0x1  }
0x6bc: {  	v17 =	vadd.f32 v18, v17  }
0x6bd: {  	v18 =	vadd.f32 v27, v36;
	v27 =	vpop (erf);
	v25 =	vmul.f32 v33, v9  }
0x6be: {  	v43 =	vpop (erf);
	v45 =	vsub.f32 $0.0e+00, v17  }
0x6bf: {  	s21 =	simm.s32 $0x80;
	v34 =	vadd.f32 $1.000000000e+00, v43;
	v18 =	vadd.f32 v25, v18  }
0x6c0: {  	v42 =	vmov s21;
	v35 =	vmul.f32 $1.442695020e+00, v45;
	v36 =	vpop (erf)  }
0x6c1: {  	v33 =	vshll.u32 v42, $0x4;
	(erf) = vrcp.f32 v34;
	v37 =	vpop (erf);
	v38 =	vsub.f32 $0.0e+00, v18  }
0x6c2: {  	v47 =	vor.u32 v0, v33;
	v25 =	vand.u32 $0xFF, v42;
	v46 =	vadd.f32 $1.000000000e+00, v37  }
0x6c3: {  	(erf) = vpow2.f32 v35;
	v25 =	vadd.s32 v30, v25;
	v48 =	vmul.f32 $1.442695020e+00, v38  }
0x6c4: {  	(erf) = vrcp.f32 v46  }
0x6c5: {  	(erf) = vpow2.f32 v48  }
0x6c6: {  	s12 =	simm.s32 $0x81  }
0x6c7: {  	v42 =	vmov s12;
	v37 =	vld.idx.msk [tilespmem:v47+s13+$0x0], $0xffff  }
0x6c8: {  	v43 =	vand.u32 $0xFF, v42;
	v49 =	vld.idx.msk [tilespmem:v25+s20+$0x0], $0xffff  }
0x6c9: {  	v22 =	vmul.f32 v26, v22;
	v38 =	vadd.s32 v30, v43;
	v25 =	vld.idx.msk [tilespmem:v25+s22+$0x0], $0xffff  }
0x6ca: {  	v16 =	vld.idx.msk [tilespmem:v16+s13+$0x0], $0xffff;
	v26 =	vshll.u32 v42, $0x4  }
0x6cb: {  	v22 =	vmul.f32 v22, v23;
	v35 =	vor.u32 v0, v26;
	v23 =	vpop (erf)  }
0x6cc: {  	v39 =	vpop (erf)  }
0x6cd: {  	v22 =	vadd.f32 v22, v24;
	v24 =	vor.u32 v19, v12;
	v14 =	vmul.f32 v27, v14;
	v27 =	vpop (erf)  }
0x6ce: {  	v45 =	vmul.f32 v37, v9;
	v46 =	vld.idx.msk [tilespmem:v38+s20+$0x0], $0xffff;
	v39 =	vadd.f32 $1.000000000e+00, v39;
	v25 =	vadd.f32 v25, v49;
	v40 =	vpop (erf)  }
0x6cf: {  	v14 =	vmul.f32 v14, v16;
	v16 =	vor.u32 v19, v3;
	s12 =	simm.s32 $0x82;
	v38 =	vld.idx.msk [tilespmem:v38+s22+$0x0], $0xffff;
	v3 =	vadd.f32 $1.000000000e+00, v40  }
0x6d0: {  	v47 =	vmov s12;
	(erf) = vrcp.f32 v39;
	v12 =	vadd.f32 v45, v25;
	v25 =	vld.idx.msk [tilespmem:v35+s13+$0x0], $0xffff  }
0x6d1: {  	v21 =	vor.u32 v19, v21;
	(erf) = vrcp.f32 v3;
	v3 =	vand.u32 $0xFF, v47  }
0x6d2: {  	v49 =	vadd.s32 v30, v3  }
0x6d3: {  	v24 =	vld.idx.msk [tilespmem:v24+s13+$0x0], $0xffff;
	s12 =	simm.s32 $0x83;
	v48 =	vsub.f32 $0.0e+00, v12;
	v3 =	vshll.u32 v47, $0x4  }
0x6d4: {  	v15 =	vor.u32 v19, v15;
	v16 =	vld.idx.msk [tilespmem:v16+s13+$0x0], $0xffff;
	v43 =	vmov s12;
	v45 =	vor.u32 v0, v3  }
0x6d5: {  	v37 =	vadd.f32 v38, v46;
	v42 =	vmul.f32 $1.442695020e+00, v48;
	v25 =	vmul.f32 v25, v9  }
0x6d6: {  	v21 =	vld.idx.msk [tilespmem:v21+s13+$0x0], $0xffff;
	v36 =	vmul.f32 v36, v13;
	v20 =	vmul.f32 v23, v20;
	v46 =	vand.u32 $0xFF, v43  }
0x6d7: {  	v34 =	vadd.s32 v30, v46;
	(erf) = vpow2.f32 v42;
	v13 =	vadd.f32 v25, v37;
	v23 =	vld.idx.msk [tilespmem:v49+s20+$0x0], $0xffff  }
0x6d8: {  	v22 =	vadd.f32 v14, v22;
	v24 =	vmul.f32 v36, v24;
	v14 =	vshll.u32 v43, $0x4;
	v47 =	vld.idx.msk [tilespmem:v49+s22+$0x0], $0xffff  }
0x6d9: {  	v16 =	vmul.f32 v20, v16;
	v25 =	vor.u32 v0, v14;
	v48 =	vsub.f32 $0.0e+00, v13;
	v20 =	vld.idx.msk [tilespmem:v45+s13+$0x0], $0xffff  }
0x6da: {  	v22 =	vadd.f32 v24, v22;
	v24 =	vor.u32 v19, v29;
	s12 =	simm.s32 $0x84  }
0x6db: {  	v15 =	vld.idx.msk [tilespmem:v15+s13+$0x0], $0xffff;
	v29 =	vmov s12;
	v27 =	vmul.f32 v27, v32;
	v36 =	vmul.f32 $1.442695020e+00, v48  }
0x6dc: {  	v41 =	vand.u32 $0xFF, v29;
	v49 =	vld.idx.msk [tilespmem:v34+s20+$0x0], $0xffff  }
0x6dd: {  	v16 =	vadd.f32 v16, v22;
	v21 =	vmul.f32 v27, v21;
	v40 =	vpop (erf);
	v34 =	vld.idx.msk [tilespmem:v34+s22+$0x0], $0xffff;
	(erf) = vpow2.f32 v36  }
0x6de: {  	v17 =	vmul.f32 v40, v17;
	v25 =	vld.idx.msk [tilespmem:v25+s13+$0x0], $0xffff;
	v23 =	vadd.f32 v47, v23;
	v20 =	vmul.f32 v20, v9  }
0x6df: {  	v33 =	vor.u32 v19, v33;
	v24 =	vld.idx.msk [tilespmem:v24+s13+$0x0], $0xffff;
	v22 =	vshll.u32 v29, $0x4;
	v38 =	vadd.s32 v30, v41;
	v42 =	vpop (erf)  }
0x6e0: {  	s12 =	simm.s32 $0x85;
	v16 =	vadd.f32 v21, v16;
	v15 =	vmul.f32 v17, v15;
	v27 =	vpop (erf);
	v20 =	vadd.f32 v20, v23  }
0x6e1: {  	v29 =	vor.u32 v0, v22;
	v21 =	vmov s12;
	v27 =	vadd.f32 $1.000000000e+00, v27  }
0x6e2: {  	v15 =	vadd.f32 v15, v16;
	v17 =	vmul.f32 v42, v18;
	v46 =	vsub.f32 $0.0e+00, v20  }
0x6e3: {  	v25 =	vmul.f32 v25, v9;
	(erf) = vrcp.f32 v27;
	v27 =	vadd.f32 v34, v49  }
0x6e4: {  	v16 =	vmul.f32 v17, v24;
	v23 =	vand.u32 $0xFF, v21;
	v17 =	vmul.f32 $1.442695020e+00, v46  }
0x6e5: {  	v43 =	vld.idx.msk [tilespmem:v38+s20+$0x0], $0xffff;
	v18 =	vadd.s32 v30, v23;
	v23 =	vshll.u32 v21, $0x4;
	v21 =	vadd.f32 v25, v27  }
0x6e6: {  	v45 =	vld.idx.msk [tilespmem:v38+s22+$0x0], $0xffff;
	v24 =	vpop (erf);
	(erf) = vpow2.f32 v17  }
0x6e7: {  	v29 =	vld.idx.msk [tilespmem:v29+s13+$0x0], $0xffff;
	v27 =	vsub.f32 $0.0e+00, v21  }
0x6e8: {  	v15 =	vadd.f32 v16, v15;
	v47 =	vor.u32 v0, v23;
	v16 =	vadd.f32 $1.000000000e+00, v24  }
0x6e9: {  	v49 =	vmul.f32 $1.442695020e+00, v27  }
0x6ea: {  	s12 =	simm.s32 $0x86;
	v24 =	vld.idx.msk [tilespmem:v33+s13+$0x0], $0xffff;
	(erf) = vrcp.f32 v16  }
0x6eb: {  	v32 =	vadd.f32 v45, v43;
	v25 =	vmov s12;
	v17 =	vld.idx.msk [tilespmem:v18+s20+$0x0], $0xffff;
	(erf) = vpow2.f32 v49  }
0x6ec: {  	v48 =	vand.u32 $0xFF, v25;
	v33 =	vmul.f32 v29, v9;
	v18 =	vld.idx.msk [tilespmem:v18+s22+$0x0], $0xffff;
	v16 =	vor.u32 v19, v26  }
0x6ed: {  	s21 =	simm.s32 $0x87;
	v27 =	vadd.s32 v30, v48;
	v26 =	vld.idx.msk [tilespmem:v47+s13+$0x0], $0xffff;
	v29 =	vpop (erf)  }
.LBB2_39:
0x6ee: {  	p1 =	sne.s32 s21, $0xFF;
	v34 =	vshll.u32 v25, $0x4;
	v32 =	vadd.f32 v33, v32;
	v38 =	vmul.f32 v29, v12;
	v35 =	vmovc v14;
	v14 =	vmovc v22  }
0x6ef: {  	v25 =	vmov s21;
	v22 =	vmov v23;
	v29 =	vor.u32 v0, v34;
	v33 =	vpop (erf)  }
.Ltmp23:
0x6f0: {  	v12 =	vmovc v13;
	v23 =	vmovc v34;
	v36 =	vsub.f32 $0.0e+00, v32;
	v33 =	vadd.f32 $1.000000000e+00, v33;
	v37 =	vmul.f32 v38, v24;
	(pc) =	sbr.rel @p1 .LBB2_39-.Ltmp23, $4  }
0x6f1: {  	v13 =	vmovc v20;
	v20 =	vmovc v21;
	v34 =	vand.u32 $0xFF, v25;
	v21 =	vmov v32;
	v24 =	vld.idx.msk [tilespmem:v16+s13+$0x0], $0xffff;
	v16 =	vmov v17  }
0x6f2: {  	v17 =	vld.idx.msk [tilespmem:v27+s20+$0x0], $0xffff;
	v36 =	vmul.f32 $1.442695020e+00, v36;
	(erf) = vrcp.f32 v33;
	v11 =	vadd.f32 v37, v11  }
0x6f3: {  	v32 =	vadd.f32 v18, v16;
	v33 =	vmul.f32 v26, v9;
	v16 =	vor.u32 v19, v3;
	v18 =	vld.idx.msk [tilespmem:v27+s22+$0x0], $0xffff  }
0x6f4: {  	s21 =	sadd.s32 $0x1, s21;
	v3 =	vmov v35;
	v27 =	vadd.s32 v30, v34;
	v26 =	vld.idx.msk [tilespmem:v29+s13+$0x0], $0xffff;
	(erf) = vpow2.f32 v36;
	v29 =	vpop (erf)  }
0x6f5: {  	v25 =	vshll.u32 v25, $0x4;
	v30 =	vadd.f32 v33, v32  }
0x6f6: {  	v38 =	vor.u32 v0, v25  }
0x6f7: {  	v39 =	vpop (erf);
	v34 =	vsub.f32 $0.0e+00, v30  }
0x6f8: {  	v33 =	vadd.f32 $1.000000000e+00, v39  }
0x6f9: {  	v35 =	vld.idx.msk [tilespmem:v27+s20+$0x0], $0xffff;
	v34 =	vmul.f32 $1.442695020e+00, v34  }
0x6fa: {  	v27 =	vld.idx.msk [tilespmem:v27+s22+$0x0], $0xffff;
	(erf) = vrcp.f32 v33  }
0x6fb: {  	v32 =	vld.idx.msk [tilespmem:v38+s13+$0x0], $0xffff;
	(erf) = vpow2.f32 v34;
	_ =	sdelay $0x1  }
0x6fc: {  	v17 =	vadd.f32 v18, v17;
	v18 =	vmul.f32 v26, v9;
	_ =	sdelay $0x1  }
0x6fd: {  	v17 =	vadd.f32 v18, v17  }
0x6fe: {  	v18 =	vadd.f32 v27, v35;
	v27 =	vpop (erf);
	v26 =	vmul.f32 v32, v9  }
0x6ff: {  	v40 =	vpop (erf);
	v41 =	vsub.f32 $0.0e+00, v17  }
0x700: {  	v18 =	vadd.f32 v26, v18;
	v26 =	vadd.f32 $1.000000000e+00, v40  }
0x701: {  	v33 =	vmul.f32 $1.442695020e+00, v41;
	v42 =	vpop (erf)  }
0x702: {  	v34 =	vpop (erf);
	v43 =	vsub.f32 $0.0e+00, v18;
	(erf) = vrcp.f32 v26  }
0x703: {  	v26 =	vadd.f32 $1.000000000e+00, v34;
	(erf) = vpow2.f32 v33  }
0x704: {  	v45 =	vmul.f32 $1.442695020e+00, v43  }
0x705: {  	(erf) = vrcp.f32 v26  }
0x706: {  	(erf) = vpow2.f32 v45;
	_ =	sdelay $0x1  }
0x707: {  	v3 =	vor.u32 v19, v3  }
0x708: {  	v26 =	vmul.f32 $2.222222240e-01, v9;
	_ =	sdelay $0x1  }
0x709: {  	v16 =	vld.idx.msk [tilespmem:v16+s13+$0x0], $0xffff;
	v14 =	vor.u32 v19, v14;
	v12 =	vmul.f32 v29, v12;
	v26 =	vmax.f32 v26, $0.0e+00;
	v46 =	vpop (erf)  }
0x70a: {  	v26 =	vmin.f32 v26, $1.000000000e+00;
	v47 =	vpop (erf)  }
0x70b: {  	v12 =	vmul.f32 v12, v24;
	v3 =	vld.idx.msk [tilespmem:v3+s13+$0x0], $0xffff;
	v36 =	vmul.f32 v26, v26;
	v34 =	vadd.f32 $1.000000000e+00, v47  }
0x70c: {  	v22 =	vor.u32 v19, v22;
	v13 =	vmul.f32 v27, v13;
	v48 =	vpop (erf)  }
0x70d: {  	v11 =	vadd.f32 v12, v11;
	v49 =	vmul.f32 v36, v36;
	v29 =	vpop (erf);
	(erf) = vrcp.f32 v34  }
0x70e: {  	v12 =	vmul.f32 v13, v16;
	v13 =	vld.idx.msk [tilespmem:v14+s13+$0x0], $0xffff;
	v14 =	vmul.f32 v42, v20;
	v29 =	vadd.f32 $1.000000000e+00, v29  }
0x70f: {  	v23 =	vor.u32 v19, v23;
	v24 =	vmul.f32 v49, v26  }
0x710: {  	v3 =	vmul.f32 v14, v3;
	v9 =	vadd.f32 $9.999999930e-09, v9;
	(erf) = vrcp.f32 v29  }
0x711: {  	v16 =	vor.u32 v19, v25;
	v20 =	vmul.f32 $-2.100000000e+01, v24;
	v25 =	vmul.f32 $3.500000000e+01, v24  }
0x712: {  	v22 =	vld.idx.msk [tilespmem:v22+s13+$0x0], $0xffff;
	(erf) = vrcp.f32 v9;
	v9 =	vadd.f32 v12, v11;
	v11 =	vmul.f32 v46, v21  }
0x713: {  	v14 =	vadd.f32 $1.000000000e+00, v20;
	v20 =	vmul.f32 v25, v26;
	v21 =	vmul.f32 $-1.500000000e+01, v24  }
0x714: {  	v12 =	vld.idx.msk [tilespmem:v23+s13+$0x0], $0xffff;
	v3 =	vadd.f32 v3, v9;
	v9 =	vmul.f32 v11, v13  }
0x715: {  	v14 =	vadd.f32 v20, v14;
	v11 =	vmul.f32 v48, v30;
	v20 =	vmul.f32 v21, v36  }
0x716: {  	v3 =	vadd.f32 v9, v3;
	v13 =	vpop (erf)  }
0x717: {  	v16 =	vld.idx.msk [tilespmem:v16+s13+$0x0], $0xffff;
	v9 =	vmul.f32 v11, v22;
	v14 =	vadd.f32 v20, v14;
	v11 =	vmul.f32 v13, v17;
	_ =	sdelay $0x1  }
0x718: {  	v3 =	vadd.f32 v9, v3;
	v13 =	vpop (erf);
	v9 =	vmul.f32 v11, v12;
	v12 =	vmax.f32 v14, $0.0e+00  }
0x719: {  	v11 =	vmul.f32 v13, v18;
	_ =	sdelay $0x1  }
0x71a: {  	v3 =	vadd.f32 v9, v3;
	v9 =	vmul.f32 v11, v16;
	v11 =	vmin.f32 v12, $1.000000000e+00;
	v12 =	vpop (erf)  }
0x71b: {  	v13 =	vadd.f32 v15, v4;
	v11 =	vmul.f32 v11, v12  }
0x71c: {  	v3 =	vadd.f32 v9, v3  }
0x71d: {  	v9 =	vmul.f32 v13, v11  }
0x71e: {  	v3 =	vadd.f32 v3, v5  }
0x71f: {  	v12 =	vmul.f32 v9, v8  }
0x720: {  	v3 =	vmul.f32 v3, v11;
	v11 =	vmul.f32 v9, v7  }
0x721: {  	v9 =	vmul.f32 v9, v6;
	[tilespmem:v50+s16+$0x0] =	vst.idx.msk $0xffff, v12  }
0x722: {  	[tilespmem:v51+s16+$0x0] =	vst.idx.msk $0xffff, v11;
	v8 =	vmul.f32 v3, v8  }
0x723: {  	v7 =	vmul.f32 v3, v7;
	[tilespmem:v52+s16+$0x0] =	vst.idx.msk $0xffff, v9  }
0x724: {  	v3 =	vmul.f32 v3, v6;
	[tilespmem:v53+s16+$0x0] =	vst.idx.msk $0xffff, v8  }
0x725: {  	[tilespmem:v54+s16+$0x0] =	vst.idx.msk $0xffff, v7  }
0x726: {  	[tilespmem:v55+s16+$0x0] =	vst.idx.msk $0xffff, v3  }
0x727: {  	v3 =	vld.idx.msk [tilespmem:v56+s20+$0x0], $0xffff  }
0x728: {  	v6 =	vld.idx.msk [tilespmem:v56+s22+$0x0], $0xffff  }
0x729: {  	v7 =	vld.idx.msk [tilespmem:v57+s20+$0x0], $0xffff  }
0x72a: {  	v9 =	vld.idx.msk [tilespmem:v57+s22+$0x0], $0xffff  }
0x72b: {  	v11 =	vld.idx.msk [tilespmem:v58+s20+$0x0], $0xffff  }
0x72c: {  	v12 =	vld.idx.msk [tilespmem:v58+s22+$0x0], $0xffff;
	_ =	sdelay $0x2  }
0x72d: {  	v8 =	vsub.f32 v3, v6;
	v7 =	vsub.f32 v7, v9;
	_ =	sdelay $0x1  }
0x72e: {  	v6 =	vsub.f32 v11, v12;
	v3 =	vmul.f32 v8, v8;
	v9 =	vmul.f32 v7, v7;
	_ =	sdelay $0x1  }
0x72f: {  	v3 =	vadd.f32 v9, v3;
	v9 =	vmul.f32 v6, v6;
	_ =	sdelay $0x1  }
0x730: {  	v3 =	vadd.f32 v9, v3;
	_ =	sdelay $0x1  }
0x731: {  	v9 =	vmax.f32 v3, $1.000000000e-30  }
0x732: {  	v11 =	vshra.s32 v9, $0x1;
	v9 =	vmul.f32 $5.000000000e-01, v9  }
0x733: {  	v11 =	vsub.s32 $0x5F3759DF, v11  }
0x734: {  	v12 =	vmul.f32 v11, v9;
	_ =	sdelay $0x1  }
0x735: {  	v12 =	vmul.f32 v11, v12;
	_ =	sdelay $0x1  }
0x736: {  	v12 =	vsub.f32 $1.500000000e+00, v12;
	_ =	sdelay $0x1  }
0x737: {  	v11 =	vmul.f32 v11, v12;
	_ =	sdelay $0x1  }
0x738: {  	v12 =	vmul.f32 v11, v9;
	_ =	sdelay $0x1  }
0x739: {  	v12 =	vmul.f32 v12, v11;
	_ =	sdelay $0x1  }
0x73a: {  	v12 =	vsub.f32 $1.500000000e+00, v12;
	_ =	sdelay $0x1  }
0x73b: {  	v11 =	vmul.f32 v12, v11;
	_ =	sdelay $0x1  }
0x73c: {  	v12 =	vmul.f32 v11, v9;
	_ =	sdelay $0x1  }
0x73d: {  	v12 =	vmul.f32 v12, v11  }
0x73e: {  	s21 =	simm.s32 $0x0  }
0x73f: {  	v13 =	vmov s21;
	v12 =	vsub.f32 $1.500000000e+00, v12  }
0x740: {  	v15 =	vshll.u32 v13, $0x4  }
0x741: {  	v14 =	vand.u32 $0x7F, v13;
	v13 =	vor.u32 v0, v15;
	v11 =	vmul.f32 v12, v11  }
0x742: {  	v12 =	vadd.s32 v31, v14  }
0x743: {  	v9 =	vmul.f32 v11, v9;
	_ =	sdelay $0x1  }
0x744: {  	s12 =	simm.s32 $0x1;
	v9 =	vmul.f32 v9, v11  }
0x745: {  	v13 =	vld.idx.msk [tilespmem:v13+s13+$0x0], $0xffff;
	v14 =	vmov s12  }
0x746: {  	v17 =	vand.u32 $0x7F, v14;
	v16 =	vld.idx.msk [tilespmem:v12+s20+$0x0], $0xffff;
	v9 =	vsub.f32 $1.500000000e+00, v9  }
0x747: {  	v17 =	vadd.s32 v31, v17;
	v12 =	vld.idx.msk [tilespmem:v12+s22+$0x0], $0xffff  }
0x748: {  	v24 =	vshll.u32 v14, $0x4;
	v9 =	vmul.f32 v9, v11  }
0x749: {  	v11 =	vor.u32 v0, v24  }
0x74a: {  	v9 =	vmul.f32 v9, v3;
	_ =	sdelay $0x1  }
0x74b: {  	v14 =	vld.idx.msk [tilespmem:v17+s22+$0x0], $0xffff;
	v12 =	vadd.f32 v12, v16;
	v13 =	vmul.f32 v13, v9  }
0x74c: {  	s12 =	simm.s32 $0x2;
	v3 =	vld.idx.msk [tilespmem:v17+s20+$0x0], $0xffff  }
0x74d: {  	v11 =	vld.idx.msk [tilespmem:v11+s13+$0x0], $0xffff;
	v22 =	vadd.f32 v13, v12;
	v12 =	vmov s12  }
0x74e: {  	v16 =	vand.u32 $0x7F, v12  }
0x74f: {  	v13 =	vsub.f32 $0.0e+00, v22;
	v16 =	vadd.s32 v31, v16  }
0x750: {  	s12 =	simm.s32 $0x3;
	v12 =	vshll.u32 v12, $0x4  }
0x751: {  	v17 =	vmov s12;
	v18 =	vor.u32 v0, v12;
	v13 =	vmul.f32 $1.442695020e+00, v13  }
0x752: {  	v3 =	vadd.f32 v14, v3;
	v14 =	vand.u32 $0x7F, v17;
	v11 =	vmul.f32 v11, v9  }
0x753: {  	(erf) = vpow2.f32 v13;
	v13 =	vadd.s32 v31, v14  }
0x754: {  	v14 =	vadd.f32 v11, v3;
	v3 =	vshll.u32 v17, $0x4;
	v11 =	vld.idx.msk [tilespmem:v16+s20+$0x0], $0xffff  }
0x755: {  	v17 =	vor.u32 v0, v3;
	v16 =	vld.idx.msk [tilespmem:v16+s22+$0x0], $0xffff  }
0x756: {  	v18 =	vld.idx.msk [tilespmem:v18+s13+$0x0], $0xffff;
	v20 =	vsub.f32 $0.0e+00, v14;
	_ =	sdelay $0x1  }
0x757: {  	s12 =	simm.s32 $0x4;
	v20 =	vmul.f32 $1.442695020e+00, v20;
	v23 =	vld.idx.msk [tilespmem:v13+s20+$0x0], $0xffff  }
0x758: {  	v21 =	vmov s12;
	v26 =	vld.idx.msk [tilespmem:v13+s22+$0x0], $0xffff  }
0x759: {  	v25 =	vand.u32 $0x7F, v21;
	(erf) = vpow2.f32 v20;
	v17 =	vld.idx.msk [tilespmem:v17+s13+$0x0], $0xffff  }
0x75a: {  	v20 =	vadd.s32 v31, v25;
	v11 =	vadd.f32 v16, v11;
	v16 =	vmul.f32 v18, v9  }
0x75b: {  	v13 =	vpop (erf)  }
0x75c: {  	s12 =	simm.s32 $0x5;
	v21 =	vshll.u32 v21, $0x4;
	v25 =	vadd.f32 $1.000000000e+00, v13;
	v13 =	vadd.f32 v16, v11  }
0x75d: {  	v27 =	vmov s12;
	v18 =	vor.u32 v0, v21  }
0x75e: {  	v23 =	vadd.f32 v26, v23;
	v17 =	vmul.f32 v17, v9;
	v26 =	vsub.f32 $0.0e+00, v13  }
0x75f: {  	v11 =	vand.u32 $0x7F, v27;
	v16 =	vld.idx.msk [tilespmem:v20+s20+$0x0], $0xffff  }
0x760: {  	v30 =	vld.idx.msk [tilespmem:v20+s22+$0x0], $0xffff;
	(erf) = vrcp.f32 v25;
	v20 =	vadd.f32 v17, v23;
	v17 =	vmul.f32 $1.442695020e+00, v26  }
0x761: {  	v56 =	vadd.s32 v31, v11  }
0x762: {  	v25 =	vor.u32 v19, v15;
	(erf) = vpow2.f32 v17  }
0x763: {  	v57 =	vld.idx.msk [tilespmem:v18+s13+$0x0], $0xffff;
	v15 =	vshll.u32 v27, $0x4;
	v11 =	vpop (erf);
	v18 =	vsub.f32 $0.0e+00, v20  }
0x764: {  	v26 =	vor.u32 v0, v15;
	v27 =	vadd.f32 $1.000000000e+00, v11  }
0x765: {  	v58 =	vmul.f32 $1.442695020e+00, v18  }
0x766: {  	s12 =	simm.s32 $0x6;
	v17 =	vld.idx.msk [tilespmem:v56+s20+$0x0], $0xffff;
	(erf) = vrcp.f32 v27  }
0x767: {  	v29 =	vmov s12;
	v30 =	vadd.f32 v30, v16;
	v23 =	vld.idx.msk [tilespmem:v25+s13+$0x0], $0xffff;
	(erf) = vpow2.f32 v58  }
0x768: {  	v32 =	vmul.f32 v57, v9;
	v16 =	vor.u32 v19, v24;
	v25 =	vand.u32 $0x7F, v29;
	v18 =	vld.idx.msk [tilespmem:v56+s22+$0x0], $0xffff  }
0x769: {  	s21 =	simm.s32 $0x7;
	v11 =	vimm.f32 $0.0e+00;
	v24 =	vimm.f32 $0.0e+00;
	v27 =	vadd.s32 v31, v25;
	v25 =	vld.idx.msk [tilespmem:v26+s13+$0x0], $0xffff;
	v26 =	vpop (erf)  }
.LBB2_41:
0x76a: {  	p1 =	sne.s32 s21, $0x7F;
	v33 =	vshll.u32 v29, $0x4;
	v30 =	vadd.f32 v32, v30;
	v37 =	vmul.f32 v26, v22;
	v34 =	vmovc v3;
	v3 =	vmovc v21  }
0x76b: {  	v29 =	vmov s21;
	v21 =	vmov v15;
	v26 =	vor.u32 v0, v33;
	v32 =	vpop (erf)  }
.Ltmp24:
0x76c: {  	v22 =	vmovc v14;
	v15 =	vmovc v33;
	v35 =	vsub.f32 $0.0e+00, v30;
	v32 =	vadd.f32 $1.000000000e+00, v32;
	v36 =	vmul.f32 v37, v23;
	(pc) =	sbr.rel @p1 .LBB2_41-.Ltmp24, $4  }
0x76d: {  	v14 =	vmovc v13;
	v13 =	vmovc v20;
	v33 =	vand.u32 $0x7F, v29;
	v20 =	vmov v30;
	v23 =	vld.idx.msk [tilespmem:v16+s13+$0x0], $0xffff;
	v16 =	vmov v17  }
0x76e: {  	v17 =	vld.idx.msk [tilespmem:v27+s20+$0x0], $0xffff;
	v35 =	vmul.f32 $1.442695020e+00, v35;
	(erf) = vrcp.f32 v32;
	v24 =	vadd.f32 v36, v24  }
0x76f: {  	v30 =	vadd.f32 v18, v16;
	v32 =	vmul.f32 v25, v9;
	v16 =	vor.u32 v19, v12;
	v18 =	vld.idx.msk [tilespmem:v27+s22+$0x0], $0xffff  }
0x770: {  	s21 =	sadd.s32 $0x1, s21;
	v12 =	vmov v34;
	v27 =	vadd.s32 v31, v33;
	v25 =	vld.idx.msk [tilespmem:v26+s13+$0x0], $0xffff;
	(erf) = vpow2.f32 v35;
	v26 =	vpop (erf)  }
0x771: {  	v29 =	vshll.u32 v29, $0x4;
	v30 =	vadd.f32 v32, v30  }
0x772: {  	v46 =	vor.u32 v0, v29  }
0x773: {  	v33 =	vpop (erf);
	v34 =	vsub.f32 $0.0e+00, v30  }
0x774: {  	v33 =	vadd.f32 $1.000000000e+00, v33  }
0x775: {  	v35 =	vld.idx.msk [tilespmem:v27+s20+$0x0], $0xffff;
	v34 =	vmul.f32 $1.442695020e+00, v34  }
0x776: {  	v27 =	vld.idx.msk [tilespmem:v27+s22+$0x0], $0xffff;
	(erf) = vrcp.f32 v33  }
0x777: {  	v32 =	vld.idx.msk [tilespmem:v46+s13+$0x0], $0xffff;
	(erf) = vpow2.f32 v34;
	_ =	sdelay $0x1  }
0x778: {  	v17 =	vadd.f32 v18, v17;
	v18 =	vmul.f32 v25, v9;
	_ =	sdelay $0x1  }
0x779: {  	v17 =	vadd.f32 v18, v17  }
0x77a: {  	v18 =	vadd.f32 v27, v35;
	v27 =	vpop (erf);
	v25 =	vmul.f32 v32, v9  }
0x77b: {  	v48 =	vpop (erf);
	v49 =	vsub.f32 $0.0e+00, v17  }
0x77c: {  	s21 =	simm.s32 $0x80;
	v33 =	vadd.f32 $1.000000000e+00, v48;
	v18 =	vadd.f32 v25, v18  }
0x77d: {  	v47 =	vmov s21;
	v34 =	vmul.f32 $1.442695020e+00, v49;
	v50 =	vpop (erf)  }
0x77e: {  	v32 =	vshll.u32 v47, $0x4;
	(erf) = vrcp.f32 v33;
	v36 =	vpop (erf);
	v37 =	vsub.f32 $0.0e+00, v18  }
0x77f: {  	v52 =	vor.u32 v0, v32;
	v25 =	vand.u32 $0xFF, v47;
	v51 =	vadd.f32 $1.000000000e+00, v36  }
0x780: {  	(erf) = vpow2.f32 v34;
	v25 =	vadd.s32 v31, v25;
	v53 =	vmul.f32 $1.442695020e+00, v37  }
0x781: {  	(erf) = vrcp.f32 v51  }
0x782: {  	(erf) = vpow2.f32 v53  }
0x783: {  	s12 =	simm.s32 $0x81  }
0x784: {  	v55 =	vmov s12;
	v36 =	vld.idx.msk [tilespmem:v52+s13+$0x0], $0xffff  }
0x785: {  	v56 =	vand.u32 $0xFF, v55;
	v54 =	vld.idx.msk [tilespmem:v25+s20+$0x0], $0xffff  }
0x786: {  	v22 =	vmul.f32 v26, v22;
	v37 =	vadd.s32 v31, v56;
	v25 =	vld.idx.msk [tilespmem:v25+s22+$0x0], $0xffff  }
0x787: {  	v16 =	vld.idx.msk [tilespmem:v16+s13+$0x0], $0xffff;
	v26 =	vshll.u32 v55, $0x4  }
0x788: {  	v22 =	vmul.f32 v22, v23;
	v34 =	vor.u32 v0, v26;
	v23 =	vpop (erf)  }
0x789: {  	v38 =	vpop (erf)  }
0x78a: {  	v22 =	vadd.f32 v22, v24;
	v24 =	vor.u32 v19, v12;
	v14 =	vmul.f32 v27, v14;
	v27 =	vpop (erf)  }
0x78b: {  	v57 =	vmul.f32 v36, v9;
	v58 =	vld.idx.msk [tilespmem:v37+s20+$0x0], $0xffff;
	v38 =	vadd.f32 $1.000000000e+00, v38;
	v25 =	vadd.f32 v25, v54;
	v39 =	vpop (erf)  }
0x78c: {  	s12 =	simm.s32 $0x82;
	v14 =	vmul.f32 v14, v16;
	v16 =	vor.u32 v19, v3;
	v37 =	vld.idx.msk [tilespmem:v37+s22+$0x0], $0xffff;
	v3 =	vadd.f32 $1.000000000e+00, v39  }
0x78d: {  	v41 =	vmov s12;
	(erf) = vrcp.f32 v38;
	v12 =	vadd.f32 v57, v25;
	v25 =	vld.idx.msk [tilespmem:v34+s13+$0x0], $0xffff  }
0x78e: {  	v21 =	vor.u32 v19, v21;
	(erf) = vrcp.f32 v3;
	v3 =	vand.u32 $0xFF, v41  }
0x78f: {  	s12 =	simm.s32 $0x83;
	v43 =	vadd.s32 v31, v3  }
0x790: {  	v46 =	vmov s12;
	v24 =	vld.idx.msk [tilespmem:v24+s13+$0x0], $0xffff;
	v42 =	vsub.f32 $0.0e+00, v12;
	v3 =	vshll.u32 v41, $0x4  }
0x791: {  	v48 =	vand.u32 $0xFF, v46;
	v16 =	vld.idx.msk [tilespmem:v16+s13+$0x0], $0xffff;
	v47 =	vor.u32 v0, v3  }
0x792: {  	v36 =	vadd.f32 v37, v58;
	v45 =	vmul.f32 $1.442695020e+00, v42;
	v25 =	vmul.f32 v25, v9  }
0x793: {  	v15 =	vor.u32 v19, v15;
	v21 =	vld.idx.msk [tilespmem:v21+s13+$0x0], $0xffff;
	v33 =	vadd.s32 v31, v48;
	v35 =	vmul.f32 v50, v13  }
0x794: {  	v20 =	vmul.f32 v23, v20;
	(erf) = vpow2.f32 v45;
	v13 =	vadd.f32 v25, v36;
	v23 =	vld.idx.msk [tilespmem:v43+s20+$0x0], $0xffff  }
0x795: {  	v22 =	vadd.f32 v14, v22;
	v14 =	vshll.u32 v46, $0x4;
	v24 =	vmul.f32 v35, v24;
	v49 =	vld.idx.msk [tilespmem:v43+s22+$0x0], $0xffff  }
0x796: {  	v16 =	vmul.f32 v20, v16;
	v25 =	vor.u32 v0, v14;
	v50 =	vsub.f32 $0.0e+00, v13;
	v20 =	vld.idx.msk [tilespmem:v47+s13+$0x0], $0xffff  }
0x797: {  	s12 =	simm.s32 $0x84;
	v22 =	vadd.f32 v24, v22;
	v24 =	vor.u32 v19, v29  }
0x798: {  	v15 =	vld.idx.msk [tilespmem:v15+s13+$0x0], $0xffff;
	v29 =	vmov s12;
	v27 =	vmul.f32 v27, v30;
	v35 =	vmul.f32 $1.442695020e+00, v50  }
0x799: {  	v51 =	vld.idx.msk [tilespmem:v33+s20+$0x0], $0xffff;
	v52 =	vand.u32 $0xFF, v29  }
0x79a: {  	v33 =	vld.idx.msk [tilespmem:v33+s22+$0x0], $0xffff;
	v16 =	vadd.f32 v16, v22;
	v21 =	vmul.f32 v27, v21;
	v30 =	vpop (erf);
	(erf) = vpow2.f32 v35  }
0x79b: {  	v17 =	vmul.f32 v30, v17;
	v25 =	vld.idx.msk [tilespmem:v25+s13+$0x0], $0xffff;
	v23 =	vadd.f32 v49, v23;
	v20 =	vmul.f32 v20, v9  }
0x79c: {  	v32 =	vor.u32 v19, v32;
	v24 =	vld.idx.msk [tilespmem:v24+s13+$0x0], $0xffff;
	v22 =	vshll.u32 v29, $0x4;
	v37 =	vadd.s32 v31, v52;
	v53 =	vpop (erf)  }
0x79d: {  	s12 =	simm.s32 $0x85;
	v16 =	vadd.f32 v21, v16;
	v15 =	vmul.f32 v17, v15;
	v27 =	vpop (erf);
	v20 =	vadd.f32 v20, v23  }
0x79e: {  	v29 =	vor.u32 v0, v22;
	v21 =	vmov s12;
	v27 =	vadd.f32 $1.000000000e+00, v27  }
0x79f: {  	v15 =	vadd.f32 v15, v16;
	v17 =	vmul.f32 v53, v18;
	v55 =	vsub.f32 $0.0e+00, v20  }
0x7a0: {  	v25 =	vmul.f32 v25, v9;
	(erf) = vrcp.f32 v27;
	v27 =	vadd.f32 v33, v51  }
0x7a1: {  	v16 =	vmul.f32 v17, v24;
	v23 =	vand.u32 $0xFF, v21;
	v17 =	vmul.f32 $1.442695020e+00, v55  }
0x7a2: {  	v54 =	vld.idx.msk [tilespmem:v37+s22+$0x0], $0xffff;
	v18 =	vadd.s32 v31, v23;
	v23 =	vshll.u32 v21, $0x4;
	v21 =	vadd.f32 v25, v27  }
0x7a3: {  	v30 =	vld.idx.msk [tilespmem:v37+s20+$0x0], $0xffff;
	v24 =	vpop (erf);
	(erf) = vpow2.f32 v17  }
0x7a4: {  	v29 =	vld.idx.msk [tilespmem:v29+s13+$0x0], $0xffff;
	v27 =	vsub.f32 $0.0e+00, v21  }
0x7a5: {  	v15 =	vadd.f32 v16, v15;
	v56 =	vor.u32 v0, v23;
	v16 =	vadd.f32 $1.000000000e+00, v24  }
0x7a6: {  	v58 =	vmul.f32 $1.442695020e+00, v27  }
0x7a7: {  	s12 =	simm.s32 $0x86;
	v24 =	vld.idx.msk [tilespmem:v32+s13+$0x0], $0xffff;
	(erf) = vrcp.f32 v16  }
0x7a8: {  	v30 =	vadd.f32 v54, v30;
	v25 =	vmov s12;
	v17 =	vld.idx.msk [tilespmem:v18+s20+$0x0], $0xffff;
	(erf) = vpow2.f32 v58  }
0x7a9: {  	v57 =	vand.u32 $0xFF, v25;
	v32 =	vmul.f32 v29, v9;
	v18 =	vld.idx.msk [tilespmem:v18+s22+$0x0], $0xffff;
	v16 =	vor.u32 v19, v26  }
0x7aa: {  	s21 =	simm.s32 $0x87;
	v27 =	vadd.s32 v31, v57;
	v26 =	vld.idx.msk [tilespmem:v56+s13+$0x0], $0xffff;
	v29 =	vpop (erf)  }
.LBB2_43:
0x7ab: {  	p1 =	sne.s32 s21, $0xFF;
	v33 =	vshll.u32 v25, $0x4;
	v30 =	vadd.f32 v32, v30;
	v37 =	vmul.f32 v29, v12;
	v34 =	vmovc v14;
	v14 =	vmovc v22  }
0x7ac: {  	v25 =	vmov s21;
	v22 =	vmov v23;
	v29 =	vor.u32 v0, v33;
	v32 =	vpop (erf)  }
.Ltmp25:
0x7ad: {  	v12 =	vmovc v13;
	v23 =	vmovc v33;
	v35 =	vsub.f32 $0.0e+00, v30;
	v32 =	vadd.f32 $1.000000000e+00, v32;
	v36 =	vmul.f32 v37, v24;
	(pc) =	sbr.rel @p1 .LBB2_43-.Ltmp25, $4  }
0x7ae: {  	v13 =	vmovc v20;
	v20 =	vmovc v21;
	v33 =	vand.u32 $0xFF, v25;
	v21 =	vmov v30;
	v24 =	vld.idx.msk [tilespmem:v16+s13+$0x0], $0xffff;
	v16 =	vmov v17  }
0x7af: {  	v17 =	vld.idx.msk [tilespmem:v27+s20+$0x0], $0xffff;
	v35 =	vmul.f32 $1.442695020e+00, v35;
	(erf) = vrcp.f32 v32;
	v11 =	vadd.f32 v36, v11  }
0x7b0: {  	v30 =	vadd.f32 v18, v16;
	v32 =	vmul.f32 v26, v9;
	v16 =	vor.u32 v19, v3;
	v18 =	vld.idx.msk [tilespmem:v27+s22+$0x0], $0xffff  }
0x7b1: {  	s21 =	sadd.s32 $0x1, s21;
	v3 =	vmov v34;
	v27 =	vadd.s32 v31, v33;
	v26 =	vld.idx.msk [tilespmem:v29+s13+$0x0], $0xffff;
	(erf) = vpow2.f32 v35;
	v29 =	vpop (erf)  }
0x7b2: {  	v25 =	vshll.u32 v25, $0x4;
	v30 =	vadd.f32 v32, v30  }
0x7b3: {  	v31 =	vor.u32 v0, v25  }
0x7b4: {  	v56 =	vpop (erf);
	v33 =	vsub.f32 $0.0e+00, v30  }
0x7b5: {  	v32 =	vadd.f32 $1.000000000e+00, v56  }
0x7b6: {  	v34 =	vld.idx.msk [tilespmem:v27+s20+$0x0], $0xffff;
	v33 =	vmul.f32 $1.442695020e+00, v33  }
0x7b7: {  	v27 =	vld.idx.msk [tilespmem:v27+s22+$0x0], $0xffff;
	(erf) = vrcp.f32 v32  }
0x7b8: {  	v31 =	vld.idx.msk [tilespmem:v31+s13+$0x0], $0xffff;
	(erf) = vpow2.f32 v33;
	_ =	sdelay $0x2  }
0x7b9: {  	v17 =	vadd.f32 v18, v17;
	v18 =	vmul.f32 v26, v9;
	_ =	sdelay $0x1  }
0x7ba: {  	v17 =	vadd.f32 v18, v17;
	v18 =	vadd.f32 v27, v34;
	v57 =	vmul.f32 v31, v9  }
0x7bb: {  	v27 =	vpop (erf)  }
0x7bc: {  	v58 =	vsub.f32 $0.0e+00, v17;
	v31 =	vpop (erf);
	v18 =	vadd.f32 v57, v18  }
0x7bd: {  	v36 =	vadd.f32 $1.000000000e+00, v31;
	v31 =	vpop (erf)  }
0x7be: {  	v32 =	vmul.f32 $1.442695020e+00, v58;
	v33 =	vpop (erf);
	v37 =	vsub.f32 $0.0e+00, v18  }
0x7bf: {  	(erf) = vrcp.f32 v36;
	v38 =	vadd.f32 $1.000000000e+00, v33  }
0x7c0: {  	(erf) = vpow2.f32 v32;
	v39 =	vmul.f32 $1.442695020e+00, v37  }
0x7c1: {  	(erf) = vrcp.f32 v38  }
0x7c2: {  	(erf) = vpow2.f32 v39;
	_ =	sdelay $0x3  }
0x7c3: {  	v40 =	vmul.f32 $2.222222240e-01, v9;
	_ =	sdelay $0x1  }
0x7c4: {  	v3 =	vor.u32 v19, v3;
	v26 =	vmax.f32 v40, $0.0e+00;
	v41 =	vpop (erf)  }
0x7c5: {  	v26 =	vmin.f32 v26, $1.000000000e+00;
	v42 =	vpop (erf)  }
0x7c6: {  	v16 =	vld.idx.msk [tilespmem:v16+s13+$0x0], $0xffff;
	v14 =	vor.u32 v19, v14;
	v35 =	vmul.f32 v26, v26;
	v33 =	vadd.f32 $1.000000000e+00, v42;
	v43 =	vpop (erf)  }
0x7c7: {  	v12 =	vmul.f32 v29, v12;
	v22 =	vor.u32 v19, v22;
	v29 =	vpop (erf)  }
0x7c8: {  	v45 =	vmul.f32 v35, v35;
	(erf) = vrcp.f32 v33;
	v29 =	vadd.f32 $1.000000000e+00, v29  }
0x7c9: {  	v12 =	vmul.f32 v12, v24;
	v3 =	vld.idx.msk [tilespmem:v3+s13+$0x0], $0xffff;
	v13 =	vmul.f32 v27, v13  }
0x7ca: {  	v23 =	vor.u32 v19, v23;
	v46 =	vmul.f32 v45, v26;
	(erf) = vrcp.f32 v29  }
0x7cb: {  	v11 =	vadd.f32 v12, v11;
	v48 =	vld.idx.msk [tilespmem:v14+s13+$0x0], $0xffff;
	v47 =	vmul.f32 v13, v16;
	v9 =	vadd.f32 $9.999999930e-09, v9  }
0x7cc: {  	v16 =	vor.u32 v19, v25;
	v50 =	vmul.f32 $3.500000000e+01, v46;
	v49 =	vmul.f32 v31, v20  }
0x7cd: {  	v22 =	vld.idx.msk [tilespmem:v22+s13+$0x0], $0xffff;
	v20 =	vmul.f32 $-2.100000000e+01, v46;
	(erf) = vrcp.f32 v9  }
0x7ce: {  	v3 =	vmul.f32 v49, v3;
	v9 =	vadd.f32 v47, v11;
	v11 =	vmul.f32 v41, v21  }
0x7cf: {  	v51 =	vld.idx.msk [tilespmem:v23+s13+$0x0], $0xffff;
	v53 =	vmul.f32 $-1.500000000e+01, v46;
	v52 =	vadd.f32 $1.000000000e+00, v20;
	v20 =	vmul.f32 v50, v26  }
0x7d0: {  	v3 =	vadd.f32 v3, v9;
	v9 =	vmul.f32 v11, v48;
	v11 =	vmul.f32 v43, v30  }
0x7d1: {  	v16 =	vld.idx.msk [tilespmem:v16+s13+$0x0], $0xffff;
	v14 =	vadd.f32 v20, v52;
	v20 =	vmul.f32 v53, v35;
	v54 =	vpop (erf)  }
0x7d2: {  	v3 =	vadd.f32 v9, v3;
	v9 =	vmul.f32 v11, v22;
	v11 =	vmul.f32 v54, v17  }
0x7d3: {  	v14 =	vadd.f32 v20, v14;
	v55 =	vpop (erf)  }
0x7d4: {  	v3 =	vadd.f32 v9, v3;
	v9 =	vmul.f32 v11, v51;
	v11 =	vmul.f32 v55, v18  }
0x7d5: {  	v56 =	vmax.f32 v14, $0.0e+00  }
0x7d6: {  	v3 =	vadd.f32 v9, v3;
	v57 =	vpop (erf);
	v9 =	vmul.f32 v11, v16;
	v11 =	vmin.f32 v56, $1.000000000e+00  }
0x7d7: {  	v4 =	vadd.f32 v15, v4;
	v11 =	vmul.f32 v11, v57  }
0x7d8: {  	v3 =	vadd.f32 v9, v3  }
0x7d9: {  	v4 =	vmul.f32 v4, v11  }
0x7da: {  	v3 =	vadd.f32 v3, v5  }
0x7db: {  	v58 =	vmul.f32 v4, v8  }
0x7dc: {  	v9 =	vmul.f32 v4, v7;
	v3 =	vmul.f32 v3, v11  }
0x7dd: {  	v4 =	vmul.f32 v4, v6;
	[tilespmem:v60+s16+$0x0] =	vst.idx.msk $0xffff, v58  }
0x7de: {  	[tilespmem:v61+s16+$0x0] =	vst.idx.msk $0xffff, v9;
	v61 =	vmul.f32 v3, v8  }
0x7df: {  	s0 =	smul.u32 $0x140, s0;
	[tilespmem:v62+s16+$0x0] =	vst.idx.msk $0xffff, v4;
	v62 =	vmul.f32 v3, v7  }
0x7e0: {  	v3 =	vmul.f32 v3, v6;
	[tilespmem:v59+s16+$0x0] =	vst.idx.msk $0xffff, v61  }
0x7e1: {  	s0 =	sshra.s32 s0, $0x2;
	[tilespmem:v63+s16+$0x0] =	vst.idx.msk $0xffff, v62  }
0x7e2: {  	s0 =	sadd.s32 $0x2710, s0;
	[tilespmem:v2+s16+$0x0] =	vst.idx.msk $0xffff, v3  }
0x7e3: {  	[spmem:s2] =	stream.indirect.scatter.add.f32 [tilespmem:s16], [sflag:$0x6], $0x8, s0, s17, $0xb8;
	[tilespmem:$0x1DB28] =	vst v63  }
.Ltmp26:
0x7e4: {  	p1 =	sgt.u32 s31, $0x3C;
	(pc) =	sbr.rel .LBB2_45-.Ltmp26, $4  }
0x7e5: {  	s21 =	simm.s32 @!p1 $0x50;
	s12 =	simm.s32 @!p1 $0xA320;
	s0 =	sadd.s32 @!p1 $0xF0, s1  }
0x7e6: {  	[tilespmem:s12], [sflag:$0x2] =	stream.indirect.gather @!p1 [hbm4b:s4+s21], $0x110, s0, s21, $0xb8;
	[tilespmem:$0x1DB28] =	vst v63  }
0x7e7: {  	s0 =	sadd.s32 @!p1 $0x2800, s1;
	s1 =	simm.s32 @!p1 $0x14D20  }
0x7e8: {  	v37 =	vld [tilespmem:$0x1FFE0];
	[tilespmem:s1], [sflag:$0x4] =	stream.indirect.gather @!p1 [hbm4b:s5+s21], $0x110, s0, s21, $0xb8  }
.LBB2_47:
0x7e9: {  	_ =	sfence.sel $0x180000  }
0x7ea: {  	[bflag:$0x0] =	sbarrier.arrive $0xFFFF  }
0x7eb: {  	_ =	strace $0x90000047  }
0x7ec: {  	[bflag:$0x2] =	sbarrier.arrive $0xFFFF  }
0x7ed: {  	s0 =	rddreg [dreg:$0x3]  }
0x7ee: {  	s0 =	sadd.s32 @!p0 $0x100000, s0  }
0x7ef: {  	[sflag:s0] =	ssyncadd.tile.s32 @!p0 $0x1;
	_ =	shalt  }
.Lfunc_end2:
_tile_overlayer_lowered:
.L_overlay_start_2:
0x7f0: {  	(tag) =	ssettag $0x2  }
0x7f1: {  	s0 =	rddreg [dreg:$0x0];
	s2 =	stileid.u32  }
0x7f2: {  	s1 =	rddreg [dreg:$0x1];
	p0 =	sne.s32 s2, $0x0  }
0x7f3: {  	s3 =	rddreg [dreg:$0x2];
	[bflag:$0x3] =	sbarrier.arrive $0xFFFF;
	s2 =	simm.s32 @!p0 $0x1C07  }
0x7f4: {  	[timem:s3], [sflag:s2] =	dma.local @!p0 [hbm:s0], s1  }
0x7f5: {  	s0 =	simm.s32 @!p0 $0x7  }
0x7f6: {  	_ =	swait.ge @!p0 [sflag:s0], s1  }
0x7f7: {  	s1 =	ssub.s32 @!p0 $0x0, s1;
	[sflag:s0] =	ssyncset.done @!p0 $0x0  }
0x7f8: {  	[sflag:s0] =	ssyncadd.s32 @!p0 s1  }
0x7f9: {  	[bflag:$0x3] =	sbarrier.arrive $0xFFFF  }
0x7fa: {  	_ =	shalt  }

</sc_bundles>
